<compile_context>
chip_gen: v7x
topology: tpu7x:2x2x1
jax: 0.10.2.dev20260603
libtpu: 0.0.44.dev20260713+nightly
codegen_flags: <defaults>
</compile_context>

<pallas_src>
import functools

import jax
import jax.numpy as jnp
from jax import lax
from jax.experimental import pallas as pl
from jax.experimental.pallas import tpu as pltpu
from jax.experimental.pallas import tpu_sc as plsc

NUM_ARMS = 1000
NUM_CONTEXTS = 1000
BATCH = 4096
NPRIME = 200

NC = 2
NS = 16
NW = NC * NS
L = 16

ROWS_PER_W = BATCH // NW
N_PER_W = ROWS_PER_W * NPRIME
NBLK = 4
BLK_ROWS = ROWS_PER_W // NBLK
BLK_N = BLK_ROWS * NPRIME

COL_STEPS = tuple(range(0, NPRIME - L + 1, L))
TAIL_C = NPRIME - L


def _body(arm_hbm, ctx_hbm, means_hbm, vars_hbm, mean_out, var_out,
          arm_v, ctx_v, lin_v, gm_v, gv_v, g2d_v, sem_m, sem_v):
  wid = lax.axis_index("s") * NC + lax.axis_index("c")
  row0 = wid * ROWS_PER_W

  for b in range(NBLK):
    r0 = row0 + b * BLK_ROWS
    pltpu.sync_copy(arm_hbm.at[pl.ds(r0, BLK_ROWS)], arm_v)
    pltpu.sync_copy(ctx_hbm.at[pl.ds(r0, BLK_ROWS)], ctx_v)

    def lin_row(i, carry):
      q0 = (b * BLK_ROWS + i) * NPRIME
      for c in COL_STEPS:
        a = arm_v[i, pl.ds(c, L)]
        x = ctx_v[i, pl.ds(c, L)]
        lin_v[pl.ds(q0 + c, L)] = a * NUM_CONTEXTS + x
      row = jnp.full((L,), i, jnp.int32)
      col = TAIL_C + lax.iota(jnp.int32, L)
      a = plsc.load_gather(arm_v, [row, col])
      x = plsc.load_gather(ctx_v, [row, col])
      lin_v[pl.ds(q0 + TAIL_C, L)] = a * NUM_CONTEXTS + x
      return carry

    lax.fori_loop(0, BLK_ROWS, lin_row, 0)
    idx = lin_v.at[pl.ds(b * BLK_N, BLK_N)]
    pltpu.async_copy(means_hbm.at[idx], gm_v.at[pl.ds(b * BLK_N, BLK_N)],
                     sem_m)
    pltpu.async_copy(vars_hbm.at[idx], gv_v.at[pl.ds(b * BLK_N, BLK_N)],
                     sem_v)

  def unflatten_block(b, flat_ref, out_ref):
    def row(i, carry):
      q0 = (b * BLK_ROWS + i) * NPRIME
      for c in COL_STEPS:
        g2d_v[i, pl.ds(c, L)] = flat_ref[pl.ds(q0 + c, L)]
      rr = jnp.full((L,), i, jnp.int32)
      cc = TAIL_C + lax.iota(jnp.int32, L)
      plsc.store_scatter(g2d_v, [rr, cc], flat_ref[pl.ds(q0 + TAIL_C, L)])
      return carry

    lax.fori_loop(0, BLK_ROWS, row, 0)
    pltpu.sync_copy(g2d_v, out_ref.at[pl.ds(row0 + b * BLK_ROWS, BLK_ROWS)])

  for b in range(NBLK):
    pltpu.make_async_copy(means_hbm.at[pl.ds(0, BLK_N)],
                          gm_v.at[pl.ds(b * BLK_N, BLK_N)], sem_m).wait()
    unflatten_block(b, gm_v, mean_out)
    pltpu.make_async_copy(means_hbm.at[pl.ds(0, BLK_N)],
                          gv_v.at[pl.ds(b * BLK_N, BLK_N)], sem_v).wait()
    unflatten_block(b, gv_v, var_out)


@jax.jit
def _gather_pairs(arm, ctx, means_flat, vars_flat):
  mesh = plsc.VectorSubcoreMesh(core_axis_name="c", subcore_axis_name="s")
  f = pl.kernel(
      _body,
      out_type=(
          jax.ShapeDtypeStruct((BATCH, NPRIME), jnp.float32),
          jax.ShapeDtypeStruct((BATCH, NPRIME), jnp.float32),
      ),
      mesh=mesh,
      compiler_params=pltpu.CompilerParams(needs_layout_passes=False),
      scratch_types=[
          pltpu.VMEM((BLK_ROWS, NPRIME), jnp.int32),
          pltpu.VMEM((BLK_ROWS, NPRIME), jnp.int32),
          pltpu.VMEM((N_PER_W,), jnp.int32),
          pltpu.VMEM((N_PER_W,), jnp.float32),
          pltpu.VMEM((N_PER_W,), jnp.float32),
          pltpu.VMEM((BLK_ROWS, NPRIME), jnp.float32),
          pltpu.SemaphoreType.DMA,
          pltpu.SemaphoreType.DMA,
      ],
  )
  return f(arm, ctx, means_flat, vars_flat)


def kernel(X, means, vars_):
  Xl = X.astype(jnp.int32)
  arm = Xl[..., 0]
  ctx = Xl[..., 1]
  return _gather_pairs(arm, ctx, means.reshape(-1), vars_.reshape(-1))

# --- scband reference (transcript-rebuilt; emitter-appended) ---
"""Pipeline reference for scband-contextual-independent-model-29472065585679 (READ-ONLY COPY).

The authoritative reference and input builder live on the scoring server;
editing this copy changes nothing except your own understanding.
"""

import jax, jax.numpy as jnp
import numpy as np

NUM_ARMS = 1000
NUM_CONTEXTS = 1000
BATCH = 4096
NPRIME = 200


def setup_inputs(seed: int = 0) -> dict:
    key = jax.random.key(seed)
    k1, k2, k3 = jax.random.split(key, 3)
    # forward arg: batch of arm-context index pairs
    X = jax.random.randint(k1, (BATCH, NPRIME, 2), 0, NUM_ARMS)
    # learned/derived parameters of the model (per-pair posterior mean and variance
    # tables, normally computed from >=2 IID observations per arm-context pair in
    # __init__; materialized directly here at the same [num_arms, num_contexts] size)
    means = jax.random.normal(k2, (NUM_ARMS, NUM_CONTEXTS), dtype=jnp.float32)
    vars_ = jax.random.uniform(k3, (NUM_ARMS, NUM_CONTEXTS), minval=0.5, maxval=1.5, dtype=jnp.float32)
    return {"X": X, "means": means, "vars_": vars_}


def reference(X, means, vars_):
    # ContextualIndependentModel.posterior: gather per-pair mean and diagonal
    # covariance (variance) via 2D integer indexing into the precomputed tables.
    Xl = X.astype(jnp.int32)
    arm_idx = Xl[..., 0]
    ctx_idx = Xl[..., 1]
    mean = means[arm_idx, ctx_idx]
    covar_diag = vars_[arm_idx, ctx_idx]
    # MultivariateNormal(mean, DiagLazyTensor(covar_diag)) represented as a tuple
    return (mean, covar_diag)

if __name__ == "__main__":
    import jax
    _d = setup_inputs()
    print(jax.jit(kernel)(*tuple(_d.values())))

</pallas_src>

<mosaic_0001>
#map = affine_map<(d0, d1) -> (0, 0)>
#map1 = affine_map<(d0, d1) -> (0)>
module attributes {stable_mosaic.version = 14 : i64} {
  func.func @_body(%arg0: i32, %arg1: i32, %arg2: memref<4096x200xi32, #tpu.memory_space<hbm>>, %arg3: memref<4096x200xi32, #tpu.memory_space<hbm>>, %arg4: memref<1000000xf32, #tpu.memory_space<hbm>>, %arg5: memref<1000000xf32, #tpu.memory_space<hbm>>, %arg6: memref<4096x200xf32, #tpu.memory_space<hbm>>, %arg7: memref<4096x200xf32, #tpu.memory_space<hbm>>, %arg8: memref<32x200xi32, #tpu.memory_space<vmem>>, %arg9: memref<32x200xi32, #tpu.memory_space<vmem>>, %arg10: memref<25600xi32, #tpu.memory_space<vmem>>, %arg11: memref<25600xf32, #tpu.memory_space<vmem>>, %arg12: memref<25600xf32, #tpu.memory_space<vmem>>, %arg13: memref<32x200xf32, #tpu.memory_space<vmem>>, %arg14: memref<!tpu.dma_semaphore, #tpu.memory_space<semaphore_mem>>, %arg15: memref<!tpu.dma_semaphore, #tpu.memory_space<semaphore_mem>>) attributes {dimension_semantics = [#tpu.dimension_semantics<core_parallel>, #tpu.dimension_semantics<subcore_parallel>], iteration_bounds = array<i64: 2, 16>, scalar_prefetch = 0 : i64, scratch_operands = 8 : i64, tpu.core_type = #tpu.core_type<sc_vector_subcore>, window_params = [{transform_indices = #map}, {transform_indices = #map}, {transform_indices = #map1}, {transform_indices = #map1}, {transform_indices = #map}, {transform_indices = #map}]} {
    %mul3A = arith.constant 2 : i32
    %mul3A_0 = arith.muli %arg1, %mul3A : i32
    %add3A = arith.addi %mul3A_0, %arg0 : i32
    %mul3A_1 = arith.constant 128 : i32
    %mul3A_2 = arith.muli %add3A, %mul3A_1 : i32
    %add3A_3 = arith.constant 0 : i32
    %add3A_4 = arith.addi %mul3A_2, %add3A_3 : i32
    "tpu.region"() ({
      %run_scoped3A = tpu.sem_alloc : memref<!tpu.dma_semaphore, #tpu.memory_space<semaphore_mem>>
      %dma_start3A_208 = arith.constant 0 : i32
      %dma_start3A_209 = tpu.memref_slice %arg2[%add3A_4, %dma_start3A_208] : memref<4096x200xi32, #tpu.memory_space<hbm>> -> memref<32x200xi32, #tpu.memory_space<hbm>>
      %dma_start3A_210 = arith.constant 0 : i32
      %dma_start3A_211 = tpu.memref_slice %arg2[%add3A_4, %dma_start3A_210] : memref<4096x200xi32, #tpu.memory_space<hbm>> -> memref<32x200xi32, #tpu.memory_space<hbm>>
      tpu.enqueue_dma source(%dma_start3A_211 : memref<32x200xi32, #tpu.memory_space<hbm>>) target(%arg8 : memref<32x200xi32, #tpu.memory_space<vmem>>) target_semaphore(%run_scoped3A : memref<!tpu.dma_semaphore, #tpu.memory_space<semaphore_mem>>)
      %dma_wait3A_212 = arith.constant 0 : i32
      %dma_wait3A_213 = tpu.memref_slice %arg2[%add3A_4, %dma_wait3A_212] : memref<4096x200xi32, #tpu.memory_space<hbm>> -> memref<32x200xi32, #tpu.memory_space<hbm>>
      %dma_wait3A_214 = arith.constant 0 : i32
      %dma_wait3A_215 = tpu.memref_slice %arg2[%add3A_4, %dma_wait3A_214] : memref<4096x200xi32, #tpu.memory_space<hbm>> -> memref<32x200xi32, #tpu.memory_space<hbm>>
      tpu.wait_dma2 semaphore(%run_scoped3A : memref<!tpu.dma_semaphore, #tpu.memory_space<semaphore_mem>>) src(%dma_wait3A_215 : memref<32x200xi32, #tpu.memory_space<hbm>>) dst(%arg8 : memref<32x200xi32, #tpu.memory_space<vmem>>)
      tpu.yield
    }) : () -> ()
    "tpu.region"() ({
      %run_scoped3A = tpu.sem_alloc : memref<!tpu.dma_semaphore, #tpu.memory_space<semaphore_mem>>
      %dma_start3A_208 = arith.constant 0 : i32
      %dma_start3A_209 = tpu.memref_slice %arg3[%add3A_4, %dma_start3A_208] : memref<4096x200xi32, #tpu.memory_space<hbm>> -> memref<32x200xi32, #tpu.memory_space<hbm>>
      %dma_start3A_210 = arith.constant 0 : i32
      %dma_start3A_211 = tpu.memref_slice %arg3[%add3A_4, %dma_start3A_210] : memref<4096x200xi32, #tpu.memory_space<hbm>> -> memref<32x200xi32, #tpu.memory_space<hbm>>
      tpu.enqueue_dma source(%dma_start3A_211 : memref<32x200xi32, #tpu.memory_space<hbm>>) target(%arg9 : memref<32x200xi32, #tpu.memory_space<vmem>>) target_semaphore(%run_scoped3A : memref<!tpu.dma_semaphore, #tpu.memory_space<semaphore_mem>>)
      %dma_wait3A_212 = arith.constant 0 : i32
      %dma_wait3A_213 = tpu.memref_slice %arg3[%add3A_4, %dma_wait3A_212] : memref<4096x200xi32, #tpu.memory_space<hbm>> -> memref<32x200xi32, #tpu.memory_space<hbm>>
      %dma_wait3A_214 = arith.constant 0 : i32
      %dma_wait3A_215 = tpu.memref_slice %arg3[%add3A_4, %dma_wait3A_214] : memref<4096x200xi32, #tpu.memory_space<hbm>> -> memref<32x200xi32, #tpu.memory_space<hbm>>
      tpu.wait_dma2 semaphore(%run_scoped3A : memref<!tpu.dma_semaphore, #tpu.memory_space<semaphore_mem>>) src(%dma_wait3A_215 : memref<32x200xi32, #tpu.memory_space<hbm>>) dst(%arg9 : memref<32x200xi32, #tpu.memory_space<vmem>>)
      tpu.yield
    }) : () -> ()
    %scan3A = arith.constant 0 : i32
    %scan3A_5 = arith.constant 0 : i32
    %scan3A_6 = arith.constant 32 : i32
    %scan3A_7 = arith.addi %scan3A_5, %scan3A_6 : i32
    %scan3A_8 = arith.constant 1 : i32
    scf.for %scan3A_208 = %scan3A_5 to %scan3A_7 step %scan3A_8  : i32 {
      %add3A_209 = arith.constant 0 : i32
      %add3A_210 = arith.addi %add3A_209, %scan3A_208 : i32
      %mul3A_211 = arith.constant 200 : i32
      %mul3A_212 = arith.muli %add3A_210, %mul3A_211 : i32
      %get3A = arith.index_cast %scan3A_208 : i32 to index
      %get3A_213 = arith.constant 0 : index
      %get3A_214 = tpu.vector_load %arg8[%get3A, %get3A_213] {strides = array<i32>} : memref<32x200xi32, #tpu.memory_space<vmem>>, vector<16xi32>,
      %get3A_215 = arith.index_cast %scan3A_208 : i32 to index
      %get3A_216 = arith.constant 0 : index
      %get3A_217 = tpu.vector_load %arg9[%get3A_215, %get3A_216] {strides = array<i32>} : memref<32x200xi32, #tpu.memory_space<vmem>>, vector<16xi32>,
      %mul3A_218 = arith.constant 1000 : i32
      %mul3A_219 = vector.broadcast %mul3A_218 : i32 to vector<16xi32>
      %mul3A_220 = arith.muli %get3A_214, %mul3A_219 : vector<16xi32>
      %add3A_221 = arith.addi %mul3A_220, %get3A_217 : vector<16xi32>
      %add3A_222 = arith.constant 0 : i32
      %add3A_223 = arith.addi %mul3A_212, %add3A_222 : i32
      %swap3A = arith.index_cast %add3A_223 : i32 to index
      %swap3A_224 = tpu.vector_load %arg10[%swap3A] {strides = array<i32>} : memref<25600xi32, #tpu.memory_space<vmem>>, vector<16xi32>,
      tpu.vector_store %arg10[%swap3A], %add3A_221 {strides = array<i32>} : memref<25600xi32, #tpu.memory_space<vmem>>, vector<16xi32>,
      %get3A_225 = arith.index_cast %scan3A_208 : i32 to index
      %get3A_226 = arith.constant 16 : index
      %get3A_227 = tpu.vector_load %arg8[%get3A_225, %get3A_226] {strides = array<i32>} : memref<32x200xi32, #tpu.memory_space<vmem>>, vector<16xi32>,
      %get3A_228 = arith.index_cast %scan3A_208 : i32 to index
      %get3A_229 = arith.constant 16 : index
      %get3A_230 = tpu.vector_load %arg9[%get3A_228, %get3A_229] {strides = array<i32>} : memref<32x200xi32, #tpu.memory_space<vmem>>, vector<16xi32>,
      %mul3A_231 = arith.constant 1000 : i32
      %mul3A_232 = vector.broadcast %mul3A_231 : i32 to vector<16xi32>
      %mul3A_233 = arith.muli %get3A_227, %mul3A_232 : vector<16xi32>
      %add3A_234 = arith.addi %mul3A_233, %get3A_230 : vector<16xi32>
      %add3A_235 = arith.constant 16 : i32
      %add3A_236 = arith.addi %mul3A_212, %add3A_235 : i32
      %swap3A_237 = arith.index_cast %add3A_236 : i32 to index
      %swap3A_238 = tpu.vector_load %arg10[%swap3A_237] {strides = array<i32>} : memref<25600xi32, #tpu.memory_space<vmem>>, vector<16xi32>,
      tpu.vector_store %arg10[%swap3A_237], %add3A_234 {strides = array<i32>} : memref<25600xi32, #tpu.memory_space<vmem>>, vector<16xi32>,
      %get3A_239 = arith.index_cast %scan3A_208 : i32 to index
      %get3A_240 = arith.constant 32 : index
      %get3A_241 = tpu.vector_load %arg8[%get3A_239, %get3A_240] {strides = array<i32>} : memref<32x200xi32, #tpu.memory_space<vmem>>, vector<16xi32>,
      %get3A_242 = arith.index_cast %scan3A_208 : i32 to index
      %get3A_243 = arith.constant 32 : index
      %get3A_244 = tpu.vector_load %arg9[%get3A_242, %get3A_243] {strides = array<i32>} : memref<32x200xi32, #tpu.memory_space<vmem>>, vector<16xi32>,
      %mul3A_245 = arith.constant 1000 : i32
      %mul3A_246 = vector.broadcast %mul3A_245 : i32 to vector<16xi32>
      %mul3A_247 = arith.muli %get3A_241, %mul3A_246 : vector<16xi32>
      %add3A_248 = arith.addi %mul3A_247, %get3A_244 : vector<16xi32>
      %add3A_249 = arith.constant 32 : i32
      %add3A_250 = arith.addi %mul3A_212, %add3A_249 : i32
      %swap3A_251 = arith.index_cast %add3A_250 : i32 to index
      %swap3A_252 = tpu.vector_load %arg10[%swap3A_251] {strides = array<i32>} : memref<25600xi32, #tpu.memory_space<vmem>>, vector<16xi32>,
      tpu.vector_store %arg10[%swap3A_251], %add3A_248 {strides = array<i32>} : memref<25600xi32, #tpu.memory_space<vmem>>, vector<16xi32>,
      %get3A_253 = arith.index_cast %scan3A_208 : i32 to index
      %get3A_254 = arith.constant 48 : index
      %get3A_255 = tpu.vector_load %arg8[%get3A_253, %get3A_254] {strides = array<i32>} : memref<32x200xi32, #tpu.memory_space<vmem>>, vector<16xi32>,
      %get3A_256 = arith.index_cast %scan3A_208 : i32 to index
      %get3A_257 = arith.constant 48 : index
      %get3A_258 = tpu.vector_load %arg9[%get3A_256, %get3A_257] {strides = array<i32>} : memref<32x200xi32, #tpu.memory_space<vmem>>, vector<16xi32>,
      %mul3A_259 = arith.constant 1000 : i32
      %mul3A_260 = vector.broadcast %mul3A_259 : i32 to vector<16xi32>
      %mul3A_261 = arith.muli %get3A_255, %mul3A_260 : vector<16xi32>
      %add3A_262 = arith.addi %mul3A_261, %get3A_258 : vector<16xi32>
      %add3A_263 = arith.constant 48 : i32
      %add3A_264 = arith.addi %mul3A_212, %add3A_263 : i32
      %swap3A_265 = arith.index_cast %add3A_264 : i32 to index
      %swap3A_266 = tpu.vector_load %arg10[%swap3A_265] {strides = array<i32>} : memref<25600xi32, #tpu.memory_space<vmem>>, vector<16xi32>,
      tpu.vector_store %arg10[%swap3A_265], %add3A_262 {strides = array<i32>} : memref<25600xi32, #tpu.memory_space<vmem>>, vector<16xi32>,
      %get3A_267 = arith.index_cast %scan3A_208 : i32 to index
      %get3A_268 = arith.constant 64 : index
      %get3A_269 = tpu.vector_load %arg8[%get3A_267, %get3A_268] {strides = array<i32>} : memref<32x200xi32, #tpu.memory_space<vmem>>, vector<16xi32>,
      %get3A_270 = arith.index_cast %scan3A_208 : i32 to index
      %get3A_271 = arith.constant 64 : index
      %get3A_272 = tpu.vector_load %arg9[%get3A_270, %get3A_271] {strides = array<i32>} : memref<32x200xi32, #tpu.memory_space<vmem>>, vector<16xi32>,
      %mul3A_273 = arith.constant 1000 : i32
      %mul3A_274 = vector.broadcast %mul3A_273 : i32 to vector<16xi32>
      %mul3A_275 = arith.muli %get3A_269, %mul3A_274 : vector<16xi32>
      %add3A_276 = arith.addi %mul3A_275, %get3A_272 : vector<16xi32>
      %add3A_277 = arith.constant 64 : i32
      %add3A_278 = arith.addi %mul3A_212, %add3A_277 : i32
      %swap3A_279 = arith.index_cast %add3A_278 : i32 to index
      %swap3A_280 = tpu.vector_load %arg10[%swap3A_279] {strides = array<i32>} : memref<25600xi32, #tpu.memory_space<vmem>>, vector<16xi32>,
      tpu.vector_store %arg10[%swap3A_279], %add3A_276 {strides = array<i32>} : memref<25600xi32, #tpu.memory_space<vmem>>, vector<16xi32>,
      %get3A_281 = arith.index_cast %scan3A_208 : i32 to index
      %get3A_282 = arith.constant 80 : index
      %get3A_283 = tpu.vector_load %arg8[%get3A_281, %get3A_282] {strides = array<i32>} : memref<32x200xi32, #tpu.memory_space<vmem>>, vector<16xi32>,
      %get3A_284 = arith.index_cast %scan3A_208 : i32 to index
      %get3A_285 = arith.constant 80 : index
      %get3A_286 = tpu.vector_load %arg9[%get3A_284, %get3A_285] {strides = array<i32>} : memref<32x200xi32, #tpu.memory_space<vmem>>, vector<16xi32>,
      %mul3A_287 = arith.constant 1000 : i32
      %mul3A_288 = vector.broadcast %mul3A_287 : i32 to vector<16xi32>
      %mul3A_289 = arith.muli %get3A_283, %mul3A_288 : vector<16xi32>
      %add3A_290 = arith.addi %mul3A_289, %get3A_286 : vector<16xi32>
      %add3A_291 = arith.constant 80 : i32
      %add3A_292 = arith.addi %mul3A_212, %add3A_291 : i32
      %swap3A_293 = arith.index_cast %add3A_292 : i32 to index
      %swap3A_294 = tpu.vector_load %arg10[%swap3A_293] {strides = array<i32>} : memref<25600xi32, #tpu.memory_space<vmem>>, vector<16xi32>,
      tpu.vector_store %arg10[%swap3A_293], %add3A_290 {strides = array<i32>} : memref<25600xi32, #tpu.memory_space<vmem>>, vector<16xi32>,
      %get3A_295 = arith.index_cast %scan3A_208 : i32 to index
      %get3A_296 = arith.constant 96 : index
      %get3A_297 = tpu.vector_load %arg8[%get3A_295, %get3A_296] {strides = array<i32>} : memref<32x200xi32, #tpu.memory_space<vmem>>, vector<16xi32>,
      %get3A_298 = arith.index_cast %scan3A_208 : i32 to index
      %get3A_299 = arith.constant 96 : index
      %get3A_300 = tpu.vector_load %arg9[%get3A_298, %get3A_299] {strides = array<i32>} : memref<32x200xi32, #tpu.memory_space<vmem>>, vector<16xi32>,
      %mul3A_301 = arith.constant 1000 : i32
      %mul3A_302 = vector.broadcast %mul3A_301 : i32 to vector<16xi32>
      %mul3A_303 = arith.muli %get3A_297, %mul3A_302 : vector<16xi32>
      %add3A_304 = arith.addi %mul3A_303, %get3A_300 : vector<16xi32>
      %add3A_305 = arith.constant 96 : i32
      %add3A_306 = arith.addi %mul3A_212, %add3A_305 : i32
      %swap3A_307 = arith.index_cast %add3A_306 : i32 to index
      %swap3A_308 = tpu.vector_load %arg10[%swap3A_307] {strides = array<i32>} : memref<25600xi32, #tpu.memory_space<vmem>>, vector<16xi32>,
      tpu.vector_store %arg10[%swap3A_307], %add3A_304 {strides = array<i32>} : memref<25600xi32, #tpu.memory_space<vmem>>, vector<16xi32>,
      %get3A_309 = arith.index_cast %scan3A_208 : i32 to index
      %get3A_310 = arith.constant 112 : index
      %get3A_311 = tpu.vector_load %arg8[%get3A_309, %get3A_310] {strides = array<i32>} : memref<32x200xi32, #tpu.memory_space<vmem>>, vector<16xi32>,
      %get3A_312 = arith.index_cast %scan3A_208 : i32 to index
      %get3A_313 = arith.constant 112 : index
      %get3A_314 = tpu.vector_load %arg9[%get3A_312, %get3A_313] {strides = array<i32>} : memref<32x200xi32, #tpu.memory_space<vmem>>, vector<16xi32>,
      %mul3A_315 = arith.constant 1000 : i32
      %mul3A_316 = vector.broadcast %mul3A_315 : i32 to vector<16xi32>
      %mul3A_317 = arith.muli %get3A_311, %mul3A_316 : vector<16xi32>
      %add3A_318 = arith.addi %mul3A_317, %get3A_314 : vector<16xi32>
      %add3A_319 = arith.constant 112 : i32
      %add3A_320 = arith.addi %mul3A_212, %add3A_319 : i32
      %swap3A_321 = arith.index_cast %add3A_320 : i32 to index
      %swap3A_322 = tpu.vector_load %arg10[%swap3A_321] {strides = array<i32>} : memref<25600xi32, #tpu.memory_space<vmem>>, vector<16xi32>,
      tpu.vector_store %arg10[%swap3A_321], %add3A_318 {strides = array<i32>} : memref<25600xi32, #tpu.memory_space<vmem>>, vector<16xi32>,
      %get3A_323 = arith.index_cast %scan3A_208 : i32 to index
      %get3A_324 = arith.constant 128 : index
      %get3A_325 = tpu.vector_load %arg8[%get3A_323, %get3A_324] {strides = array<i32>} : memref<32x200xi32, #tpu.memory_space<vmem>>, vector<16xi32>,
      %get3A_326 = arith.index_cast %scan3A_208 : i32 to index
      %get3A_327 = arith.constant 128 : index
      %get3A_328 = tpu.vector_load %arg9[%get3A_326, %get3A_327] {strides = array<i32>} : memref<32x200xi32, #tpu.memory_space<vmem>>, vector<16xi32>,
      %mul3A_329 = arith.constant 1000 : i32
      %mul3A_330 = vector.broadcast %mul3A_329 : i32 to vector<16xi32>
      %mul3A_331 = arith.muli %get3A_325, %mul3A_330 : vector<16xi32>
      %add3A_332 = arith.addi %mul3A_331, %get3A_328 : vector<16xi32>
      %add3A_333 = arith.constant 128 : i32
      %add3A_334 = arith.addi %mul3A_212, %add3A_333 : i32
      %swap3A_335 = arith.index_cast %add3A_334 : i32 to index
      %swap3A_336 = tpu.vector_load %arg10[%swap3A_335] {strides = array<i32>} : memref<25600xi32, #tpu.memory_space<vmem>>, vector<16xi32>,
      tpu.vector_store %arg10[%swap3A_335], %add3A_332 {strides = array<i32>} : memref<25600xi32, #tpu.memory_space<vmem>>, vector<16xi32>,
      %get3A_337 = arith.index_cast %scan3A_208 : i32 to index
      %get3A_338 = arith.constant 144 : index
      %get3A_339 = tpu.vector_load %arg8[%get3A_337, %get3A_338] {strides = array<i32>} : memref<32x200xi32, #tpu.memory_space<vmem>>, vector<16xi32>,
      %get3A_340 = arith.index_cast %scan3A_208 : i32 to index
      %get3A_341 = arith.constant 144 : index
      %get3A_342 = tpu.vector_load %arg9[%get3A_340, %get3A_341] {strides = array<i32>} : memref<32x200xi32, #tpu.memory_space<vmem>>, vector<16xi32>,
      %mul3A_343 = arith.constant 1000 : i32
      %mul3A_344 = vector.broadcast %mul3A_343 : i32 to vector<16xi32>
      %mul3A_345 = arith.muli %get3A_339, %mul3A_344 : vector<16xi32>
      %add3A_346 = arith.addi %mul3A_345, %get3A_342 : vector<16xi32>
      %add3A_347 = arith.constant 144 : i32
      %add3A_348 = arith.addi %mul3A_212, %add3A_347 : i32
      %swap3A_349 = arith.index_cast %add3A_348 : i32 to index
      %swap3A_350 = tpu.vector_load %arg10[%swap3A_349] {strides = array<i32>} : memref<25600xi32, #tpu.memory_space<vmem>>, vector<16xi32>,
      tpu.vector_store %arg10[%swap3A_349], %add3A_346 {strides = array<i32>} : memref<25600xi32, #tpu.memory_space<vmem>>, vector<16xi32>,
      %get3A_351 = arith.index_cast %scan3A_208 : i32 to index
      %get3A_352 = arith.constant 160 : index
      %get3A_353 = tpu.vector_load %arg8[%get3A_351, %get3A_352] {strides = array<i32>} : memref<32x200xi32, #tpu.memory_space<vmem>>, vector<16xi32>,
      %get3A_354 = arith.index_cast %scan3A_208 : i32 to index
      %get3A_355 = arith.constant 160 : index
      %get3A_356 = tpu.vector_load %arg9[%get3A_354, %get3A_355] {strides = array<i32>} : memref<32x200xi32, #tpu.memory_space<vmem>>, vector<16xi32>,
      %mul3A_357 = arith.constant 1000 : i32
      %mul3A_358 = vector.broadcast %mul3A_357 : i32 to vector<16xi32>
      %mul3A_359 = arith.muli %get3A_353, %mul3A_358 : vector<16xi32>
      %add3A_360 = arith.addi %mul3A_359, %get3A_356 : vector<16xi32>
      %add3A_361 = arith.constant 160 : i32
      %add3A_362 = arith.addi %mul3A_212, %add3A_361 : i32
      %swap3A_363 = arith.index_cast %add3A_362 : i32 to index
      %swap3A_364 = tpu.vector_load %arg10[%swap3A_363] {strides = array<i32>} : memref<25600xi32, #tpu.memory_space<vmem>>, vector<16xi32>,
      tpu.vector_store %arg10[%swap3A_363], %add3A_360 {strides = array<i32>} : memref<25600xi32, #tpu.memory_space<vmem>>, vector<16xi32>,
      %get3A_365 = arith.index_cast %scan3A_208 : i32 to index
      %get3A_366 = arith.constant 176 : index
      %get3A_367 = tpu.vector_load %arg8[%get3A_365, %get3A_366] {strides = array<i32>} : memref<32x200xi32, #tpu.memory_space<vmem>>, vector<16xi32>,
      %get3A_368 = arith.index_cast %scan3A_208 : i32 to index
      %get3A_369 = arith.constant 176 : index
      %get3A_370 = tpu.vector_load %arg9[%get3A_368, %get3A_369] {strides = array<i32>} : memref<32x200xi32, #tpu.memory_space<vmem>>, vector<16xi32>,
      %mul3A_371 = arith.constant 1000 : i32
      %mul3A_372 = vector.broadcast %mul3A_371 : i32 to vector<16xi32>
      %mul3A_373 = arith.muli %get3A_367, %mul3A_372 : vector<16xi32>
      %add3A_374 = arith.addi %mul3A_373, %get3A_370 : vector<16xi32>
      %add3A_375 = arith.constant 176 : i32
      %add3A_376 = arith.addi %mul3A_212, %add3A_375 : i32
      %swap3A_377 = arith.index_cast %add3A_376 : i32 to index
      %swap3A_378 = tpu.vector_load %arg10[%swap3A_377] {strides = array<i32>} : memref<25600xi32, #tpu.memory_space<vmem>>, vector<16xi32>,
      tpu.vector_store %arg10[%swap3A_377], %add3A_374 {strides = array<i32>} : memref<25600xi32, #tpu.memory_space<vmem>>, vector<16xi32>,
      %broadcast_in_dim3A = vector.broadcast %scan3A_208 : i32 to vector<16xi32>
      %iota3A = tpu.iota {dimensions = array<i32: 0>} : vector<16xi32>
      %add3A_379 = arith.constant 184 : i32
      %add3A_380 = vector.broadcast %add3A_379 : i32 to vector<16xi32>
      %add3A_381 = arith.addi %add3A_380, %iota3A : vector<16xi32>
      %gather3A = tpu.vector_load_idx %arg8[%broadcast_in_dim3A, %add3A_381] : memref<32x200xi32, #tpu.memory_space<vmem>>[vector<16xi32>, vector<16xi32>], vector<16xi32>,
      %gather3A_382 = tpu.vector_load_idx %arg9[%broadcast_in_dim3A, %add3A_381] : memref<32x200xi32, #tpu.memory_space<vmem>>[vector<16xi32>, vector<16xi32>], vector<16xi32>,
      %mul3A_383 = arith.constant 1000 : i32
      %mul3A_384 = vector.broadcast %mul3A_383 : i32 to vector<16xi32>
      %mul3A_385 = arith.muli %gather3A, %mul3A_384 : vector<16xi32>
      %add3A_386 = arith.addi %mul3A_385, %gather3A_382 : vector<16xi32>
      %add3A_387 = arith.constant 184 : i32
      %add3A_388 = arith.addi %mul3A_212, %add3A_387 : i32
      %swap3A_389 = arith.index_cast %add3A_388 : i32 to index
      %swap3A_390 = tpu.vector_load %arg10[%swap3A_389] {strides = array<i32>} : memref<25600xi32, #tpu.memory_space<vmem>>, vector<16xi32>,
      tpu.vector_store %arg10[%swap3A_389], %add3A_386 {strides = array<i32>} : memref<25600xi32, #tpu.memory_space<vmem>>, vector<16xi32>,
    }
    %scan3A_9 = arith.constant 32 : i32
    %dma_start3A = arith.constant 0 : i32
    %dma_start3A_10 = tpu.memref_slice %arg11[%dma_start3A] : memref<25600xf32, #tpu.memory_space<vmem>> -> memref<6400xf32, #tpu.memory_space<vmem>>
    %dma_start3A_11 = arith.constant 0 : i32
    %dma_start3A_12 = tpu.memref_slice %arg10[%dma_start3A_11] : memref<25600xi32, #tpu.memory_space<vmem>> -> memref<6400xi32, #tpu.memory_space<vmem>>
    %dma_start3A_13 = arith.constant 0 : i32
    %dma_start3A_14 = tpu.memref_slice %arg4[%dma_start3A_13] : memref<1000000xf32, #tpu.memory_space<hbm>> -> memref<1000000xf32, #tpu.memory_space<hbm>>
    tpu.enqueue_indirect_dma source(%dma_start3A_14 : memref<1000000xf32, #tpu.memory_space<hbm>>) target(%dma_start3A_10 : memref<6400xf32, #tpu.memory_space<vmem>>) offsets(%dma_start3A_12 : memref<6400xi32, #tpu.memory_space<vmem>>) semaphore(%arg14 : memref<!tpu.dma_semaphore, #tpu.memory_space<semaphore_mem>>)
    %dma_start3A_15 = arith.constant 0 : i32
    %dma_start3A_16 = tpu.memref_slice %arg12[%dma_start3A_15] : memref<25600xf32, #tpu.memory_space<vmem>> -> memref<6400xf32, #tpu.memory_space<vmem>>
    %dma_start3A_17 = arith.constant 0 : i32
    %dma_start3A_18 = tpu.memref_slice %arg10[%dma_start3A_17] : memref<25600xi32, #tpu.memory_space<vmem>> -> memref<6400xi32, #tpu.memory_space<vmem>>
    %dma_start3A_19 = arith.constant 0 : i32
    %dma_start3A_20 = tpu.memref_slice %arg5[%dma_start3A_19] : memref<1000000xf32, #tpu.memory_space<hbm>> -> memref<1000000xf32, #tpu.memory_space<hbm>>
    tpu.enqueue_indirect_dma source(%dma_start3A_20 : memref<1000000xf32, #tpu.memory_space<hbm>>) target(%dma_start3A_16 : memref<6400xf32, #tpu.memory_space<vmem>>) offsets(%dma_start3A_18 : memref<6400xi32, #tpu.memory_space<vmem>>) semaphore(%arg15 : memref<!tpu.dma_semaphore, #tpu.memory_space<semaphore_mem>>)
    %add3A_21 = arith.constant 32 : i32
    %add3A_22 = arith.addi %mul3A_2, %add3A_21 : i32
    "tpu.region"() ({
      %run_scoped3A = tpu.sem_alloc : memref<!tpu.dma_semaphore, #tpu.memory_space<semaphore_mem>>
      %dma_start3A_208 = arith.constant 0 : i32
      %dma_start3A_209 = tpu.memref_slice %arg2[%add3A_22, %dma_start3A_208] : memref<4096x200xi32, #tpu.memory_space<hbm>> -> memref<32x200xi32, #tpu.memory_space<hbm>>
      %dma_start3A_210 = arith.constant 0 : i32
      %dma_start3A_211 = tpu.memref_slice %arg2[%add3A_22, %dma_start3A_210] : memref<4096x200xi32, #tpu.memory_space<hbm>> -> memref<32x200xi32, #tpu.memory_space<hbm>>
      tpu.enqueue_dma source(%dma_start3A_211 : memref<32x200xi32, #tpu.memory_space<hbm>>) target(%arg8 : memref<32x200xi32, #tpu.memory_space<vmem>>) target_semaphore(%run_scoped3A : memref<!tpu.dma_semaphore, #tpu.memory_space<semaphore_mem>>)
      %dma_wait3A_212 = arith.constant 0 : i32
      %dma_wait3A_213 = tpu.memref_slice %arg2[%add3A_22, %dma_wait3A_212] : memref<4096x200xi32, #tpu.memory_space<hbm>> -> memref<32x200xi32, #tpu.memory_space<hbm>>
      %dma_wait3A_214 = arith.constant 0 : i32
      %dma_wait3A_215 = tpu.memref_slice %arg2[%add3A_22, %dma_wait3A_214] : memref<4096x200xi32, #tpu.memory_space<hbm>> -> memref<32x200xi32, #tpu.memory_space<hbm>>
      tpu.wait_dma2 semaphore(%run_scoped3A : memref<!tpu.dma_semaphore, #tpu.memory_space<semaphore_mem>>) src(%dma_wait3A_215 : memref<32x200xi32, #tpu.memory_space<hbm>>) dst(%arg8 : memref<32x200xi32, #tpu.memory_space<vmem>>)
      tpu.yield
    }) : () -> ()
    "tpu.region"() ({
      %run_scoped3A = tpu.sem_alloc : memref<!tpu.dma_semaphore, #tpu.memory_space<semaphore_mem>>
      %dma_start3A_208 = arith.constant 0 : i32
      %dma_start3A_209 = tpu.memref_slice %arg3[%add3A_22, %dma_start3A_208] : memref<4096x200xi32, #tpu.memory_space<hbm>> -> memref<32x200xi32, #tpu.memory_space<hbm>>
      %dma_start3A_210 = arith.constant 0 : i32
      %dma_start3A_211 = tpu.memref_slice %arg3[%add3A_22, %dma_start3A_210] : memref<4096x200xi32, #tpu.memory_space<hbm>> -> memref<32x200xi32, #tpu.memory_space<hbm>>
      tpu.enqueue_dma source(%dma_start3A_211 : memref<32x200xi32, #tpu.memory_space<hbm>>) target(%arg9 : memref<32x200xi32, #tpu.memory_space<vmem>>) target_semaphore(%run_scoped3A : memref<!tpu.dma_semaphore, #tpu.memory_space<semaphore_mem>>)
      %dma_wait3A_212 = arith.constant 0 : i32
      %dma_wait3A_213 = tpu.memref_slice %arg3[%add3A_22, %dma_wait3A_212] : memref<4096x200xi32, #tpu.memory_space<hbm>> -> memref<32x200xi32, #tpu.memory_space<hbm>>
      %dma_wait3A_214 = arith.constant 0 : i32
      %dma_wait3A_215 = tpu.memref_slice %arg3[%add3A_22, %dma_wait3A_214] : memref<4096x200xi32, #tpu.memory_space<hbm>> -> memref<32x200xi32, #tpu.memory_space<hbm>>
      tpu.wait_dma2 semaphore(%run_scoped3A : memref<!tpu.dma_semaphore, #tpu.memory_space<semaphore_mem>>) src(%dma_wait3A_215 : memref<32x200xi32, #tpu.memory_space<hbm>>) dst(%arg9 : memref<32x200xi32, #tpu.memory_space<vmem>>)
      tpu.yield
    }) : () -> ()
    %scan3A_23 = arith.constant 0 : i32
    %scan3A_24 = arith.constant 0 : i32
    %scan3A_25 = arith.constant 32 : i32
    %scan3A_26 = arith.addi %scan3A_24, %scan3A_25 : i32
    %scan3A_27 = arith.constant 1 : i32
    scf.for %scan3A_208 = %scan3A_24 to %scan3A_26 step %scan3A_27  : i32 {
      %add3A_209 = arith.constant 32 : i32
      %add3A_210 = arith.addi %add3A_209, %scan3A_208 : i32
      %mul3A_211 = arith.constant 200 : i32
      %mul3A_212 = arith.muli %add3A_210, %mul3A_211 : i32
      %get3A = arith.index_cast %scan3A_208 : i32 to index
      %get3A_213 = arith.constant 0 : index
      %get3A_214 = tpu.vector_load %arg8[%get3A, %get3A_213] {strides = array<i32>} : memref<32x200xi32, #tpu.memory_space<vmem>>, vector<16xi32>,
      %get3A_215 = arith.index_cast %scan3A_208 : i32 to index
      %get3A_216 = arith.constant 0 : index
      %get3A_217 = tpu.vector_load %arg9[%get3A_215, %get3A_216] {strides = array<i32>} : memref<32x200xi32, #tpu.memory_space<vmem>>, vector<16xi32>,
      %mul3A_218 = arith.constant 1000 : i32
      %mul3A_219 = vector.broadcast %mul3A_218 : i32 to vector<16xi32>
      %mul3A_220 = arith.muli %get3A_214, %mul3A_219 : vector<16xi32>
      %add3A_221 = arith.addi %mul3A_220, %get3A_217 : vector<16xi32>
      %add3A_222 = arith.constant 0 : i32
      %add3A_223 = arith.addi %mul3A_212, %add3A_222 : i32
      %swap3A = arith.index_cast %add3A_223 : i32 to index
      %swap3A_224 = tpu.vector_load %arg10[%swap3A] {strides = array<i32>} : memref<25600xi32, #tpu.memory_space<vmem>>, vector<16xi32>,
      tpu.vector_store %arg10[%swap3A], %add3A_221 {strides = array<i32>} : memref<25600xi32, #tpu.memory_space<vmem>>, vector<16xi32>,
      %get3A_225 = arith.index_cast %scan3A_208 : i32 to index
      %get3A_226 = arith.constant 16 : index
      %get3A_227 = tpu.vector_load %arg8[%get3A_225, %get3A_226] {strides = array<i32>} : memref<32x200xi32, #tpu.memory_space<vmem>>, vector<16xi32>,
      %get3A_228 = arith.index_cast %scan3A_208 : i32 to index
      %get3A_229 = arith.constant 16 : index
      %get3A_230 = tpu.vector_load %arg9[%get3A_228, %get3A_229] {strides = array<i32>} : memref<32x200xi32, #tpu.memory_space<vmem>>, vector<16xi32>,
      %mul3A_231 = arith.constant 1000 : i32
      %mul3A_232 = vector.broadcast %mul3A_231 : i32 to vector<16xi32>
      %mul3A_233 = arith.muli %get3A_227, %mul3A_232 : vector<16xi32>
      %add3A_234 = arith.addi %mul3A_233, %get3A_230 : vector<16xi32>
      %add3A_235 = arith.constant 16 : i32
      %add3A_236 = arith.addi %mul3A_212, %add3A_235 : i32
      %swap3A_237 = arith.index_cast %add3A_236 : i32 to index
      %swap3A_238 = tpu.vector_load %arg10[%swap3A_237] {strides = array<i32>} : memref<25600xi32, #tpu.memory_space<vmem>>, vector<16xi32>,
      tpu.vector_store %arg10[%swap3A_237], %add3A_234 {strides = array<i32>} : memref<25600xi32, #tpu.memory_space<vmem>>, vector<16xi32>,
      %get3A_239 = arith.index_cast %scan3A_208 : i32 to index
      %get3A_240 = arith.constant 32 : index
      %get3A_241 = tpu.vector_load %arg8[%get3A_239, %get3A_240] {strides = array<i32>} : memref<32x200xi32, #tpu.memory_space<vmem>>, vector<16xi32>,
      %get3A_242 = arith.index_cast %scan3A_208 : i32 to index
      %get3A_243 = arith.constant 32 : index
      %get3A_244 = tpu.vector_load %arg9[%get3A_242, %get3A_243] {strides = array<i32>} : memref<32x200xi32, #tpu.memory_space<vmem>>, vector<16xi32>,
      %mul3A_245 = arith.constant 1000 : i32
      %mul3A_246 = vector.broadcast %mul3A_245 : i32 to vector<16xi32>
      %mul3A_247 = arith.muli %get3A_241, %mul3A_246 : vector<16xi32>
      %add3A_248 = arith.addi %mul3A_247, %get3A_244 : vector<16xi32>
      %add3A_249 = arith.constant 32 : i32
      %add3A_250 = arith.addi %mul3A_212, %add3A_249 : i32
      %swap3A_251 = arith.index_cast %add3A_250 : i32 to index
      %swap3A_252 = tpu.vector_load %arg10[%swap3A_251] {strides = array<i32>} : memref<25600xi32, #tpu.memory_space<vmem>>, vector<16xi32>,
      tpu.vector_store %arg10[%swap3A_251], %add3A_248 {strides = array<i32>} : memref<25600xi32, #tpu.memory_space<vmem>>, vector<16xi32>,
      %get3A_253 = arith.index_cast %scan3A_208 : i32 to index
      %get3A_254 = arith.constant 48 : index
      %get3A_255 = tpu.vector_load %arg8[%get3A_253, %get3A_254] {strides = array<i32>} : memref<32x200xi32, #tpu.memory_space<vmem>>, vector<16xi32>,
      %get3A_256 = arith.index_cast %scan3A_208 : i32 to index
      %get3A_257 = arith.constant 48 : index
      %get3A_258 = tpu.vector_load %arg9[%get3A_256, %get3A_257] {strides = array<i32>} : memref<32x200xi32, #tpu.memory_space<vmem>>, vector<16xi32>,
      %mul3A_259 = arith.constant 1000 : i32
      %mul3A_260 = vector.broadcast %mul3A_259 : i32 to vector<16xi32>
      %mul3A_261 = arith.muli %get3A_255, %mul3A_260 : vector<16xi32>
      %add3A_262 = arith.addi %mul3A_261, %get3A_258 : vector<16xi32>
      %add3A_263 = arith.constant 48 : i32
      %add3A_264 = arith.addi %mul3A_212, %add3A_263 : i32
      %swap3A_265 = arith.index_cast %add3A_264 : i32 to index
      %swap3A_266 = tpu.vector_load %arg10[%swap3A_265] {strides = array<i32>} : memref<25600xi32, #tpu.memory_space<vmem>>, vector<16xi32>,
      tpu.vector_store %arg10[%swap3A_265], %add3A_262 {strides = array<i32>} : memref<25600xi32, #tpu.memory_space<vmem>>, vector<16xi32>,
      %get3A_267 = arith.index_cast %scan3A_208 : i32 to index
      %get3A_268 = arith.constant 64 : index
      %get3A_269 = tpu.vector_load %arg8[%get3A_267, %get3A_268] {strides = array<i32>} : memref<32x200xi32, #tpu.memory_space<vmem>>, vector<16xi32>,
      %get3A_270 = arith.index_cast %scan3A_208 : i32 to index
      %get3A_271 = arith.constant 64 : index
      %get3A_272 = tpu.vector_load %arg9[%get3A_270, %get3A_271] {strides = array<i32>} : memref<32x200xi32, #tpu.memory_space<vmem>>, vector<16xi32>,
      %mul3A_273 = arith.constant 1000 : i32
      %mul3A_274 = vector.broadcast %mul3A_273 : i32 to vector<16xi32>
      %mul3A_275 = arith.muli %get3A_269, %mul3A_274 : vector<16xi32>
      %add3A_276 = arith.addi %mul3A_275, %get3A_272 : vector<16xi32>
      %add3A_277 = arith.constant 64 : i32
      %add3A_278 = arith.addi %mul3A_212, %add3A_277 : i32
      %swap3A_279 = arith.index_cast %add3A_278 : i32 to index
      %swap3A_280 = tpu.vector_load %arg10[%swap3A_279] {strides = array<i32>} : memref<25600xi32, #tpu.memory_space<vmem>>, vector<16xi32>,
      tpu.vector_store %arg10[%swap3A_279], %add3A_276 {strides = array<i32>} : memref<25600xi32, #tpu.memory_space<vmem>>, vector<16xi32>,
      %get3A_281 = arith.index_cast %scan3A_208 : i32 to index
      %get3A_282 = arith.constant 80 : index
      %get3A_283 = tpu.vector_load %arg8[%get3A_281, %get3A_282] {strides = array<i32>} : memref<32x200xi32, #tpu.memory_space<vmem>>, vector<16xi32>,
      %get3A_284 = arith.index_cast %scan3A_208 : i32 to index
      %get3A_285 = arith.constant 80 : index
      %get3A_286 = tpu.vector_load %arg9[%get3A_284, %get3A_285] {strides = array<i32>} : memref<32x200xi32, #tpu.memory_space<vmem>>, vector<16xi32>,
      %mul3A_287 = arith.constant 1000 : i32
      %mul3A_288 = vector.broadcast %mul3A_287 : i32 to vector<16xi32>
      %mul3A_289 = arith.muli %get3A_283, %mul3A_288 : vector<16xi32>
      %add3A_290 = arith.addi %mul3A_289, %get3A_286 : vector<16xi32>
      %add3A_291 = arith.constant 80 : i32
      %add3A_292 = arith.addi %mul3A_212, %add3A_291 : i32
      %swap3A_293 = arith.index_cast %add3A_292 : i32 to index
      %swap3A_294 = tpu.vector_load %arg10[%swap3A_293] {strides = array<i32>} : memref<25600xi32, #tpu.memory_space<vmem>>, vector<16xi32>,
      tpu.vector_store %arg10[%swap3A_293], %add3A_290 {strides = array<i32>} : memref<25600xi32, #tpu.memory_space<vmem>>, vector<16xi32>,
      %get3A_295 = arith.index_cast %scan3A_208 : i32 to index
      %get3A_296 = arith.constant 96 : index
      %get3A_297 = tpu.vector_load %arg8[%get3A_295, %get3A_296] {strides = array<i32>} : memref<32x200xi32, #tpu.memory_space<vmem>>, vector<16xi32>,
      %get3A_298 = arith.index_cast %scan3A_208 : i32 to index
      %get3A_299 = arith.constant 96 : index
      %get3A_300 = tpu.vector_load %arg9[%get3A_298, %get3A_299] {strides = array<i32>} : memref<32x200xi32, #tpu.memory_space<vmem>>, vector<16xi32>,
      %mul3A_301 = arith.constant 1000 : i32
      %mul3A_302 = vector.broadcast %mul3A_301 : i32 to vector<16xi32>
      %mul3A_303 = arith.muli %get3A_297, %mul3A_302 : vector<16xi32>
      %add3A_304 = arith.addi %mul3A_303, %get3A_300 : vector<16xi32>
      %add3A_305 = arith.constant 96 : i32
      %add3A_306 = arith.addi %mul3A_212, %add3A_305 : i32
      %swap3A_307 = arith.index_cast %add3A_306 : i32 to index
      %swap3A_308 = tpu.vector_load %arg10[%swap3A_307] {strides = array<i32>} : memref<25600xi32, #tpu.memory_space<vmem>>, vector<16xi32>,
      tpu.vector_store %arg10[%swap3A_307], %add3A_304 {strides = array<i32>} : memref<25600xi32, #tpu.memory_space<vmem>>, vector<16xi32>,
      %get3A_309 = arith.index_cast %scan3A_208 : i32 to index
      %get3A_310 = arith.constant 112 : index
      %get3A_311 = tpu.vector_load %arg8[%get3A_309, %get3A_310] {strides = array<i32>} : memref<32x200xi32, #tpu.memory_space<vmem>>, vector<16xi32>,
      %get3A_312 = arith.index_cast %scan3A_208 : i32 to index
      %get3A_313 = arith.constant 112 : index
      %get3A_314 = tpu.vector_load %arg9[%get3A_312, %get3A_313] {strides = array<i32>} : memref<32x200xi32, #tpu.memory_space<vmem>>, vector<16xi32>,
      %mul3A_315 = arith.constant 1000 : i32
      %mul3A_316 = vector.broadcast %mul3A_315 : i32 to vector<16xi32>
      %mul3A_317 = arith.muli %get3A_311, %mul3A_316 : vector<16xi32>
      %add3A_318 = arith.addi %mul3A_317, %get3A_314 : vector<16xi32>
      %add3A_319 = arith.constant 112 : i32
      %add3A_320 = arith.addi %mul3A_212, %add3A_319 : i32
      %swap3A_321 = arith.index_cast %add3A_320 : i32 to index
      %swap3A_322 = tpu.vector_load %arg10[%swap3A_321] {strides = array<i32>} : memref<25600xi32, #tpu.memory_space<vmem>>, vector<16xi32>,
      tpu.vector_store %arg10[%swap3A_321], %add3A_318 {strides = array<i32>} : memref<25600xi32, #tpu.memory_space<vmem>>, vector<16xi32>,
      %get3A_323 = arith.index_cast %scan3A_208 : i32 to index
      %get3A_324 = arith.constant 128 : index
      %get3A_325 = tpu.vector_load %arg8[%get3A_323, %get3A_324] {strides = array<i32>} : memref<32x200xi32, #tpu.memory_space<vmem>>, vector<16xi32>,
      %get3A_326 = arith.index_cast %scan3A_208 : i32 to index
      %get3A_327 = arith.constant 128 : index
      %get3A_328 = tpu.vector_load %arg9[%get3A_326, %get3A_327] {strides = array<i32>} : memref<32x200xi32, #tpu.memory_space<vmem>>, vector<16xi32>,
      %mul3A_329 = arith.constant 1000 : i32
      %mul3A_330 = vector.broadcast %mul3A_329 : i32 to vector<16xi32>
      %mul3A_331 = arith.muli %get3A_325, %mul3A_330 : vector<16xi32>
      %add3A_332 = arith.addi %mul3A_331, %get3A_328 : vector<16xi32>
      %add3A_333 = arith.constant 128 : i32
      %add3A_334 = arith.addi %mul3A_212, %add3A_333 : i32
      %swap3A_335 = arith.index_cast %add3A_334 : i32 to index
      %swap3A_336 = tpu.vector_load %arg10[%swap3A_335] {strides = array<i32>} : memref<25600xi32, #tpu.memory_space<vmem>>, vector<16xi32>,
      tpu.vector_store %arg10[%swap3A_335], %add3A_332 {strides = array<i32>} : memref<25600xi32, #tpu.memory_space<vmem>>, vector<16xi32>,
      %get3A_337 = arith.index_cast %scan3A_208 : i32 to index
      %get3A_338 = arith.constant 144 : index
      %get3A_339 = tpu.vector_load %arg8[%get3A_337, %get3A_338] {strides = array<i32>} : memref<32x200xi32, #tpu.memory_space<vmem>>, vector<16xi32>,
      %get3A_340 = arith.index_cast %scan3A_208 : i32 to index
      %get3A_341 = arith.constant 144 : index
      %get3A_342 = tpu.vector_load %arg9[%get3A_340, %get3A_341] {strides = array<i32>} : memref<32x200xi32, #tpu.memory_space<vmem>>, vector<16xi32>,
      %mul3A_343 = arith.constant 1000 : i32
      %mul3A_344 = vector.broadcast %mul3A_343 : i32 to vector<16xi32>
      %mul3A_345 = arith.muli %get3A_339, %mul3A_344 : vector<16xi32>
      %add3A_346 = arith.addi %mul3A_345, %get3A_342 : vector<16xi32>
      %add3A_347 = arith.constant 144 : i32
      %add3A_348 = arith.addi %mul3A_212, %add3A_347 : i32
      %swap3A_349 = arith.index_cast %add3A_348 : i32 to index
      %swap3A_350 = tpu.vector_load %arg10[%swap3A_349] {strides = array<i32>} : memref<25600xi32, #tpu.memory_space<vmem>>, vector<16xi32>,
      tpu.vector_store %arg10[%swap3A_349], %add3A_346 {strides = array<i32>} : memref<25600xi32, #tpu.memory_space<vmem>>, vector<16xi32>,
      %get3A_351 = arith.index_cast %scan3A_208 : i32 to index
      %get3A_352 = arith.constant 160 : index
      %get3A_353 = tpu.vector_load %arg8[%get3A_351, %get3A_352] {strides = array<i32>} : memref<32x200xi32, #tpu.memory_space<vmem>>, vector<16xi32>,
      %get3A_354 = arith.index_cast %scan3A_208 : i32 to index
      %get3A_355 = arith.constant 160 : index
      %get3A_356 = tpu.vector_load %arg9[%get3A_354, %get3A_355] {strides = array<i32>} : memref<32x200xi32, #tpu.memory_space<vmem>>, vector<16xi32>,
      %mul3A_357 = arith.constant 1000 : i32
      %mul3A_358 = vector.broadcast %mul3A_357 : i32 to vector<16xi32>
      %mul3A_359 = arith.muli %get3A_353, %mul3A_358 : vector<16xi32>
      %add3A_360 = arith.addi %mul3A_359, %get3A_356 : vector<16xi32>
      %add3A_361 = arith.constant 160 : i32
      %add3A_362 = arith.addi %mul3A_212, %add3A_361 : i32
      %swap3A_363 = arith.index_cast %add3A_362 : i32 to index
      %swap3A_364 = tpu.vector_load %arg10[%swap3A_363] {strides = array<i32>} : memref<25600xi32, #tpu.memory_space<vmem>>, vector<16xi32>,
      tpu.vector_store %arg10[%swap3A_363], %add3A_360 {strides = array<i32>} : memref<25600xi32, #tpu.memory_space<vmem>>, vector<16xi32>,
      %get3A_365 = arith.index_cast %scan3A_208 : i32 to index
      %get3A_366 = arith.constant 176 : index
      %get3A_367 = tpu.vector_load %arg8[%get3A_365, %get3A_366] {strides = array<i32>} : memref<32x200xi32, #tpu.memory_space<vmem>>, vector<16xi32>,
      %get3A_368 = arith.index_cast %scan3A_208 : i32 to index
      %get3A_369 = arith.constant 176 : index
      %get3A_370 = tpu.vector_load %arg9[%get3A_368, %get3A_369] {strides = array<i32>} : memref<32x200xi32, #tpu.memory_space<vmem>>, vector<16xi32>,
      %mul3A_371 = arith.constant 1000 : i32
      %mul3A_372 = vector.broadcast %mul3A_371 : i32 to vector<16xi32>
      %mul3A_373 = arith.muli %get3A_367, %mul3A_372 : vector<16xi32>
      %add3A_374 = arith.addi %mul3A_373, %get3A_370 : vector<16xi32>
      %add3A_375 = arith.constant 176 : i32
      %add3A_376 = arith.addi %mul3A_212, %add3A_375 : i32
      %swap3A_377 = arith.index_cast %add3A_376 : i32 to index
      %swap3A_378 = tpu.vector_load %arg10[%swap3A_377] {strides = array<i32>} : memref<25600xi32, #tpu.memory_space<vmem>>, vector<16xi32>,
      tpu.vector_store %arg10[%swap3A_377], %add3A_374 {strides = array<i32>} : memref<25600xi32, #tpu.memory_space<vmem>>, vector<16xi32>,
      %broadcast_in_dim3A = vector.broadcast %scan3A_208 : i32 to vector<16xi32>
      %iota3A = tpu.iota {dimensions = array<i32: 0>} : vector<16xi32>
      %add3A_379 = arith.constant 184 : i32
      %add3A_380 = vector.broadcast %add3A_379 : i32 to vector<16xi32>
      %add3A_381 = arith.addi %add3A_380, %iota3A : vector<16xi32>
      %gather3A = tpu.vector_load_idx %arg8[%broadcast_in_dim3A, %add3A_381] : memref<32x200xi32, #tpu.memory_space<vmem>>[vector<16xi32>, vector<16xi32>], vector<16xi32>,
      %gather3A_382 = tpu.vector_load_idx %arg9[%broadcast_in_dim3A, %add3A_381] : memref<32x200xi32, #tpu.memory_space<vmem>>[vector<16xi32>, vector<16xi32>], vector<16xi32>,
      %mul3A_383 = arith.constant 1000 : i32
      %mul3A_384 = vector.broadcast %mul3A_383 : i32 to vector<16xi32>
      %mul3A_385 = arith.muli %gather3A, %mul3A_384 : vector<16xi32>
      %add3A_386 = arith.addi %mul3A_385, %gather3A_382 : vector<16xi32>
      %add3A_387 = arith.constant 184 : i32
      %add3A_388 = arith.addi %mul3A_212, %add3A_387 : i32
      %swap3A_389 = arith.index_cast %add3A_388 : i32 to index
      %swap3A_390 = tpu.vector_load %arg10[%swap3A_389] {strides = array<i32>} : memref<25600xi32, #tpu.memory_space<vmem>>, vector<16xi32>,
      tpu.vector_store %arg10[%swap3A_389], %add3A_386 {strides = array<i32>} : memref<25600xi32, #tpu.memory_space<vmem>>, vector<16xi32>,
    }
    %scan3A_28 = arith.constant 32 : i32
    %dma_start3A_29 = arith.constant 6400 : i32
    %dma_start3A_30 = tpu.memref_slice %arg11[%dma_start3A_29] : memref<25600xf32, #tpu.memory_space<vmem>> -> memref<6400xf32, #tpu.memory_space<vmem>>
    %dma_start3A_31 = arith.constant 6400 : i32
    %dma_start3A_32 = tpu.memref_slice %arg10[%dma_start3A_31] : memref<25600xi32, #tpu.memory_space<vmem>> -> memref<6400xi32, #tpu.memory_space<vmem>>
    %dma_start3A_33 = arith.constant 0 : i32
    %dma_start3A_34 = tpu.memref_slice %arg4[%dma_start3A_33] : memref<1000000xf32, #tpu.memory_space<hbm>> -> memref<1000000xf32, #tpu.memory_space<hbm>>
    tpu.enqueue_indirect_dma source(%dma_start3A_34 : memref<1000000xf32, #tpu.memory_space<hbm>>) target(%dma_start3A_30 : memref<6400xf32, #tpu.memory_space<vmem>>) offsets(%dma_start3A_32 : memref<6400xi32, #tpu.memory_space<vmem>>) semaphore(%arg14 : memref<!tpu.dma_semaphore, #tpu.memory_space<semaphore_mem>>)
    %dma_start3A_35 = arith.constant 6400 : i32
    %dma_start3A_36 = tpu.memref_slice %arg12[%dma_start3A_35] : memref<25600xf32, #tpu.memory_space<vmem>> -> memref<6400xf32, #tpu.memory_space<vmem>>
    %dma_start3A_37 = arith.constant 6400 : i32
    %dma_start3A_38 = tpu.memref_slice %arg10[%dma_start3A_37] : memref<25600xi32, #tpu.memory_space<vmem>> -> memref<6400xi32, #tpu.memory_space<vmem>>
    %dma_start3A_39 = arith.constant 0 : i32
    %dma_start3A_40 = tpu.memref_slice %arg5[%dma_start3A_39] : memref<1000000xf32, #tpu.memory_space<hbm>> -> memref<1000000xf32, #tpu.memory_space<hbm>>
    tpu.enqueue_indirect_dma source(%dma_start3A_40 : memref<1000000xf32, #tpu.memory_space<hbm>>) target(%dma_start3A_36 : memref<6400xf32, #tpu.memory_space<vmem>>) offsets(%dma_start3A_38 : memref<6400xi32, #tpu.memory_space<vmem>>) semaphore(%arg15 : memref<!tpu.dma_semaphore, #tpu.memory_space<semaphore_mem>>)
    %add3A_41 = arith.constant 64 : i32
    %add3A_42 = arith.addi %mul3A_2, %add3A_41 : i32
    "tpu.region"() ({
      %run_scoped3A = tpu.sem_alloc : memref<!tpu.dma_semaphore, #tpu.memory_space<semaphore_mem>>
      %dma_start3A_208 = arith.constant 0 : i32
      %dma_start3A_209 = tpu.memref_slice %arg2[%add3A_42, %dma_start3A_208] : memref<4096x200xi32, #tpu.memory_space<hbm>> -> memref<32x200xi32, #tpu.memory_space<hbm>>
      %dma_start3A_210 = arith.constant 0 : i32
      %dma_start3A_211 = tpu.memref_slice %arg2[%add3A_42, %dma_start3A_210] : memref<4096x200xi32, #tpu.memory_space<hbm>> -> memref<32x200xi32, #tpu.memory_space<hbm>>
      tpu.enqueue_dma source(%dma_start3A_211 : memref<32x200xi32, #tpu.memory_space<hbm>>) target(%arg8 : memref<32x200xi32, #tpu.memory_space<vmem>>) target_semaphore(%run_scoped3A : memref<!tpu.dma_semaphore, #tpu.memory_space<semaphore_mem>>)
      %dma_wait3A_212 = arith.constant 0 : i32
      %dma_wait3A_213 = tpu.memref_slice %arg2[%add3A_42, %dma_wait3A_212] : memref<4096x200xi32, #tpu.memory_space<hbm>> -> memref<32x200xi32, #tpu.memory_space<hbm>>
      %dma_wait3A_214 = arith.constant 0 : i32
      %dma_wait3A_215 = tpu.memref_slice %arg2[%add3A_42, %dma_wait3A_214] : memref<4096x200xi32, #tpu.memory_space<hbm>> -> memref<32x200xi32, #tpu.memory_space<hbm>>
      tpu.wait_dma2 semaphore(%run_scoped3A : memref<!tpu.dma_semaphore, #tpu.memory_space<semaphore_mem>>) src(%dma_wait3A_215 : memref<32x200xi32, #tpu.memory_space<hbm>>) dst(%arg8 : memref<32x200xi32, #tpu.memory_space<vmem>>)
      tpu.yield
    }) : () -> ()
    "tpu.region"() ({
      %run_scoped3A = tpu.sem_alloc : memref<!tpu.dma_semaphore, #tpu.memory_space<semaphore_mem>>
      %dma_start3A_208 = arith.constant 0 : i32
      %dma_start3A_209 = tpu.memref_slice %arg3[%add3A_42, %dma_start3A_208] : memref<4096x200xi32, #tpu.memory_space<hbm>> -> memref<32x200xi32, #tpu.memory_space<hbm>>
      %dma_start3A_210 = arith.constant 0 : i32
      %dma_start3A_211 = tpu.memref_slice %arg3[%add3A_42, %dma_start3A_210] : memref<4096x200xi32, #tpu.memory_space<hbm>> -> memref<32x200xi32, #tpu.memory_space<hbm>>
      tpu.enqueue_dma source(%dma_start3A_211 : memref<32x200xi32, #tpu.memory_space<hbm>>) target(%arg9 : memref<32x200xi32, #tpu.memory_space<vmem>>) target_semaphore(%run_scoped3A : memref<!tpu.dma_semaphore, #tpu.memory_space<semaphore_mem>>)
      %dma_wait3A_212 = arith.constant 0 : i32
      %dma_wait3A_213 = tpu.memref_slice %arg3[%add3A_42, %dma_wait3A_212] : memref<4096x200xi32, #tpu.memory_space<hbm>> -> memref<32x200xi32, #tpu.memory_space<hbm>>
      %dma_wait3A_214 = arith.constant 0 : i32
      %dma_wait3A_215 = tpu.memref_slice %arg3[%add3A_42, %dma_wait3A_214] : memref<4096x200xi32, #tpu.memory_space<hbm>> -> memref<32x200xi32, #tpu.memory_space<hbm>>
      tpu.wait_dma2 semaphore(%run_scoped3A : memref<!tpu.dma_semaphore, #tpu.memory_space<semaphore_mem>>) src(%dma_wait3A_215 : memref<32x200xi32, #tpu.memory_space<hbm>>) dst(%arg9 : memref<32x200xi32, #tpu.memory_space<vmem>>)
      tpu.yield
    }) : () -> ()
    %scan3A_43 = arith.constant 0 : i32
    %scan3A_44 = arith.constant 0 : i32
    %scan3A_45 = arith.constant 32 : i32
    %scan3A_46 = arith.addi %scan3A_44, %scan3A_45 : i32
    %scan3A_47 = arith.constant 1 : i32
    scf.for %scan3A_208 = %scan3A_44 to %scan3A_46 step %scan3A_47  : i32 {
      %add3A_209 = arith.constant 64 : i32
      %add3A_210 = arith.addi %add3A_209, %scan3A_208 : i32
      %mul3A_211 = arith.constant 200 : i32
      %mul3A_212 = arith.muli %add3A_210, %mul3A_211 : i32
      %get3A = arith.index_cast %scan3A_208 : i32 to index
      %get3A_213 = arith.constant 0 : index
      %get3A_214 = tpu.vector_load %arg8[%get3A, %get3A_213] {strides = array<i32>} : memref<32x200xi32, #tpu.memory_space<vmem>>, vector<16xi32>,
      %get3A_215 = arith.index_cast %scan3A_208 : i32 to index
      %get3A_216 = arith.constant 0 : index
      %get3A_217 = tpu.vector_load %arg9[%get3A_215, %get3A_216] {strides = array<i32>} : memref<32x200xi32, #tpu.memory_space<vmem>>, vector<16xi32>,
      %mul3A_218 = arith.constant 1000 : i32
      %mul3A_219 = vector.broadcast %mul3A_218 : i32 to vector<16xi32>
      %mul3A_220 = arith.muli %get3A_214, %mul3A_219 : vector<16xi32>
      %add3A_221 = arith.addi %mul3A_220, %get3A_217 : vector<16xi32>
      %add3A_222 = arith.constant 0 : i32
      %add3A_223 = arith.addi %mul3A_212, %add3A_222 : i32
      %swap3A = arith.index_cast %add3A_223 : i32 to index
      %swap3A_224 = tpu.vector_load %arg10[%swap3A] {strides = array<i32>} : memref<25600xi32, #tpu.memory_space<vmem>>, vector<16xi32>,
      tpu.vector_store %arg10[%swap3A], %add3A_221 {strides = array<i32>} : memref<25600xi32, #tpu.memory_space<vmem>>, vector<16xi32>,
      %get3A_225 = arith.index_cast %scan3A_208 : i32 to index
      %get3A_226 = arith.constant 16 : index
      %get3A_227 = tpu.vector_load %arg8[%get3A_225, %get3A_226] {strides = array<i32>} : memref<32x200xi32, #tpu.memory_space<vmem>>, vector<16xi32>,
      %get3A_228 = arith.index_cast %scan3A_208 : i32 to index
      %get3A_229 = arith.constant 16 : index
      %get3A_230 = tpu.vector_load %arg9[%get3A_228, %get3A_229] {strides = array<i32>} : memref<32x200xi32, #tpu.memory_space<vmem>>, vector<16xi32>,
      %mul3A_231 = arith.constant 1000 : i32
      %mul3A_232 = vector.broadcast %mul3A_231 : i32 to vector<16xi32>
      %mul3A_233 = arith.muli %get3A_227, %mul3A_232 : vector<16xi32>
      %add3A_234 = arith.addi %mul3A_233, %get3A_230 : vector<16xi32>
      %add3A_235 = arith.constant 16 : i32
      %add3A_236 = arith.addi %mul3A_212, %add3A_235 : i32
      %swap3A_237 = arith.index_cast %add3A_236 : i32 to index
      %swap3A_238 = tpu.vector_load %arg10[%swap3A_237] {strides = array<i32>} : memref<25600xi32, #tpu.memory_space<vmem>>, vector<16xi32>,
      tpu.vector_store %arg10[%swap3A_237], %add3A_234 {strides = array<i32>} : memref<25600xi32, #tpu.memory_space<vmem>>, vector<16xi32>,
      %get3A_239 = arith.index_cast %scan3A_208 : i32 to index
      %get3A_240 = arith.constant 32 : index
      %get3A_241 = tpu.vector_load %arg8[%get3A_239, %get3A_240] {strides = array<i32>} : memref<32x200xi32, #tpu.memory_space<vmem>>, vector<16xi32>,
      %get3A_242 = arith.index_cast %scan3A_208 : i32 to index
      %get3A_243 = arith.constant 32 : index
      %get3A_244 = tpu.vector_load %arg9[%get3A_242, %get3A_243] {strides = array<i32>} : memref<32x200xi32, #tpu.memory_space<vmem>>, vector<16xi32>,
      %mul3A_245 = arith.constant 1000 : i32
      %mul3A_246 = vector.broadcast %mul3A_245 : i32 to vector<16xi32>
      %mul3A_247 = arith.muli %get3A_241, %mul3A_246 : vector<16xi32>
      %add3A_248 = arith.addi %mul3A_247, %get3A_244 : vector<16xi32>
      %add3A_249 = arith.constant 32 : i32
      %add3A_250 = arith.addi %mul3A_212, %add3A_249 : i32
      %swap3A_251 = arith.index_cast %add3A_250 : i32 to index
      %swap3A_252 = tpu.vector_load %arg10[%swap3A_251] {strides = array<i32>} : memref<25600xi32, #tpu.memory_space<vmem>>, vector<16xi32>,
      tpu.vector_store %arg10[%swap3A_251], %add3A_248 {strides = array<i32>} : memref<25600xi32, #tpu.memory_space<vmem>>, vector<16xi32>,
      %get3A_253 = arith.index_cast %scan3A_208 : i32 to index
      %get3A_254 = arith.constant 48 : index
      %get3A_255 = tpu.vector_load %arg8[%get3A_253, %get3A_254] {strides = array<i32>} : memref<32x200xi32, #tpu.memory_space<vmem>>, vector<16xi32>,
      %get3A_256 = arith.index_cast %scan3A_208 : i32 to index
      %get3A_257 = arith.constant 48 : index
      %get3A_258 = tpu.vector_load %arg9[%get3A_256, %get3A_257] {strides = array<i32>} : memref<32x200xi32, #tpu.memory_space<vmem>>, vector<16xi32>,
      %mul3A_259 = arith.constant 1000 : i32
      %mul3A_260 = vector.broadcast %mul3A_259 : i32 to vector<16xi32>
      %mul3A_261 = arith.muli %get3A_255, %mul3A_260 : vector<16xi32>
      %add3A_262 = arith.addi %mul3A_261, %get3A_258 : vector<16xi32>
      %add3A_263 = arith.constant 48 : i32
      %add3A_264 = arith.addi %mul3A_212, %add3A_263 : i32
      %swap3A_265 = arith.index_cast %add3A_264 : i32 to index
      %swap3A_266 = tpu.vector_load %arg10[%swap3A_265] {strides = array<i32>} : memref<25600xi32, #tpu.memory_space<vmem>>, vector<16xi32>,
      tpu.vector_store %arg10[%swap3A_265], %add3A_262 {strides = array<i32>} : memref<25600xi32, #tpu.memory_space<vmem>>, vector<16xi32>,
      %get3A_267 = arith.index_cast %scan3A_208 : i32 to index
      %get3A_268 = arith.constant 64 : index
      %get3A_269 = tpu.vector_load %arg8[%get3A_267, %get3A_268] {strides = array<i32>} : memref<32x200xi32, #tpu.memory_space<vmem>>, vector<16xi32>,
      %get3A_270 = arith.index_cast %scan3A_208 : i32 to index
      %get3A_271 = arith.constant 64 : index
      %get3A_272 = tpu.vector_load %arg9[%get3A_270, %get3A_271] {strides = array<i32>} : memref<32x200xi32, #tpu.memory_space<vmem>>, vector<16xi32>,
      %mul3A_273 = arith.constant 1000 : i32
      %mul3A_274 = vector.broadcast %mul3A_273 : i32 to vector<16xi32>
      %mul3A_275 = arith.muli %get3A_269, %mul3A_274 : vector<16xi32>
      %add3A_276 = arith.addi %mul3A_275, %get3A_272 : vector<16xi32>
      %add3A_277 = arith.constant 64 : i32
      %add3A_278 = arith.addi %mul3A_212, %add3A_277 : i32
      %swap3A_279 = arith.index_cast %add3A_278 : i32 to index
      %swap3A_280 = tpu.vector_load %arg10[%swap3A_279] {strides = array<i32>} : memref<25600xi32, #tpu.memory_space<vmem>>, vector<16xi32>,
      tpu.vector_store %arg10[%swap3A_279], %add3A_276 {strides = array<i32>} : memref<25600xi32, #tpu.memory_space<vmem>>, vector<16xi32>,
      %get3A_281 = arith.index_cast %scan3A_208 : i32 to index
      %get3A_282 = arith.constant 80 : index
      %get3A_283 = tpu.vector_load %arg8[%get3A_281, %get3A_282] {strides = array<i32>} : memref<32x200xi32, #tpu.memory_space<vmem>>, vector<16xi32>,
      %get3A_284 = arith.index_cast %scan3A_208 : i32 to index
      %get3A_285 = arith.constant 80 : index
      %get3A_286 = tpu.vector_load %arg9[%get3A_284, %get3A_285] {strides = array<i32>} : memref<32x200xi32, #tpu.memory_space<vmem>>, vector<16xi32>,
      %mul3A_287 = arith.constant 1000 : i32
      %mul3A_288 = vector.broadcast %mul3A_287 : i32 to vector<16xi32>
      %mul3A_289 = arith.muli %get3A_283, %mul3A_288 : vector<16xi32>
      %add3A_290 = arith.addi %mul3A_289, %get3A_286 : vector<16xi32>
      %add3A_291 = arith.constant 80 : i32
      %add3A_292 = arith.addi %mul3A_212, %add3A_291 : i32
      %swap3A_293 = arith.index_cast %add3A_292 : i32 to index
      %swap3A_294 = tpu.vector_load %arg10[%swap3A_293] {strides = array<i32>} : memref<25600xi32, #tpu.memory_space<vmem>>, vector<16xi32>,
      tpu.vector_store %arg10[%swap3A_293], %add3A_290 {strides = array<i32>} : memref<25600xi32, #tpu.memory_space<vmem>>, vector<16xi32>,
      %get3A_295 = arith.index_cast %scan3A_208 : i32 to index
      %get3A_296 = arith.constant 96 : index
      %get3A_297 = tpu.vector_load %arg8[%get3A_295, %get3A_296] {strides = array<i32>} : memref<32x200xi32, #tpu.memory_space<vmem>>, vector<16xi32>,
      %get3A_298 = arith.index_cast %scan3A_208 : i32 to index
      %get3A_299 = arith.constant 96 : index
      %get3A_300 = tpu.vector_load %arg9[%get3A_298, %get3A_299] {strides = array<i32>} : memref<32x200xi32, #tpu.memory_space<vmem>>, vector<16xi32>,
      %mul3A_301 = arith.constant 1000 : i32
      %mul3A_302 = vector.broadcast %mul3A_301 : i32 to vector<16xi32>
      %mul3A_303 = arith.muli %get3A_297, %mul3A_302 : vector<16xi32>
      %add3A_304 = arith.addi %mul3A_303, %get3A_300 : vector<16xi32>
      %add3A_305 = arith.constant 96 : i32
      %add3A_306 = arith.addi %mul3A_212, %add3A_305 : i32
      %swap3A_307 = arith.index_cast %add3A_306 : i32 to index
      %swap3A_308 = tpu.vector_load %arg10[%swap3A_307] {strides = array<i32>} : memref<25600xi32, #tpu.memory_space<vmem>>, vector<16xi32>,
      tpu.vector_store %arg10[%swap3A_307], %add3A_304 {strides = array<i32>} : memref<25600xi32, #tpu.memory_space<vmem>>, vector<16xi32>,
      %get3A_309 = arith.index_cast %scan3A_208 : i32 to index
      %get3A_310 = arith.constant 112 : index
      %get3A_311 = tpu.vector_load %arg8[%get3A_309, %get3A_310] {strides = array<i32>} : memref<32x200xi32, #tpu.memory_space<vmem>>, vector<16xi32>,
      %get3A_312 = arith.index_cast %scan3A_208 : i32 to index
      %get3A_313 = arith.constant 112 : index
      %get3A_314 = tpu.vector_load %arg9[%get3A_312, %get3A_313] {strides = array<i32>} : memref<32x200xi32, #tpu.memory_space<vmem>>, vector<16xi32>,
      %mul3A_315 = arith.constant 1000 : i32
      %mul3A_316 = vector.broadcast %mul3A_315 : i32 to vector<16xi32>
      %mul3A_317 = arith.muli %get3A_311, %mul3A_316 : vector<16xi32>
      %add3A_318 = arith.addi %mul3A_317, %get3A_314 : vector<16xi32>
      %add3A_319 = arith.constant 112 : i32
      %add3A_320 = arith.addi %mul3A_212, %add3A_319 : i32
      %swap3A_321 = arith.index_cast %add3A_320 : i32 to index
      %swap3A_322 = tpu.vector_load %arg10[%swap3A_321] {strides = array<i32>} : memref<25600xi32, #tpu.memory_space<vmem>>, vector<16xi32>,
      tpu.vector_store %arg10[%swap3A_321], %add3A_318 {strides = array<i32>} : memref<25600xi32, #tpu.memory_space<vmem>>, vector<16xi32>,
      %get3A_323 = arith.index_cast %scan3A_208 : i32 to index
      %get3A_324 = arith.constant 128 : index
      %get3A_325 = tpu.vector_load %arg8[%get3A_323, %get3A_324] {strides = array<i32>} : memref<32x200xi32, #tpu.memory_space<vmem>>, vector<16xi32>,
      %get3A_326 = arith.index_cast %scan3A_208 : i32 to index
      %get3A_327 = arith.constant 128 : index
      %get3A_328 = tpu.vector_load %arg9[%get3A_326, %get3A_327] {strides = array<i32>} : memref<32x200xi32, #tpu.memory_space<vmem>>, vector<16xi32>,
      %mul3A_329 = arith.constant 1000 : i32
      %mul3A_330 = vector.broadcast %mul3A_329 : i32 to vector<16xi32>
      %mul3A_331 = arith.muli %get3A_325, %mul3A_330 : vector<16xi32>
      %add3A_332 = arith.addi %mul3A_331, %get3A_328 : vector<16xi32>
      %add3A_333 = arith.constant 128 : i32
      %add3A_334 = arith.addi %mul3A_212, %add3A_333 : i32
      %swap3A_335 = arith.index_cast %add3A_334 : i32 to index
      %swap3A_336 = tpu.vector_load %arg10[%swap3A_335] {strides = array<i32>} : memref<25600xi32, #tpu.memory_space<vmem>>, vector<16xi32>,
      tpu.vector_store %arg10[%swap3A_335], %add3A_332 {strides = array<i32>} : memref<25600xi32, #tpu.memory_space<vmem>>, vector<16xi32>,
      %get3A_337 = arith.index_cast %scan3A_208 : i32 to index
      %get3A_338 = arith.constant 144 : index
      %get3A_339 = tpu.vector_load %arg8[%get3A_337, %get3A_338] {strides = array<i32>} : memref<32x200xi32, #tpu.memory_space<vmem>>, vector<16xi32>,
      %get3A_340 = arith.index_cast %scan3A_208 : i32 to index
      %get3A_341 = arith.constant 144 : index
      %get3A_342 = tpu.vector_load %arg9[%get3A_340, %get3A_341] {strides = array<i32>} : memref<32x200xi32, #tpu.memory_space<vmem>>, vector<16xi32>,
      %mul3A_343 = arith.constant 1000 : i32
      %mul3A_344 = vector.broadcast %mul3A_343 : i32 to vector<16xi32>
      %mul3A_345 = arith.muli %get3A_339, %mul3A_344 : vector<16xi32>
      %add3A_346 = arith.addi %mul3A_345, %get3A_342 : vector<16xi32>
      %add3A_347 = arith.constant 144 : i32
      %add3A_348 = arith.addi %mul3A_212, %add3A_347 : i32
      %swap3A_349 = arith.index_cast %add3A_348 : i32 to index
      %swap3A_350 = tpu.vector_load %arg10[%swap3A_349] {strides = array<i32>} : memref<25600xi32, #tpu.memory_space<vmem>>, vector<16xi32>,
      tpu.vector_store %arg10[%swap3A_349], %add3A_346 {strides = array<i32>} : memref<25600xi32, #tpu.memory_space<vmem>>, vector<16xi32>,
      %get3A_351 = arith.index_cast %scan3A_208 : i32 to index
      %get3A_352 = arith.constant 160 : index
      %get3A_353 = tpu.vector_load %arg8[%get3A_351, %get3A_352] {strides = array<i32>} : memref<32x200xi32, #tpu.memory_space<vmem>>, vector<16xi32>,
      %get3A_354 = arith.index_cast %scan3A_208 : i32 to index
      %get3A_355 = arith.constant 160 : index
      %get3A_356 = tpu.vector_load %arg9[%get3A_354, %get3A_355] {strides = array<i32>} : memref<32x200xi32, #tpu.memory_space<vmem>>, vector<16xi32>,
      %mul3A_357 = arith.constant 1000 : i32
      %mul3A_358 = vector.broadcast %mul3A_357 : i32 to vector<16xi32>
      %mul3A_359 = arith.muli %get3A_353, %mul3A_358 : vector<16xi32>
      %add3A_360 = arith.addi %mul3A_359, %get3A_356 : vector<16xi32>
      %add3A_361 = arith.constant 160 : i32
      %add3A_362 = arith.addi %mul3A_212, %add3A_361 : i32
      %swap3A_363 = arith.index_cast %add3A_362 : i32 to index
      %swap3A_364 = tpu.vector_load %arg10[%swap3A_363] {strides = array<i32>} : memref<25600xi32, #tpu.memory_space<vmem>>, vector<16xi32>,
      tpu.vector_store %arg10[%swap3A_363], %add3A_360 {strides = array<i32>} : memref<25600xi32, #tpu.memory_space<vmem>>, vector<16xi32>,
      %get3A_365 = arith.index_cast %scan3A_208 : i32 to index
      %get3A_366 = arith.constant 176 : index
      %get3A_367 = tpu.vector_load %arg8[%get3A_365, %get3A_366] {strides = array<i32>} : memref<32x200xi32, #tpu.memory_space<vmem>>, vector<16xi32>,
      %get3A_368 = arith.index_cast %scan3A_208 : i32 to index
      %get3A_369 = arith.constant 176 : index
      %get3A_370 = tpu.vector_load %arg9[%get3A_368, %get3A_369] {strides = array<i32>} : memref<32x200xi32, #tpu.memory_space<vmem>>, vector<16xi32>,
      %mul3A_371 = arith.constant 1000 : i32
      %mul3A_372 = vector.broadcast %mul3A_371 : i32 to vector<16xi32>
      %mul3A_373 = arith.muli %get3A_367, %mul3A_372 : vector<16xi32>
      %add3A_374 = arith.addi %mul3A_373, %get3A_370 : vector<16xi32>
      %add3A_375 = arith.constant 176 : i32
      %add3A_376 = arith.addi %mul3A_212, %add3A_375 : i32
      %swap3A_377 = arith.index_cast %add3A_376 : i32 to index
      %swap3A_378 = tpu.vector_load %arg10[%swap3A_377] {strides = array<i32>} : memref<25600xi32, #tpu.memory_space<vmem>>, vector<16xi32>,
      tpu.vector_store %arg10[%swap3A_377], %add3A_374 {strides = array<i32>} : memref<25600xi32, #tpu.memory_space<vmem>>, vector<16xi32>,
      %broadcast_in_dim3A = vector.broadcast %scan3A_208 : i32 to vector<16xi32>
      %iota3A = tpu.iota {dimensions = array<i32: 0>} : vector<16xi32>
      %add3A_379 = arith.constant 184 : i32
      %add3A_380 = vector.broadcast %add3A_379 : i32 to vector<16xi32>
      %add3A_381 = arith.addi %add3A_380, %iota3A : vector<16xi32>
      %gather3A = tpu.vector_load_idx %arg8[%broadcast_in_dim3A, %add3A_381] : memref<32x200xi32, #tpu.memory_space<vmem>>[vector<16xi32>, vector<16xi32>], vector<16xi32>,
      %gather3A_382 = tpu.vector_load_idx %arg9[%broadcast_in_dim3A, %add3A_381] : memref<32x200xi32, #tpu.memory_space<vmem>>[vector<16xi32>, vector<16xi32>], vector<16xi32>,
      %mul3A_383 = arith.constant 1000 : i32
      %mul3A_384 = vector.broadcast %mul3A_383 : i32 to vector<16xi32>
      %mul3A_385 = arith.muli %gather3A, %mul3A_384 : vector<16xi32>
      %add3A_386 = arith.addi %mul3A_385, %gather3A_382 : vector<16xi32>
      %add3A_387 = arith.constant 184 : i32
      %add3A_388 = arith.addi %mul3A_212, %add3A_387 : i32
      %swap3A_389 = arith.index_cast %add3A_388 : i32 to index
      %swap3A_390 = tpu.vector_load %arg10[%swap3A_389] {strides = array<i32>} : memref<25600xi32, #tpu.memory_space<vmem>>, vector<16xi32>,
      tpu.vector_store %arg10[%swap3A_389], %add3A_386 {strides = array<i32>} : memref<25600xi32, #tpu.memory_space<vmem>>, vector<16xi32>,
    }
    %scan3A_48 = arith.constant 32 : i32
    %dma_start3A_49 = arith.constant 12800 : i32
    %dma_start3A_50 = tpu.memref_slice %arg11[%dma_start3A_49] : memref<25600xf32, #tpu.memory_space<vmem>> -> memref<6400xf32, #tpu.memory_space<vmem>>
    %dma_start3A_51 = arith.constant 12800 : i32
    %dma_start3A_52 = tpu.memref_slice %arg10[%dma_start3A_51] : memref<25600xi32, #tpu.memory_space<vmem>> -> memref<6400xi32, #tpu.memory_space<vmem>>
    %dma_start3A_53 = arith.constant 0 : i32
    %dma_start3A_54 = tpu.memref_slice %arg4[%dma_start3A_53] : memref<1000000xf32, #tpu.memory_space<hbm>> -> memref<1000000xf32, #tpu.memory_space<hbm>>
    tpu.enqueue_indirect_dma source(%dma_start3A_54 : memref<1000000xf32, #tpu.memory_space<hbm>>) target(%dma_start3A_50 : memref<6400xf32, #tpu.memory_space<vmem>>) offsets(%dma_start3A_52 : memref<6400xi32, #tpu.memory_space<vmem>>) semaphore(%arg14 : memref<!tpu.dma_semaphore, #tpu.memory_space<semaphore_mem>>)
    %dma_start3A_55 = arith.constant 12800 : i32
    %dma_start3A_56 = tpu.memref_slice %arg12[%dma_start3A_55] : memref<25600xf32, #tpu.memory_space<vmem>> -> memref<6400xf32, #tpu.memory_space<vmem>>
    %dma_start3A_57 = arith.constant 12800 : i32
    %dma_start3A_58 = tpu.memref_slice %arg10[%dma_start3A_57] : memref<25600xi32, #tpu.memory_space<vmem>> -> memref<6400xi32, #tpu.memory_space<vmem>>
    %dma_start3A_59 = arith.constant 0 : i32
    %dma_start3A_60 = tpu.memref_slice %arg5[%dma_start3A_59] : memref<1000000xf32, #tpu.memory_space<hbm>> -> memref<1000000xf32, #tpu.memory_space<hbm>>
    tpu.enqueue_indirect_dma source(%dma_start3A_60 : memref<1000000xf32, #tpu.memory_space<hbm>>) target(%dma_start3A_56 : memref<6400xf32, #tpu.memory_space<vmem>>) offsets(%dma_start3A_58 : memref<6400xi32, #tpu.memory_space<vmem>>) semaphore(%arg15 : memref<!tpu.dma_semaphore, #tpu.memory_space<semaphore_mem>>)
    %add3A_61 = arith.constant 96 : i32
    %add3A_62 = arith.addi %mul3A_2, %add3A_61 : i32
    "tpu.region"() ({
      %run_scoped3A = tpu.sem_alloc : memref<!tpu.dma_semaphore, #tpu.memory_space<semaphore_mem>>
      %dma_start3A_208 = arith.constant 0 : i32
      %dma_start3A_209 = tpu.memref_slice %arg2[%add3A_62, %dma_start3A_208] : memref<4096x200xi32, #tpu.memory_space<hbm>> -> memref<32x200xi32, #tpu.memory_space<hbm>>
      %dma_start3A_210 = arith.constant 0 : i32
      %dma_start3A_211 = tpu.memref_slice %arg2[%add3A_62, %dma_start3A_210] : memref<4096x200xi32, #tpu.memory_space<hbm>> -> memref<32x200xi32, #tpu.memory_space<hbm>>
      tpu.enqueue_dma source(%dma_start3A_211 : memref<32x200xi32, #tpu.memory_space<hbm>>) target(%arg8 : memref<32x200xi32, #tpu.memory_space<vmem>>) target_semaphore(%run_scoped3A : memref<!tpu.dma_semaphore, #tpu.memory_space<semaphore_mem>>)
      %dma_wait3A_212 = arith.constant 0 : i32
      %dma_wait3A_213 = tpu.memref_slice %arg2[%add3A_62, %dma_wait3A_212] : memref<4096x200xi32, #tpu.memory_space<hbm>> -> memref<32x200xi32, #tpu.memory_space<hbm>>
      %dma_wait3A_214 = arith.constant 0 : i32
      %dma_wait3A_215 = tpu.memref_slice %arg2[%add3A_62, %dma_wait3A_214] : memref<4096x200xi32, #tpu.memory_space<hbm>> -> memref<32x200xi32, #tpu.memory_space<hbm>>
      tpu.wait_dma2 semaphore(%run_scoped3A : memref<!tpu.dma_semaphore, #tpu.memory_space<semaphore_mem>>) src(%dma_wait3A_215 : memref<32x200xi32, #tpu.memory_space<hbm>>) dst(%arg8 : memref<32x200xi32, #tpu.memory_space<vmem>>)
      tpu.yield
    }) : () -> ()
    "tpu.region"() ({
      %run_scoped3A = tpu.sem_alloc : memref<!tpu.dma_semaphore, #tpu.memory_space<semaphore_mem>>
      %dma_start3A_208 = arith.constant 0 : i32
      %dma_start3A_209 = tpu.memref_slice %arg3[%add3A_62, %dma_start3A_208] : memref<4096x200xi32, #tpu.memory_space<hbm>> -> memref<32x200xi32, #tpu.memory_space<hbm>>
      %dma_start3A_210 = arith.constant 0 : i32
      %dma_start3A_211 = tpu.memref_slice %arg3[%add3A_62, %dma_start3A_210] : memref<4096x200xi32, #tpu.memory_space<hbm>> -> memref<32x200xi32, #tpu.memory_space<hbm>>
      tpu.enqueue_dma source(%dma_start3A_211 : memref<32x200xi32, #tpu.memory_space<hbm>>) target(%arg9 : memref<32x200xi32, #tpu.memory_space<vmem>>) target_semaphore(%run_scoped3A : memref<!tpu.dma_semaphore, #tpu.memory_space<semaphore_mem>>)
      %dma_wait3A_212 = arith.constant 0 : i32
      %dma_wait3A_213 = tpu.memref_slice %arg3[%add3A_62, %dma_wait3A_212] : memref<4096x200xi32, #tpu.memory_space<hbm>> -> memref<32x200xi32, #tpu.memory_space<hbm>>
      %dma_wait3A_214 = arith.constant 0 : i32
      %dma_wait3A_215 = tpu.memref_slice %arg3[%add3A_62, %dma_wait3A_214] : memref<4096x200xi32, #tpu.memory_space<hbm>> -> memref<32x200xi32, #tpu.memory_space<hbm>>
      tpu.wait_dma2 semaphore(%run_scoped3A : memref<!tpu.dma_semaphore, #tpu.memory_space<semaphore_mem>>) src(%dma_wait3A_215 : memref<32x200xi32, #tpu.memory_space<hbm>>) dst(%arg9 : memref<32x200xi32, #tpu.memory_space<vmem>>)
      tpu.yield
    }) : () -> ()
    %scan3A_63 = arith.constant 0 : i32
    %scan3A_64 = arith.constant 0 : i32
    %scan3A_65 = arith.constant 32 : i32
    %scan3A_66 = arith.addi %scan3A_64, %scan3A_65 : i32
    %scan3A_67 = arith.constant 1 : i32
    scf.for %scan3A_208 = %scan3A_64 to %scan3A_66 step %scan3A_67  : i32 {
      %add3A_209 = arith.constant 96 : i32
      %add3A_210 = arith.addi %add3A_209, %scan3A_208 : i32
      %mul3A_211 = arith.constant 200 : i32
      %mul3A_212 = arith.muli %add3A_210, %mul3A_211 : i32
      %get3A = arith.index_cast %scan3A_208 : i32 to index
      %get3A_213 = arith.constant 0 : index
      %get3A_214 = tpu.vector_load %arg8[%get3A, %get3A_213] {strides = array<i32>} : memref<32x200xi32, #tpu.memory_space<vmem>>, vector<16xi32>,
      %get3A_215 = arith.index_cast %scan3A_208 : i32 to index
      %get3A_216 = arith.constant 0 : index
      %get3A_217 = tpu.vector_load %arg9[%get3A_215, %get3A_216] {strides = array<i32>} : memref<32x200xi32, #tpu.memory_space<vmem>>, vector<16xi32>,
      %mul3A_218 = arith.constant 1000 : i32
      %mul3A_219 = vector.broadcast %mul3A_218 : i32 to vector<16xi32>
      %mul3A_220 = arith.muli %get3A_214, %mul3A_219 : vector<16xi32>
      %add3A_221 = arith.addi %mul3A_220, %get3A_217 : vector<16xi32>
      %add3A_222 = arith.constant 0 : i32
      %add3A_223 = arith.addi %mul3A_212, %add3A_222 : i32
      %swap3A = arith.index_cast %add3A_223 : i32 to index
      %swap3A_224 = tpu.vector_load %arg10[%swap3A] {strides = array<i32>} : memref<25600xi32, #tpu.memory_space<vmem>>, vector<16xi32>,
      tpu.vector_store %arg10[%swap3A], %add3A_221 {strides = array<i32>} : memref<25600xi32, #tpu.memory_space<vmem>>, vector<16xi32>,
      %get3A_225 = arith.index_cast %scan3A_208 : i32 to index
      %get3A_226 = arith.constant 16 : index
      %get3A_227 = tpu.vector_load %arg8[%get3A_225, %get3A_226] {strides = array<i32>} : memref<32x200xi32, #tpu.memory_space<vmem>>, vector<16xi32>,
      %get3A_228 = arith.index_cast %scan3A_208 : i32 to index
      %get3A_229 = arith.constant 16 : index
      %get3A_230 = tpu.vector_load %arg9[%get3A_228, %get3A_229] {strides = array<i32>} : memref<32x200xi32, #tpu.memory_space<vmem>>, vector<16xi32>,
      %mul3A_231 = arith.constant 1000 : i32
      %mul3A_232 = vector.broadcast %mul3A_231 : i32 to vector<16xi32>
      %mul3A_233 = arith.muli %get3A_227, %mul3A_232 : vector<16xi32>
      %add3A_234 = arith.addi %mul3A_233, %get3A_230 : vector<16xi32>
      %add3A_235 = arith.constant 16 : i32
      %add3A_236 = arith.addi %mul3A_212, %add3A_235 : i32
      %swap3A_237 = arith.index_cast %add3A_236 : i32 to index
      %swap3A_238 = tpu.vector_load %arg10[%swap3A_237] {strides = array<i32>} : memref<25600xi32, #tpu.memory_space<vmem>>, vector<16xi32>,
      tpu.vector_store %arg10[%swap3A_237], %add3A_234 {strides = array<i32>} : memref<25600xi32, #tpu.memory_space<vmem>>, vector<16xi32>,
      %get3A_239 = arith.index_cast %scan3A_208 : i32 to index
      %get3A_240 = arith.constant 32 : index
      %get3A_241 = tpu.vector_load %arg8[%get3A_239, %get3A_240] {strides = array<i32>} : memref<32x200xi32, #tpu.memory_space<vmem>>, vector<16xi32>,
      %get3A_242 = arith.index_cast %scan3A_208 : i32 to index
      %get3A_243 = arith.constant 32 : index
      %get3A_244 = tpu.vector_load %arg9[%get3A_242, %get3A_243] {strides = array<i32>} : memref<32x200xi32, #tpu.memory_space<vmem>>, vector<16xi32>,
      %mul3A_245 = arith.constant 1000 : i32
      %mul3A_246 = vector.broadcast %mul3A_245 : i32 to vector<16xi32>
      %mul3A_247 = arith.muli %get3A_241, %mul3A_246 : vector<16xi32>
      %add3A_248 = arith.addi %mul3A_247, %get3A_244 : vector<16xi32>
      %add3A_249 = arith.constant 32 : i32
      %add3A_250 = arith.addi %mul3A_212, %add3A_249 : i32
      %swap3A_251 = arith.index_cast %add3A_250 : i32 to index
      %swap3A_252 = tpu.vector_load %arg10[%swap3A_251] {strides = array<i32>} : memref<25600xi32, #tpu.memory_space<vmem>>, vector<16xi32>,
      tpu.vector_store %arg10[%swap3A_251], %add3A_248 {strides = array<i32>} : memref<25600xi32, #tpu.memory_space<vmem>>, vector<16xi32>,
      %get3A_253 = arith.index_cast %scan3A_208 : i32 to index
      %get3A_254 = arith.constant 48 : index
      %get3A_255 = tpu.vector_load %arg8[%get3A_253, %get3A_254] {strides = array<i32>} : memref<32x200xi32, #tpu.memory_space<vmem>>, vector<16xi32>,
      %get3A_256 = arith.index_cast %scan3A_208 : i32 to index
      %get3A_257 = arith.constant 48 : index
      %get3A_258 = tpu.vector_load %arg9[%get3A_256, %get3A_257] {strides = array<i32>} : memref<32x200xi32, #tpu.memory_space<vmem>>, vector<16xi32>,
      %mul3A_259 = arith.constant 1000 : i32
      %mul3A_260 = vector.broadcast %mul3A_259 : i32 to vector<16xi32>
      %mul3A_261 = arith.muli %get3A_255, %mul3A_260 : vector<16xi32>
      %add3A_262 = arith.addi %mul3A_261, %get3A_258 : vector<16xi32>
      %add3A_263 = arith.constant 48 : i32
      %add3A_264 = arith.addi %mul3A_212, %add3A_263 : i32
      %swap3A_265 = arith.index_cast %add3A_264 : i32 to index
      %swap3A_266 = tpu.vector_load %arg10[%swap3A_265] {strides = array<i32>} : memref<25600xi32, #tpu.memory_space<vmem>>, vector<16xi32>,
      tpu.vector_store %arg10[%swap3A_265], %add3A_262 {strides = array<i32>} : memref<25600xi32, #tpu.memory_space<vmem>>, vector<16xi32>,
      %get3A_267 = arith.index_cast %scan3A_208 : i32 to index
      %get3A_268 = arith.constant 64 : index
      %get3A_269 = tpu.vector_load %arg8[%get3A_267, %get3A_268] {strides = array<i32>} : memref<32x200xi32, #tpu.memory_space<vmem>>, vector<16xi32>,
      %get3A_270 = arith.index_cast %scan3A_208 : i32 to index
      %get3A_271 = arith.constant 64 : index
      %get3A_272 = tpu.vector_load %arg9[%get3A_270, %get3A_271] {strides = array<i32>} : memref<32x200xi32, #tpu.memory_space<vmem>>, vector<16xi32>,
      %mul3A_273 = arith.constant 1000 : i32
      %mul3A_274 = vector.broadcast %mul3A_273 : i32 to vector<16xi32>
      %mul3A_275 = arith.muli %get3A_269, %mul3A_274 : vector<16xi32>
      %add3A_276 = arith.addi %mul3A_275, %get3A_272 : vector<16xi32>
      %add3A_277 = arith.constant 64 : i32
      %add3A_278 = arith.addi %mul3A_212, %add3A_277 : i32
      %swap3A_279 = arith.index_cast %add3A_278 : i32 to index
      %swap3A_280 = tpu.vector_load %arg10[%swap3A_279] {strides = array<i32>} : memref<25600xi32, #tpu.memory_space<vmem>>, vector<16xi32>,
      tpu.vector_store %arg10[%swap3A_279], %add3A_276 {strides = array<i32>} : memref<25600xi32, #tpu.memory_space<vmem>>, vector<16xi32>,
      %get3A_281 = arith.index_cast %scan3A_208 : i32 to index
      %get3A_282 = arith.constant 80 : index
      %get3A_283 = tpu.vector_load %arg8[%get3A_281, %get3A_282] {strides = array<i32>} : memref<32x200xi32, #tpu.memory_space<vmem>>, vector<16xi32>,
      %get3A_284 = arith.index_cast %scan3A_208 : i32 to index
      %get3A_285 = arith.constant 80 : index
      %get3A_286 = tpu.vector_load %arg9[%get3A_284, %get3A_285] {strides = array<i32>} : memref<32x200xi32, #tpu.memory_space<vmem>>, vector<16xi32>,
      %mul3A_287 = arith.constant 1000 : i32
      %mul3A_288 = vector.broadcast %mul3A_287 : i32 to vector<16xi32>
      %mul3A_289 = arith.muli %get3A_283, %mul3A_288 : vector<16xi32>
      %add3A_290 = arith.addi %mul3A_289, %get3A_286 : vector<16xi32>
      %add3A_291 = arith.constant 80 : i32
      %add3A_292 = arith.addi %mul3A_212, %add3A_291 : i32
      %swap3A_293 = arith.index_cast %add3A_292 : i32 to index
      %swap3A_294 = tpu.vector_load %arg10[%swap3A_293] {strides = array<i32>} : memref<25600xi32, #tpu.memory_space<vmem>>, vector<16xi32>,
      tpu.vector_store %arg10[%swap3A_293], %add3A_290 {strides = array<i32>} : memref<25600xi32, #tpu.memory_space<vmem>>, vector<16xi32>,
      %get3A_295 = arith.index_cast %scan3A_208 : i32 to index
      %get3A_296 = arith.constant 96 : index
      %get3A_297 = tpu.vector_load %arg8[%get3A_295, %get3A_296] {strides = array<i32>} : memref<32x200xi32, #tpu.memory_space<vmem>>, vector<16xi32>,
      %get3A_298 = arith.index_cast %scan3A_208 : i32 to index
      %get3A_299 = arith.constant 96 : index
      %get3A_300 = tpu.vector_load %arg9[%get3A_298, %get3A_299] {strides = array<i32>} : memref<32x200xi32, #tpu.memory_space<vmem>>, vector<16xi32>,
      %mul3A_301 = arith.constant 1000 : i32
      %mul3A_302 = vector.broadcast %mul3A_301 : i32 to vector<16xi32>
      %mul3A_303 = arith.muli %get3A_297, %mul3A_302 : vector<16xi32>
      %add3A_304 = arith.addi %mul3A_303, %get3A_300 : vector<16xi32>
      %add3A_305 = arith.constant 96 : i32
      %add3A_306 = arith.addi %mul3A_212, %add3A_305 : i32
      %swap3A_307 = arith.index_cast %add3A_306 : i32 to index
      %swap3A_308 = tpu.vector_load %arg10[%swap3A_307] {strides = array<i32>} : memref<25600xi32, #tpu.memory_space<vmem>>, vector<16xi32>,
      tpu.vector_store %arg10[%swap3A_307], %add3A_304 {strides = array<i32>} : memref<25600xi32, #tpu.memory_space<vmem>>, vector<16xi32>,
      %get3A_309 = arith.index_cast %scan3A_208 : i32 to index
      %get3A_310 = arith.constant 112 : index
      %get3A_311 = tpu.vector_load %arg8[%get3A_309, %get3A_310] {strides = array<i32>} : memref<32x200xi32, #tpu.memory_space<vmem>>, vector<16xi32>,
      %get3A_312 = arith.index_cast %scan3A_208 : i32 to index
      %get3A_313 = arith.constant 112 : index
      %get3A_314 = tpu.vector_load %arg9[%get3A_312, %get3A_313] {strides = array<i32>} : memref<32x200xi32, #tpu.memory_space<vmem>>, vector<16xi32>,
      %mul3A_315 = arith.constant 1000 : i32
      %mul3A_316 = vector.broadcast %mul3A_315 : i32 to vector<16xi32>
      %mul3A_317 = arith.muli %get3A_311, %mul3A_316 : vector<16xi32>
      %add3A_318 = arith.addi %mul3A_317, %get3A_314 : vector<16xi32>
      %add3A_319 = arith.constant 112 : i32
      %add3A_320 = arith.addi %mul3A_212, %add3A_319 : i32
      %swap3A_321 = arith.index_cast %add3A_320 : i32 to index
      %swap3A_322 = tpu.vector_load %arg10[%swap3A_321] {strides = array<i32>} : memref<25600xi32, #tpu.memory_space<vmem>>, vector<16xi32>,
      tpu.vector_store %arg10[%swap3A_321], %add3A_318 {strides = array<i32>} : memref<25600xi32, #tpu.memory_space<vmem>>, vector<16xi32>,
      %get3A_323 = arith.index_cast %scan3A_208 : i32 to index
      %get3A_324 = arith.constant 128 : index
      %get3A_325 = tpu.vector_load %arg8[%get3A_323, %get3A_324] {strides = array<i32>} : memref<32x200xi32, #tpu.memory_space<vmem>>, vector<16xi32>,
      %get3A_326 = arith.index_cast %scan3A_208 : i32 to index
      %get3A_327 = arith.constant 128 : index
      %get3A_328 = tpu.vector_load %arg9[%get3A_326, %get3A_327] {strides = array<i32>} : memref<32x200xi32, #tpu.memory_space<vmem>>, vector<16xi32>,
      %mul3A_329 = arith.constant 1000 : i32
      %mul3A_330 = vector.broadcast %mul3A_329 : i32 to vector<16xi32>
      %mul3A_331 = arith.muli %get3A_325, %mul3A_330 : vector<16xi32>
      %add3A_332 = arith.addi %mul3A_331, %get3A_328 : vector<16xi32>
      %add3A_333 = arith.constant 128 : i32
      %add3A_334 = arith.addi %mul3A_212, %add3A_333 : i32
      %swap3A_335 = arith.index_cast %add3A_334 : i32 to index
      %swap3A_336 = tpu.vector_load %arg10[%swap3A_335] {strides = array<i32>} : memref<25600xi32, #tpu.memory_space<vmem>>, vector<16xi32>,
      tpu.vector_store %arg10[%swap3A_335], %add3A_332 {strides = array<i32>} : memref<25600xi32, #tpu.memory_space<vmem>>, vector<16xi32>,
      %get3A_337 = arith.index_cast %scan3A_208 : i32 to index
      %get3A_338 = arith.constant 144 : index
      %get3A_339 = tpu.vector_load %arg8[%get3A_337, %get3A_338] {strides = array<i32>} : memref<32x200xi32, #tpu.memory_space<vmem>>, vector<16xi32>,
      %get3A_340 = arith.index_cast %scan3A_208 : i32 to index
      %get3A_341 = arith.constant 144 : index
      %get3A_342 = tpu.vector_load %arg9[%get3A_340, %get3A_341] {strides = array<i32>} : memref<32x200xi32, #tpu.memory_space<vmem>>, vector<16xi32>,
      %mul3A_343 = arith.constant 1000 : i32
      %mul3A_344 = vector.broadcast %mul3A_343 : i32 to vector<16xi32>
      %mul3A_345 = arith.muli %get3A_339, %mul3A_344 : vector<16xi32>
      %add3A_346 = arith.addi %mul3A_345, %get3A_342 : vector<16xi32>
      %add3A_347 = arith.constant 144 : i32
      %add3A_348 = arith.addi %mul3A_212, %add3A_347 : i32
      %swap3A_349 = arith.index_cast %add3A_348 : i32 to index
      %swap3A_350 = tpu.vector_load %arg10[%swap3A_349] {strides = array<i32>} : memref<25600xi32, #tpu.memory_space<vmem>>, vector<16xi32>,
      tpu.vector_store %arg10[%swap3A_349], %add3A_346 {strides = array<i32>} : memref<25600xi32, #tpu.memory_space<vmem>>, vector<16xi32>,
      %get3A_351 = arith.index_cast %scan3A_208 : i32 to index
      %get3A_352 = arith.constant 160 : index
      %get3A_353 = tpu.vector_load %arg8[%get3A_351, %get3A_352] {strides = array<i32>} : memref<32x200xi32, #tpu.memory_space<vmem>>, vector<16xi32>,
      %get3A_354 = arith.index_cast %scan3A_208 : i32 to index
      %get3A_355 = arith.constant 160 : index
      %get3A_356 = tpu.vector_load %arg9[%get3A_354, %get3A_355] {strides = array<i32>} : memref<32x200xi32, #tpu.memory_space<vmem>>, vector<16xi32>,
      %mul3A_357 = arith.constant 1000 : i32
      %mul3A_358 = vector.broadcast %mul3A_357 : i32 to vector<16xi32>
      %mul3A_359 = arith.muli %get3A_353, %mul3A_358 : vector<16xi32>
      %add3A_360 = arith.addi %mul3A_359, %get3A_356 : vector<16xi32>
      %add3A_361 = arith.constant 160 : i32
      %add3A_362 = arith.addi %mul3A_212, %add3A_361 : i32
      %swap3A_363 = arith.index_cast %add3A_362 : i32 to index
      %swap3A_364 = tpu.vector_load %arg10[%swap3A_363] {strides = array<i32>} : memref<25600xi32, #tpu.memory_space<vmem>>, vector<16xi32>,
      tpu.vector_store %arg10[%swap3A_363], %add3A_360 {strides = array<i32>} : memref<25600xi32, #tpu.memory_space<vmem>>, vector<16xi32>,
      %get3A_365 = arith.index_cast %scan3A_208 : i32 to index
      %get3A_366 = arith.constant 176 : index
      %get3A_367 = tpu.vector_load %arg8[%get3A_365, %get3A_366] {strides = array<i32>} : memref<32x200xi32, #tpu.memory_space<vmem>>, vector<16xi32>,
      %get3A_368 = arith.index_cast %scan3A_208 : i32 to index
      %get3A_369 = arith.constant 176 : index
      %get3A_370 = tpu.vector_load %arg9[%get3A_368, %get3A_369] {strides = array<i32>} : memref<32x200xi32, #tpu.memory_space<vmem>>, vector<16xi32>,
      %mul3A_371 = arith.constant 1000 : i32
      %mul3A_372 = vector.broadcast %mul3A_371 : i32 to vector<16xi32>
      %mul3A_373 = arith.muli %get3A_367, %mul3A_372 : vector<16xi32>
      %add3A_374 = arith.addi %mul3A_373, %get3A_370 : vector<16xi32>
      %add3A_375 = arith.constant 176 : i32
      %add3A_376 = arith.addi %mul3A_212, %add3A_375 : i32
      %swap3A_377 = arith.index_cast %add3A_376 : i32 to index
      %swap3A_378 = tpu.vector_load %arg10[%swap3A_377] {strides = array<i32>} : memref<25600xi32, #tpu.memory_space<vmem>>, vector<16xi32>,
      tpu.vector_store %arg10[%swap3A_377], %add3A_374 {strides = array<i32>} : memref<25600xi32, #tpu.memory_space<vmem>>, vector<16xi32>,
      %broadcast_in_dim3A = vector.broadcast %scan3A_208 : i32 to vector<16xi32>
      %iota3A = tpu.iota {dimensions = array<i32: 0>} : vector<16xi32>
      %add3A_379 = arith.constant 184 : i32
      %add3A_380 = vector.broadcast %add3A_379 : i32 to vector<16xi32>
      %add3A_381 = arith.addi %add3A_380, %iota3A : vector<16xi32>
      %gather3A = tpu.vector_load_idx %arg8[%broadcast_in_dim3A, %add3A_381] : memref<32x200xi32, #tpu.memory_space<vmem>>[vector<16xi32>, vector<16xi32>], vector<16xi32>,
      %gather3A_382 = tpu.vector_load_idx %arg9[%broadcast_in_dim3A, %add3A_381] : memref<32x200xi32, #tpu.memory_space<vmem>>[vector<16xi32>, vector<16xi32>], vector<16xi32>,
      %mul3A_383 = arith.constant 1000 : i32
      %mul3A_384 = vector.broadcast %mul3A_383 : i32 to vector<16xi32>
      %mul3A_385 = arith.muli %gather3A, %mul3A_384 : vector<16xi32>
      %add3A_386 = arith.addi %mul3A_385, %gather3A_382 : vector<16xi32>
      %add3A_387 = arith.constant 184 : i32
      %add3A_388 = arith.addi %mul3A_212, %add3A_387 : i32
      %swap3A_389 = arith.index_cast %add3A_388 : i32 to index
      %swap3A_390 = tpu.vector_load %arg10[%swap3A_389] {strides = array<i32>} : memref<25600xi32, #tpu.memory_space<vmem>>, vector<16xi32>,
      tpu.vector_store %arg10[%swap3A_389], %add3A_386 {strides = array<i32>} : memref<25600xi32, #tpu.memory_space<vmem>>, vector<16xi32>,
    }
    %scan3A_68 = arith.constant 32 : i32
    %dma_start3A_69 = arith.constant 19200 : i32
    %dma_start3A_70 = tpu.memref_slice %arg11[%dma_start3A_69] : memref<25600xf32, #tpu.memory_space<vmem>> -> memref<6400xf32, #tpu.memory_space<vmem>>
    %dma_start3A_71 = arith.constant 19200 : i32
    %dma_start3A_72 = tpu.memref_slice %arg10[%dma_start3A_71] : memref<25600xi32, #tpu.memory_space<vmem>> -> memref<6400xi32, #tpu.memory_space<vmem>>
    %dma_start3A_73 = arith.constant 0 : i32
    %dma_start3A_74 = tpu.memref_slice %arg4[%dma_start3A_73] : memref<1000000xf32, #tpu.memory_space<hbm>> -> memref<1000000xf32, #tpu.memory_space<hbm>>
    tpu.enqueue_indirect_dma source(%dma_start3A_74 : memref<1000000xf32, #tpu.memory_space<hbm>>) target(%dma_start3A_70 : memref<6400xf32, #tpu.memory_space<vmem>>) offsets(%dma_start3A_72 : memref<6400xi32, #tpu.memory_space<vmem>>) semaphore(%arg14 : memref<!tpu.dma_semaphore, #tpu.memory_space<semaphore_mem>>)
    %dma_start3A_75 = arith.constant 19200 : i32
    %dma_start3A_76 = tpu.memref_slice %arg12[%dma_start3A_75] : memref<25600xf32, #tpu.memory_space<vmem>> -> memref<6400xf32, #tpu.memory_space<vmem>>
    %dma_start3A_77 = arith.constant 19200 : i32
    %dma_start3A_78 = tpu.memref_slice %arg10[%dma_start3A_77] : memref<25600xi32, #tpu.memory_space<vmem>> -> memref<6400xi32, #tpu.memory_space<vmem>>
    %dma_start3A_79 = arith.constant 0 : i32
    %dma_start3A_80 = tpu.memref_slice %arg5[%dma_start3A_79] : memref<1000000xf32, #tpu.memory_space<hbm>> -> memref<1000000xf32, #tpu.memory_space<hbm>>
    tpu.enqueue_indirect_dma source(%dma_start3A_80 : memref<1000000xf32, #tpu.memory_space<hbm>>) target(%dma_start3A_76 : memref<6400xf32, #tpu.memory_space<vmem>>) offsets(%dma_start3A_78 : memref<6400xi32, #tpu.memory_space<vmem>>) semaphore(%arg15 : memref<!tpu.dma_semaphore, #tpu.memory_space<semaphore_mem>>)
    %dma_wait3A = arith.constant 0 : i32
    %dma_wait3A_81 = tpu.memref_slice %arg11[%dma_wait3A] : memref<25600xf32, #tpu.memory_space<vmem>> -> memref<6400xf32, #tpu.memory_space<vmem>>
    %dma_wait3A_82 = arith.constant 0 : i32
    %dma_wait3A_83 = tpu.memref_slice %arg4[%dma_wait3A_82] : memref<1000000xf32, #tpu.memory_space<hbm>> -> memref<6400xf32, #tpu.memory_space<hbm>>
    %dma_wait3A_84 = arith.constant 0 : i32
    %dma_wait3A_85 = tpu.memref_slice %arg11[%dma_wait3A_84] : memref<25600xf32, #tpu.memory_space<vmem>> -> memref<6400xf32, #tpu.memory_space<vmem>>
    %dma_wait3A_86 = arith.constant 0 : i32
    %dma_wait3A_87 = tpu.memref_slice %arg4[%dma_wait3A_86] : memref<1000000xf32, #tpu.memory_space<hbm>> -> memref<6400xf32, #tpu.memory_space<hbm>>
    tpu.wait_dma2 semaphore(%arg14 : memref<!tpu.dma_semaphore, #tpu.memory_space<semaphore_mem>>) src(%dma_wait3A_87 : memref<6400xf32, #tpu.memory_space<hbm>>) dst(%dma_wait3A_85 : memref<6400xf32, #tpu.memory_space<vmem>>)
    %scan3A_88 = arith.constant 0 : i32
    %scan3A_89 = arith.constant 0 : i32
    %scan3A_90 = arith.constant 32 : i32
    %scan3A_91 = arith.addi %scan3A_89, %scan3A_90 : i32
    %scan3A_92 = arith.constant 1 : i32
    scf.for %scan3A_208 = %scan3A_89 to %scan3A_91 step %scan3A_92  : i32 {
      %add3A_209 = arith.constant 0 : i32
      %add3A_210 = arith.addi %add3A_209, %scan3A_208 : i32
      %mul3A_211 = arith.constant 200 : i32
      %mul3A_212 = arith.muli %add3A_210, %mul3A_211 : i32
      %add3A_213 = arith.constant 0 : i32
      %add3A_214 = arith.addi %mul3A_212, %add3A_213 : i32
      %get3A = arith.index_cast %add3A_214 : i32 to index
      %get3A_215 = tpu.vector_load %arg11[%get3A] {strides = array<i32>} : memref<25600xf32, #tpu.memory_space<vmem>>, vector<16xf32>,
      %swap3A = arith.index_cast %scan3A_208 : i32 to index
      %swap3A_216 = arith.constant 0 : index
      %swap3A_217 = tpu.vector_load %arg13[%swap3A, %swap3A_216] {strides = array<i32>} : memref<32x200xf32, #tpu.memory_space<vmem>>, vector<16xf32>,
      tpu.vector_store %arg13[%swap3A, %swap3A_216], %get3A_215 {strides = array<i32>} : memref<32x200xf32, #tpu.memory_space<vmem>>, vector<16xf32>,
      %add3A_218 = arith.constant 16 : i32
      %add3A_219 = arith.addi %mul3A_212, %add3A_218 : i32
      %get3A_220 = arith.index_cast %add3A_219 : i32 to index
      %get3A_221 = tpu.vector_load %arg11[%get3A_220] {strides = array<i32>} : memref<25600xf32, #tpu.memory_space<vmem>>, vector<16xf32>,
      %swap3A_222 = arith.index_cast %scan3A_208 : i32 to index
      %swap3A_223 = arith.constant 16 : index
      %swap3A_224 = tpu.vector_load %arg13[%swap3A_222, %swap3A_223] {strides = array<i32>} : memref<32x200xf32, #tpu.memory_space<vmem>>, vector<16xf32>,
      tpu.vector_store %arg13[%swap3A_222, %swap3A_223], %get3A_221 {strides = array<i32>} : memref<32x200xf32, #tpu.memory_space<vmem>>, vector<16xf32>,
      %add3A_225 = arith.constant 32 : i32
      %add3A_226 = arith.addi %mul3A_212, %add3A_225 : i32
      %get3A_227 = arith.index_cast %add3A_226 : i32 to index
      %get3A_228 = tpu.vector_load %arg11[%get3A_227] {strides = array<i32>} : memref<25600xf32, #tpu.memory_space<vmem>>, vector<16xf32>,
      %swap3A_229 = arith.index_cast %scan3A_208 : i32 to index
      %swap3A_230 = arith.constant 32 : index
      %swap3A_231 = tpu.vector_load %arg13[%swap3A_229, %swap3A_230] {strides = array<i32>} : memref<32x200xf32, #tpu.memory_space<vmem>>, vector<16xf32>,
      tpu.vector_store %arg13[%swap3A_229, %swap3A_230], %get3A_228 {strides = array<i32>} : memref<32x200xf32, #tpu.memory_space<vmem>>, vector<16xf32>,
      %add3A_232 = arith.constant 48 : i32
      %add3A_233 = arith.addi %mul3A_212, %add3A_232 : i32
      %get3A_234 = arith.index_cast %add3A_233 : i32 to index
      %get3A_235 = tpu.vector_load %arg11[%get3A_234] {strides = array<i32>} : memref<25600xf32, #tpu.memory_space<vmem>>, vector<16xf32>,
      %swap3A_236 = arith.index_cast %scan3A_208 : i32 to index
      %swap3A_237 = arith.constant 48 : index
      %swap3A_238 = tpu.vector_load %arg13[%swap3A_236, %swap3A_237] {strides = array<i32>} : memref<32x200xf32, #tpu.memory_space<vmem>>, vector<16xf32>,
      tpu.vector_store %arg13[%swap3A_236, %swap3A_237], %get3A_235 {strides = array<i32>} : memref<32x200xf32, #tpu.memory_space<vmem>>, vector<16xf32>,
      %add3A_239 = arith.constant 64 : i32
      %add3A_240 = arith.addi %mul3A_212, %add3A_239 : i32
      %get3A_241 = arith.index_cast %add3A_240 : i32 to index
      %get3A_242 = tpu.vector_load %arg11[%get3A_241] {strides = array<i32>} : memref<25600xf32, #tpu.memory_space<vmem>>, vector<16xf32>,
      %swap3A_243 = arith.index_cast %scan3A_208 : i32 to index
      %swap3A_244 = arith.constant 64 : index
      %swap3A_245 = tpu.vector_load %arg13[%swap3A_243, %swap3A_244] {strides = array<i32>} : memref<32x200xf32, #tpu.memory_space<vmem>>, vector<16xf32>,
      tpu.vector_store %arg13[%swap3A_243, %swap3A_244], %get3A_242 {strides = array<i32>} : memref<32x200xf32, #tpu.memory_space<vmem>>, vector<16xf32>,
      %add3A_246 = arith.constant 80 : i32
      %add3A_247 = arith.addi %mul3A_212, %add3A_246 : i32
      %get3A_248 = arith.index_cast %add3A_247 : i32 to index
      %get3A_249 = tpu.vector_load %arg11[%get3A_248] {strides = array<i32>} : memref<25600xf32, #tpu.memory_space<vmem>>, vector<16xf32>,
      %swap3A_250 = arith.index_cast %scan3A_208 : i32 to index
      %swap3A_251 = arith.constant 80 : index
      %swap3A_252 = tpu.vector_load %arg13[%swap3A_250, %swap3A_251] {strides = array<i32>} : memref<32x200xf32, #tpu.memory_space<vmem>>, vector<16xf32>,
      tpu.vector_store %arg13[%swap3A_250, %swap3A_251], %get3A_249 {strides = array<i32>} : memref<32x200xf32, #tpu.memory_space<vmem>>, vector<16xf32>,
      %add3A_253 = arith.constant 96 : i32
      %add3A_254 = arith.addi %mul3A_212, %add3A_253 : i32
      %get3A_255 = arith.index_cast %add3A_254 : i32 to index
      %get3A_256 = tpu.vector_load %arg11[%get3A_255] {strides = array<i32>} : memref<25600xf32, #tpu.memory_space<vmem>>, vector<16xf32>,
      %swap3A_257 = arith.index_cast %scan3A_208 : i32 to index
      %swap3A_258 = arith.constant 96 : index
      %swap3A_259 = tpu.vector_load %arg13[%swap3A_257, %swap3A_258] {strides = array<i32>} : memref<32x200xf32, #tpu.memory_space<vmem>>, vector<16xf32>,
      tpu.vector_store %arg13[%swap3A_257, %swap3A_258], %get3A_256 {strides = array<i32>} : memref<32x200xf32, #tpu.memory_space<vmem>>, vector<16xf32>,
      %add3A_260 = arith.constant 112 : i32
      %add3A_261 = arith.addi %mul3A_212, %add3A_260 : i32
      %get3A_262 = arith.index_cast %add3A_261 : i32 to index
      %get3A_263 = tpu.vector_load %arg11[%get3A_262] {strides = array<i32>} : memref<25600xf32, #tpu.memory_space<vmem>>, vector<16xf32>,
      %swap3A_264 = arith.index_cast %scan3A_208 : i32 to index
      %swap3A_265 = arith.constant 112 : index
      %swap3A_266 = tpu.vector_load %arg13[%swap3A_264, %swap3A_265] {strides = array<i32>} : memref<32x200xf32, #tpu.memory_space<vmem>>, vector<16xf32>,
      tpu.vector_store %arg13[%swap3A_264, %swap3A_265], %get3A_263 {strides = array<i32>} : memref<32x200xf32, #tpu.memory_space<vmem>>, vector<16xf32>,
      %add3A_267 = arith.constant 128 : i32
      %add3A_268 = arith.addi %mul3A_212, %add3A_267 : i32
      %get3A_269 = arith.index_cast %add3A_268 : i32 to index
      %get3A_270 = tpu.vector_load %arg11[%get3A_269] {strides = array<i32>} : memref<25600xf32, #tpu.memory_space<vmem>>, vector<16xf32>,
      %swap3A_271 = arith.index_cast %scan3A_208 : i32 to index
      %swap3A_272 = arith.constant 128 : index
      %swap3A_273 = tpu.vector_load %arg13[%swap3A_271, %swap3A_272] {strides = array<i32>} : memref<32x200xf32, #tpu.memory_space<vmem>>, vector<16xf32>,
      tpu.vector_store %arg13[%swap3A_271, %swap3A_272], %get3A_270 {strides = array<i32>} : memref<32x200xf32, #tpu.memory_space<vmem>>, vector<16xf32>,
      %add3A_274 = arith.constant 144 : i32
      %add3A_275 = arith.addi %mul3A_212, %add3A_274 : i32
      %get3A_276 = arith.index_cast %add3A_275 : i32 to index
      %get3A_277 = tpu.vector_load %arg11[%get3A_276] {strides = array<i32>} : memref<25600xf32, #tpu.memory_space<vmem>>, vector<16xf32>,
      %swap3A_278 = arith.index_cast %scan3A_208 : i32 to index
      %swap3A_279 = arith.constant 144 : index
      %swap3A_280 = tpu.vector_load %arg13[%swap3A_278, %swap3A_279] {strides = array<i32>} : memref<32x200xf32, #tpu.memory_space<vmem>>, vector<16xf32>,
      tpu.vector_store %arg13[%swap3A_278, %swap3A_279], %get3A_277 {strides = array<i32>} : memref<32x200xf32, #tpu.memory_space<vmem>>, vector<16xf32>,
      %add3A_281 = arith.constant 160 : i32
      %add3A_282 = arith.addi %mul3A_212, %add3A_281 : i32
      %get3A_283 = arith.index_cast %add3A_282 : i32 to index
      %get3A_284 = tpu.vector_load %arg11[%get3A_283] {strides = array<i32>} : memref<25600xf32, #tpu.memory_space<vmem>>, vector<16xf32>,
      %swap3A_285 = arith.index_cast %scan3A_208 : i32 to index
      %swap3A_286 = arith.constant 160 : index
      %swap3A_287 = tpu.vector_load %arg13[%swap3A_285, %swap3A_286] {strides = array<i32>} : memref<32x200xf32, #tpu.memory_space<vmem>>, vector<16xf32>,
      tpu.vector_store %arg13[%swap3A_285, %swap3A_286], %get3A_284 {strides = array<i32>} : memref<32x200xf32, #tpu.memory_space<vmem>>, vector<16xf32>,
      %add3A_288 = arith.constant 176 : i32
      %add3A_289 = arith.addi %mul3A_212, %add3A_288 : i32
      %get3A_290 = arith.index_cast %add3A_289 : i32 to index
      %get3A_291 = tpu.vector_load %arg11[%get3A_290] {strides = array<i32>} : memref<25600xf32, #tpu.memory_space<vmem>>, vector<16xf32>,
      %swap3A_292 = arith.index_cast %scan3A_208 : i32 to index
      %swap3A_293 = arith.constant 176 : index
      %swap3A_294 = tpu.vector_load %arg13[%swap3A_292, %swap3A_293] {strides = array<i32>} : memref<32x200xf32, #tpu.memory_space<vmem>>, vector<16xf32>,
      tpu.vector_store %arg13[%swap3A_292, %swap3A_293], %get3A_291 {strides = array<i32>} : memref<32x200xf32, #tpu.memory_space<vmem>>, vector<16xf32>,
      %broadcast_in_dim3A = vector.broadcast %scan3A_208 : i32 to vector<16xi32>
      %iota3A = tpu.iota {dimensions = array<i32: 0>} : vector<16xi32>
      %add3A_295 = arith.constant 184 : i32
      %add3A_296 = vector.broadcast %add3A_295 : i32 to vector<16xi32>
      %add3A_297 = arith.addi %add3A_296, %iota3A : vector<16xi32>
      %add3A_298 = arith.constant 184 : i32
      %add3A_299 = arith.addi %mul3A_212, %add3A_298 : i32
      %get3A_300 = arith.index_cast %add3A_299 : i32 to index
      %get3A_301 = tpu.vector_load %arg11[%get3A_300] {strides = array<i32>} : memref<25600xf32, #tpu.memory_space<vmem>>, vector<16xf32>,
      tpu.vector_store_idx %arg13[%broadcast_in_dim3A, %add3A_297], %get3A_301 : memref<32x200xf32, #tpu.memory_space<vmem>>[vector<16xi32>, vector<16xi32>], vector<16xf32>,
    }
    %scan3A_93 = arith.constant 32 : i32
    %add3A_94 = arith.constant 0 : i32
    %add3A_95 = arith.addi %mul3A_2, %add3A_94 : i32
    "tpu.region"() ({
      %run_scoped3A = tpu.sem_alloc : memref<!tpu.dma_semaphore, #tpu.memory_space<semaphore_mem>>
      %dma_start3A_208 = arith.constant 0 : i32
      %dma_start3A_209 = tpu.memref_slice %arg6[%add3A_95, %dma_start3A_208] : memref<4096x200xf32, #tpu.memory_space<hbm>> -> memref<32x200xf32, #tpu.memory_space<hbm>>
      %dma_start3A_210 = arith.constant 0 : i32
      %dma_start3A_211 = tpu.memref_slice %arg6[%add3A_95, %dma_start3A_210] : memref<4096x200xf32, #tpu.memory_space<hbm>> -> memref<32x200xf32, #tpu.memory_space<hbm>>
      tpu.enqueue_dma source(%arg13 : memref<32x200xf32, #tpu.memory_space<vmem>>) target(%dma_start3A_211 : memref<32x200xf32, #tpu.memory_space<hbm>>) target_semaphore(%run_scoped3A : memref<!tpu.dma_semaphore, #tpu.memory_space<semaphore_mem>>)
      %dma_wait3A_212 = arith.constant 0 : i32
      %dma_wait3A_213 = tpu.memref_slice %arg6[%add3A_95, %dma_wait3A_212] : memref<4096x200xf32, #tpu.memory_space<hbm>> -> memref<32x200xf32, #tpu.memory_space<hbm>>
      %dma_wait3A_214 = arith.constant 0 : i32
      %dma_wait3A_215 = tpu.memref_slice %arg6[%add3A_95, %dma_wait3A_214] : memref<4096x200xf32, #tpu.memory_space<hbm>> -> memref<32x200xf32, #tpu.memory_space<hbm>>
      tpu.wait_dma2 semaphore(%run_scoped3A : memref<!tpu.dma_semaphore, #tpu.memory_space<semaphore_mem>>) src(%arg13 : memref<32x200xf32, #tpu.memory_space<vmem>>) dst(%dma_wait3A_215 : memref<32x200xf32, #tpu.memory_space<hbm>>)
      tpu.yield
    }) : () -> ()
    %dma_wait3A_96 = arith.constant 0 : i32
    %dma_wait3A_97 = tpu.memref_slice %arg12[%dma_wait3A_96] : memref<25600xf32, #tpu.memory_space<vmem>> -> memref<6400xf32, #tpu.memory_space<vmem>>
    %dma_wait3A_98 = arith.constant 0 : i32
    %dma_wait3A_99 = tpu.memref_slice %arg4[%dma_wait3A_98] : memref<1000000xf32, #tpu.memory_space<hbm>> -> memref<6400xf32, #tpu.memory_space<hbm>>
    %dma_wait3A_100 = arith.constant 0 : i32
    %dma_wait3A_101 = tpu.memref_slice %arg12[%dma_wait3A_100] : memref<25600xf32, #tpu.memory_space<vmem>> -> memref<6400xf32, #tpu.memory_space<vmem>>
    %dma_wait3A_102 = arith.constant 0 : i32
    %dma_wait3A_103 = tpu.memref_slice %arg4[%dma_wait3A_102] : memref<1000000xf32, #tpu.memory_space<hbm>> -> memref<6400xf32, #tpu.memory_space<hbm>>
    tpu.wait_dma2 semaphore(%arg15 : memref<!tpu.dma_semaphore, #tpu.memory_space<semaphore_mem>>) src(%dma_wait3A_103 : memref<6400xf32, #tpu.memory_space<hbm>>) dst(%dma_wait3A_101 : memref<6400xf32, #tpu.memory_space<vmem>>)
    %scan3A_104 = arith.constant 0 : i32
    %scan3A_105 = arith.constant 0 : i32
    %scan3A_106 = arith.constant 32 : i32
    %scan3A_107 = arith.addi %scan3A_105, %scan3A_106 : i32
    %scan3A_108 = arith.constant 1 : i32
    scf.for %scan3A_208 = %scan3A_105 to %scan3A_107 step %scan3A_108  : i32 {
      %add3A_209 = arith.constant 0 : i32
      %add3A_210 = arith.addi %add3A_209, %scan3A_208 : i32
      %mul3A_211 = arith.constant 200 : i32
      %mul3A_212 = arith.muli %add3A_210, %mul3A_211 : i32
      %add3A_213 = arith.constant 0 : i32
      %add3A_214 = arith.addi %mul3A_212, %add3A_213 : i32
      %get3A = arith.index_cast %add3A_214 : i32 to index
      %get3A_215 = tpu.vector_load %arg12[%get3A] {strides = array<i32>} : memref<25600xf32, #tpu.memory_space<vmem>>, vector<16xf32>,
      %swap3A = arith.index_cast %scan3A_208 : i32 to index
      %swap3A_216 = arith.constant 0 : index
      %swap3A_217 = tpu.vector_load %arg13[%swap3A, %swap3A_216] {strides = array<i32>} : memref<32x200xf32, #tpu.memory_space<vmem>>, vector<16xf32>,
      tpu.vector_store %arg13[%swap3A, %swap3A_216], %get3A_215 {strides = array<i32>} : memref<32x200xf32, #tpu.memory_space<vmem>>, vector<16xf32>,
      %add3A_218 = arith.constant 16 : i32
      %add3A_219 = arith.addi %mul3A_212, %add3A_218 : i32
      %get3A_220 = arith.index_cast %add3A_219 : i32 to index
      %get3A_221 = tpu.vector_load %arg12[%get3A_220] {strides = array<i32>} : memref<25600xf32, #tpu.memory_space<vmem>>, vector<16xf32>,
      %swap3A_222 = arith.index_cast %scan3A_208 : i32 to index
      %swap3A_223 = arith.constant 16 : index
      %swap3A_224 = tpu.vector_load %arg13[%swap3A_222, %swap3A_223] {strides = array<i32>} : memref<32x200xf32, #tpu.memory_space<vmem>>, vector<16xf32>,
      tpu.vector_store %arg13[%swap3A_222, %swap3A_223], %get3A_221 {strides = array<i32>} : memref<32x200xf32, #tpu.memory_space<vmem>>, vector<16xf32>,
      %add3A_225 = arith.constant 32 : i32
      %add3A_226 = arith.addi %mul3A_212, %add3A_225 : i32
      %get3A_227 = arith.index_cast %add3A_226 : i32 to index
      %get3A_228 = tpu.vector_load %arg12[%get3A_227] {strides = array<i32>} : memref<25600xf32, #tpu.memory_space<vmem>>, vector<16xf32>,
      %swap3A_229 = arith.index_cast %scan3A_208 : i32 to index
      %swap3A_230 = arith.constant 32 : index
      %swap3A_231 = tpu.vector_load %arg13[%swap3A_229, %swap3A_230] {strides = array<i32>} : memref<32x200xf32, #tpu.memory_space<vmem>>, vector<16xf32>,
      tpu.vector_store %arg13[%swap3A_229, %swap3A_230], %get3A_228 {strides = array<i32>} : memref<32x200xf32, #tpu.memory_space<vmem>>, vector<16xf32>,
      %add3A_232 = arith.constant 48 : i32
      %add3A_233 = arith.addi %mul3A_212, %add3A_232 : i32
      %get3A_234 = arith.index_cast %add3A_233 : i32 to index
      %get3A_235 = tpu.vector_load %arg12[%get3A_234] {strides = array<i32>} : memref<25600xf32, #tpu.memory_space<vmem>>, vector<16xf32>,
      %swap3A_236 = arith.index_cast %scan3A_208 : i32 to index
      %swap3A_237 = arith.constant 48 : index
      %swap3A_238 = tpu.vector_load %arg13[%swap3A_236, %swap3A_237] {strides = array<i32>} : memref<32x200xf32, #tpu.memory_space<vmem>>, vector<16xf32>,
      tpu.vector_store %arg13[%swap3A_236, %swap3A_237], %get3A_235 {strides = array<i32>} : memref<32x200xf32, #tpu.memory_space<vmem>>, vector<16xf32>,
      %add3A_239 = arith.constant 64 : i32
      %add3A_240 = arith.addi %mul3A_212, %add3A_239 : i32
      %get3A_241 = arith.index_cast %add3A_240 : i32 to index
      %get3A_242 = tpu.vector_load %arg12[%get3A_241] {strides = array<i32>} : memref<25600xf32, #tpu.memory_space<vmem>>, vector<16xf32>,
      %swap3A_243 = arith.index_cast %scan3A_208 : i32 to index
      %swap3A_244 = arith.constant 64 : index
      %swap3A_245 = tpu.vector_load %arg13[%swap3A_243, %swap3A_244] {strides = array<i32>} : memref<32x200xf32, #tpu.memory_space<vmem>>, vector<16xf32>,
      tpu.vector_store %arg13[%swap3A_243, %swap3A_244], %get3A_242 {strides = array<i32>} : memref<32x200xf32, #tpu.memory_space<vmem>>, vector<16xf32>,
      %add3A_246 = arith.constant 80 : i32
      %add3A_247 = arith.addi %mul3A_212, %add3A_246 : i32
      %get3A_248 = arith.index_cast %add3A_247 : i32 to index
      %get3A_249 = tpu.vector_load %arg12[%get3A_248] {strides = array<i32>} : memref<25600xf32, #tpu.memory_space<vmem>>, vector<16xf32>,
      %swap3A_250 = arith.index_cast %scan3A_208 : i32 to index
      %swap3A_251 = arith.constant 80 : index
      %swap3A_252 = tpu.vector_load %arg13[%swap3A_250, %swap3A_251] {strides = array<i32>} : memref<32x200xf32, #tpu.memory_space<vmem>>, vector<16xf32>,
      tpu.vector_store %arg13[%swap3A_250, %swap3A_251], %get3A_249 {strides = array<i32>} : memref<32x200xf32, #tpu.memory_space<vmem>>, vector<16xf32>,
      %add3A_253 = arith.constant 96 : i32
      %add3A_254 = arith.addi %mul3A_212, %add3A_253 : i32
      %get3A_255 = arith.index_cast %add3A_254 : i32 to index
      %get3A_256 = tpu.vector_load %arg12[%get3A_255] {strides = array<i32>} : memref<25600xf32, #tpu.memory_space<vmem>>, vector<16xf32>,
      %swap3A_257 = arith.index_cast %scan3A_208 : i32 to index
      %swap3A_258 = arith.constant 96 : index
      %swap3A_259 = tpu.vector_load %arg13[%swap3A_257, %swap3A_258] {strides = array<i32>} : memref<32x200xf32, #tpu.memory_space<vmem>>, vector<16xf32>,
      tpu.vector_store %arg13[%swap3A_257, %swap3A_258], %get3A_256 {strides = array<i32>} : memref<32x200xf32, #tpu.memory_space<vmem>>, vector<16xf32>,
      %add3A_260 = arith.constant 112 : i32
      %add3A_261 = arith.addi %mul3A_212, %add3A_260 : i32
      %get3A_262 = arith.index_cast %add3A_261 : i32 to index
      %get3A_263 = tpu.vector_load %arg12[%get3A_262] {strides = array<i32>} : memref<25600xf32, #tpu.memory_space<vmem>>, vector<16xf32>,
      %swap3A_264 = arith.index_cast %scan3A_208 : i32 to index
      %swap3A_265 = arith.constant 112 : index
      %swap3A_266 = tpu.vector_load %arg13[%swap3A_264, %swap3A_265] {strides = array<i32>} : memref<32x200xf32, #tpu.memory_space<vmem>>, vector<16xf32>,
      tpu.vector_store %arg13[%swap3A_264, %swap3A_265], %get3A_263 {strides = array<i32>} : memref<32x200xf32, #tpu.memory_space<vmem>>, vector<16xf32>,
      %add3A_267 = arith.constant 128 : i32
      %add3A_268 = arith.addi %mul3A_212, %add3A_267 : i32
      %get3A_269 = arith.index_cast %add3A_268 : i32 to index
      %get3A_270 = tpu.vector_load %arg12[%get3A_269] {strides = array<i32>} : memref<25600xf32, #tpu.memory_space<vmem>>, vector<16xf32>,
      %swap3A_271 = arith.index_cast %scan3A_208 : i32 to index
      %swap3A_272 = arith.constant 128 : index
      %swap3A_273 = tpu.vector_load %arg13[%swap3A_271, %swap3A_272] {strides = array<i32>} : memref<32x200xf32, #tpu.memory_space<vmem>>, vector<16xf32>,
      tpu.vector_store %arg13[%swap3A_271, %swap3A_272], %get3A_270 {strides = array<i32>} : memref<32x200xf32, #tpu.memory_space<vmem>>, vector<16xf32>,
      %add3A_274 = arith.constant 144 : i32
      %add3A_275 = arith.addi %mul3A_212, %add3A_274 : i32
      %get3A_276 = arith.index_cast %add3A_275 : i32 to index
      %get3A_277 = tpu.vector_load %arg12[%get3A_276] {strides = array<i32>} : memref<25600xf32, #tpu.memory_space<vmem>>, vector<16xf32>,
      %swap3A_278 = arith.index_cast %scan3A_208 : i32 to index
      %swap3A_279 = arith.constant 144 : index
      %swap3A_280 = tpu.vector_load %arg13[%swap3A_278, %swap3A_279] {strides = array<i32>} : memref<32x200xf32, #tpu.memory_space<vmem>>, vector<16xf32>,
      tpu.vector_store %arg13[%swap3A_278, %swap3A_279], %get3A_277 {strides = array<i32>} : memref<32x200xf32, #tpu.memory_space<vmem>>, vector<16xf32>,
      %add3A_281 = arith.constant 160 : i32
      %add3A_282 = arith.addi %mul3A_212, %add3A_281 : i32
      %get3A_283 = arith.index_cast %add3A_282 : i32 to index
      %get3A_284 = tpu.vector_load %arg12[%get3A_283] {strides = array<i32>} : memref<25600xf32, #tpu.memory_space<vmem>>, vector<16xf32>,
      %swap3A_285 = arith.index_cast %scan3A_208 : i32 to index
      %swap3A_286 = arith.constant 160 : index
      %swap3A_287 = tpu.vector_load %arg13[%swap3A_285, %swap3A_286] {strides = array<i32>} : memref<32x200xf32, #tpu.memory_space<vmem>>, vector<16xf32>,
      tpu.vector_store %arg13[%swap3A_285, %swap3A_286], %get3A_284 {strides = array<i32>} : memref<32x200xf32, #tpu.memory_space<vmem>>, vector<16xf32>,
      %add3A_288 = arith.constant 176 : i32
      %add3A_289 = arith.addi %mul3A_212, %add3A_288 : i32
      %get3A_290 = arith.index_cast %add3A_289 : i32 to index
      %get3A_291 = tpu.vector_load %arg12[%get3A_290] {strides = array<i32>} : memref<25600xf32, #tpu.memory_space<vmem>>, vector<16xf32>,
      %swap3A_292 = arith.index_cast %scan3A_208 : i32 to index
      %swap3A_293 = arith.constant 176 : index
      %swap3A_294 = tpu.vector_load %arg13[%swap3A_292, %swap3A_293] {strides = array<i32>} : memref<32x200xf32, #tpu.memory_space<vmem>>, vector<16xf32>,
      tpu.vector_store %arg13[%swap3A_292, %swap3A_293], %get3A_291 {strides = array<i32>} : memref<32x200xf32, #tpu.memory_space<vmem>>, vector<16xf32>,
      %broadcast_in_dim3A = vector.broadcast %scan3A_208 : i32 to vector<16xi32>
      %iota3A = tpu.iota {dimensions = array<i32: 0>} : vector<16xi32>
      %add3A_295 = arith.constant 184 : i32
      %add3A_296 = vector.broadcast %add3A_295 : i32 to vector<16xi32>
      %add3A_297 = arith.addi %add3A_296, %iota3A : vector<16xi32>
      %add3A_298 = arith.constant 184 : i32
      %add3A_299 = arith.addi %mul3A_212, %add3A_298 : i32
      %get3A_300 = arith.index_cast %add3A_299 : i32 to index
      %get3A_301 = tpu.vector_load %arg12[%get3A_300] {strides = array<i32>} : memref<25600xf32, #tpu.memory_space<vmem>>, vector<16xf32>,
      tpu.vector_store_idx %arg13[%broadcast_in_dim3A, %add3A_297], %get3A_301 : memref<32x200xf32, #tpu.memory_space<vmem>>[vector<16xi32>, vector<16xi32>], vector<16xf32>,
    }
    %scan3A_109 = arith.constant 32 : i32
    %add3A_110 = arith.constant 0 : i32
    %add3A_111 = arith.addi %mul3A_2, %add3A_110 : i32
    "tpu.region"() ({
      %run_scoped3A = tpu.sem_alloc : memref<!tpu.dma_semaphore, #tpu.memory_space<semaphore_mem>>
      %dma_start3A_208 = arith.constant 0 : i32
      %dma_start3A_209 = tpu.memref_slice %arg7[%add3A_111, %dma_start3A_208] : memref<4096x200xf32, #tpu.memory_space<hbm>> -> memref<32x200xf32, #tpu.memory_space<hbm>>
      %dma_start3A_210 = arith.constant 0 : i32
      %dma_start3A_211 = tpu.memref_slice %arg7[%add3A_111, %dma_start3A_210] : memref<4096x200xf32, #tpu.memory_space<hbm>> -> memref<32x200xf32, #tpu.memory_space<hbm>>
      tpu.enqueue_dma source(%arg13 : memref<32x200xf32, #tpu.memory_space<vmem>>) target(%dma_start3A_211 : memref<32x200xf32, #tpu.memory_space<hbm>>) target_semaphore(%run_scoped3A : memref<!tpu.dma_semaphore, #tpu.memory_space<semaphore_mem>>)
      %dma_wait3A_212 = arith.constant 0 : i32
      %dma_wait3A_213 = tpu.memref_slice %arg7[%add3A_111, %dma_wait3A_212] : memref<4096x200xf32, #tpu.memory_space<hbm>> -> memref<32x200xf32, #tpu.memory_space<hbm>>
      %dma_wait3A_214 = arith.constant 0 : i32
      %dma_wait3A_215 = tpu.memref_slice %arg7[%add3A_111, %dma_wait3A_214] : memref<4096x200xf32, #tpu.memory_space<hbm>> -> memref<32x200xf32, #tpu.memory_space<hbm>>
      tpu.wait_dma2 semaphore(%run_scoped3A : memref<!tpu.dma_semaphore, #tpu.memory_space<semaphore_mem>>) src(%arg13 : memref<32x200xf32, #tpu.memory_space<vmem>>) dst(%dma_wait3A_215 : memref<32x200xf32, #tpu.memory_space<hbm>>)
      tpu.yield
    }) : () -> ()
    %dma_wait3A_112 = arith.constant 6400 : i32
    %dma_wait3A_113 = tpu.memref_slice %arg11[%dma_wait3A_112] : memref<25600xf32, #tpu.memory_space<vmem>> -> memref<6400xf32, #tpu.memory_space<vmem>>
    %dma_wait3A_114 = arith.constant 0 : i32
    %dma_wait3A_115 = tpu.memref_slice %arg4[%dma_wait3A_114] : memref<1000000xf32, #tpu.memory_space<hbm>> -> memref<6400xf32, #tpu.memory_space<hbm>>
    %dma_wait3A_116 = arith.constant 6400 : i32
    %dma_wait3A_117 = tpu.memref_slice %arg11[%dma_wait3A_116] : memref<25600xf32, #tpu.memory_space<vmem>> -> memref<6400xf32, #tpu.memory_space<vmem>>
    %dma_wait3A_118 = arith.constant 0 : i32
    %dma_wait3A_119 = tpu.memref_slice %arg4[%dma_wait3A_118] : memref<1000000xf32, #tpu.memory_space<hbm>> -> memref<6400xf32, #tpu.memory_space<hbm>>
    tpu.wait_dma2 semaphore(%arg14 : memref<!tpu.dma_semaphore, #tpu.memory_space<semaphore_mem>>) src(%dma_wait3A_119 : memref<6400xf32, #tpu.memory_space<hbm>>) dst(%dma_wait3A_117 : memref<6400xf32, #tpu.memory_space<vmem>>)
    %scan3A_120 = arith.constant 0 : i32
    %scan3A_121 = arith.constant 0 : i32
    %scan3A_122 = arith.constant 32 : i32
    %scan3A_123 = arith.addi %scan3A_121, %scan3A_122 : i32
    %scan3A_124 = arith.constant 1 : i32
    scf.for %scan3A_208 = %scan3A_121 to %scan3A_123 step %scan3A_124  : i32 {
      %add3A_209 = arith.constant 32 : i32
      %add3A_210 = arith.addi %add3A_209, %scan3A_208 : i32
      %mul3A_211 = arith.constant 200 : i32
      %mul3A_212 = arith.muli %add3A_210, %mul3A_211 : i32
      %add3A_213 = arith.constant 0 : i32
      %add3A_214 = arith.addi %mul3A_212, %add3A_213 : i32
      %get3A = arith.index_cast %add3A_214 : i32 to index
      %get3A_215 = tpu.vector_load %arg11[%get3A] {strides = array<i32>} : memref<25600xf32, #tpu.memory_space<vmem>>, vector<16xf32>,
      %swap3A = arith.index_cast %scan3A_208 : i32 to index
      %swap3A_216 = arith.constant 0 : index
      %swap3A_217 = tpu.vector_load %arg13[%swap3A, %swap3A_216] {strides = array<i32>} : memref<32x200xf32, #tpu.memory_space<vmem>>, vector<16xf32>,
      tpu.vector_store %arg13[%swap3A, %swap3A_216], %get3A_215 {strides = array<i32>} : memref<32x200xf32, #tpu.memory_space<vmem>>, vector<16xf32>,
      %add3A_218 = arith.constant 16 : i32
      %add3A_219 = arith.addi %mul3A_212, %add3A_218 : i32
      %get3A_220 = arith.index_cast %add3A_219 : i32 to index
      %get3A_221 = tpu.vector_load %arg11[%get3A_220] {strides = array<i32>} : memref<25600xf32, #tpu.memory_space<vmem>>, vector<16xf32>,
      %swap3A_222 = arith.index_cast %scan3A_208 : i32 to index
      %swap3A_223 = arith.constant 16 : index
      %swap3A_224 = tpu.vector_load %arg13[%swap3A_222, %swap3A_223] {strides = array<i32>} : memref<32x200xf32, #tpu.memory_space<vmem>>, vector<16xf32>,
      tpu.vector_store %arg13[%swap3A_222, %swap3A_223], %get3A_221 {strides = array<i32>} : memref<32x200xf32, #tpu.memory_space<vmem>>, vector<16xf32>,
      %add3A_225 = arith.constant 32 : i32
      %add3A_226 = arith.addi %mul3A_212, %add3A_225 : i32
      %get3A_227 = arith.index_cast %add3A_226 : i32 to index
      %get3A_228 = tpu.vector_load %arg11[%get3A_227] {strides = array<i32>} : memref<25600xf32, #tpu.memory_space<vmem>>, vector<16xf32>,
      %swap3A_229 = arith.index_cast %scan3A_208 : i32 to index
      %swap3A_230 = arith.constant 32 : index
      %swap3A_231 = tpu.vector_load %arg13[%swap3A_229, %swap3A_230] {strides = array<i32>} : memref<32x200xf32, #tpu.memory_space<vmem>>, vector<16xf32>,
      tpu.vector_store %arg13[%swap3A_229, %swap3A_230], %get3A_228 {strides = array<i32>} : memref<32x200xf32, #tpu.memory_space<vmem>>, vector<16xf32>,
      %add3A_232 = arith.constant 48 : i32
      %add3A_233 = arith.addi %mul3A_212, %add3A_232 : i32
      %get3A_234 = arith.index_cast %add3A_233 : i32 to index
      %get3A_235 = tpu.vector_load %arg11[%get3A_234] {strides = array<i32>} : memref<25600xf32, #tpu.memory_space<vmem>>, vector<16xf32>,
      %swap3A_236 = arith.index_cast %scan3A_208 : i32 to index
      %swap3A_237 = arith.constant 48 : index
      %swap3A_238 = tpu.vector_load %arg13[%swap3A_236, %swap3A_237] {strides = array<i32>} : memref<32x200xf32, #tpu.memory_space<vmem>>, vector<16xf32>,
      tpu.vector_store %arg13[%swap3A_236, %swap3A_237], %get3A_235 {strides = array<i32>} : memref<32x200xf32, #tpu.memory_space<vmem>>, vector<16xf32>,
      %add3A_239 = arith.constant 64 : i32
      %add3A_240 = arith.addi %mul3A_212, %add3A_239 : i32
      %get3A_241 = arith.index_cast %add3A_240 : i32 to index
      %get3A_242 = tpu.vector_load %arg11[%get3A_241] {strides = array<i32>} : memref<25600xf32, #tpu.memory_space<vmem>>, vector<16xf32>,
      %swap3A_243 = arith.index_cast %scan3A_208 : i32 to index
      %swap3A_244 = arith.constant 64 : index
      %swap3A_245 = tpu.vector_load %arg13[%swap3A_243, %swap3A_244] {strides = array<i32>} : memref<32x200xf32, #tpu.memory_space<vmem>>, vector<16xf32>,
      tpu.vector_store %arg13[%swap3A_243, %swap3A_244], %get3A_242 {strides = array<i32>} : memref<32x200xf32, #tpu.memory_space<vmem>>, vector<16xf32>,
      %add3A_246 = arith.constant 80 : i32
      %add3A_247 = arith.addi %mul3A_212, %add3A_246 : i32
      %get3A_248 = arith.index_cast %add3A_247 : i32 to index
      %get3A_249 = tpu.vector_load %arg11[%get3A_248] {strides = array<i32>} : memref<25600xf32, #tpu.memory_space<vmem>>, vector<16xf32>,
      %swap3A_250 = arith.index_cast %scan3A_208 : i32 to index
      %swap3A_251 = arith.constant 80 : index
      %swap3A_252 = tpu.vector_load %arg13[%swap3A_250, %swap3A_251] {strides = array<i32>} : memref<32x200xf32, #tpu.memory_space<vmem>>, vector<16xf32>,
      tpu.vector_store %arg13[%swap3A_250, %swap3A_251], %get3A_249 {strides = array<i32>} : memref<32x200xf32, #tpu.memory_space<vmem>>, vector<16xf32>,
      %add3A_253 = arith.constant 96 : i32
      %add3A_254 = arith.addi %mul3A_212, %add3A_253 : i32
      %get3A_255 = arith.index_cast %add3A_254 : i32 to index
      %get3A_256 = tpu.vector_load %arg11[%get3A_255] {strides = array<i32>} : memref<25600xf32, #tpu.memory_space<vmem>>, vector<16xf32>,
      %swap3A_257 = arith.index_cast %scan3A_208 : i32 to index
      %swap3A_258 = arith.constant 96 : index
      %swap3A_259 = tpu.vector_load %arg13[%swap3A_257, %swap3A_258] {strides = array<i32>} : memref<32x200xf32, #tpu.memory_space<vmem>>, vector<16xf32>,
      tpu.vector_store %arg13[%swap3A_257, %swap3A_258], %get3A_256 {strides = array<i32>} : memref<32x200xf32, #tpu.memory_space<vmem>>, vector<16xf32>,
      %add3A_260 = arith.constant 112 : i32
      %add3A_261 = arith.addi %mul3A_212, %add3A_260 : i32
      %get3A_262 = arith.index_cast %add3A_261 : i32 to index
      %get3A_263 = tpu.vector_load %arg11[%get3A_262] {strides = array<i32>} : memref<25600xf32, #tpu.memory_space<vmem>>, vector<16xf32>,
      %swap3A_264 = arith.index_cast %scan3A_208 : i32 to index
      %swap3A_265 = arith.constant 112 : index
      %swap3A_266 = tpu.vector_load %arg13[%swap3A_264, %swap3A_265] {strides = array<i32>} : memref<32x200xf32, #tpu.memory_space<vmem>>, vector<16xf32>,
      tpu.vector_store %arg13[%swap3A_264, %swap3A_265], %get3A_263 {strides = array<i32>} : memref<32x200xf32, #tpu.memory_space<vmem>>, vector<16xf32>,
      %add3A_267 = arith.constant 128 : i32
      %add3A_268 = arith.addi %mul3A_212, %add3A_267 : i32
      %get3A_269 = arith.index_cast %add3A_268 : i32 to index
      %get3A_270 = tpu.vector_load %arg11[%get3A_269] {strides = array<i32>} : memref<25600xf32, #tpu.memory_space<vmem>>, vector<16xf32>,
      %swap3A_271 = arith.index_cast %scan3A_208 : i32 to index
      %swap3A_272 = arith.constant 128 : index
      %swap3A_273 = tpu.vector_load %arg13[%swap3A_271, %swap3A_272] {strides = array<i32>} : memref<32x200xf32, #tpu.memory_space<vmem>>, vector<16xf32>,
      tpu.vector_store %arg13[%swap3A_271, %swap3A_272], %get3A_270 {strides = array<i32>} : memref<32x200xf32, #tpu.memory_space<vmem>>, vector<16xf32>,
      %add3A_274 = arith.constant 144 : i32
      %add3A_275 = arith.addi %mul3A_212, %add3A_274 : i32
      %get3A_276 = arith.index_cast %add3A_275 : i32 to index
      %get3A_277 = tpu.vector_load %arg11[%get3A_276] {strides = array<i32>} : memref<25600xf32, #tpu.memory_space<vmem>>, vector<16xf32>,
      %swap3A_278 = arith.index_cast %scan3A_208 : i32 to index
      %swap3A_279 = arith.constant 144 : index
      %swap3A_280 = tpu.vector_load %arg13[%swap3A_278, %swap3A_279] {strides = array<i32>} : memref<32x200xf32, #tpu.memory_space<vmem>>, vector<16xf32>,
      tpu.vector_store %arg13[%swap3A_278, %swap3A_279], %get3A_277 {strides = array<i32>} : memref<32x200xf32, #tpu.memory_space<vmem>>, vector<16xf32>,
      %add3A_281 = arith.constant 160 : i32
      %add3A_282 = arith.addi %mul3A_212, %add3A_281 : i32
      %get3A_283 = arith.index_cast %add3A_282 : i32 to index
      %get3A_284 = tpu.vector_load %arg11[%get3A_283] {strides = array<i32>} : memref<25600xf32, #tpu.memory_space<vmem>>, vector<16xf32>,
      %swap3A_285 = arith.index_cast %scan3A_208 : i32 to index
      %swap3A_286 = arith.constant 160 : index
      %swap3A_287 = tpu.vector_load %arg13[%swap3A_285, %swap3A_286] {strides = array<i32>} : memref<32x200xf32, #tpu.memory_space<vmem>>, vector<16xf32>,
      tpu.vector_store %arg13[%swap3A_285, %swap3A_286], %get3A_284 {strides = array<i32>} : memref<32x200xf32, #tpu.memory_space<vmem>>, vector<16xf32>,
      %add3A_288 = arith.constant 176 : i32
      %add3A_289 = arith.addi %mul3A_212, %add3A_288 : i32
      %get3A_290 = arith.index_cast %add3A_289 : i32 to index
      %get3A_291 = tpu.vector_load %arg11[%get3A_290] {strides = array<i32>} : memref<25600xf32, #tpu.memory_space<vmem>>, vector<16xf32>,
      %swap3A_292 = arith.index_cast %scan3A_208 : i32 to index
      %swap3A_293 = arith.constant 176 : index
      %swap3A_294 = tpu.vector_load %arg13[%swap3A_292, %swap3A_293] {strides = array<i32>} : memref<32x200xf32, #tpu.memory_space<vmem>>, vector<16xf32>,
      tpu.vector_store %arg13[%swap3A_292, %swap3A_293], %get3A_291 {strides = array<i32>} : memref<32x200xf32, #tpu.memory_space<vmem>>, vector<16xf32>,
      %broadcast_in_dim3A = vector.broadcast %scan3A_208 : i32 to vector<16xi32>
      %iota3A = tpu.iota {dimensions = array<i32: 0>} : vector<16xi32>
      %add3A_295 = arith.constant 184 : i32
      %add3A_296 = vector.broadcast %add3A_295 : i32 to vector<16xi32>
      %add3A_297 = arith.addi %add3A_296, %iota3A : vector<16xi32>
      %add3A_298 = arith.constant 184 : i32
      %add3A_299 = arith.addi %mul3A_212, %add3A_298 : i32
      %get3A_300 = arith.index_cast %add3A_299 : i32 to index
      %get3A_301 = tpu.vector_load %arg11[%get3A_300] {strides = array<i32>} : memref<25600xf32, #tpu.memory_space<vmem>>, vector<16xf32>,
      tpu.vector_store_idx %arg13[%broadcast_in_dim3A, %add3A_297], %get3A_301 : memref<32x200xf32, #tpu.memory_space<vmem>>[vector<16xi32>, vector<16xi32>], vector<16xf32>,
    }
    %scan3A_125 = arith.constant 32 : i32
    %add3A_126 = arith.constant 32 : i32
    %add3A_127 = arith.addi %mul3A_2, %add3A_126 : i32
    "tpu.region"() ({
      %run_scoped3A = tpu.sem_alloc : memref<!tpu.dma_semaphore, #tpu.memory_space<semaphore_mem>>
      %dma_start3A_208 = arith.constant 0 : i32
      %dma_start3A_209 = tpu.memref_slice %arg6[%add3A_127, %dma_start3A_208] : memref<4096x200xf32, #tpu.memory_space<hbm>> -> memref<32x200xf32, #tpu.memory_space<hbm>>
      %dma_start3A_210 = arith.constant 0 : i32
      %dma_start3A_211 = tpu.memref_slice %arg6[%add3A_127, %dma_start3A_210] : memref<4096x200xf32, #tpu.memory_space<hbm>> -> memref<32x200xf32, #tpu.memory_space<hbm>>
      tpu.enqueue_dma source(%arg13 : memref<32x200xf32, #tpu.memory_space<vmem>>) target(%dma_start3A_211 : memref<32x200xf32, #tpu.memory_space<hbm>>) target_semaphore(%run_scoped3A : memref<!tpu.dma_semaphore, #tpu.memory_space<semaphore_mem>>)
      %dma_wait3A_212 = arith.constant 0 : i32
      %dma_wait3A_213 = tpu.memref_slice %arg6[%add3A_127, %dma_wait3A_212] : memref<4096x200xf32, #tpu.memory_space<hbm>> -> memref<32x200xf32, #tpu.memory_space<hbm>>
      %dma_wait3A_214 = arith.constant 0 : i32
      %dma_wait3A_215 = tpu.memref_slice %arg6[%add3A_127, %dma_wait3A_214] : memref<4096x200xf32, #tpu.memory_space<hbm>> -> memref<32x200xf32, #tpu.memory_space<hbm>>
      tpu.wait_dma2 semaphore(%run_scoped3A : memref<!tpu.dma_semaphore, #tpu.memory_space<semaphore_mem>>) src(%arg13 : memref<32x200xf32, #tpu.memory_space<vmem>>) dst(%dma_wait3A_215 : memref<32x200xf32, #tpu.memory_space<hbm>>)
      tpu.yield
    }) : () -> ()
    %dma_wait3A_128 = arith.constant 6400 : i32
    %dma_wait3A_129 = tpu.memref_slice %arg12[%dma_wait3A_128] : memref<25600xf32, #tpu.memory_space<vmem>> -> memref<6400xf32, #tpu.memory_space<vmem>>
    %dma_wait3A_130 = arith.constant 0 : i32
    %dma_wait3A_131 = tpu.memref_slice %arg4[%dma_wait3A_130] : memref<1000000xf32, #tpu.memory_space<hbm>> -> memref<6400xf32, #tpu.memory_space<hbm>>
    %dma_wait3A_132 = arith.constant 6400 : i32
    %dma_wait3A_133 = tpu.memref_slice %arg12[%dma_wait3A_132] : memref<25600xf32, #tpu.memory_space<vmem>> -> memref<6400xf32, #tpu.memory_space<vmem>>
    %dma_wait3A_134 = arith.constant 0 : i32
    %dma_wait3A_135 = tpu.memref_slice %arg4[%dma_wait3A_134] : memref<1000000xf32, #tpu.memory_space<hbm>> -> memref<6400xf32, #tpu.memory_space<hbm>>
    tpu.wait_dma2 semaphore(%arg15 : memref<!tpu.dma_semaphore, #tpu.memory_space<semaphore_mem>>) src(%dma_wait3A_135 : memref<6400xf32, #tpu.memory_space<hbm>>) dst(%dma_wait3A_133 : memref<6400xf32, #tpu.memory_space<vmem>>)
    %scan3A_136 = arith.constant 0 : i32
    %scan3A_137 = arith.constant 0 : i32
    %scan3A_138 = arith.constant 32 : i32
    %scan3A_139 = arith.addi %scan3A_137, %scan3A_138 : i32
    %scan3A_140 = arith.constant 1 : i32
    scf.for %scan3A_208 = %scan3A_137 to %scan3A_139 step %scan3A_140  : i32 {
      %add3A_209 = arith.constant 32 : i32
      %add3A_210 = arith.addi %add3A_209, %scan3A_208 : i32
      %mul3A_211 = arith.constant 200 : i32
      %mul3A_212 = arith.muli %add3A_210, %mul3A_211 : i32
      %add3A_213 = arith.constant 0 : i32
      %add3A_214 = arith.addi %mul3A_212, %add3A_213 : i32
      %get3A = arith.index_cast %add3A_214 : i32 to index
      %get3A_215 = tpu.vector_load %arg12[%get3A] {strides = array<i32>} : memref<25600xf32, #tpu.memory_space<vmem>>, vector<16xf32>,
      %swap3A = arith.index_cast %scan3A_208 : i32 to index
      %swap3A_216 = arith.constant 0 : index
      %swap3A_217 = tpu.vector_load %arg13[%swap3A, %swap3A_216] {strides = array<i32>} : memref<32x200xf32, #tpu.memory_space<vmem>>, vector<16xf32>,
      tpu.vector_store %arg13[%swap3A, %swap3A_216], %get3A_215 {strides = array<i32>} : memref<32x200xf32, #tpu.memory_space<vmem>>, vector<16xf32>,
      %add3A_218 = arith.constant 16 : i32
      %add3A_219 = arith.addi %mul3A_212, %add3A_218 : i32
      %get3A_220 = arith.index_cast %add3A_219 : i32 to index
      %get3A_221 = tpu.vector_load %arg12[%get3A_220] {strides = array<i32>} : memref<25600xf32, #tpu.memory_space<vmem>>, vector<16xf32>,
      %swap3A_222 = arith.index_cast %scan3A_208 : i32 to index
      %swap3A_223 = arith.constant 16 : index
      %swap3A_224 = tpu.vector_load %arg13[%swap3A_222, %swap3A_223] {strides = array<i32>} : memref<32x200xf32, #tpu.memory_space<vmem>>, vector<16xf32>,
      tpu.vector_store %arg13[%swap3A_222, %swap3A_223], %get3A_221 {strides = array<i32>} : memref<32x200xf32, #tpu.memory_space<vmem>>, vector<16xf32>,
      %add3A_225 = arith.constant 32 : i32
      %add3A_226 = arith.addi %mul3A_212, %add3A_225 : i32
      %get3A_227 = arith.index_cast %add3A_226 : i32 to index
      %get3A_228 = tpu.vector_load %arg12[%get3A_227] {strides = array<i32>} : memref<25600xf32, #tpu.memory_space<vmem>>, vector<16xf32>,
      %swap3A_229 = arith.index_cast %scan3A_208 : i32 to index
      %swap3A_230 = arith.constant 32 : index
      %swap3A_231 = tpu.vector_load %arg13[%swap3A_229, %swap3A_230] {strides = array<i32>} : memref<32x200xf32, #tpu.memory_space<vmem>>, vector<16xf32>,
      tpu.vector_store %arg13[%swap3A_229, %swap3A_230], %get3A_228 {strides = array<i32>} : memref<32x200xf32, #tpu.memory_space<vmem>>, vector<16xf32>,
      %add3A_232 = arith.constant 48 : i32
      %add3A_233 = arith.addi %mul3A_212, %add3A_232 : i32
      %get3A_234 = arith.index_cast %add3A_233 : i32 to index
      %get3A_235 = tpu.vector_load %arg12[%get3A_234] {strides = array<i32>} : memref<25600xf32, #tpu.memory_space<vmem>>, vector<16xf32>,
      %swap3A_236 = arith.index_cast %scan3A_208 : i32 to index
      %swap3A_237 = arith.constant 48 : index
      %swap3A_238 = tpu.vector_load %arg13[%swap3A_236, %swap3A_237] {strides = array<i32>} : memref<32x200xf32, #tpu.memory_space<vmem>>, vector<16xf32>,
      tpu.vector_store %arg13[%swap3A_236, %swap3A_237], %get3A_235 {strides = array<i32>} : memref<32x200xf32, #tpu.memory_space<vmem>>, vector<16xf32>,
      %add3A_239 = arith.constant 64 : i32
      %add3A_240 = arith.addi %mul3A_212, %add3A_239 : i32
      %get3A_241 = arith.index_cast %add3A_240 : i32 to index
      %get3A_242 = tpu.vector_load %arg12[%get3A_241] {strides = array<i32>} : memref<25600xf32, #tpu.memory_space<vmem>>, vector<16xf32>,
      %swap3A_243 = arith.index_cast %scan3A_208 : i32 to index
      %swap3A_244 = arith.constant 64 : index
      %swap3A_245 = tpu.vector_load %arg13[%swap3A_243, %swap3A_244] {strides = array<i32>} : memref<32x200xf32, #tpu.memory_space<vmem>>, vector<16xf32>,
      tpu.vector_store %arg13[%swap3A_243, %swap3A_244], %get3A_242 {strides = array<i32>} : memref<32x200xf32, #tpu.memory_space<vmem>>, vector<16xf32>,
      %add3A_246 = arith.constant 80 : i32
      %add3A_247 = arith.addi %mul3A_212, %add3A_246 : i32
      %get3A_248 = arith.index_cast %add3A_247 : i32 to index
      %get3A_249 = tpu.vector_load %arg12[%get3A_248] {strides = array<i32>} : memref<25600xf32, #tpu.memory_space<vmem>>, vector<16xf32>,
      %swap3A_250 = arith.index_cast %scan3A_208 : i32 to index
      %swap3A_251 = arith.constant 80 : index
      %swap3A_252 = tpu.vector_load %arg13[%swap3A_250, %swap3A_251] {strides = array<i32>} : memref<32x200xf32, #tpu.memory_space<vmem>>, vector<16xf32>,
      tpu.vector_store %arg13[%swap3A_250, %swap3A_251], %get3A_249 {strides = array<i32>} : memref<32x200xf32, #tpu.memory_space<vmem>>, vector<16xf32>,
      %add3A_253 = arith.constant 96 : i32
      %add3A_254 = arith.addi %mul3A_212, %add3A_253 : i32
      %get3A_255 = arith.index_cast %add3A_254 : i32 to index
      %get3A_256 = tpu.vector_load %arg12[%get3A_255] {strides = array<i32>} : memref<25600xf32, #tpu.memory_space<vmem>>, vector<16xf32>,
      %swap3A_257 = arith.index_cast %scan3A_208 : i32 to index
      %swap3A_258 = arith.constant 96 : index
      %swap3A_259 = tpu.vector_load %arg13[%swap3A_257, %swap3A_258] {strides = array<i32>} : memref<32x200xf32, #tpu.memory_space<vmem>>, vector<16xf32>,
      tpu.vector_store %arg13[%swap3A_257, %swap3A_258], %get3A_256 {strides = array<i32>} : memref<32x200xf32, #tpu.memory_space<vmem>>, vector<16xf32>,
      %add3A_260 = arith.constant 112 : i32
      %add3A_261 = arith.addi %mul3A_212, %add3A_260 : i32
      %get3A_262 = arith.index_cast %add3A_261 : i32 to index
      %get3A_263 = tpu.vector_load %arg12[%get3A_262] {strides = array<i32>} : memref<25600xf32, #tpu.memory_space<vmem>>, vector<16xf32>,
      %swap3A_264 = arith.index_cast %scan3A_208 : i32 to index
      %swap3A_265 = arith.constant 112 : index
      %swap3A_266 = tpu.vector_load %arg13[%swap3A_264, %swap3A_265] {strides = array<i32>} : memref<32x200xf32, #tpu.memory_space<vmem>>, vector<16xf32>,
      tpu.vector_store %arg13[%swap3A_264, %swap3A_265], %get3A_263 {strides = array<i32>} : memref<32x200xf32, #tpu.memory_space<vmem>>, vector<16xf32>,
      %add3A_267 = arith.constant 128 : i32
      %add3A_268 = arith.addi %mul3A_212, %add3A_267 : i32
      %get3A_269 = arith.index_cast %add3A_268 : i32 to index
      %get3A_270 = tpu.vector_load %arg12[%get3A_269] {strides = array<i32>} : memref<25600xf32, #tpu.memory_space<vmem>>, vector<16xf32>,
      %swap3A_271 = arith.index_cast %scan3A_208 : i32 to index
      %swap3A_272 = arith.constant 128 : index
      %swap3A_273 = tpu.vector_load %arg13[%swap3A_271, %swap3A_272] {strides = array<i32>} : memref<32x200xf32, #tpu.memory_space<vmem>>, vector<16xf32>,
      tpu.vector_store %arg13[%swap3A_271, %swap3A_272], %get3A_270 {strides = array<i32>} : memref<32x200xf32, #tpu.memory_space<vmem>>, vector<16xf32>,
      %add3A_274 = arith.constant 144 : i32
      %add3A_275 = arith.addi %mul3A_212, %add3A_274 : i32
      %get3A_276 = arith.index_cast %add3A_275 : i32 to index
      %get3A_277 = tpu.vector_load %arg12[%get3A_276] {strides = array<i32>} : memref<25600xf32, #tpu.memory_space<vmem>>, vector<16xf32>,
      %swap3A_278 = arith.index_cast %scan3A_208 : i32 to index
      %swap3A_279 = arith.constant 144 : index
      %swap3A_280 = tpu.vector_load %arg13[%swap3A_278, %swap3A_279] {strides = array<i32>} : memref<32x200xf32, #tpu.memory_space<vmem>>, vector<16xf32>,
      tpu.vector_store %arg13[%swap3A_278, %swap3A_279], %get3A_277 {strides = array<i32>} : memref<32x200xf32, #tpu.memory_space<vmem>>, vector<16xf32>,
      %add3A_281 = arith.constant 160 : i32
      %add3A_282 = arith.addi %mul3A_212, %add3A_281 : i32
      %get3A_283 = arith.index_cast %add3A_282 : i32 to index
      %get3A_284 = tpu.vector_load %arg12[%get3A_283] {strides = array<i32>} : memref<25600xf32, #tpu.memory_space<vmem>>, vector<16xf32>,
      %swap3A_285 = arith.index_cast %scan3A_208 : i32 to index
      %swap3A_286 = arith.constant 160 : index
      %swap3A_287 = tpu.vector_load %arg13[%swap3A_285, %swap3A_286] {strides = array<i32>} : memref<32x200xf32, #tpu.memory_space<vmem>>, vector<16xf32>,
      tpu.vector_store %arg13[%swap3A_285, %swap3A_286], %get3A_284 {strides = array<i32>} : memref<32x200xf32, #tpu.memory_space<vmem>>, vector<16xf32>,
      %add3A_288 = arith.constant 176 : i32
      %add3A_289 = arith.addi %mul3A_212, %add3A_288 : i32
      %get3A_290 = arith.index_cast %add3A_289 : i32 to index
      %get3A_291 = tpu.vector_load %arg12[%get3A_290] {strides = array<i32>} : memref<25600xf32, #tpu.memory_space<vmem>>, vector<16xf32>,
      %swap3A_292 = arith.index_cast %scan3A_208 : i32 to index
      %swap3A_293 = arith.constant 176 : index
      %swap3A_294 = tpu.vector_load %arg13[%swap3A_292, %swap3A_293] {strides = array<i32>} : memref<32x200xf32, #tpu.memory_space<vmem>>, vector<16xf32>,
      tpu.vector_store %arg13[%swap3A_292, %swap3A_293], %get3A_291 {strides = array<i32>} : memref<32x200xf32, #tpu.memory_space<vmem>>, vector<16xf32>,
      %broadcast_in_dim3A = vector.broadcast %scan3A_208 : i32 to vector<16xi32>
      %iota3A = tpu.iota {dimensions = array<i32: 0>} : vector<16xi32>
      %add3A_295 = arith.constant 184 : i32
      %add3A_296 = vector.broadcast %add3A_295 : i32 to vector<16xi32>
      %add3A_297 = arith.addi %add3A_296, %iota3A : vector<16xi32>
      %add3A_298 = arith.constant 184 : i32
      %add3A_299 = arith.addi %mul3A_212, %add3A_298 : i32
      %get3A_300 = arith.index_cast %add3A_299 : i32 to index
      %get3A_301 = tpu.vector_load %arg12[%get3A_300] {strides = array<i32>} : memref<25600xf32, #tpu.memory_space<vmem>>, vector<16xf32>,
      tpu.vector_store_idx %arg13[%broadcast_in_dim3A, %add3A_297], %get3A_301 : memref<32x200xf32, #tpu.memory_space<vmem>>[vector<16xi32>, vector<16xi32>], vector<16xf32>,
    }
    %scan3A_141 = arith.constant 32 : i32
    %add3A_142 = arith.constant 32 : i32
    %add3A_143 = arith.addi %mul3A_2, %add3A_142 : i32
    "tpu.region"() ({
      %run_scoped3A = tpu.sem_alloc : memref<!tpu.dma_semaphore, #tpu.memory_space<semaphore_mem>>
      %dma_start3A_208 = arith.constant 0 : i32
      %dma_start3A_209 = tpu.memref_slice %arg7[%add3A_143, %dma_start3A_208] : memref<4096x200xf32, #tpu.memory_space<hbm>> -> memref<32x200xf32, #tpu.memory_space<hbm>>
      %dma_start3A_210 = arith.constant 0 : i32
      %dma_start3A_211 = tpu.memref_slice %arg7[%add3A_143, %dma_start3A_210] : memref<4096x200xf32, #tpu.memory_space<hbm>> -> memref<32x200xf32, #tpu.memory_space<hbm>>
      tpu.enqueue_dma source(%arg13 : memref<32x200xf32, #tpu.memory_space<vmem>>) target(%dma_start3A_211 : memref<32x200xf32, #tpu.memory_space<hbm>>) target_semaphore(%run_scoped3A : memref<!tpu.dma_semaphore, #tpu.memory_space<semaphore_mem>>)
      %dma_wait3A_212 = arith.constant 0 : i32
      %dma_wait3A_213 = tpu.memref_slice %arg7[%add3A_143, %dma_wait3A_212] : memref<4096x200xf32, #tpu.memory_space<hbm>> -> memref<32x200xf32, #tpu.memory_space<hbm>>
      %dma_wait3A_214 = arith.constant 0 : i32
      %dma_wait3A_215 = tpu.memref_slice %arg7[%add3A_143, %dma_wait3A_214] : memref<4096x200xf32, #tpu.memory_space<hbm>> -> memref<32x200xf32, #tpu.memory_space<hbm>>
      tpu.wait_dma2 semaphore(%run_scoped3A : memref<!tpu.dma_semaphore, #tpu.memory_space<semaphore_mem>>) src(%arg13 : memref<32x200xf32, #tpu.memory_space<vmem>>) dst(%dma_wait3A_215 : memref<32x200xf32, #tpu.memory_space<hbm>>)
      tpu.yield
    }) : () -> ()
    %dma_wait3A_144 = arith.constant 12800 : i32
    %dma_wait3A_145 = tpu.memref_slice %arg11[%dma_wait3A_144] : memref<25600xf32, #tpu.memory_space<vmem>> -> memref<6400xf32, #tpu.memory_space<vmem>>
    %dma_wait3A_146 = arith.constant 0 : i32
    %dma_wait3A_147 = tpu.memref_slice %arg4[%dma_wait3A_146] : memref<1000000xf32, #tpu.memory_space<hbm>> -> memref<6400xf32, #tpu.memory_space<hbm>>
    %dma_wait3A_148 = arith.constant 12800 : i32
    %dma_wait3A_149 = tpu.memref_slice %arg11[%dma_wait3A_148] : memref<25600xf32, #tpu.memory_space<vmem>> -> memref<6400xf32, #tpu.memory_space<vmem>>
    %dma_wait3A_150 = arith.constant 0 : i32
    %dma_wait3A_151 = tpu.memref_slice %arg4[%dma_wait3A_150] : memref<1000000xf32, #tpu.memory_space<hbm>> -> memref<6400xf32, #tpu.memory_space<hbm>>
    tpu.wait_dma2 semaphore(%arg14 : memref<!tpu.dma_semaphore, #tpu.memory_space<semaphore_mem>>) src(%dma_wait3A_151 : memref<6400xf32, #tpu.memory_space<hbm>>) dst(%dma_wait3A_149 : memref<6400xf32, #tpu.memory_space<vmem>>)
    %scan3A_152 = arith.constant 0 : i32
    %scan3A_153 = arith.constant 0 : i32
    %scan3A_154 = arith.constant 32 : i32
    %scan3A_155 = arith.addi %scan3A_153, %scan3A_154 : i32
    %scan3A_156 = arith.constant 1 : i32
    scf.for %scan3A_208 = %scan3A_153 to %scan3A_155 step %scan3A_156  : i32 {
      %add3A_209 = arith.constant 64 : i32
      %add3A_210 = arith.addi %add3A_209, %scan3A_208 : i32
      %mul3A_211 = arith.constant 200 : i32
      %mul3A_212 = arith.muli %add3A_210, %mul3A_211 : i32
      %add3A_213 = arith.constant 0 : i32
      %add3A_214 = arith.addi %mul3A_212, %add3A_213 : i32
      %get3A = arith.index_cast %add3A_214 : i32 to index
      %get3A_215 = tpu.vector_load %arg11[%get3A] {strides = array<i32>} : memref<25600xf32, #tpu.memory_space<vmem>>, vector<16xf32>,
      %swap3A = arith.index_cast %scan3A_208 : i32 to index
      %swap3A_216 = arith.constant 0 : index
      %swap3A_217 = tpu.vector_load %arg13[%swap3A, %swap3A_216] {strides = array<i32>} : memref<32x200xf32, #tpu.memory_space<vmem>>, vector<16xf32>,
      tpu.vector_store %arg13[%swap3A, %swap3A_216], %get3A_215 {strides = array<i32>} : memref<32x200xf32, #tpu.memory_space<vmem>>, vector<16xf32>,
      %add3A_218 = arith.constant 16 : i32
      %add3A_219 = arith.addi %mul3A_212, %add3A_218 : i32
      %get3A_220 = arith.index_cast %add3A_219 : i32 to index
      %get3A_221 = tpu.vector_load %arg11[%get3A_220] {strides = array<i32>} : memref<25600xf32, #tpu.memory_space<vmem>>, vector<16xf32>,
      %swap3A_222 = arith.index_cast %scan3A_208 : i32 to index
      %swap3A_223 = arith.constant 16 : index
      %swap3A_224 = tpu.vector_load %arg13[%swap3A_222, %swap3A_223] {strides = array<i32>} : memref<32x200xf32, #tpu.memory_space<vmem>>, vector<16xf32>,
      tpu.vector_store %arg13[%swap3A_222, %swap3A_223], %get3A_221 {strides = array<i32>} : memref<32x200xf32, #tpu.memory_space<vmem>>, vector<16xf32>,
      %add3A_225 = arith.constant 32 : i32
      %add3A_226 = arith.addi %mul3A_212, %add3A_225 : i32
      %get3A_227 = arith.index_cast %add3A_226 : i32 to index
      %get3A_228 = tpu.vector_load %arg11[%get3A_227] {strides = array<i32>} : memref<25600xf32, #tpu.memory_space<vmem>>, vector<16xf32>,
      %swap3A_229 = arith.index_cast %scan3A_208 : i32 to index
      %swap3A_230 = arith.constant 32 : index
      %swap3A_231 = tpu.vector_load %arg13[%swap3A_229, %swap3A_230] {strides = array<i32>} : memref<32x200xf32, #tpu.memory_space<vmem>>, vector<16xf32>,
      tpu.vector_store %arg13[%swap3A_229, %swap3A_230], %get3A_228 {strides = array<i32>} : memref<32x200xf32, #tpu.memory_space<vmem>>, vector<16xf32>,
      %add3A_232 = arith.constant 48 : i32
      %add3A_233 = arith.addi %mul3A_212, %add3A_232 : i32
      %get3A_234 = arith.index_cast %add3A_233 : i32 to index
      %get3A_235 = tpu.vector_load %arg11[%get3A_234] {strides = array<i32>} : memref<25600xf32, #tpu.memory_space<vmem>>, vector<16xf32>,
      %swap3A_236 = arith.index_cast %scan3A_208 : i32 to index
      %swap3A_237 = arith.constant 48 : index
      %swap3A_238 = tpu.vector_load %arg13[%swap3A_236, %swap3A_237] {strides = array<i32>} : memref<32x200xf32, #tpu.memory_space<vmem>>, vector<16xf32>,
      tpu.vector_store %arg13[%swap3A_236, %swap3A_237], %get3A_235 {strides = array<i32>} : memref<32x200xf32, #tpu.memory_space<vmem>>, vector<16xf32>,
      %add3A_239 = arith.constant 64 : i32
      %add3A_240 = arith.addi %mul3A_212, %add3A_239 : i32
      %get3A_241 = arith.index_cast %add3A_240 : i32 to index
      %get3A_242 = tpu.vector_load %arg11[%get3A_241] {strides = array<i32>} : memref<25600xf32, #tpu.memory_space<vmem>>, vector<16xf32>,
      %swap3A_243 = arith.index_cast %scan3A_208 : i32 to index
      %swap3A_244 = arith.constant 64 : index
      %swap3A_245 = tpu.vector_load %arg13[%swap3A_243, %swap3A_244] {strides = array<i32>} : memref<32x200xf32, #tpu.memory_space<vmem>>, vector<16xf32>,
      tpu.vector_store %arg13[%swap3A_243, %swap3A_244], %get3A_242 {strides = array<i32>} : memref<32x200xf32, #tpu.memory_space<vmem>>, vector<16xf32>,
      %add3A_246 = arith.constant 80 : i32
      %add3A_247 = arith.addi %mul3A_212, %add3A_246 : i32
      %get3A_248 = arith.index_cast %add3A_247 : i32 to index
      %get3A_249 = tpu.vector_load %arg11[%get3A_248] {strides = array<i32>} : memref<25600xf32, #tpu.memory_space<vmem>>, vector<16xf32>,
      %swap3A_250 = arith.index_cast %scan3A_208 : i32 to index
      %swap3A_251 = arith.constant 80 : index
      %swap3A_252 = tpu.vector_load %arg13[%swap3A_250, %swap3A_251] {strides = array<i32>} : memref<32x200xf32, #tpu.memory_space<vmem>>, vector<16xf32>,
      tpu.vector_store %arg13[%swap3A_250, %swap3A_251], %get3A_249 {strides = array<i32>} : memref<32x200xf32, #tpu.memory_space<vmem>>, vector<16xf32>,
      %add3A_253 = arith.constant 96 : i32
      %add3A_254 = arith.addi %mul3A_212, %add3A_253 : i32
      %get3A_255 = arith.index_cast %add3A_254 : i32 to index
      %get3A_256 = tpu.vector_load %arg11[%get3A_255] {strides = array<i32>} : memref<25600xf32, #tpu.memory_space<vmem>>, vector<16xf32>,
      %swap3A_257 = arith.index_cast %scan3A_208 : i32 to index
      %swap3A_258 = arith.constant 96 : index
      %swap3A_259 = tpu.vector_load %arg13[%swap3A_257, %swap3A_258] {strides = array<i32>} : memref<32x200xf32, #tpu.memory_space<vmem>>, vector<16xf32>,
      tpu.vector_store %arg13[%swap3A_257, %swap3A_258], %get3A_256 {strides = array<i32>} : memref<32x200xf32, #tpu.memory_space<vmem>>, vector<16xf32>,
      %add3A_260 = arith.constant 112 : i32
      %add3A_261 = arith.addi %mul3A_212, %add3A_260 : i32
      %get3A_262 = arith.index_cast %add3A_261 : i32 to index
      %get3A_263 = tpu.vector_load %arg11[%get3A_262] {strides = array<i32>} : memref<25600xf32, #tpu.memory_space<vmem>>, vector<16xf32>,
      %swap3A_264 = arith.index_cast %scan3A_208 : i32 to index
      %swap3A_265 = arith.constant 112 : index
      %swap3A_266 = tpu.vector_load %arg13[%swap3A_264, %swap3A_265] {strides = array<i32>} : memref<32x200xf32, #tpu.memory_space<vmem>>, vector<16xf32>,
      tpu.vector_store %arg13[%swap3A_264, %swap3A_265], %get3A_263 {strides = array<i32>} : memref<32x200xf32, #tpu.memory_space<vmem>>, vector<16xf32>,
      %add3A_267 = arith.constant 128 : i32
      %add3A_268 = arith.addi %mul3A_212, %add3A_267 : i32
      %get3A_269 = arith.index_cast %add3A_268 : i32 to index
      %get3A_270 = tpu.vector_load %arg11[%get3A_269] {strides = array<i32>} : memref<25600xf32, #tpu.memory_space<vmem>>, vector<16xf32>,
      %swap3A_271 = arith.index_cast %scan3A_208 : i32 to index
      %swap3A_272 = arith.constant 128 : index
      %swap3A_273 = tpu.vector_load %arg13[%swap3A_271, %swap3A_272] {strides = array<i32>} : memref<32x200xf32, #tpu.memory_space<vmem>>, vector<16xf32>,
      tpu.vector_store %arg13[%swap3A_271, %swap3A_272], %get3A_270 {strides = array<i32>} : memref<32x200xf32, #tpu.memory_space<vmem>>, vector<16xf32>,
      %add3A_274 = arith.constant 144 : i32
      %add3A_275 = arith.addi %mul3A_212, %add3A_274 : i32
      %get3A_276 = arith.index_cast %add3A_275 : i32 to index
      %get3A_277 = tpu.vector_load %arg11[%get3A_276] {strides = array<i32>} : memref<25600xf32, #tpu.memory_space<vmem>>, vector<16xf32>,
      %swap3A_278 = arith.index_cast %scan3A_208 : i32 to index
      %swap3A_279 = arith.constant 144 : index
      %swap3A_280 = tpu.vector_load %arg13[%swap3A_278, %swap3A_279] {strides = array<i32>} : memref<32x200xf32, #tpu.memory_space<vmem>>, vector<16xf32>,
      tpu.vector_store %arg13[%swap3A_278, %swap3A_279], %get3A_277 {strides = array<i32>} : memref<32x200xf32, #tpu.memory_space<vmem>>, vector<16xf32>,
      %add3A_281 = arith.constant 160 : i32
      %add3A_282 = arith.addi %mul3A_212, %add3A_281 : i32
      %get3A_283 = arith.index_cast %add3A_282 : i32 to index
      %get3A_284 = tpu.vector_load %arg11[%get3A_283] {strides = array<i32>} : memref<25600xf32, #tpu.memory_space<vmem>>, vector<16xf32>,
      %swap3A_285 = arith.index_cast %scan3A_208 : i32 to index
      %swap3A_286 = arith.constant 160 : index
      %swap3A_287 = tpu.vector_load %arg13[%swap3A_285, %swap3A_286] {strides = array<i32>} : memref<32x200xf32, #tpu.memory_space<vmem>>, vector<16xf32>,
      tpu.vector_store %arg13[%swap3A_285, %swap3A_286], %get3A_284 {strides = array<i32>} : memref<32x200xf32, #tpu.memory_space<vmem>>, vector<16xf32>,
      %add3A_288 = arith.constant 176 : i32
      %add3A_289 = arith.addi %mul3A_212, %add3A_288 : i32
      %get3A_290 = arith.index_cast %add3A_289 : i32 to index
      %get3A_291 = tpu.vector_load %arg11[%get3A_290] {strides = array<i32>} : memref<25600xf32, #tpu.memory_space<vmem>>, vector<16xf32>,
      %swap3A_292 = arith.index_cast %scan3A_208 : i32 to index
      %swap3A_293 = arith.constant 176 : index
      %swap3A_294 = tpu.vector_load %arg13[%swap3A_292, %swap3A_293] {strides = array<i32>} : memref<32x200xf32, #tpu.memory_space<vmem>>, vector<16xf32>,
      tpu.vector_store %arg13[%swap3A_292, %swap3A_293], %get3A_291 {strides = array<i32>} : memref<32x200xf32, #tpu.memory_space<vmem>>, vector<16xf32>,
      %broadcast_in_dim3A = vector.broadcast %scan3A_208 : i32 to vector<16xi32>
      %iota3A = tpu.iota {dimensions = array<i32: 0>} : vector<16xi32>
      %add3A_295 = arith.constant 184 : i32
      %add3A_296 = vector.broadcast %add3A_295 : i32 to vector<16xi32>
      %add3A_297 = arith.addi %add3A_296, %iota3A : vector<16xi32>
      %add3A_298 = arith.constant 184 : i32
      %add3A_299 = arith.addi %mul3A_212, %add3A_298 : i32
      %get3A_300 = arith.index_cast %add3A_299 : i32 to index
      %get3A_301 = tpu.vector_load %arg11[%get3A_300] {strides = array<i32>} : memref<25600xf32, #tpu.memory_space<vmem>>, vector<16xf32>,
      tpu.vector_store_idx %arg13[%broadcast_in_dim3A, %add3A_297], %get3A_301 : memref<32x200xf32, #tpu.memory_space<vmem>>[vector<16xi32>, vector<16xi32>], vector<16xf32>,
    }
    %scan3A_157 = arith.constant 32 : i32
    %add3A_158 = arith.constant 64 : i32
    %add3A_159 = arith.addi %mul3A_2, %add3A_158 : i32
    "tpu.region"() ({
      %run_scoped3A = tpu.sem_alloc : memref<!tpu.dma_semaphore, #tpu.memory_space<semaphore_mem>>
      %dma_start3A_208 = arith.constant 0 : i32
      %dma_start3A_209 = tpu.memref_slice %arg6[%add3A_159, %dma_start3A_208] : memref<4096x200xf32, #tpu.memory_space<hbm>> -> memref<32x200xf32, #tpu.memory_space<hbm>>
      %dma_start3A_210 = arith.constant 0 : i32
      %dma_start3A_211 = tpu.memref_slice %arg6[%add3A_159, %dma_start3A_210] : memref<4096x200xf32, #tpu.memory_space<hbm>> -> memref<32x200xf32, #tpu.memory_space<hbm>>
      tpu.enqueue_dma source(%arg13 : memref<32x200xf32, #tpu.memory_space<vmem>>) target(%dma_start3A_211 : memref<32x200xf32, #tpu.memory_space<hbm>>) target_semaphore(%run_scoped3A : memref<!tpu.dma_semaphore, #tpu.memory_space<semaphore_mem>>)
      %dma_wait3A_212 = arith.constant 0 : i32
      %dma_wait3A_213 = tpu.memref_slice %arg6[%add3A_159, %dma_wait3A_212] : memref<4096x200xf32, #tpu.memory_space<hbm>> -> memref<32x200xf32, #tpu.memory_space<hbm>>
      %dma_wait3A_214 = arith.constant 0 : i32
      %dma_wait3A_215 = tpu.memref_slice %arg6[%add3A_159, %dma_wait3A_214] : memref<4096x200xf32, #tpu.memory_space<hbm>> -> memref<32x200xf32, #tpu.memory_space<hbm>>
      tpu.wait_dma2 semaphore(%run_scoped3A : memref<!tpu.dma_semaphore, #tpu.memory_space<semaphore_mem>>) src(%arg13 : memref<32x200xf32, #tpu.memory_space<vmem>>) dst(%dma_wait3A_215 : memref<32x200xf32, #tpu.memory_space<hbm>>)
      tpu.yield
    }) : () -> ()
    %dma_wait3A_160 = arith.constant 12800 : i32
    %dma_wait3A_161 = tpu.memref_slice %arg12[%dma_wait3A_160] : memref<25600xf32, #tpu.memory_space<vmem>> -> memref<6400xf32, #tpu.memory_space<vmem>>
    %dma_wait3A_162 = arith.constant 0 : i32
    %dma_wait3A_163 = tpu.memref_slice %arg4[%dma_wait3A_162] : memref<1000000xf32, #tpu.memory_space<hbm>> -> memref<6400xf32, #tpu.memory_space<hbm>>
    %dma_wait3A_164 = arith.constant 12800 : i32
    %dma_wait3A_165 = tpu.memref_slice %arg12[%dma_wait3A_164] : memref<25600xf32, #tpu.memory_space<vmem>> -> memref<6400xf32, #tpu.memory_space<vmem>>
    %dma_wait3A_166 = arith.constant 0 : i32
    %dma_wait3A_167 = tpu.memref_slice %arg4[%dma_wait3A_166] : memref<1000000xf32, #tpu.memory_space<hbm>> -> memref<6400xf32, #tpu.memory_space<hbm>>
    tpu.wait_dma2 semaphore(%arg15 : memref<!tpu.dma_semaphore, #tpu.memory_space<semaphore_mem>>) src(%dma_wait3A_167 : memref<6400xf32, #tpu.memory_space<hbm>>) dst(%dma_wait3A_165 : memref<6400xf32, #tpu.memory_space<vmem>>)
    %scan3A_168 = arith.constant 0 : i32
    %scan3A_169 = arith.constant 0 : i32
    %scan3A_170 = arith.constant 32 : i32
    %scan3A_171 = arith.addi %scan3A_169, %scan3A_170 : i32
    %scan3A_172 = arith.constant 1 : i32
    scf.for %scan3A_208 = %scan3A_169 to %scan3A_171 step %scan3A_172  : i32 {
      %add3A_209 = arith.constant 64 : i32
      %add3A_210 = arith.addi %add3A_209, %scan3A_208 : i32
      %mul3A_211 = arith.constant 200 : i32
      %mul3A_212 = arith.muli %add3A_210, %mul3A_211 : i32
      %add3A_213 = arith.constant 0 : i32
      %add3A_214 = arith.addi %mul3A_212, %add3A_213 : i32
      %get3A = arith.index_cast %add3A_214 : i32 to index
      %get3A_215 = tpu.vector_load %arg12[%get3A] {strides = array<i32>} : memref<25600xf32, #tpu.memory_space<vmem>>, vector<16xf32>,
      %swap3A = arith.index_cast %scan3A_208 : i32 to index
      %swap3A_216 = arith.constant 0 : index
      %swap3A_217 = tpu.vector_load %arg13[%swap3A, %swap3A_216] {strides = array<i32>} : memref<32x200xf32, #tpu.memory_space<vmem>>, vector<16xf32>,
      tpu.vector_store %arg13[%swap3A, %swap3A_216], %get3A_215 {strides = array<i32>} : memref<32x200xf32, #tpu.memory_space<vmem>>, vector<16xf32>,
      %add3A_218 = arith.constant 16 : i32
      %add3A_219 = arith.addi %mul3A_212, %add3A_218 : i32
      %get3A_220 = arith.index_cast %add3A_219 : i32 to index
      %get3A_221 = tpu.vector_load %arg12[%get3A_220] {strides = array<i32>} : memref<25600xf32, #tpu.memory_space<vmem>>, vector<16xf32>,
      %swap3A_222 = arith.index_cast %scan3A_208 : i32 to index
      %swap3A_223 = arith.constant 16 : index
      %swap3A_224 = tpu.vector_load %arg13[%swap3A_222, %swap3A_223] {strides = array<i32>} : memref<32x200xf32, #tpu.memory_space<vmem>>, vector<16xf32>,
      tpu.vector_store %arg13[%swap3A_222, %swap3A_223], %get3A_221 {strides = array<i32>} : memref<32x200xf32, #tpu.memory_space<vmem>>, vector<16xf32>,
      %add3A_225 = arith.constant 32 : i32
      %add3A_226 = arith.addi %mul3A_212, %add3A_225 : i32
      %get3A_227 = arith.index_cast %add3A_226 : i32 to index
      %get3A_228 = tpu.vector_load %arg12[%get3A_227] {strides = array<i32>} : memref<25600xf32, #tpu.memory_space<vmem>>, vector<16xf32>,
      %swap3A_229 = arith.index_cast %scan3A_208 : i32 to index
      %swap3A_230 = arith.constant 32 : index
      %swap3A_231 = tpu.vector_load %arg13[%swap3A_229, %swap3A_230] {strides = array<i32>} : memref<32x200xf32, #tpu.memory_space<vmem>>, vector<16xf32>,
      tpu.vector_store %arg13[%swap3A_229, %swap3A_230], %get3A_228 {strides = array<i32>} : memref<32x200xf32, #tpu.memory_space<vmem>>, vector<16xf32>,
      %add3A_232 = arith.constant 48 : i32
      %add3A_233 = arith.addi %mul3A_212, %add3A_232 : i32
      %get3A_234 = arith.index_cast %add3A_233 : i32 to index
      %get3A_235 = tpu.vector_load %arg12[%get3A_234] {strides = array<i32>} : memref<25600xf32, #tpu.memory_space<vmem>>, vector<16xf32>,
      %swap3A_236 = arith.index_cast %scan3A_208 : i32 to index
      %swap3A_237 = arith.constant 48 : index
      %swap3A_238 = tpu.vector_load %arg13[%swap3A_236, %swap3A_237] {strides = array<i32>} : memref<32x200xf32, #tpu.memory_space<vmem>>, vector<16xf32>,
      tpu.vector_store %arg13[%swap3A_236, %swap3A_237], %get3A_235 {strides = array<i32>} : memref<32x200xf32, #tpu.memory_space<vmem>>, vector<16xf32>,
      %add3A_239 = arith.constant 64 : i32
      %add3A_240 = arith.addi %mul3A_212, %add3A_239 : i32
      %get3A_241 = arith.index_cast %add3A_240 : i32 to index
      %get3A_242 = tpu.vector_load %arg12[%get3A_241] {strides = array<i32>} : memref<25600xf32, #tpu.memory_space<vmem>>, vector<16xf32>,
      %swap3A_243 = arith.index_cast %scan3A_208 : i32 to index
      %swap3A_244 = arith.constant 64 : index
      %swap3A_245 = tpu.vector_load %arg13[%swap3A_243, %swap3A_244] {strides = array<i32>} : memref<32x200xf32, #tpu.memory_space<vmem>>, vector<16xf32>,
      tpu.vector_store %arg13[%swap3A_243, %swap3A_244], %get3A_242 {strides = array<i32>} : memref<32x200xf32, #tpu.memory_space<vmem>>, vector<16xf32>,
      %add3A_246 = arith.constant 80 : i32
      %add3A_247 = arith.addi %mul3A_212, %add3A_246 : i32
      %get3A_248 = arith.index_cast %add3A_247 : i32 to index
      %get3A_249 = tpu.vector_load %arg12[%get3A_248] {strides = array<i32>} : memref<25600xf32, #tpu.memory_space<vmem>>, vector<16xf32>,
      %swap3A_250 = arith.index_cast %scan3A_208 : i32 to index
      %swap3A_251 = arith.constant 80 : index
      %swap3A_252 = tpu.vector_load %arg13[%swap3A_250, %swap3A_251] {strides = array<i32>} : memref<32x200xf32, #tpu.memory_space<vmem>>, vector<16xf32>,
      tpu.vector_store %arg13[%swap3A_250, %swap3A_251], %get3A_249 {strides = array<i32>} : memref<32x200xf32, #tpu.memory_space<vmem>>, vector<16xf32>,
      %add3A_253 = arith.constant 96 : i32
      %add3A_254 = arith.addi %mul3A_212, %add3A_253 : i32
      %get3A_255 = arith.index_cast %add3A_254 : i32 to index
      %get3A_256 = tpu.vector_load %arg12[%get3A_255] {strides = array<i32>} : memref<25600xf32, #tpu.memory_space<vmem>>, vector<16xf32>,
      %swap3A_257 = arith.index_cast %scan3A_208 : i32 to index
      %swap3A_258 = arith.constant 96 : index
      %swap3A_259 = tpu.vector_load %arg13[%swap3A_257, %swap3A_258] {strides = array<i32>} : memref<32x200xf32, #tpu.memory_space<vmem>>, vector<16xf32>,
      tpu.vector_store %arg13[%swap3A_257, %swap3A_258], %get3A_256 {strides = array<i32>} : memref<32x200xf32, #tpu.memory_space<vmem>>, vector<16xf32>,
      %add3A_260 = arith.constant 112 : i32
      %add3A_261 = arith.addi %mul3A_212, %add3A_260 : i32
      %get3A_262 = arith.index_cast %add3A_261 : i32 to index
      %get3A_263 = tpu.vector_load %arg12[%get3A_262] {strides = array<i32>} : memref<25600xf32, #tpu.memory_space<vmem>>, vector<16xf32>,
      %swap3A_264 = arith.index_cast %scan3A_208 : i32 to index
      %swap3A_265 = arith.constant 112 : index
      %swap3A_266 = tpu.vector_load %arg13[%swap3A_264, %swap3A_265] {strides = array<i32>} : memref<32x200xf32, #tpu.memory_space<vmem>>, vector<16xf32>,
      tpu.vector_store %arg13[%swap3A_264, %swap3A_265], %get3A_263 {strides = array<i32>} : memref<32x200xf32, #tpu.memory_space<vmem>>, vector<16xf32>,
      %add3A_267 = arith.constant 128 : i32
      %add3A_268 = arith.addi %mul3A_212, %add3A_267 : i32
      %get3A_269 = arith.index_cast %add3A_268 : i32 to index
      %get3A_270 = tpu.vector_load %arg12[%get3A_269] {strides = array<i32>} : memref<25600xf32, #tpu.memory_space<vmem>>, vector<16xf32>,
      %swap3A_271 = arith.index_cast %scan3A_208 : i32 to index
      %swap3A_272 = arith.constant 128 : index
      %swap3A_273 = tpu.vector_load %arg13[%swap3A_271, %swap3A_272] {strides = array<i32>} : memref<32x200xf32, #tpu.memory_space<vmem>>, vector<16xf32>,
      tpu.vector_store %arg13[%swap3A_271, %swap3A_272], %get3A_270 {strides = array<i32>} : memref<32x200xf32, #tpu.memory_space<vmem>>, vector<16xf32>,
      %add3A_274 = arith.constant 144 : i32
      %add3A_275 = arith.addi %mul3A_212, %add3A_274 : i32
      %get3A_276 = arith.index_cast %add3A_275 : i32 to index
      %get3A_277 = tpu.vector_load %arg12[%get3A_276] {strides = array<i32>} : memref<25600xf32, #tpu.memory_space<vmem>>, vector<16xf32>,
      %swap3A_278 = arith.index_cast %scan3A_208 : i32 to index
      %swap3A_279 = arith.constant 144 : index
      %swap3A_280 = tpu.vector_load %arg13[%swap3A_278, %swap3A_279] {strides = array<i32>} : memref<32x200xf32, #tpu.memory_space<vmem>>, vector<16xf32>,
      tpu.vector_store %arg13[%swap3A_278, %swap3A_279], %get3A_277 {strides = array<i32>} : memref<32x200xf32, #tpu.memory_space<vmem>>, vector<16xf32>,
      %add3A_281 = arith.constant 160 : i32
      %add3A_282 = arith.addi %mul3A_212, %add3A_281 : i32
      %get3A_283 = arith.index_cast %add3A_282 : i32 to index
      %get3A_284 = tpu.vector_load %arg12[%get3A_283] {strides = array<i32>} : memref<25600xf32, #tpu.memory_space<vmem>>, vector<16xf32>,
      %swap3A_285 = arith.index_cast %scan3A_208 : i32 to index
      %swap3A_286 = arith.constant 160 : index
      %swap3A_287 = tpu.vector_load %arg13[%swap3A_285, %swap3A_286] {strides = array<i32>} : memref<32x200xf32, #tpu.memory_space<vmem>>, vector<16xf32>,
      tpu.vector_store %arg13[%swap3A_285, %swap3A_286], %get3A_284 {strides = array<i32>} : memref<32x200xf32, #tpu.memory_space<vmem>>, vector<16xf32>,
      %add3A_288 = arith.constant 176 : i32
      %add3A_289 = arith.addi %mul3A_212, %add3A_288 : i32
      %get3A_290 = arith.index_cast %add3A_289 : i32 to index
      %get3A_291 = tpu.vector_load %arg12[%get3A_290] {strides = array<i32>} : memref<25600xf32, #tpu.memory_space<vmem>>, vector<16xf32>,
      %swap3A_292 = arith.index_cast %scan3A_208 : i32 to index
      %swap3A_293 = arith.constant 176 : index
      %swap3A_294 = tpu.vector_load %arg13[%swap3A_292, %swap3A_293] {strides = array<i32>} : memref<32x200xf32, #tpu.memory_space<vmem>>, vector<16xf32>,
      tpu.vector_store %arg13[%swap3A_292, %swap3A_293], %get3A_291 {strides = array<i32>} : memref<32x200xf32, #tpu.memory_space<vmem>>, vector<16xf32>,
      %broadcast_in_dim3A = vector.broadcast %scan3A_208 : i32 to vector<16xi32>
      %iota3A = tpu.iota {dimensions = array<i32: 0>} : vector<16xi32>
      %add3A_295 = arith.constant 184 : i32
      %add3A_296 = vector.broadcast %add3A_295 : i32 to vector<16xi32>
      %add3A_297 = arith.addi %add3A_296, %iota3A : vector<16xi32>
      %add3A_298 = arith.constant 184 : i32
      %add3A_299 = arith.addi %mul3A_212, %add3A_298 : i32
      %get3A_300 = arith.index_cast %add3A_299 : i32 to index
      %get3A_301 = tpu.vector_load %arg12[%get3A_300] {strides = array<i32>} : memref<25600xf32, #tpu.memory_space<vmem>>, vector<16xf32>,
      tpu.vector_store_idx %arg13[%broadcast_in_dim3A, %add3A_297], %get3A_301 : memref<32x200xf32, #tpu.memory_space<vmem>>[vector<16xi32>, vector<16xi32>], vector<16xf32>,
    }
    %scan3A_173 = arith.constant 32 : i32
    %add3A_174 = arith.constant 64 : i32
    %add3A_175 = arith.addi %mul3A_2, %add3A_174 : i32
    "tpu.region"() ({
      %run_scoped3A = tpu.sem_alloc : memref<!tpu.dma_semaphore, #tpu.memory_space<semaphore_mem>>
      %dma_start3A_208 = arith.constant 0 : i32
      %dma_start3A_209 = tpu.memref_slice %arg7[%add3A_175, %dma_start3A_208] : memref<4096x200xf32, #tpu.memory_space<hbm>> -> memref<32x200xf32, #tpu.memory_space<hbm>>
      %dma_start3A_210 = arith.constant 0 : i32
      %dma_start3A_211 = tpu.memref_slice %arg7[%add3A_175, %dma_start3A_210] : memref<4096x200xf32, #tpu.memory_space<hbm>> -> memref<32x200xf32, #tpu.memory_space<hbm>>
      tpu.enqueue_dma source(%arg13 : memref<32x200xf32, #tpu.memory_space<vmem>>) target(%dma_start3A_211 : memref<32x200xf32, #tpu.memory_space<hbm>>) target_semaphore(%run_scoped3A : memref<!tpu.dma_semaphore, #tpu.memory_space<semaphore_mem>>)
      %dma_wait3A_212 = arith.constant 0 : i32
      %dma_wait3A_213 = tpu.memref_slice %arg7[%add3A_175, %dma_wait3A_212] : memref<4096x200xf32, #tpu.memory_space<hbm>> -> memref<32x200xf32, #tpu.memory_space<hbm>>
      %dma_wait3A_214 = arith.constant 0 : i32
      %dma_wait3A_215 = tpu.memref_slice %arg7[%add3A_175, %dma_wait3A_214] : memref<4096x200xf32, #tpu.memory_space<hbm>> -> memref<32x200xf32, #tpu.memory_space<hbm>>
      tpu.wait_dma2 semaphore(%run_scoped3A : memref<!tpu.dma_semaphore, #tpu.memory_space<semaphore_mem>>) src(%arg13 : memref<32x200xf32, #tpu.memory_space<vmem>>) dst(%dma_wait3A_215 : memref<32x200xf32, #tpu.memory_space<hbm>>)
      tpu.yield
    }) : () -> ()
    %dma_wait3A_176 = arith.constant 19200 : i32
    %dma_wait3A_177 = tpu.memref_slice %arg11[%dma_wait3A_176] : memref<25600xf32, #tpu.memory_space<vmem>> -> memref<6400xf32, #tpu.memory_space<vmem>>
    %dma_wait3A_178 = arith.constant 0 : i32
    %dma_wait3A_179 = tpu.memref_slice %arg4[%dma_wait3A_178] : memref<1000000xf32, #tpu.memory_space<hbm>> -> memref<6400xf32, #tpu.memory_space<hbm>>
    %dma_wait3A_180 = arith.constant 19200 : i32
    %dma_wait3A_181 = tpu.memref_slice %arg11[%dma_wait3A_180] : memref<25600xf32, #tpu.memory_space<vmem>> -> memref<6400xf32, #tpu.memory_space<vmem>>
    %dma_wait3A_182 = arith.constant 0 : i32
    %dma_wait3A_183 = tpu.memref_slice %arg4[%dma_wait3A_182] : memref<1000000xf32, #tpu.memory_space<hbm>> -> memref<6400xf32, #tpu.memory_space<hbm>>
    tpu.wait_dma2 semaphore(%arg14 : memref<!tpu.dma_semaphore, #tpu.memory_space<semaphore_mem>>) src(%dma_wait3A_183 : memref<6400xf32, #tpu.memory_space<hbm>>) dst(%dma_wait3A_181 : memref<6400xf32, #tpu.memory_space<vmem>>)
    %scan3A_184 = arith.constant 0 : i32
    %scan3A_185 = arith.constant 0 : i32
    %scan3A_186 = arith.constant 32 : i32
    %scan3A_187 = arith.addi %scan3A_185, %scan3A_186 : i32
    %scan3A_188 = arith.constant 1 : i32
    scf.for %scan3A_208 = %scan3A_185 to %scan3A_187 step %scan3A_188  : i32 {
      %add3A_209 = arith.constant 96 : i32
      %add3A_210 = arith.addi %add3A_209, %scan3A_208 : i32
      %mul3A_211 = arith.constant 200 : i32
      %mul3A_212 = arith.muli %add3A_210, %mul3A_211 : i32
      %add3A_213 = arith.constant 0 : i32
      %add3A_214 = arith.addi %mul3A_212, %add3A_213 : i32
      %get3A = arith.index_cast %add3A_214 : i32 to index
      %get3A_215 = tpu.vector_load %arg11[%get3A] {strides = array<i32>} : memref<25600xf32, #tpu.memory_space<vmem>>, vector<16xf32>,
      %swap3A = arith.index_cast %scan3A_208 : i32 to index
      %swap3A_216 = arith.constant 0 : index
      %swap3A_217 = tpu.vector_load %arg13[%swap3A, %swap3A_216] {strides = array<i32>} : memref<32x200xf32, #tpu.memory_space<vmem>>, vector<16xf32>,
      tpu.vector_store %arg13[%swap3A, %swap3A_216], %get3A_215 {strides = array<i32>} : memref<32x200xf32, #tpu.memory_space<vmem>>, vector<16xf32>,
      %add3A_218 = arith.constant 16 : i32
      %add3A_219 = arith.addi %mul3A_212, %add3A_218 : i32
      %get3A_220 = arith.index_cast %add3A_219 : i32 to index
      %get3A_221 = tpu.vector_load %arg11[%get3A_220] {strides = array<i32>} : memref<25600xf32, #tpu.memory_space<vmem>>, vector<16xf32>,
      %swap3A_222 = arith.index_cast %scan3A_208 : i32 to index
      %swap3A_223 = arith.constant 16 : index
      %swap3A_224 = tpu.vector_load %arg13[%swap3A_222, %swap3A_223] {strides = array<i32>} : memref<32x200xf32, #tpu.memory_space<vmem>>, vector<16xf32>,
      tpu.vector_store %arg13[%swap3A_222, %swap3A_223], %get3A_221 {strides = array<i32>} : memref<32x200xf32, #tpu.memory_space<vmem>>, vector<16xf32>,
      %add3A_225 = arith.constant 32 : i32
      %add3A_226 = arith.addi %mul3A_212, %add3A_225 : i32
      %get3A_227 = arith.index_cast %add3A_226 : i32 to index
      %get3A_228 = tpu.vector_load %arg11[%get3A_227] {strides = array<i32>} : memref<25600xf32, #tpu.memory_space<vmem>>, vector<16xf32>,
      %swap3A_229 = arith.index_cast %scan3A_208 : i32 to index
      %swap3A_230 = arith.constant 32 : index
      %swap3A_231 = tpu.vector_load %arg13[%swap3A_229, %swap3A_230] {strides = array<i32>} : memref<32x200xf32, #tpu.memory_space<vmem>>, vector<16xf32>,
      tpu.vector_store %arg13[%swap3A_229, %swap3A_230], %get3A_228 {strides = array<i32>} : memref<32x200xf32, #tpu.memory_space<vmem>>, vector<16xf32>,
      %add3A_232 = arith.constant 48 : i32
      %add3A_233 = arith.addi %mul3A_212, %add3A_232 : i32
      %get3A_234 = arith.index_cast %add3A_233 : i32 to index
      %get3A_235 = tpu.vector_load %arg11[%get3A_234] {strides = array<i32>} : memref<25600xf32, #tpu.memory_space<vmem>>, vector<16xf32>,
      %swap3A_236 = arith.index_cast %scan3A_208 : i32 to index
      %swap3A_237 = arith.constant 48 : index
      %swap3A_238 = tpu.vector_load %arg13[%swap3A_236, %swap3A_237] {strides = array<i32>} : memref<32x200xf32, #tpu.memory_space<vmem>>, vector<16xf32>,
      tpu.vector_store %arg13[%swap3A_236, %swap3A_237], %get3A_235 {strides = array<i32>} : memref<32x200xf32, #tpu.memory_space<vmem>>, vector<16xf32>,
      %add3A_239 = arith.constant 64 : i32
      %add3A_240 = arith.addi %mul3A_212, %add3A_239 : i32
      %get3A_241 = arith.index_cast %add3A_240 : i32 to index
      %get3A_242 = tpu.vector_load %arg11[%get3A_241] {strides = array<i32>} : memref<25600xf32, #tpu.memory_space<vmem>>, vector<16xf32>,
      %swap3A_243 = arith.index_cast %scan3A_208 : i32 to index
      %swap3A_244 = arith.constant 64 : index
      %swap3A_245 = tpu.vector_load %arg13[%swap3A_243, %swap3A_244] {strides = array<i32>} : memref<32x200xf32, #tpu.memory_space<vmem>>, vector<16xf32>,
      tpu.vector_store %arg13[%swap3A_243, %swap3A_244], %get3A_242 {strides = array<i32>} : memref<32x200xf32, #tpu.memory_space<vmem>>, vector<16xf32>,
      %add3A_246 = arith.constant 80 : i32
      %add3A_247 = arith.addi %mul3A_212, %add3A_246 : i32
      %get3A_248 = arith.index_cast %add3A_247 : i32 to index
      %get3A_249 = tpu.vector_load %arg11[%get3A_248] {strides = array<i32>} : memref<25600xf32, #tpu.memory_space<vmem>>, vector<16xf32>,
      %swap3A_250 = arith.index_cast %scan3A_208 : i32 to index
      %swap3A_251 = arith.constant 80 : index
      %swap3A_252 = tpu.vector_load %arg13[%swap3A_250, %swap3A_251] {strides = array<i32>} : memref<32x200xf32, #tpu.memory_space<vmem>>, vector<16xf32>,
      tpu.vector_store %arg13[%swap3A_250, %swap3A_251], %get3A_249 {strides = array<i32>} : memref<32x200xf32, #tpu.memory_space<vmem>>, vector<16xf32>,
      %add3A_253 = arith.constant 96 : i32
      %add3A_254 = arith.addi %mul3A_212, %add3A_253 : i32
      %get3A_255 = arith.index_cast %add3A_254 : i32 to index
      %get3A_256 = tpu.vector_load %arg11[%get3A_255] {strides = array<i32>} : memref<25600xf32, #tpu.memory_space<vmem>>, vector<16xf32>,
      %swap3A_257 = arith.index_cast %scan3A_208 : i32 to index
      %swap3A_258 = arith.constant 96 : index
      %swap3A_259 = tpu.vector_load %arg13[%swap3A_257, %swap3A_258] {strides = array<i32>} : memref<32x200xf32, #tpu.memory_space<vmem>>, vector<16xf32>,
      tpu.vector_store %arg13[%swap3A_257, %swap3A_258], %get3A_256 {strides = array<i32>} : memref<32x200xf32, #tpu.memory_space<vmem>>, vector<16xf32>,
      %add3A_260 = arith.constant 112 : i32
      %add3A_261 = arith.addi %mul3A_212, %add3A_260 : i32
      %get3A_262 = arith.index_cast %add3A_261 : i32 to index
      %get3A_263 = tpu.vector_load %arg11[%get3A_262] {strides = array<i32>} : memref<25600xf32, #tpu.memory_space<vmem>>, vector<16xf32>,
      %swap3A_264 = arith.index_cast %scan3A_208 : i32 to index
      %swap3A_265 = arith.constant 112 : index
      %swap3A_266 = tpu.vector_load %arg13[%swap3A_264, %swap3A_265] {strides = array<i32>} : memref<32x200xf32, #tpu.memory_space<vmem>>, vector<16xf32>,
      tpu.vector_store %arg13[%swap3A_264, %swap3A_265], %get3A_263 {strides = array<i32>} : memref<32x200xf32, #tpu.memory_space<vmem>>, vector<16xf32>,
      %add3A_267 = arith.constant 128 : i32
      %add3A_268 = arith.addi %mul3A_212, %add3A_267 : i32
      %get3A_269 = arith.index_cast %add3A_268 : i32 to index
      %get3A_270 = tpu.vector_load %arg11[%get3A_269] {strides = array<i32>} : memref<25600xf32, #tpu.memory_space<vmem>>, vector<16xf32>,
      %swap3A_271 = arith.index_cast %scan3A_208 : i32 to index
      %swap3A_272 = arith.constant 128 : index
      %swap3A_273 = tpu.vector_load %arg13[%swap3A_271, %swap3A_272] {strides = array<i32>} : memref<32x200xf32, #tpu.memory_space<vmem>>, vector<16xf32>,
      tpu.vector_store %arg13[%swap3A_271, %swap3A_272], %get3A_270 {strides = array<i32>} : memref<32x200xf32, #tpu.memory_space<vmem>>, vector<16xf32>,
      %add3A_274 = arith.constant 144 : i32
      %add3A_275 = arith.addi %mul3A_212, %add3A_274 : i32
      %get3A_276 = arith.index_cast %add3A_275 : i32 to index
      %get3A_277 = tpu.vector_load %arg11[%get3A_276] {strides = array<i32>} : memref<25600xf32, #tpu.memory_space<vmem>>, vector<16xf32>,
      %swap3A_278 = arith.index_cast %scan3A_208 : i32 to index
      %swap3A_279 = arith.constant 144 : index
      %swap3A_280 = tpu.vector_load %arg13[%swap3A_278, %swap3A_279] {strides = array<i32>} : memref<32x200xf32, #tpu.memory_space<vmem>>, vector<16xf32>,
      tpu.vector_store %arg13[%swap3A_278, %swap3A_279], %get3A_277 {strides = array<i32>} : memref<32x200xf32, #tpu.memory_space<vmem>>, vector<16xf32>,
      %add3A_281 = arith.constant 160 : i32
      %add3A_282 = arith.addi %mul3A_212, %add3A_281 : i32
      %get3A_283 = arith.index_cast %add3A_282 : i32 to index
      %get3A_284 = tpu.vector_load %arg11[%get3A_283] {strides = array<i32>} : memref<25600xf32, #tpu.memory_space<vmem>>, vector<16xf32>,
      %swap3A_285 = arith.index_cast %scan3A_208 : i32 to index
      %swap3A_286 = arith.constant 160 : index
      %swap3A_287 = tpu.vector_load %arg13[%swap3A_285, %swap3A_286] {strides = array<i32>} : memref<32x200xf32, #tpu.memory_space<vmem>>, vector<16xf32>,
      tpu.vector_store %arg13[%swap3A_285, %swap3A_286], %get3A_284 {strides = array<i32>} : memref<32x200xf32, #tpu.memory_space<vmem>>, vector<16xf32>,
      %add3A_288 = arith.constant 176 : i32
      %add3A_289 = arith.addi %mul3A_212, %add3A_288 : i32
      %get3A_290 = arith.index_cast %add3A_289 : i32 to index
      %get3A_291 = tpu.vector_load %arg11[%get3A_290] {strides = array<i32>} : memref<25600xf32, #tpu.memory_space<vmem>>, vector<16xf32>,
      %swap3A_292 = arith.index_cast %scan3A_208 : i32 to index
      %swap3A_293 = arith.constant 176 : index
      %swap3A_294 = tpu.vector_load %arg13[%swap3A_292, %swap3A_293] {strides = array<i32>} : memref<32x200xf32, #tpu.memory_space<vmem>>, vector<16xf32>,
      tpu.vector_store %arg13[%swap3A_292, %swap3A_293], %get3A_291 {strides = array<i32>} : memref<32x200xf32, #tpu.memory_space<vmem>>, vector<16xf32>,
      %broadcast_in_dim3A = vector.broadcast %scan3A_208 : i32 to vector<16xi32>
      %iota3A = tpu.iota {dimensions = array<i32: 0>} : vector<16xi32>
      %add3A_295 = arith.constant 184 : i32
      %add3A_296 = vector.broadcast %add3A_295 : i32 to vector<16xi32>
      %add3A_297 = arith.addi %add3A_296, %iota3A : vector<16xi32>
      %add3A_298 = arith.constant 184 : i32
      %add3A_299 = arith.addi %mul3A_212, %add3A_298 : i32
      %get3A_300 = arith.index_cast %add3A_299 : i32 to index
      %get3A_301 = tpu.vector_load %arg11[%get3A_300] {strides = array<i32>} : memref<25600xf32, #tpu.memory_space<vmem>>, vector<16xf32>,
      tpu.vector_store_idx %arg13[%broadcast_in_dim3A, %add3A_297], %get3A_301 : memref<32x200xf32, #tpu.memory_space<vmem>>[vector<16xi32>, vector<16xi32>], vector<16xf32>,
    }
    %scan3A_189 = arith.constant 32 : i32
    %add3A_190 = arith.constant 96 : i32
    %add3A_191 = arith.addi %mul3A_2, %add3A_190 : i32
    "tpu.region"() ({
      %run_scoped3A = tpu.sem_alloc : memref<!tpu.dma_semaphore, #tpu.memory_space<semaphore_mem>>
      %dma_start3A_208 = arith.constant 0 : i32
      %dma_start3A_209 = tpu.memref_slice %arg6[%add3A_191, %dma_start3A_208] : memref<4096x200xf32, #tpu.memory_space<hbm>> -> memref<32x200xf32, #tpu.memory_space<hbm>>
      %dma_start3A_210 = arith.constant 0 : i32
      %dma_start3A_211 = tpu.memref_slice %arg6[%add3A_191, %dma_start3A_210] : memref<4096x200xf32, #tpu.memory_space<hbm>> -> memref<32x200xf32, #tpu.memory_space<hbm>>
      tpu.enqueue_dma source(%arg13 : memref<32x200xf32, #tpu.memory_space<vmem>>) target(%dma_start3A_211 : memref<32x200xf32, #tpu.memory_space<hbm>>) target_semaphore(%run_scoped3A : memref<!tpu.dma_semaphore, #tpu.memory_space<semaphore_mem>>)
      %dma_wait3A_212 = arith.constant 0 : i32
      %dma_wait3A_213 = tpu.memref_slice %arg6[%add3A_191, %dma_wait3A_212] : memref<4096x200xf32, #tpu.memory_space<hbm>> -> memref<32x200xf32, #tpu.memory_space<hbm>>
      %dma_wait3A_214 = arith.constant 0 : i32
      %dma_wait3A_215 = tpu.memref_slice %arg6[%add3A_191, %dma_wait3A_214] : memref<4096x200xf32, #tpu.memory_space<hbm>> -> memref<32x200xf32, #tpu.memory_space<hbm>>
      tpu.wait_dma2 semaphore(%run_scoped3A : memref<!tpu.dma_semaphore, #tpu.memory_space<semaphore_mem>>) src(%arg13 : memref<32x200xf32, #tpu.memory_space<vmem>>) dst(%dma_wait3A_215 : memref<32x200xf32, #tpu.memory_space<hbm>>)
      tpu.yield
    }) : () -> ()
    %dma_wait3A_192 = arith.constant 19200 : i32
    %dma_wait3A_193 = tpu.memref_slice %arg12[%dma_wait3A_192] : memref<25600xf32, #tpu.memory_space<vmem>> -> memref<6400xf32, #tpu.memory_space<vmem>>
    %dma_wait3A_194 = arith.constant 0 : i32
    %dma_wait3A_195 = tpu.memref_slice %arg4[%dma_wait3A_194] : memref<1000000xf32, #tpu.memory_space<hbm>> -> memref<6400xf32, #tpu.memory_space<hbm>>
    %dma_wait3A_196 = arith.constant 19200 : i32
    %dma_wait3A_197 = tpu.memref_slice %arg12[%dma_wait3A_196] : memref<25600xf32, #tpu.memory_space<vmem>> -> memref<6400xf32, #tpu.memory_space<vmem>>
    %dma_wait3A_198 = arith.constant 0 : i32
    %dma_wait3A_199 = tpu.memref_slice %arg4[%dma_wait3A_198] : memref<1000000xf32, #tpu.memory_space<hbm>> -> memref<6400xf32, #tpu.memory_space<hbm>>
    tpu.wait_dma2 semaphore(%arg15 : memref<!tpu.dma_semaphore, #tpu.memory_space<semaphore_mem>>) src(%dma_wait3A_199 : memref<6400xf32, #tpu.memory_space<hbm>>) dst(%dma_wait3A_197 : memref<6400xf32, #tpu.memory_space<vmem>>)
    %scan3A_200 = arith.constant 0 : i32
    %scan3A_201 = arith.constant 0 : i32
    %scan3A_202 = arith.constant 32 : i32
    %scan3A_203 = arith.addi %scan3A_201, %scan3A_202 : i32
    %scan3A_204 = arith.constant 1 : i32
    scf.for %scan3A_208 = %scan3A_201 to %scan3A_203 step %scan3A_204  : i32 {
      %add3A_209 = arith.constant 96 : i32
      %add3A_210 = arith.addi %add3A_209, %scan3A_208 : i32
      %mul3A_211 = arith.constant 200 : i32
      %mul3A_212 = arith.muli %add3A_210, %mul3A_211 : i32
      %add3A_213 = arith.constant 0 : i32
      %add3A_214 = arith.addi %mul3A_212, %add3A_213 : i32
      %get3A = arith.index_cast %add3A_214 : i32 to index
      %get3A_215 = tpu.vector_load %arg12[%get3A] {strides = array<i32>} : memref<25600xf32, #tpu.memory_space<vmem>>, vector<16xf32>,
      %swap3A = arith.index_cast %scan3A_208 : i32 to index
      %swap3A_216 = arith.constant 0 : index
      %swap3A_217 = tpu.vector_load %arg13[%swap3A, %swap3A_216] {strides = array<i32>} : memref<32x200xf32, #tpu.memory_space<vmem>>, vector<16xf32>,
      tpu.vector_store %arg13[%swap3A, %swap3A_216], %get3A_215 {strides = array<i32>} : memref<32x200xf32, #tpu.memory_space<vmem>>, vector<16xf32>,
      %add3A_218 = arith.constant 16 : i32
      %add3A_219 = arith.addi %mul3A_212, %add3A_218 : i32
      %get3A_220 = arith.index_cast %add3A_219 : i32 to index
      %get3A_221 = tpu.vector_load %arg12[%get3A_220] {strides = array<i32>} : memref<25600xf32, #tpu.memory_space<vmem>>, vector<16xf32>,
      %swap3A_222 = arith.index_cast %scan3A_208 : i32 to index
      %swap3A_223 = arith.constant 16 : index
      %swap3A_224 = tpu.vector_load %arg13[%swap3A_222, %swap3A_223] {strides = array<i32>} : memref<32x200xf32, #tpu.memory_space<vmem>>, vector<16xf32>,
      tpu.vector_store %arg13[%swap3A_222, %swap3A_223], %get3A_221 {strides = array<i32>} : memref<32x200xf32, #tpu.memory_space<vmem>>, vector<16xf32>,
      %add3A_225 = arith.constant 32 : i32
      %add3A_226 = arith.addi %mul3A_212, %add3A_225 : i32
      %get3A_227 = arith.index_cast %add3A_226 : i32 to index
      %get3A_228 = tpu.vector_load %arg12[%get3A_227] {strides = array<i32>} : memref<25600xf32, #tpu.memory_space<vmem>>, vector<16xf32>,
      %swap3A_229 = arith.index_cast %scan3A_208 : i32 to index
      %swap3A_230 = arith.constant 32 : index
      %swap3A_231 = tpu.vector_load %arg13[%swap3A_229, %swap3A_230] {strides = array<i32>} : memref<32x200xf32, #tpu.memory_space<vmem>>, vector<16xf32>,
      tpu.vector_store %arg13[%swap3A_229, %swap3A_230], %get3A_228 {strides = array<i32>} : memref<32x200xf32, #tpu.memory_space<vmem>>, vector<16xf32>,
      %add3A_232 = arith.constant 48 : i32
      %add3A_233 = arith.addi %mul3A_212, %add3A_232 : i32
      %get3A_234 = arith.index_cast %add3A_233 : i32 to index
      %get3A_235 = tpu.vector_load %arg12[%get3A_234] {strides = array<i32>} : memref<25600xf32, #tpu.memory_space<vmem>>, vector<16xf32>,
      %swap3A_236 = arith.index_cast %scan3A_208 : i32 to index
      %swap3A_237 = arith.constant 48 : index
      %swap3A_238 = tpu.vector_load %arg13[%swap3A_236, %swap3A_237] {strides = array<i32>} : memref<32x200xf32, #tpu.memory_space<vmem>>, vector<16xf32>,
      tpu.vector_store %arg13[%swap3A_236, %swap3A_237], %get3A_235 {strides = array<i32>} : memref<32x200xf32, #tpu.memory_space<vmem>>, vector<16xf32>,
      %add3A_239 = arith.constant 64 : i32
      %add3A_240 = arith.addi %mul3A_212, %add3A_239 : i32
      %get3A_241 = arith.index_cast %add3A_240 : i32 to index
      %get3A_242 = tpu.vector_load %arg12[%get3A_241] {strides = array<i32>} : memref<25600xf32, #tpu.memory_space<vmem>>, vector<16xf32>,
      %swap3A_243 = arith.index_cast %scan3A_208 : i32 to index
      %swap3A_244 = arith.constant 64 : index
      %swap3A_245 = tpu.vector_load %arg13[%swap3A_243, %swap3A_244] {strides = array<i32>} : memref<32x200xf32, #tpu.memory_space<vmem>>, vector<16xf32>,
      tpu.vector_store %arg13[%swap3A_243, %swap3A_244], %get3A_242 {strides = array<i32>} : memref<32x200xf32, #tpu.memory_space<vmem>>, vector<16xf32>,
      %add3A_246 = arith.constant 80 : i32
      %add3A_247 = arith.addi %mul3A_212, %add3A_246 : i32
      %get3A_248 = arith.index_cast %add3A_247 : i32 to index
      %get3A_249 = tpu.vector_load %arg12[%get3A_248] {strides = array<i32>} : memref<25600xf32, #tpu.memory_space<vmem>>, vector<16xf32>,
      %swap3A_250 = arith.index_cast %scan3A_208 : i32 to index
      %swap3A_251 = arith.constant 80 : index
      %swap3A_252 = tpu.vector_load %arg13[%swap3A_250, %swap3A_251] {strides = array<i32>} : memref<32x200xf32, #tpu.memory_space<vmem>>, vector<16xf32>,
      tpu.vector_store %arg13[%swap3A_250, %swap3A_251], %get3A_249 {strides = array<i32>} : memref<32x200xf32, #tpu.memory_space<vmem>>, vector<16xf32>,
      %add3A_253 = arith.constant 96 : i32
      %add3A_254 = arith.addi %mul3A_212, %add3A_253 : i32
      %get3A_255 = arith.index_cast %add3A_254 : i32 to index
      %get3A_256 = tpu.vector_load %arg12[%get3A_255] {strides = array<i32>} : memref<25600xf32, #tpu.memory_space<vmem>>, vector<16xf32>,
      %swap3A_257 = arith.index_cast %scan3A_208 : i32 to index
      %swap3A_258 = arith.constant 96 : index
      %swap3A_259 = tpu.vector_load %arg13[%swap3A_257, %swap3A_258] {strides = array<i32>} : memref<32x200xf32, #tpu.memory_space<vmem>>, vector<16xf32>,
      tpu.vector_store %arg13[%swap3A_257, %swap3A_258], %get3A_256 {strides = array<i32>} : memref<32x200xf32, #tpu.memory_space<vmem>>, vector<16xf32>,
      %add3A_260 = arith.constant 112 : i32
      %add3A_261 = arith.addi %mul3A_212, %add3A_260 : i32
      %get3A_262 = arith.index_cast %add3A_261 : i32 to index
      %get3A_263 = tpu.vector_load %arg12[%get3A_262] {strides = array<i32>} : memref<25600xf32, #tpu.memory_space<vmem>>, vector<16xf32>,
      %swap3A_264 = arith.index_cast %scan3A_208 : i32 to index
      %swap3A_265 = arith.constant 112 : index
      %swap3A_266 = tpu.vector_load %arg13[%swap3A_264, %swap3A_265] {strides = array<i32>} : memref<32x200xf32, #tpu.memory_space<vmem>>, vector<16xf32>,
      tpu.vector_store %arg13[%swap3A_264, %swap3A_265], %get3A_263 {strides = array<i32>} : memref<32x200xf32, #tpu.memory_space<vmem>>, vector<16xf32>,
      %add3A_267 = arith.constant 128 : i32
      %add3A_268 = arith.addi %mul3A_212, %add3A_267 : i32
      %get3A_269 = arith.index_cast %add3A_268 : i32 to index
      %get3A_270 = tpu.vector_load %arg12[%get3A_269] {strides = array<i32>} : memref<25600xf32, #tpu.memory_space<vmem>>, vector<16xf32>,
      %swap3A_271 = arith.index_cast %scan3A_208 : i32 to index
      %swap3A_272 = arith.constant 128 : index
      %swap3A_273 = tpu.vector_load %arg13[%swap3A_271, %swap3A_272] {strides = array<i32>} : memref<32x200xf32, #tpu.memory_space<vmem>>, vector<16xf32>,
      tpu.vector_store %arg13[%swap3A_271, %swap3A_272], %get3A_270 {strides = array<i32>} : memref<32x200xf32, #tpu.memory_space<vmem>>, vector<16xf32>,
      %add3A_274 = arith.constant 144 : i32
      %add3A_275 = arith.addi %mul3A_212, %add3A_274 : i32
      %get3A_276 = arith.index_cast %add3A_275 : i32 to index
      %get3A_277 = tpu.vector_load %arg12[%get3A_276] {strides = array<i32>} : memref<25600xf32, #tpu.memory_space<vmem>>, vector<16xf32>,
      %swap3A_278 = arith.index_cast %scan3A_208 : i32 to index
      %swap3A_279 = arith.constant 144 : index
      %swap3A_280 = tpu.vector_load %arg13[%swap3A_278, %swap3A_279] {strides = array<i32>} : memref<32x200xf32, #tpu.memory_space<vmem>>, vector<16xf32>,
      tpu.vector_store %arg13[%swap3A_278, %swap3A_279], %get3A_277 {strides = array<i32>} : memref<32x200xf32, #tpu.memory_space<vmem>>, vector<16xf32>,
      %add3A_281 = arith.constant 160 : i32
      %add3A_282 = arith.addi %mul3A_212, %add3A_281 : i32
      %get3A_283 = arith.index_cast %add3A_282 : i32 to index
      %get3A_284 = tpu.vector_load %arg12[%get3A_283] {strides = array<i32>} : memref<25600xf32, #tpu.memory_space<vmem>>, vector<16xf32>,
      %swap3A_285 = arith.index_cast %scan3A_208 : i32 to index
      %swap3A_286 = arith.constant 160 : index
      %swap3A_287 = tpu.vector_load %arg13[%swap3A_285, %swap3A_286] {strides = array<i32>} : memref<32x200xf32, #tpu.memory_space<vmem>>, vector<16xf32>,
      tpu.vector_store %arg13[%swap3A_285, %swap3A_286], %get3A_284 {strides = array<i32>} : memref<32x200xf32, #tpu.memory_space<vmem>>, vector<16xf32>,
      %add3A_288 = arith.constant 176 : i32
      %add3A_289 = arith.addi %mul3A_212, %add3A_288 : i32
      %get3A_290 = arith.index_cast %add3A_289 : i32 to index
      %get3A_291 = tpu.vector_load %arg12[%get3A_290] {strides = array<i32>} : memref<25600xf32, #tpu.memory_space<vmem>>, vector<16xf32>,
      %swap3A_292 = arith.index_cast %scan3A_208 : i32 to index
      %swap3A_293 = arith.constant 176 : index
      %swap3A_294 = tpu.vector_load %arg13[%swap3A_292, %swap3A_293] {strides = array<i32>} : memref<32x200xf32, #tpu.memory_space<vmem>>, vector<16xf32>,
      tpu.vector_store %arg13[%swap3A_292, %swap3A_293], %get3A_291 {strides = array<i32>} : memref<32x200xf32, #tpu.memory_space<vmem>>, vector<16xf32>,
      %broadcast_in_dim3A = vector.broadcast %scan3A_208 : i32 to vector<16xi32>
      %iota3A = tpu.iota {dimensions = array<i32: 0>} : vector<16xi32>
      %add3A_295 = arith.constant 184 : i32
      %add3A_296 = vector.broadcast %add3A_295 : i32 to vector<16xi32>
      %add3A_297 = arith.addi %add3A_296, %iota3A : vector<16xi32>
      %add3A_298 = arith.constant 184 : i32
      %add3A_299 = arith.addi %mul3A_212, %add3A_298 : i32
      %get3A_300 = arith.index_cast %add3A_299 : i32 to index
      %get3A_301 = tpu.vector_load %arg12[%get3A_300] {strides = array<i32>} : memref<25600xf32, #tpu.memory_space<vmem>>, vector<16xf32>,
      tpu.vector_store_idx %arg13[%broadcast_in_dim3A, %add3A_297], %get3A_301 : memref<32x200xf32, #tpu.memory_space<vmem>>[vector<16xi32>, vector<16xi32>], vector<16xf32>,
    }
    %scan3A_205 = arith.constant 32 : i32
    %add3A_206 = arith.constant 96 : i32
    %add3A_207 = arith.addi %mul3A_2, %add3A_206 : i32
    "tpu.region"() ({
      %run_scoped3A = tpu.sem_alloc : memref<!tpu.dma_semaphore, #tpu.memory_space<semaphore_mem>>
      %dma_start3A_208 = arith.constant 0 : i32
      %dma_start3A_209 = tpu.memref_slice %arg7[%add3A_207, %dma_start3A_208] : memref<4096x200xf32, #tpu.memory_space<hbm>> -> memref<32x200xf32, #tpu.memory_space<hbm>>
      %dma_start3A_210 = arith.constant 0 : i32
      %dma_start3A_211 = tpu.memref_slice %arg7[%add3A_207, %dma_start3A_210] : memref<4096x200xf32, #tpu.memory_space<hbm>> -> memref<32x200xf32, #tpu.memory_space<hbm>>
      tpu.enqueue_dma source(%arg13 : memref<32x200xf32, #tpu.memory_space<vmem>>) target(%dma_start3A_211 : memref<32x200xf32, #tpu.memory_space<hbm>>) target_semaphore(%run_scoped3A : memref<!tpu.dma_semaphore, #tpu.memory_space<semaphore_mem>>)
      %dma_wait3A_212 = arith.constant 0 : i32
      %dma_wait3A_213 = tpu.memref_slice %arg7[%add3A_207, %dma_wait3A_212] : memref<4096x200xf32, #tpu.memory_space<hbm>> -> memref<32x200xf32, #tpu.memory_space<hbm>>
      %dma_wait3A_214 = arith.constant 0 : i32
      %dma_wait3A_215 = tpu.memref_slice %arg7[%add3A_207, %dma_wait3A_214] : memref<4096x200xf32, #tpu.memory_space<hbm>> -> memref<32x200xf32, #tpu.memory_space<hbm>>
      tpu.wait_dma2 semaphore(%run_scoped3A : memref<!tpu.dma_semaphore, #tpu.memory_space<semaphore_mem>>) src(%arg13 : memref<32x200xf32, #tpu.memory_space<vmem>>) dst(%dma_wait3A_215 : memref<32x200xf32, #tpu.memory_space<hbm>>)
      tpu.yield
    }) : () -> ()
    return
  }
}

</mosaic_0001>

<sc_bundles>
// kernel: _gather_pairs.3.cloned.1.call-start
scs
__scs_entry_jumppad:
0x0: {  	(pc) =	sbr.rel $0x88, $3  }
0x1: {  	(tag) =	ssettag $0x0;
	lr =	simm.s32 $0x1  }
0x2: {  	[smem:$0x3F9D] =	sst lr;
	_ =	strace $0xD0000000  }
0x3: {  	_ = 	snop  }
0x4: {  	_ = 	snop  }
0x5: {  	_ = 	snop  }
0x6: {  	_ = 	snop  }
0x7: {  	_ = 	snop  }
__scs_overlays_trampoline_lowered:
0x8: {  	[smem:$0x3FAC] =	sst s0  }
0x9: {  	[smem:$0x3FAD] =	sst s1  }
0xa: {  	[smem:$0x3FAE] =	sst s2  }
0xb: {  	[smem:$0x3FAF] =	sst s3  }
0xc: {  	[smem:$0x3FB0] =	sst s4  }
0xd: {  	[smem:$0x3FB1] =	sst s5  }
0xe: {  	[smem:$0x3FB2] =	sst s6  }
0xf: {  	[smem:$0x3FB3] =	sst s7  }
0x10: {  	[smem:$0x3FB4] =	sst s8  }
0x11: {  	[smem:$0x3FB5] =	sst s9;
	s0 =	simm.s32 @!p0 $0x0  }
0x12: {  	s1 =	sld [smem:$0x3F9B];
	s0 =	simm.s32 @p0 $0x1  }
0x13: {  	[smem:$0x3FB6] =	sst s0;
	s0 =	simm.s32 @!p1 $0x0  }
0x14: {  	s2 =	sld [smem:$0x3F9A];
	s0 =	simm.s32 @p1 $0x1  }
0x15: {  	[smem:$0x3FB7] =	sst s0;
	s0 =	simm.s32 @!p2 $0x0  }
0x16: {  	s3 =	sld [smem:$0x3FDB];
	s0 =	simm.s32 @p2 $0x1  }
0x17: {  	s4 =	simm.s32 $0x1BF5;
	[smem:$0x3FB9] =	sst s0  }
0x18: {  	s0 =	sld [smem:$0x3F9C];
	_ =	swait.ge [sflag:s4], $0x0  }
0x19: {  	s7 =	sld [smem:$0x3F9D]  }
0x1a: {  	s8 =	sadd.s32 $0xFFFFE003, lr  }
0x1b: {  	s9 =	sadd.s32 $0xFFFFFEF7, lr;
	s5 =	simm.s32 $0xFFFFFFFF;
	p2 =	slt.u32 s8, $0xFFFFF086  }
0x1c: {  	p1 =	slt.u32 s9, $0xF7A;
	s5 =	simm.s32 @!p2 $0x0  }
0x1d: {  	s5 =	simm.s32 @p1 $0x1;
	p0 =	seq.s32 s7, s2  }
0x1e: {  	s7 =	smul.u32 @!p0 $0xF7A, s2;
	p2 =	seq.s32 @!p0 s5, $0x0  }
0x1f: {  	s9 =	smul.u32 $0xF7A, s1;
	s8 =	simm.s32 @!p0 $0x1BF5;
	p2 =	por !p2, p0  }
0x20: {  	[sflag:s8] =	ssyncset.s32 @!p0 $0xFFFFF086;
	s6 =	sadd.s32 @!p0 s3, s7;
	s7 =	simm.s32 @!p0 $0x108  }
0x21: {  	s3 =	sadd.s32 s3, s9;
	s6 =	sadd.s32 @!p0 $0x88, s6;
	s7 =	simm.s32 @p2 $0x1082  }
0x22: {  	[simem:s7], [sflag:s8] =	dma.local @!p0 [hbm:s6], $0xF7A  }
0x23: {  	s9 =	sor.u32 $0xD0000000, s2;
	s6 =	simm.s32 $0x108;
	_ =	swait.ge @!p0 [sflag:s8], $0x0  }
0x24: {  	s3 =	sadd.s32 $0x88, s3;
	s6 =	simm.s32 @!p1 $0x1082;
	[sflag:s4] =	ssyncset.s32 $0xFFFFF086  }
0x25: {  	[simem:s6], [sflag:s4] =	dma.local [hbm:s3], $0xF7A  }
0x26: {  	[smem:$0x3F9D] =	sst s1;
	(tag) =	ssettag s2;
	_ =	strace s9  }
0x27: {  	s1 =	sld [smem:$0x3FAD]  }
0x28: {  	s2 =	sld [smem:$0x3FAE]  }
0x29: {  	s4 =	sld [smem:$0x3FB0]  }
0x2a: {  	p0 =	seq.s32 s5, $0x0;
	s5 =	sld [smem:$0x3FB1]  }
0x2b: {  	s6 =	sld [smem:$0x3FB2]  }
0x2c: {  	s7 =	sld [smem:$0x3FB3]  }
0x2d: {  	s3 =	simm.s32 $0x108;
	s8 =	sld [smem:$0x3FB4]  }
0x2e: {  	s3 =	simm.s32 @!p0 $0x1082;
	s9 =	sld [smem:$0x3FB5]  }
0x2f: {  	lr =	sadd.s32 s0, s3;
	s0 =	sld [smem:$0x3FAC]  }
0x30: {  	s3 =	sld [smem:$0x3FAF]  }
0x31: {  	[smem:$0x3FB8] =	sst s10  }
0x32: {  	s10 =	sld [smem:$0x3FB6];
	_ =	sdelay $0x3  }
0x33: {  	p0 =	seq.s32 s10, $0x1;
	s10 =	sld [smem:$0x3FB8];
	_ =	sdelay $0x3  }
0x34: {  	[smem:$0x3FB8] =	sst s10  }
0x35: {  	s10 =	sld [smem:$0x3FB7];
	_ =	sdelay $0x3  }
0x36: {  	p1 =	seq.s32 s10, $0x1;
	s10 =	sld [smem:$0x3FB8];
	_ =	sdelay $0x3  }
0x37: {  	[smem:$0x3FB8] =	sst s10  }
0x38: {  	s10 =	sld [smem:$0x3FB9]  }
0x39: {  	_ = 	snop;
	(pc) =	sbr.ind lr, $3  }
0x3a: {  	_ = 	snop  }
0x3b: {  	_ = 	snop  }
0x3c: {  	p2 =	seq.s32 s10, $0x1;
	s10 =	sld [smem:$0x3FB8]  }
0x3d: {  	_ =	shalt  }
0x3e: {  	_ =	shalt  }
0x3f: {  	_ =	shalt  }
0x40: {  	_ =	shalt  }
0x41: {  	_ =	shalt  }
0x42: {  	_ =	shalt  }
0x43: {  	_ =	shalt  }
0x44: {  	_ =	shalt  }
0x45: {  	_ =	shalt  }
0x46: {  	_ =	shalt  }
0x47: {  	_ =	shalt  }
0x48: {  	_ =	shalt  }
0x49: {  	_ =	shalt  }
0x4a: {  	_ =	shalt  }
0x4b: {  	_ =	shalt  }
0x4c: {  	_ =	shalt  }
0x4d: {  	_ =	shalt  }
0x4e: {  	_ =	shalt  }
0x4f: {  	_ =	shalt  }
0x50: {  	_ =	shalt  }
0x51: {  	_ =	shalt  }
0x52: {  	_ =	shalt  }
0x53: {  	_ =	shalt  }
0x54: {  	_ =	shalt  }
0x55: {  	_ =	shalt  }
0x56: {  	_ =	shalt  }
0x57: {  	_ =	shalt  }
0x58: {  	_ =	shalt  }
0x59: {  	_ =	shalt  }
0x5a: {  	_ =	shalt  }
0x5b: {  	_ =	shalt  }
0x5c: {  	_ =	shalt  }
0x5d: {  	_ =	shalt  }
0x5e: {  	_ =	shalt  }
0x5f: {  	_ =	shalt  }
0x60: {  	_ =	shalt  }
0x61: {  	_ =	shalt  }
0x62: {  	_ =	shalt  }
0x63: {  	_ =	shalt  }
0x64: {  	_ =	shalt  }
0x65: {  	_ =	shalt  }
0x66: {  	_ =	shalt  }
0x67: {  	_ =	shalt  }
0x68: {  	_ =	shalt  }
0x69: {  	_ =	shalt  }
0x6a: {  	_ =	shalt  }
0x6b: {  	_ =	shalt  }
0x6c: {  	_ =	shalt  }
0x6d: {  	_ =	shalt  }
0x6e: {  	_ =	shalt  }
0x6f: {  	_ =	shalt  }
0x70: {  	_ =	shalt  }
0x71: {  	_ =	shalt  }
0x72: {  	_ =	shalt  }
0x73: {  	_ =	shalt  }
0x74: {  	_ =	shalt  }
0x75: {  	_ =	shalt  }
0x76: {  	_ =	shalt  }
0x77: {  	_ =	shalt  }
0x78: {  	_ =	shalt  }
0x79: {  	_ =	shalt  }
0x7a: {  	_ =	shalt  }
0x7b: {  	_ =	shalt  }
0x7c: {  	_ =	shalt  }
0x7d: {  	_ =	shalt  }
0x7e: {  	_ =	shalt  }
0x7f: {  	_ =	shalt  }
0x80: {  	_ =	shalt  }
0x81: {  	_ =	shalt  }
0x82: {  	_ =	shalt  }
0x83: {  	_ =	shalt  }
0x84: {  	_ =	shalt  }
0x85: {  	_ =	shalt  }
0x86: {  	_ =	shalt  }
0x87: {  	_ =	shalt  }
.Lfunc_end0:
.L_simem_size_0:
called_computation_lowered:
.L_overlay_start_0:
0x88: {  	s2 =	sld [smem:$0x3FD9]  }
0x89: {  	s3 =	sld [smem:$0x3FFE];
	_ =	sdelay $0x1  }
0x8a: {  	s1 =	srdreg.scid  }
0x8b: {  	s0 =	sand.u32 $0x1, s1  }
0x8c: {  	s17 =	sshll.u32 s0, $0xA;
	s2 =	sadd.s32 s3, s2  }
0x8d: {  	s2 =	sadd.s32 s2, s17  }
0x8e: {  	[smem:$0x3FC4] =	sst s2  }
0x8f: {  	_ = 	snop  }
0x90: {  	s2 =	sld [smem:$0x3FC7]  }
0x91: {  	s18 =	sld [smem:$0x3FC6];
	(tm) =	ssettm $0x1  }
0x92: {  	s4 =	sld [smem:$0x3FFB];
	_ =	sdelay $0x3  }
0x93: {  	_ =	strace s4  }
0x94: {  	s4 =	sld [smem:$0x3FFC];
	_ =	sdelay $0x3  }
0x95: {  	_ =	strace s4  }
0x96: {  	s4 =	sld [smem:$0x3FFD];
	_ =	sdelay $0x3  }
0x97: {  	_ =	strace s4  }
0x98: {  	_ =	strace $0x8FFFFFFF  }
0x99: {  	s19 =	sld [smem:$0x3FDB];
	_ =	sdelay $0x1  }
0x9a: {  	s5 =	simm.s32 $_scs_section_size  }
0x9b: {  	s6 =	simm.s32 $_size__tile_overlayer_lowered;
	s7 =	simm.s32 $_tile_overlayer_lowered  }
0x9c: {  	s22 =	simm.s32 $0x1BFF;
	s21 =	sshll.u32 s7, $0x1;
	s4 =	sadd.s32 s5, s19  }
0x9d: {  	s8 =	simm.s32 $0x0;
	s20 =	sshll.u32 s6, $0x1;
	s6 =	sadd.s32 s21, s4  }
0x9e: {  	[timem:s8], [sflag:s22] =	dma.local [hbm:s6], s20  }
0x9f: {  	_ =	swait.ge [sflag:s22], s20  }
0xa0: {  	s5 =	ssub.s32 $0x0, s20;
	[sflag:s22] =	ssyncset.done $0x0  }
0xa1: {  	[sflag:s22] =	ssyncadd.s32 s5;
	_ =	sdelay $0x1  }
0xa2: {  	s23 =	simm.s32 $0x1B8B  }
0xa3: {  	_ =	swait.ge [sflag:s23], $0x1  }
0xa4: {  	[sflag:s23] =	ssyncset.done $0x0  }
0xa5: {  	s25 =	simm.s32 $0x1B8E;
	s24 =	sld [smem:$0x3FFE];
	[sflag:s23] =	ssyncadd.s32 $0xFFFFFFFF  }
0xa6: {  	s26 =	simm.s32 $execute0_lowered;
	[smem:$0x3FD2] =	sst s25  }
0xa7: {  	s6 =	sshll.u32 s26, $0x1;
	_ =	strace $0x80000046;
	[dreg:$0x1] =	wrdreg $0xFFFFFFFF  }
0xa8: {  	s28 =	simm.s32 $_size_execute0_lowered;
	s4 =	sadd.s32 s4, s6;
	[dreg:$0x0] =	wrdreg $0x0  }
0xa9: {  	s6 =	sshll.u32 s28, $0x1;
	[dreg:$0x2] =	wrdreg s4  }
0xaa: {  	[dreg:$0x3] =	wrdreg s6  }
0xab: {  	[dreg:$0x4] =	wrdreg $0xC0  }
0xac: {  	_ =	task [dreg:s8], $0x5FFFF  }
0xad: {  	[dreg:$0x1] =	wrdreg $0xFFFFFFFF  }
0xae: {  	[dreg:$0x0] =	wrdreg $0x60  }
0xaf: {  	[dreg:$0x2] =	wrdreg s24  }
0xb0: {  	[dreg:$0x3] =	wrdreg s2  }
0xb1: {  	[dreg:$0x4] =	wrdreg s18  }
0xb2: {  	[dreg:$0x5] =	wrdreg $0x9  }
0xb3: {  	_ =	task.clear_ibuf [dreg:s8], $0x6FFFF;
	_ =	strace $0x90000046  }
0xb4: {  	s29 =	simm.s32 $0x9;
	_ =	strace $0x80000048  }
0xb5: {  	_ =	swait.ge [sflag:s29], $0x1  }
0xb6: {  	[sflag:s29] =	ssyncadd.s32 $0xFFFFFFFF  }
0xb7: {  	_ =	strace $0x90000048  }
0xb8: {  	_ =	sfence  }
0xb9: {  	s30 =	sld [smem:$0x0];
	_ =	sdelay $0x2  }
0xba: {  	s31 =	sshll.u32 s1, $0xD;
	s1 =	sshrl.u32 s1, $0x2  }
0xbb: {  	s3 =	sand.u32 $0x4000, s31;
	s1 =	sadd.s32 s1, s30  }
0xbc: {  	s0 =	sor.u32 s3, s0;
	s1 =	sshll.u32 s1, $0x11  }
0xbd: {  	s0 =	sor.u32 s1, s0  }
0xbe: {  	s0 =	sadd.s32 $0x8F2B, s0  }
0xbf: {  	[sflag:s0] =	ssyncadd.remote.s32 $0x1  }
0xc0: {  	_ =	sfence.sel $0xFFFF  }
0xc1: {  	[dreg:$0x0] =	wrdreg $0xFFFFFFFF;
	(pc) =	sbr.abs _section_cstart, $3  }
0xc2: {  	[dreg:$0x1] =	wrdreg $0xFFFFFFFF  }
0xc3: {  	_ =	task.clear_ibuf [dreg:s8], $0x2FFFF;
	_ =	strace $0x9FFFFFFF  }
0xc4: {  	(tm) =	ssettm $0x7FFFFFFF  }
0xc5: {  	_ =	shalt  }
tec
execute0_lowered:
.L_overlay_start_1:
0x0: {  	(tag) =	ssettag $0x1  }
0x1: {  	s0 =	rddreg [dreg:$0x0]  }
0x2: {  	s1 =	rddreg [dreg:$0x1]  }
0x3: {  	s2 =	rddreg [dreg:$0x2];
	s3 =	simm.s32 $0x0  }
0x4: {  	s4 =	srdreg.scid;
	s10 =	stileid.u32;
	s30 =	simm.s32 $0x2  }
0x5: {  	s31 =	simm.s32 $0x0;
	[smem:$0x7FF] =	sst s3;
	s5 =	sadd.s32 $0xC00, s0  }
0x6: {  	s6 =	sadd.s32 $0x20C00, s0;
	s4 =	sand.u32 $0x1, s4;
	s7 =	sadd.s32 $0x40C00, s0  }
0x7: {  	s10 =	sshll.u32 s10, $0xD;
	s8 =	ssub.s32 $0x2, s4;
	s4 =	sshll.u32 s4, $0xC  }
0x8: {  	s0 =	sadd.s32 $0x60C00, s0;
	s9 =	sshrl.u32 s8, $0x1;
	s4 =	sor.u32 s4, s10  }
0x9: {  	_ =	strace $0x80000047;
	s8 =	ssub.s32 s8, s9;
	s22 =	sadd.s32 s5, s4  }
0xa: {  	s23 =	sadd.s32 s6, s4;
	s24 =	sor.u32 $0x400, s4;
	s18 =	sor.u32 $0x800, s4  }
0xb: {  	s20 =	sor.u32 $0xC00, s4;
	s13 =	sadd.s32 s7, s4;
	[dreg:$0x4] =	wrdreg s22  }
0xc: {  	s14 =	sadd.s32 s0, s4;
	s4 =	simm.s32 $0x1;
	[dreg:$0x5] =	wrdreg s23  }
0xd: {  	s25 =	sadd.s32 s5, s24;
	s26 =	sadd.s32 s6, s24;
	s28 =	sadd.s32 s5, s18  }
0xe: {  	s29 =	sadd.s32 s6, s18;
	s11 =	sadd.s32 s5, s20;
	s12 =	sadd.s32 s6, s20  }
0xf: {  	s15 =	sadd.s32 s7, s24;
	s16 =	sadd.s32 s0, s24;
	s17 =	sadd.s32 s7, s18  }
0x10: {  	s18 =	sadd.s32 s0, s18;
	s19 =	sadd.s32 s7, s20;
	[dreg:$0x6] =	wrdreg s25  }
0x11: {  	s20 =	sadd.s32 s0, s20;
	s21 =	smax.u32 s8, $0x1;
	[dreg:$0x7] =	wrdreg s26  }
0x12: {  	v0 =	vlaneseq.u32;
	s22 =	simm.s32 $0x3;
	s23 =	simm.s32 $0x2000;
	[dreg:$0x8] =	wrdreg s28  }
0x13: {  	v0 =	vadd.s32 $0x438, v0;
	s24 =	simm.s32 $0x1900;
	[dreg:$0x9] =	wrdreg s29;
	s26 =	simm.s32 $0x16C00  }
.LBB2_1:
0x14: {  	s0 =	rddreg [dreg:$0x4]  }
0x15: {  	[tilespmem:s3], [sflag:$0x3] =	stream.linear.gather [hbm4b:s0+s3], $0x2000, $0x38;
	[tilespmem:$0x18C00] =	vst v63  }
0x16: {  	_ =	swait.ge [sflag:s22], $0x2000  }
0x17: {  	[sflag:s22] =	ssyncset.done $0x0  }
0x18: {  	s10 =	rddreg [dreg:$0x5];
	[sflag:s22] =	ssyncadd.s32 $0xFFFFE000  }
0x19: {  	[tilespmem:s23], [sflag:$0x3] =	stream.linear.gather [hbm4b:s10+s3], $0x2000, $0x38;
	[tilespmem:$0x18C00] =	vst v63  }
0x1a: {  	_ =	swait.ge [sflag:s22], $0x2000  }
0x1b: {  	s25 =	sand.u32 $0x1800, s3;
	s5 =	sand.u32 $0x380, s3;
	[sflag:s22] =	ssyncset.done $0x0  }
0x1c: {  	s0 =	sor.u32 s5, s25;
	[sflag:s22] =	ssyncadd.s32 $0xFFFFE000  }
0x1d: {  	v1 =	vld [tilespmem:s0+$0x0];
	_ =	sdelay $0x1  }
0x1e: {  	v2 =	vld [tilespmem:s0+$0x2000];
	_ =	sdelay $0x2  }
0x1f: {  	v1 =	vmul.u32 $0x3E8, v1;
	_ =	sdelay $0x1  }
0x20: {  	s25 =	simm.s32 $0x4060;
	v1 =	vadd.s32 v2, v1  }
0x21: {  	[tilespmem:s25+$0xFFFFFFA0] =	vst v1  }
0x22: {  	v1 =	vld [tilespmem:s0+$0x10];
	_ =	sdelay $0x1  }
0x23: {  	v2 =	vld [tilespmem:s0+$0x2010];
	_ =	sdelay $0x2  }
0x24: {  	v1 =	vmul.u32 $0x3E8, v1;
	_ =	sdelay $0x1  }
0x25: {  	v1 =	vadd.s32 v2, v1  }
0x26: {  	[tilespmem:s25+$0xFFFFFFB0] =	vst v1  }
0x27: {  	v1 =	vld [tilespmem:s0+$0x20];
	_ =	sdelay $0x1  }
0x28: {  	v2 =	vld [tilespmem:s0+$0x2020];
	_ =	sdelay $0x2  }
0x29: {  	v1 =	vmul.u32 $0x3E8, v1;
	_ =	sdelay $0x1  }
0x2a: {  	v1 =	vadd.s32 v2, v1  }
0x2b: {  	[tilespmem:s25+$0xFFFFFFC0] =	vst v1  }
0x2c: {  	v1 =	vld [tilespmem:s0+$0x30];
	_ =	sdelay $0x1  }
0x2d: {  	v2 =	vld [tilespmem:s0+$0x2030];
	_ =	sdelay $0x2  }
0x2e: {  	v1 =	vmul.u32 $0x3E8, v1;
	_ =	sdelay $0x1  }
0x2f: {  	v1 =	vadd.s32 v2, v1  }
0x30: {  	[tilespmem:s25+$0xFFFFFFD0] =	vst v1  }
0x31: {  	v1 =	vld [tilespmem:s0+$0x40];
	_ =	sdelay $0x1  }
0x32: {  	v2 =	vld [tilespmem:s0+$0x2040];
	_ =	sdelay $0x2  }
0x33: {  	v1 =	vmul.u32 $0x3E8, v1;
	_ =	sdelay $0x1  }
0x34: {  	v1 =	vadd.s32 v2, v1  }
0x35: {  	[tilespmem:s25+$0xFFFFFFE0] =	vst v1  }
0x36: {  	v1 =	vld [tilespmem:s0+$0x50];
	_ =	sdelay $0x1  }
0x37: {  	v2 =	vld [tilespmem:s0+$0x2050];
	_ =	sdelay $0x2  }
0x38: {  	v1 =	vmul.u32 $0x3E8, v1;
	_ =	sdelay $0x1  }
0x39: {  	v1 =	vadd.s32 v2, v1  }
0x3a: {  	[tilespmem:s25+$0xFFFFFFF0] =	vst v1  }
0x3b: {  	v1 =	vld [tilespmem:s0+$0x60];
	_ =	sdelay $0x1  }
0x3c: {  	v2 =	vld [tilespmem:s0+$0x2060];
	_ =	sdelay $0x2  }
0x3d: {  	v1 =	vmul.u32 $0x3E8, v1;
	_ =	sdelay $0x1  }
0x3e: {  	v1 =	vadd.s32 v2, v1  }
0x3f: {  	[tilespmem:s25+$0x0] =	vst v1  }
0x40: {  	v1 =	vld [tilespmem:s0+$0x70];
	_ =	sdelay $0x1  }
0x41: {  	v2 =	vld [tilespmem:s0+$0x2070];
	_ =	sdelay $0x2  }
0x42: {  	v1 =	vmul.u32 $0x3E8, v1;
	_ =	sdelay $0x1  }
0x43: {  	v1 =	vadd.s32 v2, v1  }
0x44: {  	[tilespmem:s25+$0x10] =	vst v1  }
0x45: {  	v1 =	vld [tilespmem:s0+$0x400];
	_ =	sdelay $0x1  }
0x46: {  	v2 =	vld [tilespmem:s0+$0x2400];
	_ =	sdelay $0x2  }
0x47: {  	v1 =	vmul.u32 $0x3E8, v1;
	_ =	sdelay $0x1  }
0x48: {  	s28 =	sand.u32 $0x1FF8, s3;
	v1 =	vadd.s32 v2, v1  }
0x49: {  	[tilespmem:s28+$0x4080] =	vst v1  }
0x4a: {  	v1 =	vld [tilespmem:s0+$0x410];
	_ =	sdelay $0x1  }
0x4b: {  	v2 =	vld [tilespmem:s0+$0x2410];
	_ =	sdelay $0x2  }
0x4c: {  	v1 =	vmul.u32 $0x3E8, v1;
	_ =	sdelay $0x1  }
0x4d: {  	v1 =	vadd.s32 v2, v1  }
0x4e: {  	[tilespmem:s25+$0x30] =	vst v1  }
0x4f: {  	v1 =	vld [tilespmem:s0+$0x420];
	_ =	sdelay $0x1  }
0x50: {  	v2 =	vld [tilespmem:s0+$0x2420];
	_ =	sdelay $0x2  }
0x51: {  	v1 =	vmul.u32 $0x3E8, v1;
	_ =	sdelay $0x1  }
0x52: {  	v1 =	vadd.s32 v2, v1  }
0x53: {  	[tilespmem:s25+$0x40] =	vst v1  }
0x54: {  	v2 =	vmov s3;
	v1 =	vld [tilespmem:s0+$0x430]  }
0x55: {  	v3 =	vshll.u32 v2, $0x8;
	v2 =	vshll.u32 v2, $0x7  }
0x56: {  	v4 =	vld [tilespmem:s0+$0x2430];
	v3 =	vand.u32 $0x1800, v3;
	v2 =	vand.u32 $0x380, v2  }
0x57: {  	v2 =	vor.u32 v2, v3  }
0x58: {  	v2 =	vor.u32 v0, v2  }
0x59: {  	v1 =	vmul.u32 $0x3E8, v1;
	_ =	sdelay $0x1  }
0x5a: {  	v1 =	vadd.s32 v4, v1  }
0x5b: {  	[tilespmem:s25+$0x50] =	vst v1  }
0x5c: {  	v1 =	vld.idx.msk [tilespmem:v2+s3+$0x0], $0xffff;
	_ =	sdelay $0x1  }
0x5d: {  	v2 =	vld.idx.msk [tilespmem:v2+s23+$0x0], $0xffff;
	_ =	sdelay $0x2  }
0x5e: {  	s29 =	simm.s32 $0x1;
	v1 =	vmul.u32 $0x3E8, v1  }
0x5f: {  	s6 =	simm.s32 $0x80;
	s7 =	simm.s32 $0x100;
	s5 =	simm.s32 $0x2  }
0x60: {  	s8 =	sand.u32 $0x1800, s7;
	s9 =	sand.u32 $0x380, s6;
	s0 =	simm.s32 $0x0;
	v1 =	vadd.s32 v2, v1  }
.LBB2_2:
0x61: {  	s8 =	sor.u32 s9, s8;
	[tilespmem:s25+$0x58] =	vst v1;
	s0 =	sadd.s32 $0xC8, s0;
	s25 =	sadd.s32 $0xC8, s25  }
0x62: {  	p0 =	sne.s32 s5, $0x1F;
	s28 =	smov.u32 s5;
	s5 =	sadd.s32 $0x1, s5;
	v1 =	vld [tilespmem:s8+$0x0]  }
0x63: {  	_ = 	snop  }
0x64: {  	v2 =	vld [tilespmem:s8+$0x2000];
	_ =	sdelay $0x2  }
0x65: {  	v1 =	vmul.u32 $0x3E8, v1;
	_ =	sdelay $0x1  }
0x66: {  	v1 =	vadd.s32 v2, v1  }
0x67: {  	[tilespmem:s25+$0xFFFFFFA0] =	vst v1  }
0x68: {  	v1 =	vld [tilespmem:s8+$0x10];
	_ =	sdelay $0x1  }
0x69: {  	v2 =	vld [tilespmem:s8+$0x2010];
	_ =	sdelay $0x2  }
0x6a: {  	v1 =	vmul.u32 $0x3E8, v1;
	_ =	sdelay $0x1  }
0x6b: {  	v1 =	vadd.s32 v2, v1  }
0x6c: {  	[tilespmem:s25+$0xFFFFFFB0] =	vst v1  }
0x6d: {  	v1 =	vld [tilespmem:s8+$0x20];
	_ =	sdelay $0x1  }
0x6e: {  	v2 =	vld [tilespmem:s8+$0x2020];
	_ =	sdelay $0x2  }
0x6f: {  	v1 =	vmul.u32 $0x3E8, v1;
	_ =	sdelay $0x1  }
0x70: {  	v1 =	vadd.s32 v2, v1  }
0x71: {  	[tilespmem:s25+$0xFFFFFFC0] =	vst v1  }
0x72: {  	v1 =	vld [tilespmem:s8+$0x30];
	_ =	sdelay $0x1  }
0x73: {  	v2 =	vld [tilespmem:s8+$0x2030];
	_ =	sdelay $0x2  }
0x74: {  	v1 =	vmul.u32 $0x3E8, v1;
	_ =	sdelay $0x1  }
0x75: {  	v1 =	vadd.s32 v2, v1  }
0x76: {  	[tilespmem:s25+$0xFFFFFFD0] =	vst v1  }
0x77: {  	v1 =	vld [tilespmem:s8+$0x40];
	_ =	sdelay $0x1  }
0x78: {  	v2 =	vld [tilespmem:s8+$0x2040];
	_ =	sdelay $0x2  }
0x79: {  	v1 =	vmul.u32 $0x3E8, v1;
	_ =	sdelay $0x1  }
0x7a: {  	v1 =	vadd.s32 v2, v1  }
0x7b: {  	[tilespmem:s25+$0xFFFFFFE0] =	vst v1  }
0x7c: {  	v1 =	vld [tilespmem:s8+$0x50];
	_ =	sdelay $0x1  }
0x7d: {  	v2 =	vld [tilespmem:s8+$0x2050];
	_ =	sdelay $0x2  }
0x7e: {  	v1 =	vmul.u32 $0x3E8, v1;
	_ =	sdelay $0x1  }
0x7f: {  	v1 =	vadd.s32 v2, v1  }
0x80: {  	[tilespmem:s25+$0xFFFFFFF0] =	vst v1  }
0x81: {  	v1 =	vld [tilespmem:s8+$0x60];
	_ =	sdelay $0x1  }
0x82: {  	v2 =	vld [tilespmem:s8+$0x2060];
	_ =	sdelay $0x2  }
0x83: {  	v1 =	vmul.u32 $0x3E8, v1;
	_ =	sdelay $0x1  }
0x84: {  	v1 =	vadd.s32 v2, v1  }
0x85: {  	[tilespmem:s25+$0x0] =	vst v1  }
0x86: {  	v1 =	vld [tilespmem:s8+$0x70];
	_ =	sdelay $0x1  }
0x87: {  	v2 =	vld [tilespmem:s8+$0x2070];
	_ =	sdelay $0x2  }
0x88: {  	v1 =	vmul.u32 $0x3E8, v1;
	_ =	sdelay $0x1  }
0x89: {  	v1 =	vadd.s32 v2, v1  }
0x8a: {  	[tilespmem:s25+$0x10] =	vst v1  }
0x8b: {  	v1 =	vld [tilespmem:s8+$0x400];
	_ =	sdelay $0x1  }
0x8c: {  	v2 =	vld [tilespmem:s8+$0x2400];
	_ =	sdelay $0x2  }
0x8d: {  	v1 =	vmul.u32 $0x3E8, v1;
	_ =	sdelay $0x1  }
0x8e: {  	s9 =	sand.u32 $0x1FF8, s0;
	v1 =	vadd.s32 v2, v1  }
0x8f: {  	[tilespmem:s9+$0x4080] =	vst v1  }
0x90: {  	v1 =	vld [tilespmem:s8+$0x410];
	_ =	sdelay $0x1  }
0x91: {  	v2 =	vld [tilespmem:s8+$0x2410];
	_ =	sdelay $0x2  }
0x92: {  	v1 =	vmul.u32 $0x3E8, v1;
	_ =	sdelay $0x1  }
0x93: {  	v1 =	vadd.s32 v2, v1  }
0x94: {  	[tilespmem:s25+$0x30] =	vst v1  }
0x95: {  	v1 =	vld [tilespmem:s8+$0x420]  }
0x96: {  	v2 =	vld [tilespmem:s8+$0x2420];
	_ =	sdelay $0x3  }
0x97: {  	v1 =	vmul.u32 $0x3E8, v1;
	_ =	sdelay $0x1  }
0x98: {  	v1 =	vadd.s32 v2, v1  }
0x99: {  	[tilespmem:s25+$0x40] =	vst v1  }
0x9a: {  	v2 =	vmov s29;
	s29 =	smov.u32 s28;
	v1 =	vld [tilespmem:s8+$0x430]  }
0x9b: {  	v4 =	vshll.u32 v2, $0x8;
	v2 =	vshll.u32 v2, $0x7;
	v3 =	vld [tilespmem:s8+$0x2430]  }
0x9c: {  	v4 =	vand.u32 $0x1800, v4;
	v2 =	vand.u32 $0x380, v2  }
0x9d: {  	v2 =	vor.u32 v2, v4  }
0x9e: {  	v2 =	vor.u32 v0, v2  }
0x9f: {  	v1 =	vmul.u32 $0x3E8, v1;
	_ =	sdelay $0x1  }
0xa0: {  	v1 =	vadd.s32 v3, v1  }
0xa1: {  	[tilespmem:s25+$0x50] =	vst v1  }
0xa2: {  	v1 =	vld.idx.msk [tilespmem:v2+s3+$0x0], $0xffff  }
0xa3: {  	v2 =	vld.idx.msk [tilespmem:v2+s23+$0x0], $0xffff;
	_ =	sdelay $0x2  }
.Ltmp0:
0xa4: {  	(pc) =	sbr.rel @p0 .LBB2_2-.Ltmp0, $4  }
0xa5: {  	_ = 	snop  }
0xa6: {  	v1 =	vmul.u32 $0x3E8, v1  }
0xa7: {  	s6 =	sadd.s32 $0x80, s6;
	s7 =	sadd.s32 $0x100, s7  }
0xa8: {  	s9 =	sand.u32 $0x380, s6;
	s8 =	sand.u32 $0x1800, s7;
	v1 =	vadd.s32 v2, v1  }
0xa9: {  	s6 =	sor.u32 s9, s8;
	[tilespmem:s25+$0x58] =	vst v1  }
0xaa: {  	v1 =	vld [tilespmem:s6+$0x0];
	_ =	sdelay $0x1  }
0xab: {  	v2 =	vld [tilespmem:s6+$0x2000];
	_ =	sdelay $0x2  }
0xac: {  	v1 =	vmul.u32 $0x3E8, v1;
	_ =	sdelay $0x1  }
0xad: {  	s5 =	sadd.s32 $0xC8, s25;
	v1 =	vadd.s32 v2, v1  }
0xae: {  	[tilespmem:s5+$0xFFFFFFA0] =	vst v1  }
0xaf: {  	v1 =	vld [tilespmem:s6+$0x10];
	_ =	sdelay $0x1  }
0xb0: {  	v2 =	vld [tilespmem:s6+$0x2010];
	_ =	sdelay $0x2  }
0xb1: {  	v1 =	vmul.u32 $0x3E8, v1;
	_ =	sdelay $0x1  }
0xb2: {  	v1 =	vadd.s32 v2, v1  }
0xb3: {  	[tilespmem:s5+$0xFFFFFFB0] =	vst v1  }
0xb4: {  	v1 =	vld [tilespmem:s6+$0x20];
	_ =	sdelay $0x1  }
0xb5: {  	v2 =	vld [tilespmem:s6+$0x2020];
	_ =	sdelay $0x2  }
0xb6: {  	v1 =	vmul.u32 $0x3E8, v1;
	_ =	sdelay $0x1  }
0xb7: {  	v1 =	vadd.s32 v2, v1  }
0xb8: {  	[tilespmem:s5+$0xFFFFFFC0] =	vst v1  }
0xb9: {  	v1 =	vld [tilespmem:s6+$0x30];
	_ =	sdelay $0x1  }
0xba: {  	v2 =	vld [tilespmem:s6+$0x2030];
	_ =	sdelay $0x2  }
0xbb: {  	v1 =	vmul.u32 $0x3E8, v1;
	_ =	sdelay $0x1  }
0xbc: {  	v1 =	vadd.s32 v2, v1  }
0xbd: {  	[tilespmem:s5+$0xFFFFFFD0] =	vst v1  }
0xbe: {  	v1 =	vld [tilespmem:s6+$0x40];
	_ =	sdelay $0x1  }
0xbf: {  	v2 =	vld [tilespmem:s6+$0x2040];
	_ =	sdelay $0x2  }
0xc0: {  	v1 =	vmul.u32 $0x3E8, v1;
	_ =	sdelay $0x1  }
0xc1: {  	v1 =	vadd.s32 v2, v1  }
0xc2: {  	[tilespmem:s5+$0xFFFFFFE0] =	vst v1  }
0xc3: {  	v1 =	vld [tilespmem:s6+$0x50];
	_ =	sdelay $0x1  }
0xc4: {  	v2 =	vld [tilespmem:s6+$0x2050];
	_ =	sdelay $0x2  }
0xc5: {  	v1 =	vmul.u32 $0x3E8, v1;
	_ =	sdelay $0x1  }
0xc6: {  	v1 =	vadd.s32 v2, v1  }
0xc7: {  	[tilespmem:s5+$0xFFFFFFF0] =	vst v1  }
0xc8: {  	v1 =	vld [tilespmem:s6+$0x60];
	_ =	sdelay $0x1  }
0xc9: {  	v2 =	vld [tilespmem:s6+$0x2060];
	_ =	sdelay $0x2  }
0xca: {  	v1 =	vmul.u32 $0x3E8, v1;
	_ =	sdelay $0x1  }
0xcb: {  	v1 =	vadd.s32 v2, v1  }
0xcc: {  	[tilespmem:s5+$0x0] =	vst v1  }
0xcd: {  	v1 =	vld [tilespmem:s6+$0x70];
	_ =	sdelay $0x1  }
0xce: {  	v2 =	vld [tilespmem:s6+$0x2070];
	_ =	sdelay $0x2  }
0xcf: {  	v1 =	vmul.u32 $0x3E8, v1;
	_ =	sdelay $0x1  }
0xd0: {  	v1 =	vadd.s32 v2, v1  }
0xd1: {  	[tilespmem:s5+$0x10] =	vst v1  }
0xd2: {  	v1 =	vld [tilespmem:s6+$0x400];
	_ =	sdelay $0x1  }
0xd3: {  	v2 =	vld [tilespmem:s6+$0x2400];
	_ =	sdelay $0x2  }
0xd4: {  	v1 =	vmul.u32 $0x3E8, v1  }
0xd5: {  	s0 =	sadd.s32 $0xC8, s0  }
0xd6: {  	s0 =	sand.u32 $0x1FF8, s0;
	v1 =	vadd.s32 v2, v1  }
0xd7: {  	[tilespmem:s0+$0x4080] =	vst v1  }
0xd8: {  	v1 =	vld [tilespmem:s6+$0x410];
	_ =	sdelay $0x1  }
0xd9: {  	v2 =	vld [tilespmem:s6+$0x2410];
	_ =	sdelay $0x2  }
0xda: {  	v1 =	vmul.u32 $0x3E8, v1;
	_ =	sdelay $0x1  }
0xdb: {  	v1 =	vadd.s32 v2, v1  }
0xdc: {  	[tilespmem:s5+$0x30] =	vst v1  }
0xdd: {  	v1 =	vld [tilespmem:s6+$0x420];
	_ =	sdelay $0x1  }
0xde: {  	v2 =	vld [tilespmem:s6+$0x2420];
	_ =	sdelay $0x2  }
0xdf: {  	v1 =	vmul.u32 $0x3E8, v1;
	_ =	sdelay $0x1  }
0xe0: {  	v1 =	vadd.s32 v2, v1  }
0xe1: {  	[tilespmem:s5+$0x40] =	vst v1  }
0xe2: {  	v2 =	vmov s29;
	v1 =	vld [tilespmem:s6+$0x430]  }
0xe3: {  	v3 =	vshll.u32 v2, $0x8;
	v2 =	vshll.u32 v2, $0x7  }
0xe4: {  	v4 =	vld [tilespmem:s6+$0x2430];
	v3 =	vand.u32 $0x1800, v3;
	v2 =	vand.u32 $0x380, v2  }
0xe5: {  	v2 =	vor.u32 v2, v3  }
0xe6: {  	v2 =	vor.u32 v0, v2  }
0xe7: {  	v1 =	vmul.u32 $0x3E8, v1;
	_ =	sdelay $0x1  }
0xe8: {  	v1 =	vadd.s32 v4, v1  }
0xe9: {  	[tilespmem:s5+$0x50] =	vst v1  }
0xea: {  	v1 =	vld.idx.msk [tilespmem:v2+s3+$0x0], $0xffff;
	_ =	sdelay $0x1  }
0xeb: {  	v2 =	vld.idx.msk [tilespmem:v2+s23+$0x0], $0xffff;
	_ =	sdelay $0x2  }
0xec: {  	v1 =	vmul.u32 $0x3E8, v1;
	_ =	sdelay $0x1  }
0xed: {  	v1 =	vadd.s32 v2, v1  }
0xee: {  	s25 =	simm.s32 $0x4000;
	s28 =	simm.s32 $0xA400;
	[tilespmem:s5+$0x58] =	vst v1  }
0xef: {  	[tilespmem:s28], [sflag:$0x1] =	stream.indirect.gather [hbm4b:s1+s24], $0x1, s25, s24, $0xb8;
	[tilespmem:$0x18C00] =	vst v63  }
0xf0: {  	s6 =	simm.s32 $0x10800  }
0xf1: {  	[tilespmem:s6], [sflag:$0x2] =	stream.indirect.gather [hbm4b:s2+s24], $0x1, s25, s24, $0xb8;
	[tilespmem:$0x18C00] =	vst v63  }
0xf2: {  	s7 =	rddreg [dreg:$0x6];
	s25 =	simm.s32 $0x0  }
0xf3: {  	[tilespmem:s25], [sflag:$0x3] =	stream.linear.gather [hbm4b:s7+s25], $0x2000, $0x38;
	[tilespmem:$0x18C00] =	vst v63  }
0xf4: {  	_ =	swait.ge [sflag:s22], $0x2000  }
0xf5: {  	[sflag:s22] =	ssyncset.done $0x0  }
0xf6: {  	s8 =	rddreg [dreg:$0x7];
	[sflag:s22] =	ssyncadd.s32 $0xFFFFE000  }
0xf7: {  	[tilespmem:s23], [sflag:$0x3] =	stream.linear.gather [hbm4b:s8+s25], $0x2000, $0x38;
	[tilespmem:$0x18C00] =	vst v63  }
0xf8: {  	_ =	swait.ge [sflag:s22], $0x2000  }
0xf9: {  	s9 =	sand.u32 $0x1800, s25;
	s10 =	sand.u32 $0x380, s25;
	[sflag:s22] =	ssyncset.done $0x0  }
0xfa: {  	s0 =	sor.u32 s10, s9;
	[sflag:s22] =	ssyncadd.s32 $0xFFFFE000  }
0xfb: {  	v1 =	vld [tilespmem:s0+$0x0];
	_ =	sdelay $0x1  }
0xfc: {  	v2 =	vld [tilespmem:s0+$0x2000];
	_ =	sdelay $0x2  }
0xfd: {  	v1 =	vmul.u32 $0x3E8, v1;
	_ =	sdelay $0x1  }
0xfe: {  	s28 =	sand.u32 $0x1FF8, s25;
	v1 =	vadd.s32 v2, v1  }
0xff: {  	[tilespmem:s28+$0x5900] =	vst v1  }
0x100: {  	v1 =	vld [tilespmem:s0+$0x10];
	_ =	sdelay $0x1  }
0x101: {  	v2 =	vld [tilespmem:s0+$0x2010];
	_ =	sdelay $0x2  }
0x102: {  	v1 =	vmul.u32 $0x3E8, v1;
	_ =	sdelay $0x1  }
0x103: {  	s29 =	simm.s32 $0x59B8;
	v1 =	vadd.s32 v2, v1  }
0x104: {  	[tilespmem:s29+$0xFFFFFF58] =	vst v1  }
0x105: {  	v1 =	vld [tilespmem:s0+$0x20];
	_ =	sdelay $0x1  }
0x106: {  	v2 =	vld [tilespmem:s0+$0x2020];
	_ =	sdelay $0x2  }
0x107: {  	v1 =	vmul.u32 $0x3E8, v1;
	_ =	sdelay $0x1  }
0x108: {  	v1 =	vadd.s32 v2, v1  }
0x109: {  	[tilespmem:s29+$0xFFFFFF68] =	vst v1  }
0x10a: {  	v1 =	vld [tilespmem:s0+$0x30];
	_ =	sdelay $0x1  }
0x10b: {  	v2 =	vld [tilespmem:s0+$0x2030];
	_ =	sdelay $0x2  }
0x10c: {  	v1 =	vmul.u32 $0x3E8, v1;
	_ =	sdelay $0x1  }
0x10d: {  	v1 =	vadd.s32 v2, v1  }
0x10e: {  	[tilespmem:s29+$0xFFFFFF78] =	vst v1  }
0x10f: {  	v1 =	vld [tilespmem:s0+$0x40];
	_ =	sdelay $0x1  }
0x110: {  	v2 =	vld [tilespmem:s0+$0x2040];
	_ =	sdelay $0x2  }
0x111: {  	v1 =	vmul.u32 $0x3E8, v1;
	_ =	sdelay $0x1  }
0x112: {  	v1 =	vadd.s32 v2, v1  }
0x113: {  	[tilespmem:s29+$0xFFFFFF88] =	vst v1  }
0x114: {  	v1 =	vld [tilespmem:s0+$0x50];
	_ =	sdelay $0x1  }
0x115: {  	v2 =	vld [tilespmem:s0+$0x2050];
	_ =	sdelay $0x2  }
0x116: {  	v1 =	vmul.u32 $0x3E8, v1;
	_ =	sdelay $0x1  }
0x117: {  	v1 =	vadd.s32 v2, v1  }
0x118: {  	[tilespmem:s29+$0xFFFFFF98] =	vst v1  }
0x119: {  	v1 =	vld [tilespmem:s0+$0x60];
	_ =	sdelay $0x1  }
0x11a: {  	v2 =	vld [tilespmem:s0+$0x2060];
	_ =	sdelay $0x2  }
0x11b: {  	v1 =	vmul.u32 $0x3E8, v1;
	_ =	sdelay $0x1  }
0x11c: {  	v1 =	vadd.s32 v2, v1  }
0x11d: {  	[tilespmem:s29+$0xFFFFFFA8] =	vst v1  }
0x11e: {  	v1 =	vld [tilespmem:s0+$0x70];
	_ =	sdelay $0x1  }
0x11f: {  	v2 =	vld [tilespmem:s0+$0x2070];
	_ =	sdelay $0x2  }
0x120: {  	v1 =	vmul.u32 $0x3E8, v1;
	_ =	sdelay $0x1  }
0x121: {  	v1 =	vadd.s32 v2, v1  }
0x122: {  	[tilespmem:s29+$0xFFFFFFB8] =	vst v1  }
0x123: {  	v1 =	vld [tilespmem:s0+$0x400];
	_ =	sdelay $0x1  }
0x124: {  	v2 =	vld [tilespmem:s0+$0x2400];
	_ =	sdelay $0x2  }
0x125: {  	v1 =	vmul.u32 $0x3E8, v1;
	_ =	sdelay $0x1  }
0x126: {  	v1 =	vadd.s32 v2, v1  }
0x127: {  	[tilespmem:s28+$0x5980] =	vst v1  }
0x128: {  	v1 =	vld [tilespmem:s0+$0x410];
	_ =	sdelay $0x1  }
0x129: {  	v2 =	vld [tilespmem:s0+$0x2410];
	_ =	sdelay $0x2  }
0x12a: {  	v1 =	vmul.u32 $0x3E8, v1;
	_ =	sdelay $0x1  }
0x12b: {  	v1 =	vadd.s32 v2, v1  }
0x12c: {  	[tilespmem:s29+$0xFFFFFFD8] =	vst v1  }
0x12d: {  	v1 =	vld [tilespmem:s0+$0x420];
	_ =	sdelay $0x1  }
0x12e: {  	v2 =	vld [tilespmem:s0+$0x2420];
	_ =	sdelay $0x2  }
0x12f: {  	v1 =	vmul.u32 $0x3E8, v1;
	_ =	sdelay $0x1  }
0x130: {  	v1 =	vadd.s32 v2, v1  }
0x131: {  	[tilespmem:s29+$0xFFFFFFE8] =	vst v1  }
0x132: {  	v2 =	vmov s25;
	v1 =	vld [tilespmem:s0+$0x430]  }
0x133: {  	v3 =	vshll.u32 v2, $0x8;
	v2 =	vshll.u32 v2, $0x7  }
0x134: {  	v63 =	vld [tilespmem:s0+$0x2430];
	v3 =	vand.u32 $0x1800, v3;
	v2 =	vand.u32 $0x380, v2  }
0x135: {  	v2 =	vor.u32 v2, v3  }
0x136: {  	v2 =	vor.u32 v0, v2  }
0x137: {  	v1 =	vmul.u32 $0x3E8, v1;
	_ =	sdelay $0x1  }
0x138: {  	v1 =	vadd.s32 v63, v1  }
0x139: {  	[tilespmem:s29+$0xFFFFFFF8] =	vst v1  }
0x13a: {  	v1 =	vld.idx.msk [tilespmem:v2+s3+$0x0], $0xffff;
	_ =	sdelay $0x1  }
0x13b: {  	v2 =	vld.idx.msk [tilespmem:v2+s23+$0x0], $0xffff;
	_ =	sdelay $0x2  }
0x13c: {  	v1 =	vmul.u32 $0x3E8, v1  }
0x13d: {  	s5 =	simm.s32 $0x80;
	s6 =	simm.s32 $0x100;
	s7 =	simm.s32 $0x2  }
0x13e: {  	s9 =	sand.u32 $0x380, s5;
	s8 =	sand.u32 $0x1800, s6;
	s0 =	simm.s32 $0x1;
	v1 =	vadd.s32 v2, v1  }
.LBB2_4:
0x13f: {  	s8 =	sor.u32 s9, s8;
	[tilespmem:s29+$0x0] =	vst v1;
	s25 =	sadd.s32 $0xC8, s25;
	s29 =	sadd.s32 $0xC8, s29  }
0x140: {  	p0 =	sne.s32 s7, $0x1F;
	s28 =	smov.u32 s7;
	s7 =	sadd.s32 $0x1, s7;
	v1 =	vld [tilespmem:s8+$0x0]  }
0x141: {  	_ = 	snop  }
0x142: {  	v2 =	vld [tilespmem:s8+$0x2000];
	_ =	sdelay $0x2  }
0x143: {  	v1 =	vmul.u32 $0x3E8, v1;
	_ =	sdelay $0x1  }
0x144: {  	s9 =	sand.u32 $0x1FF8, s25;
	v1 =	vadd.s32 v2, v1  }
0x145: {  	[tilespmem:s9+$0x5900] =	vst v1  }
0x146: {  	v1 =	vld [tilespmem:s8+$0x10];
	_ =	sdelay $0x1  }
0x147: {  	v2 =	vld [tilespmem:s8+$0x2010];
	_ =	sdelay $0x2  }
0x148: {  	v1 =	vmul.u32 $0x3E8, v1;
	_ =	sdelay $0x1  }
0x149: {  	v1 =	vadd.s32 v2, v1  }
0x14a: {  	[tilespmem:s29+$0xFFFFFF58] =	vst v1  }
0x14b: {  	v1 =	vld [tilespmem:s8+$0x20];
	_ =	sdelay $0x1  }
0x14c: {  	v2 =	vld [tilespmem:s8+$0x2020];
	_ =	sdelay $0x2  }
0x14d: {  	v1 =	vmul.u32 $0x3E8, v1;
	_ =	sdelay $0x1  }
0x14e: {  	v1 =	vadd.s32 v2, v1  }
0x14f: {  	[tilespmem:s29+$0xFFFFFF68] =	vst v1  }
0x150: {  	v1 =	vld [tilespmem:s8+$0x30];
	_ =	sdelay $0x1  }
0x151: {  	v2 =	vld [tilespmem:s8+$0x2030];
	_ =	sdelay $0x2  }
0x152: {  	v1 =	vmul.u32 $0x3E8, v1;
	_ =	sdelay $0x1  }
0x153: {  	v1 =	vadd.s32 v2, v1  }
0x154: {  	[tilespmem:s29+$0xFFFFFF78] =	vst v1  }
0x155: {  	v1 =	vld [tilespmem:s8+$0x40];
	_ =	sdelay $0x1  }
0x156: {  	v2 =	vld [tilespmem:s8+$0x2040];
	_ =	sdelay $0x2  }
0x157: {  	v1 =	vmul.u32 $0x3E8, v1;
	_ =	sdelay $0x1  }
0x158: {  	v1 =	vadd.s32 v2, v1  }
0x159: {  	[tilespmem:s29+$0xFFFFFF88] =	vst v1  }
0x15a: {  	v1 =	vld [tilespmem:s8+$0x50];
	_ =	sdelay $0x1  }
0x15b: {  	v2 =	vld [tilespmem:s8+$0x2050];
	_ =	sdelay $0x2  }
0x15c: {  	v1 =	vmul.u32 $0x3E8, v1;
	_ =	sdelay $0x1  }
0x15d: {  	v1 =	vadd.s32 v2, v1  }
0x15e: {  	[tilespmem:s29+$0xFFFFFF98] =	vst v1  }
0x15f: {  	v1 =	vld [tilespmem:s8+$0x60];
	_ =	sdelay $0x1  }
0x160: {  	v2 =	vld [tilespmem:s8+$0x2060];
	_ =	sdelay $0x2  }
0x161: {  	v1 =	vmul.u32 $0x3E8, v1;
	_ =	sdelay $0x1  }
0x162: {  	v1 =	vadd.s32 v2, v1  }
0x163: {  	[tilespmem:s29+$0xFFFFFFA8] =	vst v1  }
0x164: {  	v1 =	vld [tilespmem:s8+$0x70];
	_ =	sdelay $0x1  }
0x165: {  	v2 =	vld [tilespmem:s8+$0x2070];
	_ =	sdelay $0x2  }
0x166: {  	v1 =	vmul.u32 $0x3E8, v1;
	_ =	sdelay $0x1  }
0x167: {  	v1 =	vadd.s32 v2, v1  }
0x168: {  	[tilespmem:s29+$0xFFFFFFB8] =	vst v1  }
0x169: {  	v1 =	vld [tilespmem:s8+$0x400];
	_ =	sdelay $0x1  }
0x16a: {  	v2 =	vld [tilespmem:s8+$0x2400];
	_ =	sdelay $0x2  }
0x16b: {  	v1 =	vmul.u32 $0x3E8, v1;
	_ =	sdelay $0x1  }
0x16c: {  	v1 =	vadd.s32 v2, v1  }
0x16d: {  	[tilespmem:s9+$0x5980] =	vst v1  }
0x16e: {  	v1 =	vld [tilespmem:s8+$0x410]  }
0x16f: {  	v2 =	vld [tilespmem:s8+$0x2410];
	_ =	sdelay $0x3  }
0x170: {  	v1 =	vmul.u32 $0x3E8, v1;
	_ =	sdelay $0x1  }
0x171: {  	v1 =	vadd.s32 v2, v1  }
0x172: {  	[tilespmem:s29+$0xFFFFFFD8] =	vst v1  }
0x173: {  	v1 =	vld [tilespmem:s8+$0x420]  }
0x174: {  	v2 =	vld [tilespmem:s8+$0x2420];
	_ =	sdelay $0x3  }
0x175: {  	v1 =	vmul.u32 $0x3E8, v1;
	_ =	sdelay $0x1  }
0x176: {  	v1 =	vadd.s32 v2, v1  }
0x177: {  	[tilespmem:s29+$0xFFFFFFE8] =	vst v1  }
0x178: {  	v2 =	vmov s0;
	s0 =	smov.u32 s28;
	v1 =	vld [tilespmem:s8+$0x430]  }
0x179: {  	v4 =	vshll.u32 v2, $0x8;
	v2 =	vshll.u32 v2, $0x7;
	v3 =	vld [tilespmem:s8+$0x2430]  }
0x17a: {  	v4 =	vand.u32 $0x1800, v4;
	v2 =	vand.u32 $0x380, v2  }
0x17b: {  	v2 =	vor.u32 v2, v4  }
0x17c: {  	v2 =	vor.u32 v0, v2  }
0x17d: {  	v1 =	vmul.u32 $0x3E8, v1;
	_ =	sdelay $0x1  }
0x17e: {  	v1 =	vadd.s32 v3, v1  }
0x17f: {  	[tilespmem:s29+$0xFFFFFFF8] =	vst v1  }
0x180: {  	v1 =	vld.idx.msk [tilespmem:v2+s3+$0x0], $0xffff  }
0x181: {  	v2 =	vld.idx.msk [tilespmem:v2+s23+$0x0], $0xffff;
	_ =	sdelay $0x2  }
.Ltmp1:
0x182: {  	(pc) =	sbr.rel @p0 .LBB2_4-.Ltmp1, $4  }
0x183: {  	_ = 	snop  }
0x184: {  	v1 =	vmul.u32 $0x3E8, v1  }
0x185: {  	s5 =	sadd.s32 $0x80, s5;
	s6 =	sadd.s32 $0x100, s6  }
0x186: {  	s9 =	sand.u32 $0x380, s5;
	s8 =	sand.u32 $0x1800, s6;
	v1 =	vadd.s32 v2, v1  }
0x187: {  	s5 =	sor.u32 s9, s8;
	[tilespmem:s29+$0x0] =	vst v1  }
0x188: {  	v1 =	vld [tilespmem:s5+$0x0];
	_ =	sdelay $0x1  }
0x189: {  	v2 =	vld [tilespmem:s5+$0x2000];
	_ =	sdelay $0x2  }
0x18a: {  	v1 =	vmul.u32 $0x3E8, v1  }
0x18b: {  	s6 =	sadd.s32 $0xC8, s25  }
0x18c: {  	s7 =	sand.u32 $0x1FF8, s6;
	v1 =	vadd.s32 v2, v1  }
0x18d: {  	[tilespmem:s7+$0x5900] =	vst v1  }
0x18e: {  	v1 =	vld [tilespmem:s5+$0x10];
	_ =	sdelay $0x1  }
0x18f: {  	v2 =	vld [tilespmem:s5+$0x2010];
	_ =	sdelay $0x2  }
0x190: {  	v1 =	vmul.u32 $0x3E8, v1;
	_ =	sdelay $0x1  }
0x191: {  	s10 =	sadd.s32 $0xC8, s29;
	v1 =	vadd.s32 v2, v1  }
0x192: {  	[tilespmem:s10+$0xFFFFFF58] =	vst v1  }
0x193: {  	v1 =	vld [tilespmem:s5+$0x20];
	_ =	sdelay $0x1  }
0x194: {  	v2 =	vld [tilespmem:s5+$0x2020];
	_ =	sdelay $0x2  }
0x195: {  	v1 =	vmul.u32 $0x3E8, v1;
	_ =	sdelay $0x1  }
0x196: {  	v1 =	vadd.s32 v2, v1  }
0x197: {  	[tilespmem:s10+$0xFFFFFF68] =	vst v1  }
0x198: {  	v1 =	vld [tilespmem:s5+$0x30];
	_ =	sdelay $0x1  }
0x199: {  	v2 =	vld [tilespmem:s5+$0x2030];
	_ =	sdelay $0x2  }
0x19a: {  	v1 =	vmul.u32 $0x3E8, v1;
	_ =	sdelay $0x1  }
0x19b: {  	v1 =	vadd.s32 v2, v1  }
0x19c: {  	[tilespmem:s10+$0xFFFFFF78] =	vst v1  }
0x19d: {  	v1 =	vld [tilespmem:s5+$0x40];
	_ =	sdelay $0x1  }
0x19e: {  	v2 =	vld [tilespmem:s5+$0x2040];
	_ =	sdelay $0x2  }
0x19f: {  	v1 =	vmul.u32 $0x3E8, v1;
	_ =	sdelay $0x1  }
0x1a0: {  	v1 =	vadd.s32 v2, v1  }
0x1a1: {  	[tilespmem:s10+$0xFFFFFF88] =	vst v1  }
0x1a2: {  	v1 =	vld [tilespmem:s5+$0x50];
	_ =	sdelay $0x1  }
0x1a3: {  	v2 =	vld [tilespmem:s5+$0x2050];
	_ =	sdelay $0x2  }
0x1a4: {  	v1 =	vmul.u32 $0x3E8, v1;
	_ =	sdelay $0x1  }
0x1a5: {  	v1 =	vadd.s32 v2, v1  }
0x1a6: {  	[tilespmem:s10+$0xFFFFFF98] =	vst v1  }
0x1a7: {  	v1 =	vld [tilespmem:s5+$0x60];
	_ =	sdelay $0x1  }
0x1a8: {  	v2 =	vld [tilespmem:s5+$0x2060];
	_ =	sdelay $0x2  }
0x1a9: {  	v1 =	vmul.u32 $0x3E8, v1;
	_ =	sdelay $0x1  }
0x1aa: {  	v1 =	vadd.s32 v2, v1  }
0x1ab: {  	[tilespmem:s10+$0xFFFFFFA8] =	vst v1  }
0x1ac: {  	v1 =	vld [tilespmem:s5+$0x70];
	_ =	sdelay $0x1  }
0x1ad: {  	v2 =	vld [tilespmem:s5+$0x2070];
	_ =	sdelay $0x2  }
0x1ae: {  	v1 =	vmul.u32 $0x3E8, v1;
	_ =	sdelay $0x1  }
0x1af: {  	v1 =	vadd.s32 v2, v1  }
0x1b0: {  	[tilespmem:s10+$0xFFFFFFB8] =	vst v1  }
0x1b1: {  	v1 =	vld [tilespmem:s5+$0x400];
	_ =	sdelay $0x1  }
0x1b2: {  	v2 =	vld [tilespmem:s5+$0x2400];
	_ =	sdelay $0x2  }
0x1b3: {  	v1 =	vmul.u32 $0x3E8, v1;
	_ =	sdelay $0x1  }
0x1b4: {  	v1 =	vadd.s32 v2, v1  }
0x1b5: {  	[tilespmem:s7+$0x5980] =	vst v1  }
0x1b6: {  	v1 =	vld [tilespmem:s5+$0x410];
	_ =	sdelay $0x1  }
0x1b7: {  	v2 =	vld [tilespmem:s5+$0x2410];
	_ =	sdelay $0x2  }
0x1b8: {  	v1 =	vmul.u32 $0x3E8, v1;
	_ =	sdelay $0x1  }
0x1b9: {  	v1 =	vadd.s32 v2, v1  }
0x1ba: {  	[tilespmem:s10+$0xFFFFFFD8] =	vst v1  }
0x1bb: {  	v1 =	vld [tilespmem:s5+$0x420];
	_ =	sdelay $0x1  }
0x1bc: {  	v2 =	vld [tilespmem:s5+$0x2420];
	_ =	sdelay $0x2  }
0x1bd: {  	v1 =	vmul.u32 $0x3E8, v1;
	_ =	sdelay $0x1  }
0x1be: {  	v1 =	vadd.s32 v2, v1  }
0x1bf: {  	[tilespmem:s10+$0xFFFFFFE8] =	vst v1  }
0x1c0: {  	v2 =	vmov s0;
	v1 =	vld [tilespmem:s5+$0x430]  }
0x1c1: {  	v3 =	vshll.u32 v2, $0x8;
	v2 =	vshll.u32 v2, $0x7  }
0x1c2: {  	v4 =	vld [tilespmem:s5+$0x2430];
	v3 =	vand.u32 $0x1800, v3;
	v2 =	vand.u32 $0x380, v2  }
0x1c3: {  	v2 =	vor.u32 v2, v3  }
0x1c4: {  	v2 =	vor.u32 v0, v2  }
0x1c5: {  	v1 =	vmul.u32 $0x3E8, v1;
	_ =	sdelay $0x1  }
0x1c6: {  	v1 =	vadd.s32 v4, v1  }
0x1c7: {  	[tilespmem:s10+$0xFFFFFFF8] =	vst v1  }
0x1c8: {  	v1 =	vld.idx.msk [tilespmem:v2+s3+$0x0], $0xffff;
	_ =	sdelay $0x1  }
0x1c9: {  	v2 =	vld.idx.msk [tilespmem:v2+s23+$0x0], $0xffff;
	_ =	sdelay $0x2  }
0x1ca: {  	v1 =	vmul.u32 $0x3E8, v1;
	_ =	sdelay $0x1  }
0x1cb: {  	v1 =	vadd.s32 v2, v1  }
0x1cc: {  	s25 =	simm.s32 $0x5900;
	s28 =	simm.s32 $0xBD00;
	[tilespmem:s10+$0x0] =	vst v1  }
0x1cd: {  	[tilespmem:s28], [sflag:$0x1] =	stream.indirect.gather [hbm4b:s1+s24], $0x1, s25, s24, $0xb8;
	[tilespmem:$0x18C00] =	vst v63  }
0x1ce: {  	s6 =	simm.s32 $0x12100  }
0x1cf: {  	[tilespmem:s6], [sflag:$0x2] =	stream.indirect.gather [hbm4b:s2+s24], $0x1, s25, s24, $0xb8;
	[tilespmem:$0x18C00] =	vst v63  }
0x1d0: {  	s7 =	rddreg [dreg:$0x8];
	s25 =	simm.s32 $0x0  }
0x1d1: {  	[tilespmem:s25], [sflag:$0x3] =	stream.linear.gather [hbm4b:s7+s25], $0x2000, $0x38;
	[tilespmem:$0x18C00] =	vst v63  }
0x1d2: {  	_ =	swait.ge [sflag:s22], $0x2000  }
0x1d3: {  	[sflag:s22] =	ssyncset.done $0x0  }
0x1d4: {  	s8 =	rddreg [dreg:$0x9];
	[sflag:s22] =	ssyncadd.s32 $0xFFFFE000  }
0x1d5: {  	[tilespmem:s23], [sflag:$0x3] =	stream.linear.gather [hbm4b:s8+s25], $0x2000, $0x38;
	[tilespmem:$0x18C00] =	vst v63  }
0x1d6: {  	_ =	swait.ge [sflag:s22], $0x2000  }
0x1d7: {  	s9 =	sand.u32 $0x1800, s25;
	s10 =	sand.u32 $0x380, s25;
	[sflag:s22] =	ssyncset.done $0x0  }
0x1d8: {  	s0 =	sor.u32 s10, s9;
	[sflag:s22] =	ssyncadd.s32 $0xFFFFE000  }
0x1d9: {  	v1 =	vld [tilespmem:s0+$0x0];
	_ =	sdelay $0x1  }
0x1da: {  	v2 =	vld [tilespmem:s0+$0x2000];
	_ =	sdelay $0x2  }
0x1db: {  	v1 =	vmul.u32 $0x3E8, v1;
	_ =	sdelay $0x1  }
0x1dc: {  	s28 =	sand.u32 $0x1FF8, s25;
	v1 =	vadd.s32 v2, v1  }
0x1dd: {  	[tilespmem:s28+$0x7200] =	vst v1  }
0x1de: {  	v1 =	vld [tilespmem:s0+$0x10];
	_ =	sdelay $0x1  }
0x1df: {  	v2 =	vld [tilespmem:s0+$0x2010];
	_ =	sdelay $0x2  }
0x1e0: {  	v1 =	vmul.u32 $0x3E8, v1;
	_ =	sdelay $0x1  }
0x1e1: {  	s29 =	simm.s32 $0x72B8;
	v1 =	vadd.s32 v2, v1  }
0x1e2: {  	[tilespmem:s29+$0xFFFFFF58] =	vst v1  }
0x1e3: {  	v1 =	vld [tilespmem:s0+$0x20];
	_ =	sdelay $0x1  }
0x1e4: {  	v2 =	vld [tilespmem:s0+$0x2020];
	_ =	sdelay $0x2  }
0x1e5: {  	v1 =	vmul.u32 $0x3E8, v1;
	_ =	sdelay $0x1  }
0x1e6: {  	v1 =	vadd.s32 v2, v1  }
0x1e7: {  	[tilespmem:s29+$0xFFFFFF68] =	vst v1  }
0x1e8: {  	v1 =	vld [tilespmem:s0+$0x30];
	_ =	sdelay $0x1  }
0x1e9: {  	v2 =	vld [tilespmem:s0+$0x2030];
	_ =	sdelay $0x2  }
0x1ea: {  	v1 =	vmul.u32 $0x3E8, v1;
	_ =	sdelay $0x1  }
0x1eb: {  	v1 =	vadd.s32 v2, v1  }
0x1ec: {  	[tilespmem:s29+$0xFFFFFF78] =	vst v1  }
0x1ed: {  	v1 =	vld [tilespmem:s0+$0x40];
	_ =	sdelay $0x1  }
0x1ee: {  	v2 =	vld [tilespmem:s0+$0x2040];
	_ =	sdelay $0x2  }
0x1ef: {  	v1 =	vmul.u32 $0x3E8, v1;
	_ =	sdelay $0x1  }
0x1f0: {  	v1 =	vadd.s32 v2, v1  }
0x1f1: {  	[tilespmem:s29+$0xFFFFFF88] =	vst v1  }
0x1f2: {  	v1 =	vld [tilespmem:s0+$0x50];
	_ =	sdelay $0x1  }
0x1f3: {  	v2 =	vld [tilespmem:s0+$0x2050];
	_ =	sdelay $0x2  }
0x1f4: {  	v1 =	vmul.u32 $0x3E8, v1;
	_ =	sdelay $0x1  }
0x1f5: {  	v1 =	vadd.s32 v2, v1  }
0x1f6: {  	[tilespmem:s29+$0xFFFFFF98] =	vst v1  }
0x1f7: {  	v1 =	vld [tilespmem:s0+$0x60];
	_ =	sdelay $0x1  }
0x1f8: {  	v2 =	vld [tilespmem:s0+$0x2060];
	_ =	sdelay $0x2  }
0x1f9: {  	v1 =	vmul.u32 $0x3E8, v1;
	_ =	sdelay $0x1  }
0x1fa: {  	v1 =	vadd.s32 v2, v1  }
0x1fb: {  	[tilespmem:s29+$0xFFFFFFA8] =	vst v1  }
0x1fc: {  	v1 =	vld [tilespmem:s0+$0x70];
	_ =	sdelay $0x1  }
0x1fd: {  	v2 =	vld [tilespmem:s0+$0x2070];
	_ =	sdelay $0x2  }
0x1fe: {  	v1 =	vmul.u32 $0x3E8, v1;
	_ =	sdelay $0x1  }
0x1ff: {  	v1 =	vadd.s32 v2, v1  }
0x200: {  	[tilespmem:s29+$0xFFFFFFB8] =	vst v1  }
0x201: {  	v1 =	vld [tilespmem:s0+$0x400];
	_ =	sdelay $0x1  }
0x202: {  	v2 =	vld [tilespmem:s0+$0x2400];
	_ =	sdelay $0x2  }
0x203: {  	v1 =	vmul.u32 $0x3E8, v1;
	_ =	sdelay $0x1  }
0x204: {  	v1 =	vadd.s32 v2, v1  }
0x205: {  	[tilespmem:s28+$0x7280] =	vst v1  }
0x206: {  	v1 =	vld [tilespmem:s0+$0x410];
	_ =	sdelay $0x1  }
0x207: {  	v2 =	vld [tilespmem:s0+$0x2410];
	_ =	sdelay $0x2  }
0x208: {  	v1 =	vmul.u32 $0x3E8, v1;
	_ =	sdelay $0x1  }
0x209: {  	v1 =	vadd.s32 v2, v1  }
0x20a: {  	[tilespmem:s29+$0xFFFFFFD8] =	vst v1  }
0x20b: {  	v1 =	vld [tilespmem:s0+$0x420];
	_ =	sdelay $0x1  }
0x20c: {  	v2 =	vld [tilespmem:s0+$0x2420];
	_ =	sdelay $0x2  }
0x20d: {  	v1 =	vmul.u32 $0x3E8, v1;
	_ =	sdelay $0x1  }
0x20e: {  	v1 =	vadd.s32 v2, v1  }
0x20f: {  	[tilespmem:s29+$0xFFFFFFE8] =	vst v1  }
0x210: {  	v2 =	vmov s25;
	v1 =	vld [tilespmem:s0+$0x430]  }
0x211: {  	v3 =	vshll.u32 v2, $0x8;
	v2 =	vshll.u32 v2, $0x7  }
0x212: {  	v63 =	vld [tilespmem:s0+$0x2430];
	v3 =	vand.u32 $0x1800, v3;
	v2 =	vand.u32 $0x380, v2  }
0x213: {  	v2 =	vor.u32 v2, v3  }
0x214: {  	v2 =	vor.u32 v0, v2  }
0x215: {  	v1 =	vmul.u32 $0x3E8, v1;
	_ =	sdelay $0x1  }
0x216: {  	v1 =	vadd.s32 v63, v1  }
0x217: {  	[tilespmem:s29+$0xFFFFFFF8] =	vst v1  }
0x218: {  	v1 =	vld.idx.msk [tilespmem:v2+s3+$0x0], $0xffff;
	_ =	sdelay $0x1  }
0x219: {  	v2 =	vld.idx.msk [tilespmem:v2+s23+$0x0], $0xffff;
	_ =	sdelay $0x2  }
0x21a: {  	v1 =	vmul.u32 $0x3E8, v1  }
0x21b: {  	s5 =	simm.s32 $0x80;
	s6 =	simm.s32 $0x100;
	s7 =	simm.s32 $0x2  }
0x21c: {  	s9 =	sand.u32 $0x380, s5;
	s8 =	sand.u32 $0x1800, s6;
	s0 =	simm.s32 $0x1;
	v1 =	vadd.s32 v2, v1  }
.LBB2_6:
0x21d: {  	s8 =	sor.u32 s9, s8;
	[tilespmem:s29+$0x0] =	vst v1;
	s25 =	sadd.s32 $0xC8, s25;
	s29 =	sadd.s32 $0xC8, s29  }
0x21e: {  	p0 =	sne.s32 s7, $0x1F;
	s28 =	smov.u32 s7;
	s7 =	sadd.s32 $0x1, s7;
	v1 =	vld [tilespmem:s8+$0x0]  }
0x21f: {  	_ = 	snop  }
0x220: {  	v2 =	vld [tilespmem:s8+$0x2000];
	_ =	sdelay $0x2  }
0x221: {  	v1 =	vmul.u32 $0x3E8, v1;
	_ =	sdelay $0x1  }
0x222: {  	s9 =	sand.u32 $0x1FF8, s25;
	v1 =	vadd.s32 v2, v1  }
0x223: {  	[tilespmem:s9+$0x7200] =	vst v1  }
0x224: {  	v1 =	vld [tilespmem:s8+$0x10];
	_ =	sdelay $0x1  }
0x225: {  	v2 =	vld [tilespmem:s8+$0x2010];
	_ =	sdelay $0x2  }
0x226: {  	v1 =	vmul.u32 $0x3E8, v1;
	_ =	sdelay $0x1  }
0x227: {  	v1 =	vadd.s32 v2, v1  }
0x228: {  	[tilespmem:s29+$0xFFFFFF58] =	vst v1  }
0x229: {  	v1 =	vld [tilespmem:s8+$0x20];
	_ =	sdelay $0x1  }
0x22a: {  	v2 =	vld [tilespmem:s8+$0x2020];
	_ =	sdelay $0x2  }
0x22b: {  	v1 =	vmul.u32 $0x3E8, v1;
	_ =	sdelay $0x1  }
0x22c: {  	v1 =	vadd.s32 v2, v1  }
0x22d: {  	[tilespmem:s29+$0xFFFFFF68] =	vst v1  }
0x22e: {  	v1 =	vld [tilespmem:s8+$0x30];
	_ =	sdelay $0x1  }
0x22f: {  	v2 =	vld [tilespmem:s8+$0x2030];
	_ =	sdelay $0x2  }
0x230: {  	v1 =	vmul.u32 $0x3E8, v1;
	_ =	sdelay $0x1  }
0x231: {  	v1 =	vadd.s32 v2, v1  }
0x232: {  	[tilespmem:s29+$0xFFFFFF78] =	vst v1  }
0x233: {  	v1 =	vld [tilespmem:s8+$0x40];
	_ =	sdelay $0x1  }
0x234: {  	v2 =	vld [tilespmem:s8+$0x2040];
	_ =	sdelay $0x2  }
0x235: {  	v1 =	vmul.u32 $0x3E8, v1;
	_ =	sdelay $0x1  }
0x236: {  	v1 =	vadd.s32 v2, v1  }
0x237: {  	[tilespmem:s29+$0xFFFFFF88] =	vst v1  }
0x238: {  	v1 =	vld [tilespmem:s8+$0x50];
	_ =	sdelay $0x1  }
0x239: {  	v2 =	vld [tilespmem:s8+$0x2050];
	_ =	sdelay $0x2  }
0x23a: {  	v1 =	vmul.u32 $0x3E8, v1;
	_ =	sdelay $0x1  }
0x23b: {  	v1 =	vadd.s32 v2, v1  }
0x23c: {  	[tilespmem:s29+$0xFFFFFF98] =	vst v1  }
0x23d: {  	v1 =	vld [tilespmem:s8+$0x60];
	_ =	sdelay $0x1  }
0x23e: {  	v2 =	vld [tilespmem:s8+$0x2060];
	_ =	sdelay $0x2  }
0x23f: {  	v1 =	vmul.u32 $0x3E8, v1;
	_ =	sdelay $0x1  }
0x240: {  	v1 =	vadd.s32 v2, v1  }
0x241: {  	[tilespmem:s29+$0xFFFFFFA8] =	vst v1  }
0x242: {  	v1 =	vld [tilespmem:s8+$0x70];
	_ =	sdelay $0x1  }
0x243: {  	v2 =	vld [tilespmem:s8+$0x2070];
	_ =	sdelay $0x2  }
0x244: {  	v1 =	vmul.u32 $0x3E8, v1;
	_ =	sdelay $0x1  }
0x245: {  	v1 =	vadd.s32 v2, v1  }
0x246: {  	[tilespmem:s29+$0xFFFFFFB8] =	vst v1  }
0x247: {  	v1 =	vld [tilespmem:s8+$0x400];
	_ =	sdelay $0x1  }
0x248: {  	v2 =	vld [tilespmem:s8+$0x2400];
	_ =	sdelay $0x2  }
0x249: {  	v1 =	vmul.u32 $0x3E8, v1;
	_ =	sdelay $0x1  }
0x24a: {  	v1 =	vadd.s32 v2, v1  }
0x24b: {  	[tilespmem:s9+$0x7280] =	vst v1  }
0x24c: {  	v1 =	vld [tilespmem:s8+$0x410]  }
0x24d: {  	v2 =	vld [tilespmem:s8+$0x2410];
	_ =	sdelay $0x3  }
0x24e: {  	v1 =	vmul.u32 $0x3E8, v1;
	_ =	sdelay $0x1  }
0x24f: {  	v1 =	vadd.s32 v2, v1  }
0x250: {  	[tilespmem:s29+$0xFFFFFFD8] =	vst v1  }
0x251: {  	v1 =	vld [tilespmem:s8+$0x420]  }
0x252: {  	v2 =	vld [tilespmem:s8+$0x2420];
	_ =	sdelay $0x3  }
0x253: {  	v1 =	vmul.u32 $0x3E8, v1;
	_ =	sdelay $0x1  }
0x254: {  	v1 =	vadd.s32 v2, v1  }
0x255: {  	[tilespmem:s29+$0xFFFFFFE8] =	vst v1  }
0x256: {  	v2 =	vmov s0;
	s0 =	smov.u32 s28;
	v1 =	vld [tilespmem:s8+$0x430]  }
0x257: {  	v4 =	vshll.u32 v2, $0x8;
	v2 =	vshll.u32 v2, $0x7;
	v3 =	vld [tilespmem:s8+$0x2430]  }
0x258: {  	v4 =	vand.u32 $0x1800, v4;
	v2 =	vand.u32 $0x380, v2  }
0x259: {  	v2 =	vor.u32 v2, v4  }
0x25a: {  	v2 =	vor.u32 v0, v2  }
0x25b: {  	v1 =	vmul.u32 $0x3E8, v1;
	_ =	sdelay $0x1  }
0x25c: {  	v1 =	vadd.s32 v3, v1  }
0x25d: {  	[tilespmem:s29+$0xFFFFFFF8] =	vst v1  }
0x25e: {  	v1 =	vld.idx.msk [tilespmem:v2+s3+$0x0], $0xffff  }
0x25f: {  	v2 =	vld.idx.msk [tilespmem:v2+s23+$0x0], $0xffff;
	_ =	sdelay $0x2  }
.Ltmp2:
0x260: {  	(pc) =	sbr.rel @p0 .LBB2_6-.Ltmp2, $4  }
0x261: {  	_ = 	snop  }
0x262: {  	v1 =	vmul.u32 $0x3E8, v1  }
0x263: {  	s5 =	sadd.s32 $0x80, s5;
	s6 =	sadd.s32 $0x100, s6  }
0x264: {  	s9 =	sand.u32 $0x380, s5;
	s8 =	sand.u32 $0x1800, s6;
	v1 =	vadd.s32 v2, v1  }
0x265: {  	s5 =	sor.u32 s9, s8;
	[tilespmem:s29+$0x0] =	vst v1  }
0x266: {  	v1 =	vld [tilespmem:s5+$0x0];
	_ =	sdelay $0x1  }
0x267: {  	v2 =	vld [tilespmem:s5+$0x2000];
	_ =	sdelay $0x2  }
0x268: {  	v1 =	vmul.u32 $0x3E8, v1  }
0x269: {  	s6 =	sadd.s32 $0xC8, s25  }
0x26a: {  	s7 =	sand.u32 $0x1FF8, s6;
	v1 =	vadd.s32 v2, v1  }
0x26b: {  	[tilespmem:s7+$0x7200] =	vst v1  }
0x26c: {  	v1 =	vld [tilespmem:s5+$0x10];
	_ =	sdelay $0x1  }
0x26d: {  	v2 =	vld [tilespmem:s5+$0x2010];
	_ =	sdelay $0x2  }
0x26e: {  	v1 =	vmul.u32 $0x3E8, v1;
	_ =	sdelay $0x1  }
0x26f: {  	s10 =	sadd.s32 $0xC8, s29;
	v1 =	vadd.s32 v2, v1  }
0x270: {  	[tilespmem:s10+$0xFFFFFF58] =	vst v1  }
0x271: {  	v1 =	vld [tilespmem:s5+$0x20];
	_ =	sdelay $0x1  }
0x272: {  	v2 =	vld [tilespmem:s5+$0x2020];
	_ =	sdelay $0x2  }
0x273: {  	v1 =	vmul.u32 $0x3E8, v1;
	_ =	sdelay $0x1  }
0x274: {  	v1 =	vadd.s32 v2, v1  }
0x275: {  	[tilespmem:s10+$0xFFFFFF68] =	vst v1  }
0x276: {  	v1 =	vld [tilespmem:s5+$0x30];
	_ =	sdelay $0x1  }
0x277: {  	v2 =	vld [tilespmem:s5+$0x2030];
	_ =	sdelay $0x2  }
0x278: {  	v1 =	vmul.u32 $0x3E8, v1;
	_ =	sdelay $0x1  }
0x279: {  	v1 =	vadd.s32 v2, v1  }
0x27a: {  	[tilespmem:s10+$0xFFFFFF78] =	vst v1  }
0x27b: {  	v1 =	vld [tilespmem:s5+$0x40];
	_ =	sdelay $0x1  }
0x27c: {  	v2 =	vld [tilespmem:s5+$0x2040];
	_ =	sdelay $0x2  }
0x27d: {  	v1 =	vmul.u32 $0x3E8, v1;
	_ =	sdelay $0x1  }
0x27e: {  	v1 =	vadd.s32 v2, v1  }
0x27f: {  	[tilespmem:s10+$0xFFFFFF88] =	vst v1  }
0x280: {  	v1 =	vld [tilespmem:s5+$0x50];
	_ =	sdelay $0x1  }
0x281: {  	v2 =	vld [tilespmem:s5+$0x2050];
	_ =	sdelay $0x2  }
0x282: {  	v1 =	vmul.u32 $0x3E8, v1;
	_ =	sdelay $0x1  }
0x283: {  	v1 =	vadd.s32 v2, v1  }
0x284: {  	[tilespmem:s10+$0xFFFFFF98] =	vst v1  }
0x285: {  	v1 =	vld [tilespmem:s5+$0x60];
	_ =	sdelay $0x1  }
0x286: {  	v2 =	vld [tilespmem:s5+$0x2060];
	_ =	sdelay $0x2  }
0x287: {  	v1 =	vmul.u32 $0x3E8, v1;
	_ =	sdelay $0x1  }
0x288: {  	v1 =	vadd.s32 v2, v1  }
0x289: {  	[tilespmem:s10+$0xFFFFFFA8] =	vst v1  }
0x28a: {  	v1 =	vld [tilespmem:s5+$0x70];
	_ =	sdelay $0x1  }
0x28b: {  	v2 =	vld [tilespmem:s5+$0x2070];
	_ =	sdelay $0x2  }
0x28c: {  	v1 =	vmul.u32 $0x3E8, v1;
	_ =	sdelay $0x1  }
0x28d: {  	v1 =	vadd.s32 v2, v1  }
0x28e: {  	[tilespmem:s10+$0xFFFFFFB8] =	vst v1  }
0x28f: {  	v1 =	vld [tilespmem:s5+$0x400];
	_ =	sdelay $0x1  }
0x290: {  	v2 =	vld [tilespmem:s5+$0x2400];
	_ =	sdelay $0x2  }
0x291: {  	v1 =	vmul.u32 $0x3E8, v1;
	_ =	sdelay $0x1  }
0x292: {  	v1 =	vadd.s32 v2, v1  }
0x293: {  	[tilespmem:s7+$0x7280] =	vst v1  }
0x294: {  	v1 =	vld [tilespmem:s5+$0x410];
	_ =	sdelay $0x1  }
0x295: {  	v2 =	vld [tilespmem:s5+$0x2410];
	_ =	sdelay $0x2  }
0x296: {  	v1 =	vmul.u32 $0x3E8, v1;
	_ =	sdelay $0x1  }
0x297: {  	v1 =	vadd.s32 v2, v1  }
0x298: {  	[tilespmem:s10+$0xFFFFFFD8] =	vst v1  }
0x299: {  	v1 =	vld [tilespmem:s5+$0x420];
	_ =	sdelay $0x1  }
0x29a: {  	v2 =	vld [tilespmem:s5+$0x2420];
	_ =	sdelay $0x2  }
0x29b: {  	v1 =	vmul.u32 $0x3E8, v1;
	_ =	sdelay $0x1  }
0x29c: {  	v1 =	vadd.s32 v2, v1  }
0x29d: {  	[tilespmem:s10+$0xFFFFFFE8] =	vst v1  }
0x29e: {  	v2 =	vmov s0;
	v1 =	vld [tilespmem:s5+$0x430]  }
0x29f: {  	v3 =	vshll.u32 v2, $0x8;
	v2 =	vshll.u32 v2, $0x7  }
0x2a0: {  	v4 =	vld [tilespmem:s5+$0x2430];
	v3 =	vand.u32 $0x1800, v3;
	v2 =	vand.u32 $0x380, v2  }
0x2a1: {  	v2 =	vor.u32 v2, v3  }
0x2a2: {  	v2 =	vor.u32 v0, v2  }
0x2a3: {  	v1 =	vmul.u32 $0x3E8, v1;
	_ =	sdelay $0x1  }
0x2a4: {  	v1 =	vadd.s32 v4, v1  }
0x2a5: {  	[tilespmem:s10+$0xFFFFFFF8] =	vst v1  }
0x2a6: {  	v1 =	vld.idx.msk [tilespmem:v2+s3+$0x0], $0xffff;
	_ =	sdelay $0x1  }
0x2a7: {  	v2 =	vld.idx.msk [tilespmem:v2+s23+$0x0], $0xffff;
	_ =	sdelay $0x2  }
0x2a8: {  	v1 =	vmul.u32 $0x3E8, v1;
	_ =	sdelay $0x1  }
0x2a9: {  	v1 =	vadd.s32 v2, v1  }
0x2aa: {  	s25 =	simm.s32 $0x7200;
	s6 =	simm.s32 $0xD600;
	[tilespmem:s10+$0x0] =	vst v1  }
0x2ab: {  	[tilespmem:s6], [sflag:$0x1] =	stream.indirect.gather [hbm4b:s1+s24], $0x1, s25, s24, $0xb8;
	[tilespmem:$0x18C00] =	vst v63  }
0x2ac: {  	s7 =	simm.s32 $0x13A00  }
0x2ad: {  	[tilespmem:s7], [sflag:$0x2] =	stream.indirect.gather [hbm4b:s2+s24], $0x1, s25, s24, $0xb8;
	[tilespmem:$0x18C00] =	vst v63  }
0x2ae: {  	s25 =	simm.s32 $0x0  }
0x2af: {  	[tilespmem:s25], [sflag:$0x3] =	stream.linear.gather [hbm4b:s11+s25], $0x2000, $0x38;
	[tilespmem:$0x18C00] =	vst v63  }
0x2b0: {  	_ =	swait.ge [sflag:s22], $0x2000  }
0x2b1: {  	[sflag:s22] =	ssyncset.done $0x0  }
0x2b2: {  	[sflag:s22] =	ssyncadd.s32 $0xFFFFE000  }
0x2b3: {  	[tilespmem:s23], [sflag:$0x3] =	stream.linear.gather [hbm4b:s12+s25], $0x2000, $0x38;
	[tilespmem:$0x18C00] =	vst v63  }
0x2b4: {  	_ =	swait.ge [sflag:s22], $0x2000  }
0x2b5: {  	s8 =	sand.u32 $0x1800, s25;
	s9 =	sand.u32 $0x380, s25;
	[sflag:s22] =	ssyncset.done $0x0  }
0x2b6: {  	s5 =	sor.u32 s9, s8;
	[sflag:s22] =	ssyncadd.s32 $0xFFFFE000  }
0x2b7: {  	v1 =	vld [tilespmem:s5+$0x0];
	_ =	sdelay $0x1  }
0x2b8: {  	v2 =	vld [tilespmem:s5+$0x2000];
	_ =	sdelay $0x2  }
0x2b9: {  	v1 =	vmul.u32 $0x3E8, v1;
	_ =	sdelay $0x1  }
0x2ba: {  	s10 =	sand.u32 $0x1FF8, s25;
	v1 =	vadd.s32 v2, v1  }
0x2bb: {  	[tilespmem:s10+$0x8B00] =	vst v1  }
0x2bc: {  	v1 =	vld [tilespmem:s5+$0x10];
	_ =	sdelay $0x1  }
0x2bd: {  	v2 =	vld [tilespmem:s5+$0x2010];
	_ =	sdelay $0x2  }
0x2be: {  	v1 =	vmul.u32 $0x3E8, v1;
	_ =	sdelay $0x1  }
0x2bf: {  	s0 =	simm.s32 $0x0;
	v1 =	vadd.s32 v2, v1  }
0x2c0: {  	[tilespmem:s0+$0x8B10] =	vst v1  }
0x2c1: {  	v1 =	vld [tilespmem:s5+$0x20];
	_ =	sdelay $0x1  }
0x2c2: {  	v2 =	vld [tilespmem:s5+$0x2020];
	_ =	sdelay $0x2  }
0x2c3: {  	v1 =	vmul.u32 $0x3E8, v1;
	_ =	sdelay $0x1  }
0x2c4: {  	v1 =	vadd.s32 v2, v1  }
0x2c5: {  	[tilespmem:s0+$0x8B20] =	vst v1  }
0x2c6: {  	v1 =	vld [tilespmem:s5+$0x30];
	_ =	sdelay $0x1  }
0x2c7: {  	v2 =	vld [tilespmem:s5+$0x2030];
	_ =	sdelay $0x2  }
0x2c8: {  	v1 =	vmul.u32 $0x3E8, v1;
	_ =	sdelay $0x1  }
0x2c9: {  	v1 =	vadd.s32 v2, v1  }
0x2ca: {  	[tilespmem:s0+$0x8B30] =	vst v1  }
0x2cb: {  	v1 =	vld [tilespmem:s5+$0x40];
	_ =	sdelay $0x1  }
0x2cc: {  	v2 =	vld [tilespmem:s5+$0x2040];
	_ =	sdelay $0x2  }
0x2cd: {  	v1 =	vmul.u32 $0x3E8, v1;
	_ =	sdelay $0x1  }
0x2ce: {  	v1 =	vadd.s32 v2, v1  }
0x2cf: {  	[tilespmem:s0+$0x8B40] =	vst v1  }
0x2d0: {  	v1 =	vld [tilespmem:s5+$0x50];
	_ =	sdelay $0x1  }
0x2d1: {  	v2 =	vld [tilespmem:s5+$0x2050];
	_ =	sdelay $0x2  }
0x2d2: {  	v1 =	vmul.u32 $0x3E8, v1;
	_ =	sdelay $0x1  }
0x2d3: {  	v1 =	vadd.s32 v2, v1  }
0x2d4: {  	[tilespmem:s0+$0x8B50] =	vst v1  }
0x2d5: {  	v1 =	vld [tilespmem:s5+$0x60];
	_ =	sdelay $0x1  }
0x2d6: {  	v2 =	vld [tilespmem:s5+$0x2060];
	_ =	sdelay $0x2  }
0x2d7: {  	v1 =	vmul.u32 $0x3E8, v1;
	_ =	sdelay $0x1  }
0x2d8: {  	v1 =	vadd.s32 v2, v1  }
0x2d9: {  	[tilespmem:s0+$0x8B60] =	vst v1  }
0x2da: {  	v1 =	vld [tilespmem:s5+$0x70];
	_ =	sdelay $0x1  }
0x2db: {  	v2 =	vld [tilespmem:s5+$0x2070];
	_ =	sdelay $0x2  }
0x2dc: {  	v1 =	vmul.u32 $0x3E8, v1;
	_ =	sdelay $0x1  }
0x2dd: {  	v1 =	vadd.s32 v2, v1  }
0x2de: {  	[tilespmem:s0+$0x8B70] =	vst v1  }
0x2df: {  	v1 =	vld [tilespmem:s5+$0x400];
	_ =	sdelay $0x1  }
0x2e0: {  	v2 =	vld [tilespmem:s5+$0x2400];
	_ =	sdelay $0x2  }
0x2e1: {  	v1 =	vmul.u32 $0x3E8, v1;
	_ =	sdelay $0x1  }
0x2e2: {  	v1 =	vadd.s32 v2, v1  }
0x2e3: {  	[tilespmem:s10+$0x8B80] =	vst v1  }
0x2e4: {  	v1 =	vld [tilespmem:s5+$0x410];
	_ =	sdelay $0x1  }
0x2e5: {  	v2 =	vld [tilespmem:s5+$0x2410];
	_ =	sdelay $0x2  }
0x2e6: {  	v1 =	vmul.u32 $0x3E8, v1;
	_ =	sdelay $0x1  }
0x2e7: {  	v1 =	vadd.s32 v2, v1  }
0x2e8: {  	[tilespmem:s0+$0x8B90] =	vst v1  }
0x2e9: {  	v1 =	vld [tilespmem:s5+$0x420];
	_ =	sdelay $0x1  }
0x2ea: {  	v2 =	vld [tilespmem:s5+$0x2420];
	_ =	sdelay $0x2  }
0x2eb: {  	v1 =	vmul.u32 $0x3E8, v1;
	_ =	sdelay $0x1  }
0x2ec: {  	v1 =	vadd.s32 v2, v1  }
0x2ed: {  	[tilespmem:s0+$0x8BA0] =	vst v1  }
0x2ee: {  	v2 =	vmov s25;
	v1 =	vld [tilespmem:s5+$0x430]  }
0x2ef: {  	v3 =	vshll.u32 v2, $0x8;
	v2 =	vshll.u32 v2, $0x7  }
0x2f0: {  	v63 =	vld [tilespmem:s5+$0x2430];
	v3 =	vand.u32 $0x1800, v3;
	v2 =	vand.u32 $0x380, v2  }
0x2f1: {  	v2 =	vor.u32 v2, v3  }
0x2f2: {  	v2 =	vor.u32 v0, v2  }
0x2f3: {  	v1 =	vmul.u32 $0x3E8, v1;
	_ =	sdelay $0x1  }
0x2f4: {  	v1 =	vadd.s32 v63, v1  }
0x2f5: {  	[tilespmem:s0+$0x8BB0] =	vst v1  }
0x2f6: {  	v1 =	vld.idx.msk [tilespmem:v2+s3+$0x0], $0xffff;
	_ =	sdelay $0x1  }
0x2f7: {  	v2 =	vld.idx.msk [tilespmem:v2+s23+$0x0], $0xffff;
	_ =	sdelay $0x2  }
0x2f8: {  	s29 =	simm.s32 $0x320;
	v1 =	vmul.u32 $0x3E8, v1  }
0x2f9: {  	s28 =	simm.s32 $0x0;
	s6 =	simm.s32 $0x80;
	s7 =	simm.s32 $0x100  }
0x2fa: {  	s8 =	sand.u32 $0x1800, s7;
	s9 =	sand.u32 $0x380, s6;
	s5 =	simm.s32 $0x640;
	v1 =	vadd.s32 v2, v1  }
.LBB2_8:
0x2fb: {  	s8 =	sor.u32 s9, s8;
	[tilespmem:s0+$0x8BB8] =	vst v1;
	s25 =	sadd.s32 $0x1, s25;
	s28 =	sadd.s32 $0xC8, s28  }
0x2fc: {  	p0 =	sne.s32 s5, $0x60E0;
	s10 =	smov.u32 s5;
	s5 =	sadd.s32 $0x320, s5;
	v1 =	vld [tilespmem:s8+$0x0]  }
0x2fd: {  	_ = 	snop  }
0x2fe: {  	v2 =	vld [tilespmem:s8+$0x2000];
	_ =	sdelay $0x2  }
0x2ff: {  	v1 =	vmul.u32 $0x3E8, v1;
	_ =	sdelay $0x1  }
0x300: {  	s9 =	sand.u32 $0x1FF8, s28;
	v1 =	vadd.s32 v2, v1  }
0x301: {  	[tilespmem:s9+$0x8B00] =	vst v1  }
0x302: {  	v1 =	vld [tilespmem:s8+$0x10];
	_ =	sdelay $0x1  }
0x303: {  	v2 =	vld [tilespmem:s8+$0x2010];
	_ =	sdelay $0x2  }
0x304: {  	v1 =	vmul.u32 $0x3E8, v1;
	_ =	sdelay $0x1  }
0x305: {  	s0 =	sshra.s32 s29, $0x2;
	s29 =	smov.u32 s10;
	v1 =	vadd.s32 v2, v1  }
0x306: {  	[tilespmem:s0+$0x8B10] =	vst v1  }
0x307: {  	v1 =	vld [tilespmem:s8+$0x20];
	_ =	sdelay $0x1  }
0x308: {  	v2 =	vld [tilespmem:s8+$0x2020];
	_ =	sdelay $0x2  }
0x309: {  	v1 =	vmul.u32 $0x3E8, v1;
	_ =	sdelay $0x1  }
0x30a: {  	v1 =	vadd.s32 v2, v1  }
0x30b: {  	[tilespmem:s0+$0x8B20] =	vst v1  }
0x30c: {  	v1 =	vld [tilespmem:s8+$0x30];
	_ =	sdelay $0x1  }
0x30d: {  	v2 =	vld [tilespmem:s8+$0x2030];
	_ =	sdelay $0x2  }
0x30e: {  	v1 =	vmul.u32 $0x3E8, v1;
	_ =	sdelay $0x1  }
0x30f: {  	v1 =	vadd.s32 v2, v1  }
0x310: {  	[tilespmem:s0+$0x8B30] =	vst v1  }
0x311: {  	v1 =	vld [tilespmem:s8+$0x40];
	_ =	sdelay $0x1  }
0x312: {  	v2 =	vld [tilespmem:s8+$0x2040];
	_ =	sdelay $0x2  }
0x313: {  	v1 =	vmul.u32 $0x3E8, v1;
	_ =	sdelay $0x1  }
0x314: {  	v1 =	vadd.s32 v2, v1  }
0x315: {  	[tilespmem:s0+$0x8B40] =	vst v1  }
0x316: {  	v1 =	vld [tilespmem:s8+$0x50];
	_ =	sdelay $0x1  }
0x317: {  	v2 =	vld [tilespmem:s8+$0x2050];
	_ =	sdelay $0x2  }
0x318: {  	v1 =	vmul.u32 $0x3E8, v1;
	_ =	sdelay $0x1  }
0x319: {  	v1 =	vadd.s32 v2, v1  }
0x31a: {  	[tilespmem:s0+$0x8B50] =	vst v1  }
0x31b: {  	v1 =	vld [tilespmem:s8+$0x60];
	_ =	sdelay $0x1  }
0x31c: {  	v2 =	vld [tilespmem:s8+$0x2060];
	_ =	sdelay $0x2  }
0x31d: {  	v1 =	vmul.u32 $0x3E8, v1;
	_ =	sdelay $0x1  }
0x31e: {  	v1 =	vadd.s32 v2, v1  }
0x31f: {  	[tilespmem:s0+$0x8B60] =	vst v1  }
0x320: {  	v1 =	vld [tilespmem:s8+$0x70]  }
0x321: {  	v2 =	vld [tilespmem:s8+$0x2070];
	_ =	sdelay $0x3  }
0x322: {  	v1 =	vmul.u32 $0x3E8, v1;
	_ =	sdelay $0x1  }
0x323: {  	v1 =	vadd.s32 v2, v1  }
0x324: {  	[tilespmem:s0+$0x8B70] =	vst v1  }
0x325: {  	v1 =	vld [tilespmem:s8+$0x400]  }
0x326: {  	v2 =	vld [tilespmem:s8+$0x2400];
	_ =	sdelay $0x3  }
0x327: {  	v1 =	vmul.u32 $0x3E8, v1;
	_ =	sdelay $0x1  }
0x328: {  	v1 =	vadd.s32 v2, v1  }
0x329: {  	[tilespmem:s9+$0x8B80] =	vst v1  }
0x32a: {  	v1 =	vld [tilespmem:s8+$0x410];
	_ =	sdelay $0x1  }
0x32b: {  	v2 =	vld [tilespmem:s8+$0x2410];
	_ =	sdelay $0x2  }
0x32c: {  	v1 =	vmul.u32 $0x3E8, v1;
	_ =	sdelay $0x1  }
0x32d: {  	v1 =	vadd.s32 v2, v1  }
0x32e: {  	[tilespmem:s0+$0x8B90] =	vst v1  }
0x32f: {  	v1 =	vld [tilespmem:s8+$0x420]  }
0x330: {  	v2 =	vld [tilespmem:s8+$0x2420];
	_ =	sdelay $0x3  }
0x331: {  	v1 =	vmul.u32 $0x3E8, v1;
	_ =	sdelay $0x1  }
0x332: {  	v1 =	vadd.s32 v2, v1  }
0x333: {  	[tilespmem:s0+$0x8BA0] =	vst v1  }
0x334: {  	v2 =	vmov s25;
	v1 =	vld [tilespmem:s8+$0x430]  }
0x335: {  	v4 =	vshll.u32 v2, $0x8;
	v2 =	vshll.u32 v2, $0x7;
	v3 =	vld [tilespmem:s8+$0x2430]  }
0x336: {  	v4 =	vand.u32 $0x1800, v4;
	v2 =	vand.u32 $0x380, v2  }
0x337: {  	v2 =	vor.u32 v2, v4  }
0x338: {  	v2 =	vor.u32 v0, v2  }
0x339: {  	v1 =	vmul.u32 $0x3E8, v1;
	_ =	sdelay $0x1  }
0x33a: {  	v1 =	vadd.s32 v3, v1  }
0x33b: {  	[tilespmem:s0+$0x8BB0] =	vst v1  }
0x33c: {  	v1 =	vld.idx.msk [tilespmem:v2+s3+$0x0], $0xffff  }
0x33d: {  	v2 =	vld.idx.msk [tilespmem:v2+s23+$0x0], $0xffff;
	_ =	sdelay $0x2  }
.Ltmp3:
0x33e: {  	(pc) =	sbr.rel @p0 .LBB2_8-.Ltmp3, $4  }
0x33f: {  	_ = 	snop  }
0x340: {  	v1 =	vmul.u32 $0x3E8, v1  }
0x341: {  	s6 =	sadd.s32 $0x80, s6;
	s7 =	sadd.s32 $0x100, s7  }
0x342: {  	s9 =	sand.u32 $0x380, s6;
	s8 =	sand.u32 $0x1800, s7;
	v1 =	vadd.s32 v2, v1  }
0x343: {  	s5 =	sor.u32 s9, s8;
	[tilespmem:s0+$0x8BB8] =	vst v1  }
0x344: {  	v1 =	vld [tilespmem:s5+$0x0];
	_ =	sdelay $0x1  }
0x345: {  	v2 =	vld [tilespmem:s5+$0x2000];
	_ =	sdelay $0x2  }
0x346: {  	v1 =	vmul.u32 $0x3E8, v1  }
0x347: {  	s28 =	sadd.s32 $0xC8, s28  }
0x348: {  	s6 =	sand.u32 $0x1FF8, s28;
	v1 =	vadd.s32 v2, v1  }
0x349: {  	[tilespmem:s6+$0x8B00] =	vst v1  }
0x34a: {  	v1 =	vld [tilespmem:s5+$0x10];
	_ =	sdelay $0x1  }
0x34b: {  	v2 =	vld [tilespmem:s5+$0x2010];
	_ =	sdelay $0x2  }
0x34c: {  	v1 =	vmul.u32 $0x3E8, v1;
	_ =	sdelay $0x1  }
0x34d: {  	s29 =	sshra.s32 s29, $0x2;
	v1 =	vadd.s32 v2, v1  }
0x34e: {  	[tilespmem:s29+$0x8B10] =	vst v1  }
0x34f: {  	v1 =	vld [tilespmem:s5+$0x20];
	_ =	sdelay $0x1  }
0x350: {  	v2 =	vld [tilespmem:s5+$0x2020];
	_ =	sdelay $0x2  }
0x351: {  	v1 =	vmul.u32 $0x3E8, v1;
	_ =	sdelay $0x1  }
0x352: {  	v1 =	vadd.s32 v2, v1  }
0x353: {  	[tilespmem:s29+$0x8B20] =	vst v1  }
0x354: {  	v1 =	vld [tilespmem:s5+$0x30];
	_ =	sdelay $0x1  }
0x355: {  	v2 =	vld [tilespmem:s5+$0x2030];
	_ =	sdelay $0x2  }
0x356: {  	v1 =	vmul.u32 $0x3E8, v1;
	_ =	sdelay $0x1  }
0x357: {  	v1 =	vadd.s32 v2, v1  }
0x358: {  	[tilespmem:s29+$0x8B30] =	vst v1  }
0x359: {  	v1 =	vld [tilespmem:s5+$0x40];
	_ =	sdelay $0x1  }
0x35a: {  	v2 =	vld [tilespmem:s5+$0x2040];
	_ =	sdelay $0x2  }
0x35b: {  	v1 =	vmul.u32 $0x3E8, v1;
	_ =	sdelay $0x1  }
0x35c: {  	v1 =	vadd.s32 v2, v1  }
0x35d: {  	[tilespmem:s29+$0x8B40] =	vst v1  }
0x35e: {  	v1 =	vld [tilespmem:s5+$0x50];
	_ =	sdelay $0x1  }
0x35f: {  	v2 =	vld [tilespmem:s5+$0x2050];
	_ =	sdelay $0x2  }
0x360: {  	v1 =	vmul.u32 $0x3E8, v1;
	_ =	sdelay $0x1  }
0x361: {  	v1 =	vadd.s32 v2, v1  }
0x362: {  	[tilespmem:s29+$0x8B50] =	vst v1  }
0x363: {  	v1 =	vld [tilespmem:s5+$0x60];
	_ =	sdelay $0x1  }
0x364: {  	v2 =	vld [tilespmem:s5+$0x2060];
	_ =	sdelay $0x2  }
0x365: {  	v1 =	vmul.u32 $0x3E8, v1;
	_ =	sdelay $0x1  }
0x366: {  	v1 =	vadd.s32 v2, v1  }
0x367: {  	[tilespmem:s29+$0x8B60] =	vst v1  }
0x368: {  	v1 =	vld [tilespmem:s5+$0x70];
	_ =	sdelay $0x1  }
0x369: {  	v2 =	vld [tilespmem:s5+$0x2070];
	_ =	sdelay $0x2  }
0x36a: {  	v1 =	vmul.u32 $0x3E8, v1;
	_ =	sdelay $0x1  }
0x36b: {  	v1 =	vadd.s32 v2, v1  }
0x36c: {  	[tilespmem:s29+$0x8B70] =	vst v1  }
0x36d: {  	v1 =	vld [tilespmem:s5+$0x400];
	_ =	sdelay $0x1  }
0x36e: {  	v2 =	vld [tilespmem:s5+$0x2400];
	_ =	sdelay $0x2  }
0x36f: {  	v1 =	vmul.u32 $0x3E8, v1;
	_ =	sdelay $0x1  }
0x370: {  	v1 =	vadd.s32 v2, v1  }
0x371: {  	[tilespmem:s6+$0x8B80] =	vst v1  }
0x372: {  	v1 =	vld [tilespmem:s5+$0x410];
	_ =	sdelay $0x1  }
0x373: {  	v2 =	vld [tilespmem:s5+$0x2410];
	_ =	sdelay $0x2  }
0x374: {  	v1 =	vmul.u32 $0x3E8, v1;
	_ =	sdelay $0x1  }
0x375: {  	v1 =	vadd.s32 v2, v1  }
0x376: {  	[tilespmem:s29+$0x8B90] =	vst v1  }
0x377: {  	v1 =	vld [tilespmem:s5+$0x420];
	_ =	sdelay $0x1  }
0x378: {  	v2 =	vld [tilespmem:s5+$0x2420];
	_ =	sdelay $0x2  }
0x379: {  	v1 =	vmul.u32 $0x3E8, v1;
	_ =	sdelay $0x1  }
0x37a: {  	v1 =	vadd.s32 v2, v1  }
0x37b: {  	s7 =	sadd.s32 $0x1, s25;
	[tilespmem:s29+$0x8BA0] =	vst v1  }
0x37c: {  	v2 =	vmov s7;
	v1 =	vld [tilespmem:s5+$0x430]  }
0x37d: {  	v3 =	vshll.u32 v2, $0x8;
	v2 =	vshll.u32 v2, $0x7  }
0x37e: {  	v4 =	vld [tilespmem:s5+$0x2430];
	v3 =	vand.u32 $0x1800, v3;
	v2 =	vand.u32 $0x380, v2  }
0x37f: {  	v2 =	vor.u32 v2, v3  }
0x380: {  	v2 =	vor.u32 v0, v2  }
0x381: {  	v1 =	vmul.u32 $0x3E8, v1;
	_ =	sdelay $0x1  }
0x382: {  	v1 =	vadd.s32 v4, v1  }
0x383: {  	[tilespmem:s29+$0x8BB0] =	vst v1  }
0x384: {  	v1 =	vld.idx.msk [tilespmem:v2+s3+$0x0], $0xffff;
	_ =	sdelay $0x1  }
0x385: {  	v2 =	vld.idx.msk [tilespmem:v2+s23+$0x0], $0xffff;
	_ =	sdelay $0x2  }
0x386: {  	v1 =	vmul.u32 $0x3E8, v1;
	_ =	sdelay $0x1  }
0x387: {  	v1 =	vadd.s32 v2, v1  }
0x388: {  	s8 =	simm.s32 $0x8B00;
	s9 =	simm.s32 $0xEF00;
	[tilespmem:s29+$0x8BB8] =	vst v1  }
0x389: {  	[tilespmem:s9], [sflag:$0x1] =	stream.indirect.gather [hbm4b:s1+s24], $0x1, s8, s24, $0xb8;
	[tilespmem:$0x18C00] =	vst v63  }
0x38a: {  	s10 =	simm.s32 $0x15300  }
0x38b: {  	[tilespmem:s10], [sflag:$0x2] =	stream.indirect.gather [hbm4b:s2+s24], $0x1, s8, s24, $0xb8;
	[tilespmem:$0x18C00] =	vst v63  }
0x38c: {  	_ =	swait.ge [sflag:s4], $0x1900  }
0x38d: {  	[sflag:s4] =	ssyncset.done $0x0  }
0x38e: {  	s25 =	simm.s32 $0xA460;
	[sflag:s4] =	ssyncadd.s32 $0xFFFFE700  }
0x38f: {  	v1 =	vld [tilespmem:s25+$0xFFFFFFA0];
	_ =	sdelay $0x1  }
0x390: {  	s0 =	simm.s32 $0x0  }
0x391: {  	s28 =	sand.u32 $0x1800, s0;
	s7 =	sand.u32 $0x380, s0  }
0x392: {  	s6 =	sor.u32 s7, s28  }
0x393: {  	[tilespmem:s6+$0x16C00] =	vst v1  }
0x394: {  	v1 =	vld [tilespmem:s25+$0xFFFFFFB0];
	_ =	sdelay $0x3  }
0x395: {  	s6 =	sadd.s32 $0x16C00, s6  }
0x396: {  	[tilespmem:s6+$0x10] =	vst v1  }
0x397: {  	v1 =	vld [tilespmem:s25+$0xFFFFFFC0];
	_ =	sdelay $0x4  }
0x398: {  	[tilespmem:s6+$0x20] =	vst v1  }
0x399: {  	v1 =	vld [tilespmem:s25+$0xFFFFFFD0];
	_ =	sdelay $0x4  }
0x39a: {  	[tilespmem:s6+$0x30] =	vst v1  }
0x39b: {  	v1 =	vld [tilespmem:s25+$0xFFFFFFE0];
	_ =	sdelay $0x4  }
0x39c: {  	[tilespmem:s6+$0x40] =	vst v1  }
0x39d: {  	v1 =	vld [tilespmem:s25+$0xFFFFFFF0];
	_ =	sdelay $0x4  }
0x39e: {  	[tilespmem:s6+$0x50] =	vst v1  }
0x39f: {  	v1 =	vld [tilespmem:s25+$0x0];
	_ =	sdelay $0x4  }
0x3a0: {  	[tilespmem:s6+$0x60] =	vst v1  }
0x3a1: {  	v1 =	vld [tilespmem:s25+$0x10];
	_ =	sdelay $0x4  }
0x3a2: {  	s29 =	sand.u32 $0x1FF8, s0;
	[tilespmem:s6+$0x70] =	vst v1  }
0x3a3: {  	v1 =	vld [tilespmem:s29+$0xA480];
	_ =	sdelay $0x4  }
0x3a4: {  	[tilespmem:s6+$0x400] =	vst v1  }
0x3a5: {  	v1 =	vld [tilespmem:s25+$0x30];
	_ =	sdelay $0x4  }
0x3a6: {  	[tilespmem:s6+$0x410] =	vst v1  }
0x3a7: {  	v1 =	vld [tilespmem:s25+$0x40];
	_ =	sdelay $0x4  }
0x3a8: {  	[tilespmem:s6+$0x420] =	vst v1  }
0x3a9: {  	v1 =	vld [tilespmem:s25+$0x50];
	_ =	sdelay $0x1  }
0x3aa: {  	v2 =	vmov s0  }
0x3ab: {  	v3 =	vshll.u32 v2, $0x8;
	v2 =	vshll.u32 v2, $0x7  }
0x3ac: {  	v3 =	vand.u32 $0x1800, v3;
	v2 =	vand.u32 $0x380, v2  }
0x3ad: {  	[tilespmem:s6+$0x430] =	vst v1;
	v1 =	vor.u32 v2, v3  }
0x3ae: {  	v2 =	vld [tilespmem:s25+$0x58];
	v1 =	vor.u32 v0, v1;
	_ =	sdelay $0x4  }
0x3af: {  	s7 =	simm.s32 $0x0;
	s5 =	simm.s32 $0xA528;
	[tilespmem:v1+s26+$0x0] =	vst.idx.msk $0xffff, v2  }
0x3b0: {  	s8 =	simm.s32 $0x0;
	s6 =	simm.s32 $0x1;
	s25 =	simm.s32 $0x2;
	v1 =	vld [tilespmem:s5+$0xFFFFFFA0]  }
.LBB2_10:
0x3b1: {  	p0 =	sne.s32 s25, $0x1F  }
0x3b2: {  	s0 =	sadd.s32 $0x80, s0;
	s8 =	sadd.s32 $0x100, s8  }
0x3b3: {  	s9 =	sand.u32 $0x1800, s8;
	s10 =	sand.u32 $0x380, s0  }
0x3b4: {  	s9 =	sor.u32 s10, s9  }
0x3b5: {  	[tilespmem:s9+$0x16C00] =	vst v1  }
0x3b6: {  	v1 =	vld [tilespmem:s5+$0xFFFFFFB0];
	_ =	sdelay $0x3  }
0x3b7: {  	s9 =	sadd.s32 $0x16C00, s9  }
0x3b8: {  	[tilespmem:s9+$0x10] =	vst v1  }
0x3b9: {  	v1 =	vld [tilespmem:s5+$0xFFFFFFC0];
	_ =	sdelay $0x4  }
0x3ba: {  	[tilespmem:s9+$0x20] =	vst v1  }
0x3bb: {  	v1 =	vld [tilespmem:s5+$0xFFFFFFD0];
	_ =	sdelay $0x4  }
0x3bc: {  	[tilespmem:s9+$0x30] =	vst v1  }
0x3bd: {  	v1 =	vld [tilespmem:s5+$0xFFFFFFE0];
	_ =	sdelay $0x4  }
0x3be: {  	[tilespmem:s9+$0x40] =	vst v1  }
0x3bf: {  	v1 =	vld [tilespmem:s5+$0xFFFFFFF0];
	_ =	sdelay $0x4  }
0x3c0: {  	[tilespmem:s9+$0x50] =	vst v1  }
0x3c1: {  	v1 =	vld [tilespmem:s5+$0x0];
	_ =	sdelay $0x4  }
0x3c2: {  	[tilespmem:s9+$0x60] =	vst v1  }
0x3c3: {  	v1 =	vld [tilespmem:s5+$0x10];
	_ =	sdelay $0x3  }
0x3c4: {  	s7 =	sadd.s32 $0xC8, s7  }
0x3c5: {  	s10 =	sand.u32 $0x1FF8, s7;
	[tilespmem:s9+$0x70] =	vst v1  }
0x3c6: {  	v1 =	vld [tilespmem:s10+$0xA480];
	_ =	sdelay $0x4  }
0x3c7: {  	[tilespmem:s9+$0x400] =	vst v1  }
0x3c8: {  	v1 =	vld [tilespmem:s5+$0x30];
	_ =	sdelay $0x4  }
0x3c9: {  	[tilespmem:s9+$0x410] =	vst v1  }
0x3ca: {  	v1 =	vld [tilespmem:s5+$0x40];
	_ =	sdelay $0x4  }
0x3cb: {  	[tilespmem:s9+$0x420] =	vst v1  }
0x3cc: {  	v1 =	vld [tilespmem:s5+$0x50];
	_ =	sdelay $0x1  }
0x3cd: {  	v2 =	vmov s6;
	s6 =	smov.u32 s25  }
0x3ce: {  	v3 =	vshll.u32 v2, $0x8;
	v2 =	vshll.u32 v2, $0x7  }
0x3cf: {  	v3 =	vand.u32 $0x1800, v3;
	v2 =	vand.u32 $0x380, v2  }
0x3d0: {  	[tilespmem:s9+$0x430] =	vst v1;
	v1 =	vor.u32 v2, v3  }
0x3d1: {  	v2 =	vld [tilespmem:s5+$0x58];
	v1 =	vor.u32 v0, v1;
	_ =	sdelay $0x1  }
.Ltmp4:
0x3d2: {  	(pc) =	sbr.rel @p0 .LBB2_10-.Ltmp4, $3  }
0x3d3: {  	_ =	sdelay $0x1  }
0x3d4: {  	s5 =	sadd.s32 $0xC8, s5;
	[tilespmem:v1+s26+$0x0] =	vst.idx.msk $0xffff, v2  }
0x3d5: {  	s25 =	sadd.s32 $0x1, s25;
	v1 =	vld [tilespmem:s5+$0xFFFFFFA0]  }
0x3d6: {  	_ = 	snop  }
0x3d7: {  	s0 =	sadd.s32 $0x80, s0;
	s8 =	sadd.s32 $0x100, s8  }
0x3d8: {  	s8 =	sand.u32 $0x1800, s8;
	s0 =	sand.u32 $0x380, s0  }
0x3d9: {  	s0 =	sor.u32 s0, s8  }
0x3da: {  	[tilespmem:s0+$0x16C00] =	vst v1  }
0x3db: {  	v1 =	vld [tilespmem:s5+$0xFFFFFFB0];
	_ =	sdelay $0x3  }
0x3dc: {  	s0 =	sadd.s32 $0x16C00, s0  }
0x3dd: {  	[tilespmem:s0+$0x10] =	vst v1  }
0x3de: {  	v1 =	vld [tilespmem:s5+$0xFFFFFFC0];
	_ =	sdelay $0x4  }
0x3df: {  	[tilespmem:s0+$0x20] =	vst v1  }
0x3e0: {  	v1 =	vld [tilespmem:s5+$0xFFFFFFD0];
	_ =	sdelay $0x4  }
0x3e1: {  	[tilespmem:s0+$0x30] =	vst v1  }
0x3e2: {  	v1 =	vld [tilespmem:s5+$0xFFFFFFE0];
	_ =	sdelay $0x4  }
0x3e3: {  	[tilespmem:s0+$0x40] =	vst v1  }
0x3e4: {  	v1 =	vld [tilespmem:s5+$0xFFFFFFF0];
	_ =	sdelay $0x4  }
0x3e5: {  	[tilespmem:s0+$0x50] =	vst v1  }
0x3e6: {  	v1 =	vld [tilespmem:s5+$0x0];
	_ =	sdelay $0x4  }
0x3e7: {  	[tilespmem:s0+$0x60] =	vst v1  }
0x3e8: {  	v1 =	vld [tilespmem:s5+$0x10];
	_ =	sdelay $0x3  }
0x3e9: {  	s7 =	sadd.s32 $0xC8, s7  }
0x3ea: {  	s7 =	sand.u32 $0x1FF8, s7;
	[tilespmem:s0+$0x70] =	vst v1  }
0x3eb: {  	v1 =	vld [tilespmem:s7+$0xA480];
	_ =	sdelay $0x4  }
0x3ec: {  	[tilespmem:s0+$0x400] =	vst v1  }
0x3ed: {  	v1 =	vld [tilespmem:s5+$0x30];
	_ =	sdelay $0x4  }
0x3ee: {  	[tilespmem:s0+$0x410] =	vst v1  }
0x3ef: {  	v1 =	vld [tilespmem:s5+$0x40];
	_ =	sdelay $0x4  }
0x3f0: {  	[tilespmem:s0+$0x420] =	vst v1  }
0x3f1: {  	v1 =	vld [tilespmem:s5+$0x50];
	_ =	sdelay $0x1  }
0x3f2: {  	v2 =	vmov s6  }
0x3f3: {  	v3 =	vshll.u32 v2, $0x8;
	v2 =	vshll.u32 v2, $0x7  }
0x3f4: {  	v3 =	vand.u32 $0x1800, v3;
	v2 =	vand.u32 $0x380, v2  }
0x3f5: {  	[tilespmem:s0+$0x430] =	vst v1;
	v1 =	vor.u32 v2, v3  }
0x3f6: {  	v2 =	vld [tilespmem:s5+$0x58];
	v1 =	vor.u32 v0, v1;
	_ =	sdelay $0x4  }
0x3f7: {  	s0 =	simm.s32 $0x0;
	[tilespmem:v1+s26+$0x0] =	vst.idx.msk $0xffff, v2  }
0x3f8: {  	[hbm4b:s13+s0] =	stream.linear.scatter [tilespmem:s26], [sflag:$0x3], $0x2000, $0x38;
	[tilespmem:$0x18C00] =	vst v63  }
0x3f9: {  	_ =	swait.ge [sflag:s22], $0x2000  }
0x3fa: {  	[sflag:s22] =	ssyncset.done $0x0  }
0x3fb: {  	[sflag:s22] =	ssyncadd.s32 $0xFFFFE000  }
0x3fc: {  	_ =	swait.ge [sflag:s30], $0x1900  }
0x3fd: {  	[sflag:s30] =	ssyncset.done $0x0  }
0x3fe: {  	s10 =	simm.s32 $0x10860;
	[sflag:s30] =	ssyncadd.s32 $0xFFFFE700  }
0x3ff: {  	v1 =	vld [tilespmem:s10+$0xFFFFFFA0];
	_ =	sdelay $0x2  }
0x400: {  	s25 =	sand.u32 $0x1800, s0;
	s28 =	sand.u32 $0x380, s0  }
0x401: {  	s6 =	sor.u32 s28, s25  }
0x402: {  	[tilespmem:s6+$0x16C00] =	vst v1  }
0x403: {  	v1 =	vld [tilespmem:s10+$0xFFFFFFB0];
	_ =	sdelay $0x3  }
0x404: {  	s6 =	sadd.s32 $0x16C00, s6  }
0x405: {  	[tilespmem:s6+$0x10] =	vst v1  }
0x406: {  	v1 =	vld [tilespmem:s10+$0xFFFFFFC0];
	_ =	sdelay $0x4  }
0x407: {  	[tilespmem:s6+$0x20] =	vst v1  }
0x408: {  	v1 =	vld [tilespmem:s10+$0xFFFFFFD0];
	_ =	sdelay $0x4  }
0x409: {  	[tilespmem:s6+$0x30] =	vst v1  }
0x40a: {  	v1 =	vld [tilespmem:s10+$0xFFFFFFE0];
	_ =	sdelay $0x4  }
0x40b: {  	[tilespmem:s6+$0x40] =	vst v1  }
0x40c: {  	v1 =	vld [tilespmem:s10+$0xFFFFFFF0];
	_ =	sdelay $0x4  }
0x40d: {  	[tilespmem:s6+$0x50] =	vst v1  }
0x40e: {  	v1 =	vld [tilespmem:s10+$0x0];
	_ =	sdelay $0x4  }
0x40f: {  	[tilespmem:s6+$0x60] =	vst v1  }
0x410: {  	v1 =	vld [tilespmem:s10+$0x10];
	_ =	sdelay $0x4  }
0x411: {  	s29 =	sand.u32 $0x1FF8, s0;
	[tilespmem:s6+$0x70] =	vst v1  }
0x412: {  	v1 =	vld [tilespmem:s29+$0x10880];
	_ =	sdelay $0x4  }
0x413: {  	[tilespmem:s6+$0x400] =	vst v1  }
0x414: {  	v1 =	vld [tilespmem:s10+$0x30];
	_ =	sdelay $0x4  }
0x415: {  	[tilespmem:s6+$0x410] =	vst v1  }
0x416: {  	v1 =	vld [tilespmem:s10+$0x40];
	_ =	sdelay $0x4  }
0x417: {  	[tilespmem:s6+$0x420] =	vst v1  }
0x418: {  	v1 =	vld [tilespmem:s10+$0x50];
	_ =	sdelay $0x1  }
0x419: {  	v2 =	vmov s0  }
0x41a: {  	v3 =	vshll.u32 v2, $0x8;
	v2 =	vshll.u32 v2, $0x7  }
0x41b: {  	v3 =	vand.u32 $0x1800, v3;
	v2 =	vand.u32 $0x380, v2  }
0x41c: {  	[tilespmem:s6+$0x430] =	vst v1;
	v1 =	vor.u32 v2, v3  }
0x41d: {  	v2 =	vld [tilespmem:s10+$0x58];
	v1 =	vor.u32 v0, v1;
	_ =	sdelay $0x4  }
0x41e: {  	s8 =	simm.s32 $0x0;
	s5 =	simm.s32 $0x10928;
	[tilespmem:v1+s26+$0x0] =	vst.idx.msk $0xffff, v2  }
0x41f: {  	s7 =	simm.s32 $0x0;
	s25 =	simm.s32 $0x2;
	s6 =	simm.s32 $0x1;
	v1 =	vld [tilespmem:s5+$0xFFFFFFA0]  }
.LBB2_12:
0x420: {  	p0 =	sne.s32 s25, $0x1F  }
0x421: {  	s0 =	sadd.s32 $0x80, s0;
	s8 =	sadd.s32 $0x100, s8  }
0x422: {  	s9 =	sand.u32 $0x1800, s8;
	s10 =	sand.u32 $0x380, s0  }
0x423: {  	s9 =	sor.u32 s10, s9  }
0x424: {  	[tilespmem:s9+$0x16C00] =	vst v1  }
0x425: {  	v1 =	vld [tilespmem:s5+$0xFFFFFFB0];
	_ =	sdelay $0x3  }
0x426: {  	s9 =	sadd.s32 $0x16C00, s9  }
0x427: {  	[tilespmem:s9+$0x10] =	vst v1  }
0x428: {  	v1 =	vld [tilespmem:s5+$0xFFFFFFC0];
	_ =	sdelay $0x4  }
0x429: {  	[tilespmem:s9+$0x20] =	vst v1  }
0x42a: {  	v1 =	vld [tilespmem:s5+$0xFFFFFFD0];
	_ =	sdelay $0x4  }
0x42b: {  	[tilespmem:s9+$0x30] =	vst v1  }
0x42c: {  	v1 =	vld [tilespmem:s5+$0xFFFFFFE0];
	_ =	sdelay $0x4  }
0x42d: {  	[tilespmem:s9+$0x40] =	vst v1  }
0x42e: {  	v1 =	vld [tilespmem:s5+$0xFFFFFFF0];
	_ =	sdelay $0x4  }
0x42f: {  	[tilespmem:s9+$0x50] =	vst v1  }
0x430: {  	v1 =	vld [tilespmem:s5+$0x0];
	_ =	sdelay $0x4  }
0x431: {  	[tilespmem:s9+$0x60] =	vst v1  }
0x432: {  	v1 =	vld [tilespmem:s5+$0x10];
	_ =	sdelay $0x3  }
0x433: {  	s7 =	sadd.s32 $0xC8, s7  }
0x434: {  	s10 =	sand.u32 $0x1FF8, s7;
	[tilespmem:s9+$0x70] =	vst v1  }
0x435: {  	v1 =	vld [tilespmem:s10+$0x10880];
	_ =	sdelay $0x4  }
0x436: {  	[tilespmem:s9+$0x400] =	vst v1  }
0x437: {  	v1 =	vld [tilespmem:s5+$0x30];
	_ =	sdelay $0x4  }
0x438: {  	[tilespmem:s9+$0x410] =	vst v1  }
0x439: {  	v1 =	vld [tilespmem:s5+$0x40];
	_ =	sdelay $0x4  }
0x43a: {  	[tilespmem:s9+$0x420] =	vst v1  }
0x43b: {  	v1 =	vld [tilespmem:s5+$0x50];
	_ =	sdelay $0x1  }
0x43c: {  	v2 =	vmov s6;
	s6 =	smov.u32 s25  }
0x43d: {  	v3 =	vshll.u32 v2, $0x8;
	v2 =	vshll.u32 v2, $0x7  }
0x43e: {  	v3 =	vand.u32 $0x1800, v3;
	v2 =	vand.u32 $0x380, v2  }
0x43f: {  	[tilespmem:s9+$0x430] =	vst v1;
	v1 =	vor.u32 v2, v3  }
0x440: {  	v2 =	vld [tilespmem:s5+$0x58];
	v1 =	vor.u32 v0, v1;
	_ =	sdelay $0x1  }
.Ltmp5:
0x441: {  	(pc) =	sbr.rel @p0 .LBB2_12-.Ltmp5, $3  }
0x442: {  	_ =	sdelay $0x1  }
0x443: {  	s5 =	sadd.s32 $0xC8, s5;
	[tilespmem:v1+s26+$0x0] =	vst.idx.msk $0xffff, v2  }
0x444: {  	s25 =	sadd.s32 $0x1, s25;
	v1 =	vld [tilespmem:s5+$0xFFFFFFA0]  }
0x445: {  	_ = 	snop  }
0x446: {  	s0 =	sadd.s32 $0x80, s0;
	s8 =	sadd.s32 $0x100, s8  }
0x447: {  	s8 =	sand.u32 $0x1800, s8;
	s0 =	sand.u32 $0x380, s0  }
0x448: {  	s0 =	sor.u32 s0, s8  }
0x449: {  	[tilespmem:s0+$0x16C00] =	vst v1  }
0x44a: {  	v1 =	vld [tilespmem:s5+$0xFFFFFFB0];
	_ =	sdelay $0x3  }
0x44b: {  	s0 =	sadd.s32 $0x16C00, s0  }
0x44c: {  	[tilespmem:s0+$0x10] =	vst v1  }
0x44d: {  	v1 =	vld [tilespmem:s5+$0xFFFFFFC0];
	_ =	sdelay $0x4  }
0x44e: {  	[tilespmem:s0+$0x20] =	vst v1  }
0x44f: {  	v1 =	vld [tilespmem:s5+$0xFFFFFFD0];
	_ =	sdelay $0x4  }
0x450: {  	[tilespmem:s0+$0x30] =	vst v1  }
0x451: {  	v1 =	vld [tilespmem:s5+$0xFFFFFFE0];
	_ =	sdelay $0x4  }
0x452: {  	[tilespmem:s0+$0x40] =	vst v1  }
0x453: {  	v1 =	vld [tilespmem:s5+$0xFFFFFFF0];
	_ =	sdelay $0x4  }
0x454: {  	[tilespmem:s0+$0x50] =	vst v1  }
0x455: {  	v1 =	vld [tilespmem:s5+$0x0];
	_ =	sdelay $0x4  }
0x456: {  	[tilespmem:s0+$0x60] =	vst v1  }
0x457: {  	v1 =	vld [tilespmem:s5+$0x10];
	_ =	sdelay $0x3  }
0x458: {  	s7 =	sadd.s32 $0xC8, s7  }
0x459: {  	s7 =	sand.u32 $0x1FF8, s7;
	[tilespmem:s0+$0x70] =	vst v1  }
0x45a: {  	v1 =	vld [tilespmem:s7+$0x10880];
	_ =	sdelay $0x4  }
0x45b: {  	[tilespmem:s0+$0x400] =	vst v1  }
0x45c: {  	v1 =	vld [tilespmem:s5+$0x30];
	_ =	sdelay $0x4  }
0x45d: {  	[tilespmem:s0+$0x410] =	vst v1  }
0x45e: {  	v1 =	vld [tilespmem:s5+$0x40];
	_ =	sdelay $0x4  }
0x45f: {  	[tilespmem:s0+$0x420] =	vst v1  }
0x460: {  	v1 =	vld [tilespmem:s5+$0x50];
	_ =	sdelay $0x1  }
0x461: {  	v2 =	vmov s6  }
0x462: {  	v3 =	vshll.u32 v2, $0x8;
	v2 =	vshll.u32 v2, $0x7  }
0x463: {  	v3 =	vand.u32 $0x1800, v3;
	v2 =	vand.u32 $0x380, v2  }
0x464: {  	[tilespmem:s0+$0x430] =	vst v1;
	v1 =	vor.u32 v2, v3  }
0x465: {  	v2 =	vld [tilespmem:s5+$0x58];
	v1 =	vor.u32 v0, v1;
	_ =	sdelay $0x4  }
0x466: {  	s0 =	simm.s32 $0x0;
	[tilespmem:v1+s26+$0x0] =	vst.idx.msk $0xffff, v2  }
0x467: {  	[hbm4b:s14+s0] =	stream.linear.scatter [tilespmem:s26], [sflag:$0x3], $0x2000, $0x38;
	[tilespmem:$0x18C00] =	vst v63  }
0x468: {  	_ =	swait.ge [sflag:s22], $0x2000  }
0x469: {  	[sflag:s22] =	ssyncset.done $0x0  }
0x46a: {  	[sflag:s22] =	ssyncadd.s32 $0xFFFFE000  }
0x46b: {  	_ =	swait.ge [sflag:s4], $0x1900  }
0x46c: {  	[sflag:s4] =	ssyncset.done $0x0  }
0x46d: {  	s25 =	sand.u32 $0x1FF8, s0;
	[sflag:s4] =	ssyncadd.s32 $0xFFFFE700  }
0x46e: {  	v1 =	vld [tilespmem:s25+$0xBD00];
	_ =	sdelay $0x2  }
0x46f: {  	s28 =	sand.u32 $0x1800, s0;
	s29 =	sand.u32 $0x380, s0  }
0x470: {  	s7 =	sor.u32 s29, s28  }
0x471: {  	s5 =	simm.s32 $0xBDB8;
	[tilespmem:s7+$0x16C00] =	vst v1  }
0x472: {  	v1 =	vld [tilespmem:s5+$0xFFFFFF58];
	_ =	sdelay $0x3  }
0x473: {  	s7 =	sadd.s32 $0x16C00, s7  }
0x474: {  	[tilespmem:s7+$0x10] =	vst v1  }
0x475: {  	v1 =	vld [tilespmem:s5+$0xFFFFFF68];
	_ =	sdelay $0x4  }
0x476: {  	[tilespmem:s7+$0x20] =	vst v1  }
0x477: {  	v1 =	vld [tilespmem:s5+$0xFFFFFF78];
	_ =	sdelay $0x4  }
0x478: {  	[tilespmem:s7+$0x30] =	vst v1  }
0x479: {  	v1 =	vld [tilespmem:s5+$0xFFFFFF88];
	_ =	sdelay $0x4  }
0x47a: {  	[tilespmem:s7+$0x40] =	vst v1  }
0x47b: {  	v1 =	vld [tilespmem:s5+$0xFFFFFF98];
	_ =	sdelay $0x4  }
0x47c: {  	[tilespmem:s7+$0x50] =	vst v1  }
0x47d: {  	v1 =	vld [tilespmem:s5+$0xFFFFFFA8];
	_ =	sdelay $0x4  }
0x47e: {  	[tilespmem:s7+$0x60] =	vst v1  }
0x47f: {  	v1 =	vld [tilespmem:s5+$0xFFFFFFB8];
	_ =	sdelay $0x4  }
0x480: {  	[tilespmem:s7+$0x70] =	vst v1  }
0x481: {  	v1 =	vld [tilespmem:s25+$0xBD80];
	_ =	sdelay $0x4  }
0x482: {  	[tilespmem:s7+$0x400] =	vst v1  }
0x483: {  	v1 =	vld [tilespmem:s5+$0xFFFFFFD8];
	_ =	sdelay $0x4  }
0x484: {  	[tilespmem:s7+$0x410] =	vst v1  }
0x485: {  	v1 =	vld [tilespmem:s5+$0xFFFFFFE8];
	_ =	sdelay $0x4  }
0x486: {  	[tilespmem:s7+$0x420] =	vst v1  }
0x487: {  	v1 =	vld [tilespmem:s5+$0xFFFFFFF8];
	_ =	sdelay $0x1  }
0x488: {  	v2 =	vmov s0  }
0x489: {  	v3 =	vshll.u32 v2, $0x8;
	v2 =	vshll.u32 v2, $0x7  }
0x48a: {  	v3 =	vand.u32 $0x1800, v3;
	v2 =	vand.u32 $0x380, v2  }
0x48b: {  	[tilespmem:s7+$0x430] =	vst v1;
	v1 =	vor.u32 v2, v3  }
0x48c: {  	v2 =	vld [tilespmem:s5+$0x0];
	v1 =	vor.u32 v0, v1;
	_ =	sdelay $0x3  }
0x48d: {  	s6 =	simm.s32 $0x1;
	s7 =	simm.s32 $0xC8  }
0x48e: {  	s8 =	simm.s32 $0x0;
	s25 =	simm.s32 $0x2;
	s9 =	sand.u32 $0x1FF8, s7;
	[tilespmem:v1+s26+$0x0] =	vst.idx.msk $0xffff, v2  }
.LBB2_14:
0x48f: {  	p0 =	sne.s32 s25, $0x1F;
	v1 =	vld [tilespmem:s9+$0xBD00];
	_ =	sdelay $0x1  }
0x490: {  	s0 =	sadd.s32 $0x80, s0;
	s8 =	sadd.s32 $0x100, s8  }
0x491: {  	s10 =	sand.u32 $0x1800, s8;
	s28 =	sand.u32 $0x380, s0  }
0x492: {  	s10 =	sor.u32 s28, s10  }
0x493: {  	s5 =	sadd.s32 $0xC8, s5;
	[tilespmem:s10+$0x16C00] =	vst v1  }
0x494: {  	v1 =	vld [tilespmem:s5+$0xFFFFFF58];
	_ =	sdelay $0x3  }
0x495: {  	s28 =	sadd.s32 $0x16C00, s10  }
0x496: {  	[tilespmem:s28+$0x10] =	vst v1  }
0x497: {  	v1 =	vld [tilespmem:s5+$0xFFFFFF68];
	_ =	sdelay $0x4  }
0x498: {  	[tilespmem:s28+$0x20] =	vst v1  }
0x499: {  	v1 =	vld [tilespmem:s5+$0xFFFFFF78];
	_ =	sdelay $0x4  }
0x49a: {  	[tilespmem:s28+$0x30] =	vst v1  }
0x49b: {  	v1 =	vld [tilespmem:s5+$0xFFFFFF88];
	_ =	sdelay $0x4  }
0x49c: {  	[tilespmem:s28+$0x40] =	vst v1  }
0x49d: {  	v1 =	vld [tilespmem:s5+$0xFFFFFF98];
	_ =	sdelay $0x4  }
0x49e: {  	[tilespmem:s28+$0x50] =	vst v1  }
0x49f: {  	v1 =	vld [tilespmem:s5+$0xFFFFFFA8];
	_ =	sdelay $0x4  }
0x4a0: {  	[tilespmem:s28+$0x60] =	vst v1  }
0x4a1: {  	v1 =	vld [tilespmem:s5+$0xFFFFFFB8];
	_ =	sdelay $0x4  }
0x4a2: {  	[tilespmem:s28+$0x70] =	vst v1  }
0x4a3: {  	v1 =	vld [tilespmem:s9+$0xBD80];
	_ =	sdelay $0x4  }
0x4a4: {  	[tilespmem:s28+$0x400] =	vst v1  }
0x4a5: {  	v1 =	vld [tilespmem:s5+$0xFFFFFFD8];
	_ =	sdelay $0x4  }
0x4a6: {  	[tilespmem:s28+$0x410] =	vst v1  }
0x4a7: {  	v1 =	vld [tilespmem:s5+$0xFFFFFFE8];
	_ =	sdelay $0x4  }
0x4a8: {  	[tilespmem:s28+$0x420] =	vst v1  }
0x4a9: {  	v1 =	vld [tilespmem:s5+$0xFFFFFFF8];
	_ =	sdelay $0x1  }
0x4aa: {  	v2 =	vmov s6;
	s6 =	smov.u32 s25  }
0x4ab: {  	v3 =	vshll.u32 v2, $0x8;
	v2 =	vshll.u32 v2, $0x7  }
0x4ac: {  	v3 =	vand.u32 $0x1800, v3;
	v2 =	vand.u32 $0x380, v2  }
0x4ad: {  	[tilespmem:s28+$0x430] =	vst v1;
	v1 =	vor.u32 v2, v3  }
0x4ae: {  	v2 =	vld [tilespmem:s5+$0x0];
	v1 =	vor.u32 v0, v1  }
.Ltmp6:
0x4af: {  	(pc) =	sbr.rel @p0 .LBB2_14-.Ltmp6, $3  }
0x4b0: {  	_ =	sdelay $0x1  }
0x4b1: {  	s7 =	sadd.s32 $0xC8, s7  }
0x4b2: {  	s25 =	sadd.s32 $0x1, s25;
	s9 =	sand.u32 $0x1FF8, s7;
	[tilespmem:v1+s26+$0x0] =	vst.idx.msk $0xffff, v2  }
0x4b3: {  	v1 =	vld [tilespmem:s9+$0xBD00];
	_ =	sdelay $0x1  }
0x4b4: {  	s0 =	sadd.s32 $0x80, s0;
	s7 =	sadd.s32 $0x100, s8  }
0x4b5: {  	s7 =	sand.u32 $0x1800, s7;
	s0 =	sand.u32 $0x380, s0  }
0x4b6: {  	s0 =	sor.u32 s0, s7  }
0x4b7: {  	s5 =	sadd.s32 $0xC8, s5;
	[tilespmem:s0+$0x16C00] =	vst v1  }
0x4b8: {  	v1 =	vld [tilespmem:s5+$0xFFFFFF58];
	_ =	sdelay $0x3  }
0x4b9: {  	s0 =	sadd.s32 $0x16C00, s0  }
0x4ba: {  	[tilespmem:s0+$0x10] =	vst v1  }
0x4bb: {  	v1 =	vld [tilespmem:s5+$0xFFFFFF68];
	_ =	sdelay $0x4  }
0x4bc: {  	[tilespmem:s0+$0x20] =	vst v1  }
0x4bd: {  	v1 =	vld [tilespmem:s5+$0xFFFFFF78];
	_ =	sdelay $0x4  }
0x4be: {  	[tilespmem:s0+$0x30] =	vst v1  }
0x4bf: {  	v1 =	vld [tilespmem:s5+$0xFFFFFF88];
	_ =	sdelay $0x4  }
0x4c0: {  	[tilespmem:s0+$0x40] =	vst v1  }
0x4c1: {  	v1 =	vld [tilespmem:s5+$0xFFFFFF98];
	_ =	sdelay $0x4  }
0x4c2: {  	[tilespmem:s0+$0x50] =	vst v1  }
0x4c3: {  	v1 =	vld [tilespmem:s5+$0xFFFFFFA8];
	_ =	sdelay $0x4  }
0x4c4: {  	[tilespmem:s0+$0x60] =	vst v1  }
0x4c5: {  	v1 =	vld [tilespmem:s5+$0xFFFFFFB8];
	_ =	sdelay $0x4  }
0x4c6: {  	[tilespmem:s0+$0x70] =	vst v1  }
0x4c7: {  	v1 =	vld [tilespmem:s9+$0xBD80];
	_ =	sdelay $0x4  }
0x4c8: {  	[tilespmem:s0+$0x400] =	vst v1  }
0x4c9: {  	v1 =	vld [tilespmem:s5+$0xFFFFFFD8];
	_ =	sdelay $0x4  }
0x4ca: {  	[tilespmem:s0+$0x410] =	vst v1  }
0x4cb: {  	v1 =	vld [tilespmem:s5+$0xFFFFFFE8];
	_ =	sdelay $0x4  }
0x4cc: {  	[tilespmem:s0+$0x420] =	vst v1  }
0x4cd: {  	v1 =	vld [tilespmem:s5+$0xFFFFFFF8];
	_ =	sdelay $0x1  }
0x4ce: {  	v2 =	vmov s6  }
0x4cf: {  	v3 =	vshll.u32 v2, $0x8;
	v2 =	vshll.u32 v2, $0x7  }
0x4d0: {  	v3 =	vand.u32 $0x1800, v3;
	v2 =	vand.u32 $0x380, v2  }
0x4d1: {  	[tilespmem:s0+$0x430] =	vst v1;
	v1 =	vor.u32 v2, v3  }
0x4d2: {  	v2 =	vld [tilespmem:s5+$0x0];
	v1 =	vor.u32 v0, v1;
	_ =	sdelay $0x4  }
0x4d3: {  	s0 =	simm.s32 $0x0;
	[tilespmem:v1+s26+$0x0] =	vst.idx.msk $0xffff, v2  }
0x4d4: {  	[hbm4b:s15+s0] =	stream.linear.scatter [tilespmem:s26], [sflag:$0x3], $0x2000, $0x38;
	[tilespmem:$0x18C00] =	vst v63  }
0x4d5: {  	_ =	swait.ge [sflag:s22], $0x2000  }
0x4d6: {  	[sflag:s22] =	ssyncset.done $0x0  }
0x4d7: {  	[sflag:s22] =	ssyncadd.s32 $0xFFFFE000  }
0x4d8: {  	_ =	swait.ge [sflag:s30], $0x1900  }
0x4d9: {  	[sflag:s30] =	ssyncset.done $0x0  }
0x4da: {  	s25 =	sand.u32 $0x1FF8, s0;
	[sflag:s30] =	ssyncadd.s32 $0xFFFFE700  }
0x4db: {  	v1 =	vld [tilespmem:s25+$0x12100];
	_ =	sdelay $0x2  }
0x4dc: {  	s28 =	sand.u32 $0x1800, s0;
	s29 =	sand.u32 $0x380, s0  }
0x4dd: {  	s7 =	sor.u32 s29, s28  }
0x4de: {  	s5 =	simm.s32 $0x121B8;
	[tilespmem:s7+$0x16C00] =	vst v1  }
0x4df: {  	v1 =	vld [tilespmem:s5+$0xFFFFFF58];
	_ =	sdelay $0x3  }
0x4e0: {  	s7 =	sadd.s32 $0x16C00, s7  }
0x4e1: {  	[tilespmem:s7+$0x10] =	vst v1  }
0x4e2: {  	v1 =	vld [tilespmem:s5+$0xFFFFFF68];
	_ =	sdelay $0x4  }
0x4e3: {  	[tilespmem:s7+$0x20] =	vst v1  }
0x4e4: {  	v1 =	vld [tilespmem:s5+$0xFFFFFF78];
	_ =	sdelay $0x4  }
0x4e5: {  	[tilespmem:s7+$0x30] =	vst v1  }
0x4e6: {  	v1 =	vld [tilespmem:s5+$0xFFFFFF88];
	_ =	sdelay $0x4  }
0x4e7: {  	[tilespmem:s7+$0x40] =	vst v1  }
0x4e8: {  	v1 =	vld [tilespmem:s5+$0xFFFFFF98];
	_ =	sdelay $0x4  }
0x4e9: {  	[tilespmem:s7+$0x50] =	vst v1  }
0x4ea: {  	v1 =	vld [tilespmem:s5+$0xFFFFFFA8];
	_ =	sdelay $0x4  }
0x4eb: {  	[tilespmem:s7+$0x60] =	vst v1  }
0x4ec: {  	v1 =	vld [tilespmem:s5+$0xFFFFFFB8];
	_ =	sdelay $0x4  }
0x4ed: {  	[tilespmem:s7+$0x70] =	vst v1  }
0x4ee: {  	v1 =	vld [tilespmem:s25+$0x12180];
	_ =	sdelay $0x4  }
0x4ef: {  	[tilespmem:s7+$0x400] =	vst v1  }
0x4f0: {  	v1 =	vld [tilespmem:s5+$0xFFFFFFD8];
	_ =	sdelay $0x4  }
0x4f1: {  	[tilespmem:s7+$0x410] =	vst v1  }
0x4f2: {  	v1 =	vld [tilespmem:s5+$0xFFFFFFE8];
	_ =	sdelay $0x4  }
0x4f3: {  	[tilespmem:s7+$0x420] =	vst v1  }
0x4f4: {  	v1 =	vld [tilespmem:s5+$0xFFFFFFF8];
	_ =	sdelay $0x1  }
0x4f5: {  	v2 =	vmov s0  }
0x4f6: {  	v3 =	vshll.u32 v2, $0x8;
	v2 =	vshll.u32 v2, $0x7  }
0x4f7: {  	v3 =	vand.u32 $0x1800, v3;
	v2 =	vand.u32 $0x380, v2  }
0x4f8: {  	[tilespmem:s7+$0x430] =	vst v1;
	v1 =	vor.u32 v2, v3  }
0x4f9: {  	v2 =	vld [tilespmem:s5+$0x0];
	v1 =	vor.u32 v0, v1;
	_ =	sdelay $0x3  }
0x4fa: {  	s6 =	simm.s32 $0x1;
	s7 =	simm.s32 $0xC8  }
0x4fb: {  	s8 =	simm.s32 $0x0;
	s25 =	simm.s32 $0x2;
	s9 =	sand.u32 $0x1FF8, s7;
	[tilespmem:v1+s26+$0x0] =	vst.idx.msk $0xffff, v2  }
.LBB2_16:
0x4fc: {  	p0 =	sne.s32 s25, $0x1F;
	v1 =	vld [tilespmem:s9+$0x12100];
	_ =	sdelay $0x1  }
0x4fd: {  	s0 =	sadd.s32 $0x80, s0;
	s8 =	sadd.s32 $0x100, s8  }
0x4fe: {  	s10 =	sand.u32 $0x1800, s8;
	s28 =	sand.u32 $0x380, s0  }
0x4ff: {  	s10 =	sor.u32 s28, s10  }
0x500: {  	s5 =	sadd.s32 $0xC8, s5;
	[tilespmem:s10+$0x16C00] =	vst v1  }
0x501: {  	v1 =	vld [tilespmem:s5+$0xFFFFFF58];
	_ =	sdelay $0x3  }
0x502: {  	s28 =	sadd.s32 $0x16C00, s10  }
0x503: {  	[tilespmem:s28+$0x10] =	vst v1  }
0x504: {  	v1 =	vld [tilespmem:s5+$0xFFFFFF68];
	_ =	sdelay $0x4  }
0x505: {  	[tilespmem:s28+$0x20] =	vst v1  }
0x506: {  	v1 =	vld [tilespmem:s5+$0xFFFFFF78];
	_ =	sdelay $0x4  }
0x507: {  	[tilespmem:s28+$0x30] =	vst v1  }
0x508: {  	v1 =	vld [tilespmem:s5+$0xFFFFFF88];
	_ =	sdelay $0x4  }
0x509: {  	[tilespmem:s28+$0x40] =	vst v1  }
0x50a: {  	v1 =	vld [tilespmem:s5+$0xFFFFFF98];
	_ =	sdelay $0x4  }
0x50b: {  	[tilespmem:s28+$0x50] =	vst v1  }
0x50c: {  	v1 =	vld [tilespmem:s5+$0xFFFFFFA8];
	_ =	sdelay $0x4  }
0x50d: {  	[tilespmem:s28+$0x60] =	vst v1  }
0x50e: {  	v1 =	vld [tilespmem:s5+$0xFFFFFFB8];
	_ =	sdelay $0x4  }
0x50f: {  	[tilespmem:s28+$0x70] =	vst v1  }
0x510: {  	v1 =	vld [tilespmem:s9+$0x12180];
	_ =	sdelay $0x4  }
0x511: {  	[tilespmem:s28+$0x400] =	vst v1  }
0x512: {  	v1 =	vld [tilespmem:s5+$0xFFFFFFD8];
	_ =	sdelay $0x4  }
0x513: {  	[tilespmem:s28+$0x410] =	vst v1  }
0x514: {  	v1 =	vld [tilespmem:s5+$0xFFFFFFE8];
	_ =	sdelay $0x4  }
0x515: {  	[tilespmem:s28+$0x420] =	vst v1  }
0x516: {  	v1 =	vld [tilespmem:s5+$0xFFFFFFF8];
	_ =	sdelay $0x1  }
0x517: {  	v2 =	vmov s6;
	s6 =	smov.u32 s25  }
0x518: {  	v3 =	vshll.u32 v2, $0x8;
	v2 =	vshll.u32 v2, $0x7  }
0x519: {  	v3 =	vand.u32 $0x1800, v3;
	v2 =	vand.u32 $0x380, v2  }
0x51a: {  	[tilespmem:s28+$0x430] =	vst v1;
	v1 =	vor.u32 v2, v3  }
0x51b: {  	v2 =	vld [tilespmem:s5+$0x0];
	v1 =	vor.u32 v0, v1  }
.Ltmp7:
0x51c: {  	(pc) =	sbr.rel @p0 .LBB2_16-.Ltmp7, $3  }
0x51d: {  	_ =	sdelay $0x1  }
0x51e: {  	s7 =	sadd.s32 $0xC8, s7  }
0x51f: {  	s25 =	sadd.s32 $0x1, s25;
	s9 =	sand.u32 $0x1FF8, s7;
	[tilespmem:v1+s26+$0x0] =	vst.idx.msk $0xffff, v2  }
0x520: {  	v1 =	vld [tilespmem:s9+$0x12100];
	_ =	sdelay $0x1  }
0x521: {  	s0 =	sadd.s32 $0x80, s0;
	s7 =	sadd.s32 $0x100, s8  }
0x522: {  	s7 =	sand.u32 $0x1800, s7;
	s0 =	sand.u32 $0x380, s0  }
0x523: {  	s0 =	sor.u32 s0, s7  }
0x524: {  	s5 =	sadd.s32 $0xC8, s5;
	[tilespmem:s0+$0x16C00] =	vst v1  }
0x525: {  	v1 =	vld [tilespmem:s5+$0xFFFFFF58];
	_ =	sdelay $0x3  }
0x526: {  	s0 =	sadd.s32 $0x16C00, s0  }
0x527: {  	[tilespmem:s0+$0x10] =	vst v1  }
0x528: {  	v1 =	vld [tilespmem:s5+$0xFFFFFF68];
	_ =	sdelay $0x4  }
0x529: {  	[tilespmem:s0+$0x20] =	vst v1  }
0x52a: {  	v1 =	vld [tilespmem:s5+$0xFFFFFF78];
	_ =	sdelay $0x4  }
0x52b: {  	[tilespmem:s0+$0x30] =	vst v1  }
0x52c: {  	v1 =	vld [tilespmem:s5+$0xFFFFFF88];
	_ =	sdelay $0x4  }
0x52d: {  	[tilespmem:s0+$0x40] =	vst v1  }
0x52e: {  	v1 =	vld [tilespmem:s5+$0xFFFFFF98];
	_ =	sdelay $0x4  }
0x52f: {  	[tilespmem:s0+$0x50] =	vst v1  }
0x530: {  	v1 =	vld [tilespmem:s5+$0xFFFFFFA8];
	_ =	sdelay $0x4  }
0x531: {  	[tilespmem:s0+$0x60] =	vst v1  }
0x532: {  	v1 =	vld [tilespmem:s5+$0xFFFFFFB8];
	_ =	sdelay $0x4  }
0x533: {  	[tilespmem:s0+$0x70] =	vst v1  }
0x534: {  	v1 =	vld [tilespmem:s9+$0x12180];
	_ =	sdelay $0x4  }
0x535: {  	[tilespmem:s0+$0x400] =	vst v1  }
0x536: {  	v1 =	vld [tilespmem:s5+$0xFFFFFFD8];
	_ =	sdelay $0x4  }
0x537: {  	[tilespmem:s0+$0x410] =	vst v1  }
0x538: {  	v1 =	vld [tilespmem:s5+$0xFFFFFFE8];
	_ =	sdelay $0x4  }
0x539: {  	[tilespmem:s0+$0x420] =	vst v1  }
0x53a: {  	v1 =	vld [tilespmem:s5+$0xFFFFFFF8];
	_ =	sdelay $0x1  }
0x53b: {  	v2 =	vmov s6  }
0x53c: {  	v3 =	vshll.u32 v2, $0x8;
	v2 =	vshll.u32 v2, $0x7  }
0x53d: {  	v3 =	vand.u32 $0x1800, v3;
	v2 =	vand.u32 $0x380, v2  }
0x53e: {  	[tilespmem:s0+$0x430] =	vst v1;
	v1 =	vor.u32 v2, v3  }
0x53f: {  	v2 =	vld [tilespmem:s5+$0x0];
	v1 =	vor.u32 v0, v1;
	_ =	sdelay $0x4  }
0x540: {  	s0 =	simm.s32 $0x0;
	[tilespmem:v1+s26+$0x0] =	vst.idx.msk $0xffff, v2  }
0x541: {  	[hbm4b:s16+s0] =	stream.linear.scatter [tilespmem:s26], [sflag:$0x3], $0x2000, $0x38;
	[tilespmem:$0x18C00] =	vst v63  }
0x542: {  	_ =	swait.ge [sflag:s22], $0x2000  }
0x543: {  	[sflag:s22] =	ssyncset.done $0x0  }
0x544: {  	[sflag:s22] =	ssyncadd.s32 $0xFFFFE000  }
0x545: {  	_ =	swait.ge [sflag:s4], $0x1900  }
0x546: {  	[sflag:s4] =	ssyncset.done $0x0  }
0x547: {  	s25 =	sand.u32 $0x1FF8, s0;
	[sflag:s4] =	ssyncadd.s32 $0xFFFFE700  }
0x548: {  	v1 =	vld [tilespmem:s25+$0xD600];
	_ =	sdelay $0x2  }
0x549: {  	s28 =	sand.u32 $0x1800, s0;
	s29 =	sand.u32 $0x380, s0  }
0x54a: {  	s7 =	sor.u32 s29, s28  }
0x54b: {  	s5 =	simm.s32 $0xD6B8;
	[tilespmem:s7+$0x16C00] =	vst v1  }
0x54c: {  	v1 =	vld [tilespmem:s5+$0xFFFFFF58];
	_ =	sdelay $0x3  }
0x54d: {  	s7 =	sadd.s32 $0x16C00, s7  }
0x54e: {  	[tilespmem:s7+$0x10] =	vst v1  }
0x54f: {  	v1 =	vld [tilespmem:s5+$0xFFFFFF68];
	_ =	sdelay $0x4  }
0x550: {  	[tilespmem:s7+$0x20] =	vst v1  }
0x551: {  	v1 =	vld [tilespmem:s5+$0xFFFFFF78];
	_ =	sdelay $0x4  }
0x552: {  	[tilespmem:s7+$0x30] =	vst v1  }
0x553: {  	v1 =	vld [tilespmem:s5+$0xFFFFFF88];
	_ =	sdelay $0x4  }
0x554: {  	[tilespmem:s7+$0x40] =	vst v1  }
0x555: {  	v1 =	vld [tilespmem:s5+$0xFFFFFF98];
	_ =	sdelay $0x4  }
0x556: {  	[tilespmem:s7+$0x50] =	vst v1  }
0x557: {  	v1 =	vld [tilespmem:s5+$0xFFFFFFA8];
	_ =	sdelay $0x4  }
0x558: {  	[tilespmem:s7+$0x60] =	vst v1  }
0x559: {  	v1 =	vld [tilespmem:s5+$0xFFFFFFB8];
	_ =	sdelay $0x4  }
0x55a: {  	[tilespmem:s7+$0x70] =	vst v1  }
0x55b: {  	v1 =	vld [tilespmem:s25+$0xD680];
	_ =	sdelay $0x4  }
0x55c: {  	[tilespmem:s7+$0x400] =	vst v1  }
0x55d: {  	v1 =	vld [tilespmem:s5+$0xFFFFFFD8];
	_ =	sdelay $0x4  }
0x55e: {  	[tilespmem:s7+$0x410] =	vst v1  }
0x55f: {  	v1 =	vld [tilespmem:s5+$0xFFFFFFE8];
	_ =	sdelay $0x4  }
0x560: {  	[tilespmem:s7+$0x420] =	vst v1  }
0x561: {  	v1 =	vld [tilespmem:s5+$0xFFFFFFF8];
	_ =	sdelay $0x1  }
0x562: {  	v2 =	vmov s0  }
0x563: {  	v3 =	vshll.u32 v2, $0x8;
	v2 =	vshll.u32 v2, $0x7  }
0x564: {  	v3 =	vand.u32 $0x1800, v3;
	v2 =	vand.u32 $0x380, v2  }
0x565: {  	[tilespmem:s7+$0x430] =	vst v1;
	v1 =	vor.u32 v2, v3  }
0x566: {  	v2 =	vld [tilespmem:s5+$0x0];
	v1 =	vor.u32 v0, v1;
	_ =	sdelay $0x3  }
0x567: {  	s6 =	simm.s32 $0x1;
	s7 =	simm.s32 $0xC8  }
0x568: {  	s8 =	simm.s32 $0x0;
	s25 =	simm.s32 $0x2;
	s9 =	sand.u32 $0x1FF8, s7;
	[tilespmem:v1+s26+$0x0] =	vst.idx.msk $0xffff, v2  }
.LBB2_18:
0x569: {  	p0 =	sne.s32 s25, $0x1F;
	v1 =	vld [tilespmem:s9+$0xD600];
	_ =	sdelay $0x1  }
0x56a: {  	s0 =	sadd.s32 $0x80, s0;
	s8 =	sadd.s32 $0x100, s8  }
0x56b: {  	s10 =	sand.u32 $0x1800, s8;
	s28 =	sand.u32 $0x380, s0  }
0x56c: {  	s10 =	sor.u32 s28, s10  }
0x56d: {  	s5 =	sadd.s32 $0xC8, s5;
	[tilespmem:s10+$0x16C00] =	vst v1  }
0x56e: {  	v1 =	vld [tilespmem:s5+$0xFFFFFF58];
	_ =	sdelay $0x3  }
0x56f: {  	s28 =	sadd.s32 $0x16C00, s10  }
0x570: {  	[tilespmem:s28+$0x10] =	vst v1  }
0x571: {  	v1 =	vld [tilespmem:s5+$0xFFFFFF68];
	_ =	sdelay $0x4  }
0x572: {  	[tilespmem:s28+$0x20] =	vst v1  }
0x573: {  	v1 =	vld [tilespmem:s5+$0xFFFFFF78];
	_ =	sdelay $0x4  }
0x574: {  	[tilespmem:s28+$0x30] =	vst v1  }
0x575: {  	v1 =	vld [tilespmem:s5+$0xFFFFFF88];
	_ =	sdelay $0x4  }
0x576: {  	[tilespmem:s28+$0x40] =	vst v1  }
0x577: {  	v1 =	vld [tilespmem:s5+$0xFFFFFF98];
	_ =	sdelay $0x4  }
0x578: {  	[tilespmem:s28+$0x50] =	vst v1  }
0x579: {  	v1 =	vld [tilespmem:s5+$0xFFFFFFA8];
	_ =	sdelay $0x4  }
0x57a: {  	[tilespmem:s28+$0x60] =	vst v1  }
0x57b: {  	v1 =	vld [tilespmem:s5+$0xFFFFFFB8];
	_ =	sdelay $0x4  }
0x57c: {  	[tilespmem:s28+$0x70] =	vst v1  }
0x57d: {  	v1 =	vld [tilespmem:s9+$0xD680];
	_ =	sdelay $0x4  }
0x57e: {  	[tilespmem:s28+$0x400] =	vst v1  }
0x57f: {  	v1 =	vld [tilespmem:s5+$0xFFFFFFD8];
	_ =	sdelay $0x4  }
0x580: {  	[tilespmem:s28+$0x410] =	vst v1  }
0x581: {  	v1 =	vld [tilespmem:s5+$0xFFFFFFE8];
	_ =	sdelay $0x4  }
0x582: {  	[tilespmem:s28+$0x420] =	vst v1  }
0x583: {  	v1 =	vld [tilespmem:s5+$0xFFFFFFF8];
	_ =	sdelay $0x1  }
0x584: {  	v2 =	vmov s6;
	s6 =	smov.u32 s25  }
0x585: {  	v3 =	vshll.u32 v2, $0x8;
	v2 =	vshll.u32 v2, $0x7  }
0x586: {  	v3 =	vand.u32 $0x1800, v3;
	v2 =	vand.u32 $0x380, v2  }
0x587: {  	[tilespmem:s28+$0x430] =	vst v1;
	v1 =	vor.u32 v2, v3  }
0x588: {  	v2 =	vld [tilespmem:s5+$0x0];
	v1 =	vor.u32 v0, v1  }
.Ltmp8:
0x589: {  	(pc) =	sbr.rel @p0 .LBB2_18-.Ltmp8, $3  }
0x58a: {  	_ =	sdelay $0x1  }
0x58b: {  	s7 =	sadd.s32 $0xC8, s7  }
0x58c: {  	s25 =	sadd.s32 $0x1, s25;
	s9 =	sand.u32 $0x1FF8, s7;
	[tilespmem:v1+s26+$0x0] =	vst.idx.msk $0xffff, v2  }
0x58d: {  	v1 =	vld [tilespmem:s9+$0xD600];
	_ =	sdelay $0x1  }
0x58e: {  	s0 =	sadd.s32 $0x80, s0;
	s7 =	sadd.s32 $0x100, s8  }
0x58f: {  	s7 =	sand.u32 $0x1800, s7;
	s0 =	sand.u32 $0x380, s0  }
0x590: {  	s0 =	sor.u32 s0, s7  }
0x591: {  	s5 =	sadd.s32 $0xC8, s5;
	[tilespmem:s0+$0x16C00] =	vst v1  }
0x592: {  	v1 =	vld [tilespmem:s5+$0xFFFFFF58];
	_ =	sdelay $0x3  }
0x593: {  	s0 =	sadd.s32 $0x16C00, s0  }
0x594: {  	[tilespmem:s0+$0x10] =	vst v1  }
0x595: {  	v1 =	vld [tilespmem:s5+$0xFFFFFF68];
	_ =	sdelay $0x4  }
0x596: {  	[tilespmem:s0+$0x20] =	vst v1  }
0x597: {  	v1 =	vld [tilespmem:s5+$0xFFFFFF78];
	_ =	sdelay $0x4  }
0x598: {  	[tilespmem:s0+$0x30] =	vst v1  }
0x599: {  	v1 =	vld [tilespmem:s5+$0xFFFFFF88];
	_ =	sdelay $0x4  }
0x59a: {  	[tilespmem:s0+$0x40] =	vst v1  }
0x59b: {  	v1 =	vld [tilespmem:s5+$0xFFFFFF98];
	_ =	sdelay $0x4  }
0x59c: {  	[tilespmem:s0+$0x50] =	vst v1  }
0x59d: {  	v1 =	vld [tilespmem:s5+$0xFFFFFFA8];
	_ =	sdelay $0x4  }
0x59e: {  	[tilespmem:s0+$0x60] =	vst v1  }
0x59f: {  	v1 =	vld [tilespmem:s5+$0xFFFFFFB8];
	_ =	sdelay $0x4  }
0x5a0: {  	[tilespmem:s0+$0x70] =	vst v1  }
0x5a1: {  	v1 =	vld [tilespmem:s9+$0xD680];
	_ =	sdelay $0x4  }
0x5a2: {  	[tilespmem:s0+$0x400] =	vst v1  }
0x5a3: {  	v1 =	vld [tilespmem:s5+$0xFFFFFFD8];
	_ =	sdelay $0x4  }
0x5a4: {  	[tilespmem:s0+$0x410] =	vst v1  }
0x5a5: {  	v1 =	vld [tilespmem:s5+$0xFFFFFFE8];
	_ =	sdelay $0x4  }
0x5a6: {  	[tilespmem:s0+$0x420] =	vst v1  }
0x5a7: {  	v1 =	vld [tilespmem:s5+$0xFFFFFFF8];
	_ =	sdelay $0x1  }
0x5a8: {  	v2 =	vmov s6  }
0x5a9: {  	v3 =	vshll.u32 v2, $0x8;
	v2 =	vshll.u32 v2, $0x7  }
0x5aa: {  	v3 =	vand.u32 $0x1800, v3;
	v2 =	vand.u32 $0x380, v2  }
0x5ab: {  	[tilespmem:s0+$0x430] =	vst v1;
	v1 =	vor.u32 v2, v3  }
0x5ac: {  	v2 =	vld [tilespmem:s5+$0x0];
	v1 =	vor.u32 v0, v1;
	_ =	sdelay $0x4  }
0x5ad: {  	s0 =	simm.s32 $0x0;
	[tilespmem:v1+s26+$0x0] =	vst.idx.msk $0xffff, v2  }
0x5ae: {  	[hbm4b:s17+s0] =	stream.linear.scatter [tilespmem:s26], [sflag:$0x3], $0x2000, $0x38;
	[tilespmem:$0x18C00] =	vst v63  }
0x5af: {  	_ =	swait.ge [sflag:s22], $0x2000  }
0x5b0: {  	[sflag:s22] =	ssyncset.done $0x0  }
0x5b1: {  	[sflag:s22] =	ssyncadd.s32 $0xFFFFE000  }
0x5b2: {  	_ =	swait.ge [sflag:s30], $0x1900  }
0x5b3: {  	[sflag:s30] =	ssyncset.done $0x0  }
0x5b4: {  	s25 =	sand.u32 $0x1FF8, s0;
	[sflag:s30] =	ssyncadd.s32 $0xFFFFE700  }
0x5b5: {  	v1 =	vld [tilespmem:s25+$0x13A00];
	_ =	sdelay $0x2  }
0x5b6: {  	s28 =	sand.u32 $0x1800, s0;
	s29 =	sand.u32 $0x380, s0  }
0x5b7: {  	s7 =	sor.u32 s29, s28  }
0x5b8: {  	s5 =	simm.s32 $0x13AB8;
	[tilespmem:s7+$0x16C00] =	vst v1  }
0x5b9: {  	v1 =	vld [tilespmem:s5+$0xFFFFFF58];
	_ =	sdelay $0x3  }
0x5ba: {  	s7 =	sadd.s32 $0x16C00, s7  }
0x5bb: {  	[tilespmem:s7+$0x10] =	vst v1  }
0x5bc: {  	v1 =	vld [tilespmem:s5+$0xFFFFFF68];
	_ =	sdelay $0x4  }
0x5bd: {  	[tilespmem:s7+$0x20] =	vst v1  }
0x5be: {  	v1 =	vld [tilespmem:s5+$0xFFFFFF78];
	_ =	sdelay $0x4  }
0x5bf: {  	[tilespmem:s7+$0x30] =	vst v1  }
0x5c0: {  	v1 =	vld [tilespmem:s5+$0xFFFFFF88];
	_ =	sdelay $0x4  }
0x5c1: {  	[tilespmem:s7+$0x40] =	vst v1  }
0x5c2: {  	v1 =	vld [tilespmem:s5+$0xFFFFFF98];
	_ =	sdelay $0x4  }
0x5c3: {  	[tilespmem:s7+$0x50] =	vst v1  }
0x5c4: {  	v1 =	vld [tilespmem:s5+$0xFFFFFFA8];
	_ =	sdelay $0x4  }
0x5c5: {  	[tilespmem:s7+$0x60] =	vst v1  }
0x5c6: {  	v1 =	vld [tilespmem:s5+$0xFFFFFFB8];
	_ =	sdelay $0x4  }
0x5c7: {  	[tilespmem:s7+$0x70] =	vst v1  }
0x5c8: {  	v1 =	vld [tilespmem:s25+$0x13A80];
	_ =	sdelay $0x4  }
0x5c9: {  	[tilespmem:s7+$0x400] =	vst v1  }
0x5ca: {  	v1 =	vld [tilespmem:s5+$0xFFFFFFD8];
	_ =	sdelay $0x4  }
0x5cb: {  	[tilespmem:s7+$0x410] =	vst v1  }
0x5cc: {  	v1 =	vld [tilespmem:s5+$0xFFFFFFE8];
	_ =	sdelay $0x4  }
0x5cd: {  	[tilespmem:s7+$0x420] =	vst v1  }
0x5ce: {  	v1 =	vld [tilespmem:s5+$0xFFFFFFF8];
	_ =	sdelay $0x1  }
0x5cf: {  	v2 =	vmov s0  }
0x5d0: {  	v3 =	vshll.u32 v2, $0x8;
	v2 =	vshll.u32 v2, $0x7  }
0x5d1: {  	v3 =	vand.u32 $0x1800, v3;
	v2 =	vand.u32 $0x380, v2  }
0x5d2: {  	[tilespmem:s7+$0x430] =	vst v1;
	v1 =	vor.u32 v2, v3  }
0x5d3: {  	v2 =	vld [tilespmem:s5+$0x0];
	v1 =	vor.u32 v0, v1;
	_ =	sdelay $0x3  }
0x5d4: {  	s6 =	simm.s32 $0x1;
	s7 =	simm.s32 $0xC8  }
0x5d5: {  	s8 =	simm.s32 $0x0;
	s25 =	simm.s32 $0x2;
	s9 =	sand.u32 $0x1FF8, s7;
	[tilespmem:v1+s26+$0x0] =	vst.idx.msk $0xffff, v2  }
.LBB2_20:
0x5d6: {  	p0 =	sne.s32 s25, $0x1F;
	v1 =	vld [tilespmem:s9+$0x13A00];
	_ =	sdelay $0x1  }
0x5d7: {  	s0 =	sadd.s32 $0x80, s0;
	s8 =	sadd.s32 $0x100, s8  }
0x5d8: {  	s10 =	sand.u32 $0x1800, s8;
	s28 =	sand.u32 $0x380, s0  }
0x5d9: {  	s10 =	sor.u32 s28, s10  }
0x5da: {  	s5 =	sadd.s32 $0xC8, s5;
	[tilespmem:s10+$0x16C00] =	vst v1  }
0x5db: {  	v1 =	vld [tilespmem:s5+$0xFFFFFF58];
	_ =	sdelay $0x3  }
0x5dc: {  	s28 =	sadd.s32 $0x16C00, s10  }
0x5dd: {  	[tilespmem:s28+$0x10] =	vst v1  }
0x5de: {  	v1 =	vld [tilespmem:s5+$0xFFFFFF68];
	_ =	sdelay $0x4  }
0x5df: {  	[tilespmem:s28+$0x20] =	vst v1  }
0x5e0: {  	v1 =	vld [tilespmem:s5+$0xFFFFFF78];
	_ =	sdelay $0x4  }
0x5e1: {  	[tilespmem:s28+$0x30] =	vst v1  }
0x5e2: {  	v1 =	vld [tilespmem:s5+$0xFFFFFF88];
	_ =	sdelay $0x4  }
0x5e3: {  	[tilespmem:s28+$0x40] =	vst v1  }
0x5e4: {  	v1 =	vld [tilespmem:s5+$0xFFFFFF98];
	_ =	sdelay $0x4  }
0x5e5: {  	[tilespmem:s28+$0x50] =	vst v1  }
0x5e6: {  	v1 =	vld [tilespmem:s5+$0xFFFFFFA8];
	_ =	sdelay $0x4  }
0x5e7: {  	[tilespmem:s28+$0x60] =	vst v1  }
0x5e8: {  	v1 =	vld [tilespmem:s5+$0xFFFFFFB8];
	_ =	sdelay $0x4  }
0x5e9: {  	[tilespmem:s28+$0x70] =	vst v1  }
0x5ea: {  	v1 =	vld [tilespmem:s9+$0x13A80];
	_ =	sdelay $0x4  }
0x5eb: {  	[tilespmem:s28+$0x400] =	vst v1  }
0x5ec: {  	v1 =	vld [tilespmem:s5+$0xFFFFFFD8];
	_ =	sdelay $0x4  }
0x5ed: {  	[tilespmem:s28+$0x410] =	vst v1  }
0x5ee: {  	v1 =	vld [tilespmem:s5+$0xFFFFFFE8];
	_ =	sdelay $0x4  }
0x5ef: {  	[tilespmem:s28+$0x420] =	vst v1  }
0x5f0: {  	v1 =	vld [tilespmem:s5+$0xFFFFFFF8];
	_ =	sdelay $0x1  }
0x5f1: {  	v2 =	vmov s6;
	s6 =	smov.u32 s25  }
0x5f2: {  	v3 =	vshll.u32 v2, $0x8;
	v2 =	vshll.u32 v2, $0x7  }
0x5f3: {  	v3 =	vand.u32 $0x1800, v3;
	v2 =	vand.u32 $0x380, v2  }
0x5f4: {  	[tilespmem:s28+$0x430] =	vst v1;
	v1 =	vor.u32 v2, v3  }
0x5f5: {  	v2 =	vld [tilespmem:s5+$0x0];
	v1 =	vor.u32 v0, v1  }
.Ltmp9:
0x5f6: {  	(pc) =	sbr.rel @p0 .LBB2_20-.Ltmp9, $3  }
0x5f7: {  	_ =	sdelay $0x1  }
0x5f8: {  	s7 =	sadd.s32 $0xC8, s7  }
0x5f9: {  	s25 =	sadd.s32 $0x1, s25;
	s9 =	sand.u32 $0x1FF8, s7;
	[tilespmem:v1+s26+$0x0] =	vst.idx.msk $0xffff, v2  }
0x5fa: {  	v1 =	vld [tilespmem:s9+$0x13A00];
	_ =	sdelay $0x1  }
0x5fb: {  	s0 =	sadd.s32 $0x80, s0;
	s7 =	sadd.s32 $0x100, s8  }
0x5fc: {  	s7 =	sand.u32 $0x1800, s7;
	s0 =	sand.u32 $0x380, s0  }
0x5fd: {  	s0 =	sor.u32 s0, s7  }
0x5fe: {  	s5 =	sadd.s32 $0xC8, s5;
	[tilespmem:s0+$0x16C00] =	vst v1  }
0x5ff: {  	v1 =	vld [tilespmem:s5+$0xFFFFFF58];
	_ =	sdelay $0x3  }
0x600: {  	s0 =	sadd.s32 $0x16C00, s0  }
0x601: {  	[tilespmem:s0+$0x10] =	vst v1  }
0x602: {  	v1 =	vld [tilespmem:s5+$0xFFFFFF68];
	_ =	sdelay $0x4  }
0x603: {  	[tilespmem:s0+$0x20] =	vst v1  }
0x604: {  	v1 =	vld [tilespmem:s5+$0xFFFFFF78];
	_ =	sdelay $0x4  }
0x605: {  	[tilespmem:s0+$0x30] =	vst v1  }
0x606: {  	v1 =	vld [tilespmem:s5+$0xFFFFFF88];
	_ =	sdelay $0x4  }
0x607: {  	[tilespmem:s0+$0x40] =	vst v1  }
0x608: {  	v1 =	vld [tilespmem:s5+$0xFFFFFF98];
	_ =	sdelay $0x4  }
0x609: {  	[tilespmem:s0+$0x50] =	vst v1  }
0x60a: {  	v1 =	vld [tilespmem:s5+$0xFFFFFFA8];
	_ =	sdelay $0x4  }
0x60b: {  	[tilespmem:s0+$0x60] =	vst v1  }
0x60c: {  	v1 =	vld [tilespmem:s5+$0xFFFFFFB8];
	_ =	sdelay $0x4  }
0x60d: {  	[tilespmem:s0+$0x70] =	vst v1  }
0x60e: {  	v1 =	vld [tilespmem:s9+$0x13A80];
	_ =	sdelay $0x4  }
0x60f: {  	[tilespmem:s0+$0x400] =	vst v1  }
0x610: {  	v1 =	vld [tilespmem:s5+$0xFFFFFFD8];
	_ =	sdelay $0x4  }
0x611: {  	[tilespmem:s0+$0x410] =	vst v1  }
0x612: {  	v1 =	vld [tilespmem:s5+$0xFFFFFFE8];
	_ =	sdelay $0x4  }
0x613: {  	[tilespmem:s0+$0x420] =	vst v1  }
0x614: {  	v1 =	vld [tilespmem:s5+$0xFFFFFFF8];
	_ =	sdelay $0x1  }
0x615: {  	v2 =	vmov s6  }
0x616: {  	v3 =	vshll.u32 v2, $0x8;
	v2 =	vshll.u32 v2, $0x7  }
0x617: {  	v3 =	vand.u32 $0x1800, v3;
	v2 =	vand.u32 $0x380, v2  }
0x618: {  	[tilespmem:s0+$0x430] =	vst v1;
	v1 =	vor.u32 v2, v3  }
0x619: {  	v2 =	vld [tilespmem:s5+$0x0];
	v1 =	vor.u32 v0, v1;
	_ =	sdelay $0x4  }
0x61a: {  	s0 =	simm.s32 $0x0;
	[tilespmem:v1+s26+$0x0] =	vst.idx.msk $0xffff, v2  }
0x61b: {  	[hbm4b:s18+s0] =	stream.linear.scatter [tilespmem:s26], [sflag:$0x3], $0x2000, $0x38;
	[tilespmem:$0x18C00] =	vst v63  }
0x61c: {  	_ =	swait.ge [sflag:s22], $0x2000  }
0x61d: {  	[sflag:s22] =	ssyncset.done $0x0  }
0x61e: {  	[sflag:s22] =	ssyncadd.s32 $0xFFFFE000  }
0x61f: {  	_ =	swait.ge [sflag:s4], $0x1900  }
0x620: {  	[sflag:s4] =	ssyncset.done $0x0  }
0x621: {  	s10 =	sand.u32 $0x1FF8, s0;
	[sflag:s4] =	ssyncadd.s32 $0xFFFFE700  }
0x622: {  	v1 =	vld [tilespmem:s10+$0xEF00];
	_ =	sdelay $0x2  }
0x623: {  	s25 =	sand.u32 $0x1800, s0;
	s28 =	sand.u32 $0x380, s0  }
0x624: {  	s6 =	sor.u32 s28, s25  }
0x625: {  	s29 =	simm.s32 $0x0;
	[tilespmem:s6+$0x16C00] =	vst v1  }
0x626: {  	v1 =	vld [tilespmem:s29+$0xEF10];
	_ =	sdelay $0x3  }
0x627: {  	s6 =	sadd.s32 $0x16C00, s6  }
0x628: {  	[tilespmem:s6+$0x10] =	vst v1  }
0x629: {  	v1 =	vld [tilespmem:s29+$0xEF20];
	_ =	sdelay $0x4  }
0x62a: {  	[tilespmem:s6+$0x20] =	vst v1  }
0x62b: {  	v1 =	vld [tilespmem:s29+$0xEF30];
	_ =	sdelay $0x4  }
0x62c: {  	[tilespmem:s6+$0x30] =	vst v1  }
0x62d: {  	v1 =	vld [tilespmem:s29+$0xEF40];
	_ =	sdelay $0x4  }
0x62e: {  	[tilespmem:s6+$0x40] =	vst v1  }
0x62f: {  	v1 =	vld [tilespmem:s29+$0xEF50];
	_ =	sdelay $0x4  }
0x630: {  	[tilespmem:s6+$0x50] =	vst v1  }
0x631: {  	v1 =	vld [tilespmem:s29+$0xEF60];
	_ =	sdelay $0x4  }
0x632: {  	[tilespmem:s6+$0x60] =	vst v1  }
0x633: {  	v1 =	vld [tilespmem:s29+$0xEF70];
	_ =	sdelay $0x4  }
0x634: {  	[tilespmem:s6+$0x70] =	vst v1  }
0x635: {  	v1 =	vld [tilespmem:s10+$0xEF80];
	_ =	sdelay $0x4  }
0x636: {  	[tilespmem:s6+$0x400] =	vst v1  }
0x637: {  	v1 =	vld [tilespmem:s29+$0xEF90];
	_ =	sdelay $0x4  }
0x638: {  	[tilespmem:s6+$0x410] =	vst v1  }
0x639: {  	v1 =	vld [tilespmem:s29+$0xEFA0];
	_ =	sdelay $0x4  }
0x63a: {  	[tilespmem:s6+$0x420] =	vst v1  }
0x63b: {  	v1 =	vld [tilespmem:s29+$0xEFB0];
	_ =	sdelay $0x1  }
0x63c: {  	v2 =	vmov s0  }
0x63d: {  	v3 =	vshll.u32 v2, $0x8;
	v2 =	vshll.u32 v2, $0x7  }
0x63e: {  	v3 =	vand.u32 $0x1800, v3;
	v2 =	vand.u32 $0x380, v2  }
0x63f: {  	[tilespmem:s6+$0x430] =	vst v1;
	v1 =	vor.u32 v2, v3  }
0x640: {  	v2 =	vld [tilespmem:s29+$0xEFB8];
	v1 =	vor.u32 v0, v1;
	_ =	sdelay $0x2  }
0x641: {  	s7 =	simm.s32 $0xC8  }
0x642: {  	s8 =	simm.s32 $0x0;
	s9 =	sand.u32 $0x1FF8, s7  }
0x643: {  	s5 =	simm.s32 $0x0;
	s25 =	simm.s32 $0x640;
	s6 =	simm.s32 $0x320;
	[tilespmem:v1+s26+$0x0] =	vst.idx.msk $0xffff, v2  }
.LBB2_22:
0x644: {  	p0 =	sne.s32 s25, $0x60E0;
	v1 =	vld [tilespmem:s9+$0xEF00];
	_ =	sdelay $0x1  }
0x645: {  	s0 =	sadd.s32 $0x80, s0;
	s8 =	sadd.s32 $0x100, s8  }
0x646: {  	s10 =	sand.u32 $0x1800, s8;
	s28 =	sand.u32 $0x380, s0  }
0x647: {  	s10 =	sor.u32 s28, s10  }
0x648: {  	s28 =	sshra.s32 s6, $0x2;
	s6 =	smov.u32 s25;
	[tilespmem:s10+$0x16C00] =	vst v1  }
0x649: {  	v1 =	vld [tilespmem:s28+$0xEF10];
	_ =	sdelay $0x3  }
0x64a: {  	s29 =	sadd.s32 $0x16C00, s10  }
0x64b: {  	[tilespmem:s29+$0x10] =	vst v1  }
0x64c: {  	v1 =	vld [tilespmem:s28+$0xEF20];
	_ =	sdelay $0x4  }
0x64d: {  	[tilespmem:s29+$0x20] =	vst v1  }
0x64e: {  	v1 =	vld [tilespmem:s28+$0xEF30];
	_ =	sdelay $0x4  }
0x64f: {  	[tilespmem:s29+$0x30] =	vst v1  }
0x650: {  	v1 =	vld [tilespmem:s28+$0xEF40];
	_ =	sdelay $0x4  }
0x651: {  	[tilespmem:s29+$0x40] =	vst v1  }
0x652: {  	v1 =	vld [tilespmem:s28+$0xEF50];
	_ =	sdelay $0x4  }
0x653: {  	[tilespmem:s29+$0x50] =	vst v1  }
0x654: {  	v1 =	vld [tilespmem:s28+$0xEF60];
	_ =	sdelay $0x4  }
0x655: {  	[tilespmem:s29+$0x60] =	vst v1  }
0x656: {  	v1 =	vld [tilespmem:s28+$0xEF70];
	_ =	sdelay $0x4  }
0x657: {  	[tilespmem:s29+$0x70] =	vst v1  }
0x658: {  	v1 =	vld [tilespmem:s9+$0xEF80];
	_ =	sdelay $0x4  }
0x659: {  	[tilespmem:s29+$0x400] =	vst v1  }
0x65a: {  	v1 =	vld [tilespmem:s28+$0xEF90];
	_ =	sdelay $0x4  }
0x65b: {  	[tilespmem:s29+$0x410] =	vst v1  }
0x65c: {  	v1 =	vld [tilespmem:s28+$0xEFA0];
	_ =	sdelay $0x4  }
0x65d: {  	[tilespmem:s29+$0x420] =	vst v1  }
0x65e: {  	v1 =	vld [tilespmem:s28+$0xEFB0]  }
0x65f: {  	s5 =	sadd.s32 $0x1, s5  }
0x660: {  	v2 =	vmov s5  }
0x661: {  	v3 =	vshll.u32 v2, $0x8;
	v2 =	vshll.u32 v2, $0x7  }
0x662: {  	v3 =	vand.u32 $0x1800, v3;
	v2 =	vand.u32 $0x380, v2  }
0x663: {  	[tilespmem:s29+$0x430] =	vst v1;
	v1 =	vor.u32 v2, v3  }
0x664: {  	v2 =	vld [tilespmem:s28+$0xEFB8];
	v1 =	vor.u32 v0, v1  }
.Ltmp10:
0x665: {  	(pc) =	sbr.rel @p0 .LBB2_22-.Ltmp10, $3  }
0x666: {  	_ =	sdelay $0x1  }
0x667: {  	s7 =	sadd.s32 $0xC8, s7  }
0x668: {  	s25 =	sadd.s32 $0x320, s25;
	s9 =	sand.u32 $0x1FF8, s7;
	[tilespmem:v1+s26+$0x0] =	vst.idx.msk $0xffff, v2  }
0x669: {  	v1 =	vld [tilespmem:s9+$0xEF00];
	_ =	sdelay $0x1  }
0x66a: {  	s0 =	sadd.s32 $0x80, s0;
	s7 =	sadd.s32 $0x100, s8  }
0x66b: {  	s7 =	sand.u32 $0x1800, s7;
	s0 =	sand.u32 $0x380, s0  }
0x66c: {  	s0 =	sor.u32 s0, s7  }
0x66d: {  	s6 =	sshra.s32 s6, $0x2;
	[tilespmem:s0+$0x16C00] =	vst v1  }
0x66e: {  	v1 =	vld [tilespmem:s6+$0xEF10];
	_ =	sdelay $0x3  }
0x66f: {  	s0 =	sadd.s32 $0x16C00, s0  }
0x670: {  	[tilespmem:s0+$0x10] =	vst v1  }
0x671: {  	v1 =	vld [tilespmem:s6+$0xEF20];
	_ =	sdelay $0x4  }
0x672: {  	[tilespmem:s0+$0x20] =	vst v1  }
0x673: {  	v1 =	vld [tilespmem:s6+$0xEF30];
	_ =	sdelay $0x4  }
0x674: {  	[tilespmem:s0+$0x30] =	vst v1  }
0x675: {  	v1 =	vld [tilespmem:s6+$0xEF40];
	_ =	sdelay $0x4  }
0x676: {  	[tilespmem:s0+$0x40] =	vst v1  }
0x677: {  	v1 =	vld [tilespmem:s6+$0xEF50];
	_ =	sdelay $0x4  }
0x678: {  	[tilespmem:s0+$0x50] =	vst v1  }
0x679: {  	v1 =	vld [tilespmem:s6+$0xEF60];
	_ =	sdelay $0x4  }
0x67a: {  	[tilespmem:s0+$0x60] =	vst v1  }
0x67b: {  	v1 =	vld [tilespmem:s6+$0xEF70];
	_ =	sdelay $0x4  }
0x67c: {  	[tilespmem:s0+$0x70] =	vst v1  }
0x67d: {  	v1 =	vld [tilespmem:s9+$0xEF80];
	_ =	sdelay $0x4  }
0x67e: {  	[tilespmem:s0+$0x400] =	vst v1  }
0x67f: {  	v1 =	vld [tilespmem:s6+$0xEF90];
	_ =	sdelay $0x4  }
0x680: {  	[tilespmem:s0+$0x410] =	vst v1  }
0x681: {  	v1 =	vld [tilespmem:s6+$0xEFA0];
	_ =	sdelay $0x4  }
0x682: {  	[tilespmem:s0+$0x420] =	vst v1  }
0x683: {  	v1 =	vld [tilespmem:s6+$0xEFB0]  }
0x684: {  	s5 =	sadd.s32 $0x1, s5  }
0x685: {  	v2 =	vmov s5  }
0x686: {  	v3 =	vshll.u32 v2, $0x8;
	v2 =	vshll.u32 v2, $0x7  }
0x687: {  	v3 =	vand.u32 $0x1800, v3;
	v2 =	vand.u32 $0x380, v2  }
0x688: {  	[tilespmem:s0+$0x430] =	vst v1;
	v1 =	vor.u32 v2, v3  }
0x689: {  	v2 =	vld [tilespmem:s6+$0xEFB8];
	v1 =	vor.u32 v0, v1;
	_ =	sdelay $0x4  }
0x68a: {  	s0 =	simm.s32 $0x0;
	[tilespmem:v1+s26+$0x0] =	vst.idx.msk $0xffff, v2  }
0x68b: {  	[hbm4b:s19+s0] =	stream.linear.scatter [tilespmem:s26], [sflag:$0x3], $0x2000, $0x38;
	[tilespmem:$0x18C00] =	vst v63  }
0x68c: {  	_ =	swait.ge [sflag:s22], $0x2000  }
0x68d: {  	[sflag:s22] =	ssyncset.done $0x0  }
0x68e: {  	[sflag:s22] =	ssyncadd.s32 $0xFFFFE000  }
0x68f: {  	_ =	swait.ge [sflag:s30], $0x1900  }
0x690: {  	[sflag:s30] =	ssyncset.done $0x0  }
0x691: {  	s10 =	sand.u32 $0x1FF8, s0;
	[sflag:s30] =	ssyncadd.s32 $0xFFFFE700  }
0x692: {  	v1 =	vld [tilespmem:s10+$0x15300];
	_ =	sdelay $0x2  }
0x693: {  	s25 =	sand.u32 $0x1800, s0;
	s28 =	sand.u32 $0x380, s0  }
0x694: {  	s6 =	sor.u32 s28, s25  }
0x695: {  	s29 =	simm.s32 $0x0;
	[tilespmem:s6+$0x16C00] =	vst v1  }
0x696: {  	v1 =	vld [tilespmem:s29+$0x15310];
	_ =	sdelay $0x3  }
0x697: {  	s6 =	sadd.s32 $0x16C00, s6  }
0x698: {  	[tilespmem:s6+$0x10] =	vst v1  }
0x699: {  	v1 =	vld [tilespmem:s29+$0x15320];
	_ =	sdelay $0x4  }
0x69a: {  	[tilespmem:s6+$0x20] =	vst v1  }
0x69b: {  	v1 =	vld [tilespmem:s29+$0x15330];
	_ =	sdelay $0x4  }
0x69c: {  	[tilespmem:s6+$0x30] =	vst v1  }
0x69d: {  	v1 =	vld [tilespmem:s29+$0x15340];
	_ =	sdelay $0x4  }
0x69e: {  	[tilespmem:s6+$0x40] =	vst v1  }
0x69f: {  	v1 =	vld [tilespmem:s29+$0x15350];
	_ =	sdelay $0x4  }
0x6a0: {  	[tilespmem:s6+$0x50] =	vst v1  }
0x6a1: {  	v1 =	vld [tilespmem:s29+$0x15360];
	_ =	sdelay $0x4  }
0x6a2: {  	[tilespmem:s6+$0x60] =	vst v1  }
0x6a3: {  	v1 =	vld [tilespmem:s29+$0x15370];
	_ =	sdelay $0x4  }
0x6a4: {  	[tilespmem:s6+$0x70] =	vst v1  }
0x6a5: {  	v1 =	vld [tilespmem:s10+$0x15380];
	_ =	sdelay $0x4  }
0x6a6: {  	[tilespmem:s6+$0x400] =	vst v1  }
0x6a7: {  	v1 =	vld [tilespmem:s29+$0x15390];
	_ =	sdelay $0x4  }
0x6a8: {  	[tilespmem:s6+$0x410] =	vst v1  }
0x6a9: {  	v1 =	vld [tilespmem:s29+$0x153A0];
	_ =	sdelay $0x4  }
0x6aa: {  	[tilespmem:s6+$0x420] =	vst v1  }
0x6ab: {  	v1 =	vld [tilespmem:s29+$0x153B0];
	_ =	sdelay $0x1  }
0x6ac: {  	v2 =	vmov s0  }
0x6ad: {  	v3 =	vshll.u32 v2, $0x8;
	v2 =	vshll.u32 v2, $0x7  }
0x6ae: {  	v3 =	vand.u32 $0x1800, v3;
	v2 =	vand.u32 $0x380, v2  }
0x6af: {  	[tilespmem:s6+$0x430] =	vst v1;
	v1 =	vor.u32 v2, v3  }
0x6b0: {  	v2 =	vld [tilespmem:s29+$0x153B8];
	v1 =	vor.u32 v0, v1;
	_ =	sdelay $0x3  }
0x6b1: {  	s8 =	simm.s32 $0x0;
	s5 =	simm.s32 $0x0;
	s7 =	simm.s32 $0xC8  }
0x6b2: {  	s9 =	sand.u32 $0x1FF8, s7;
	s25 =	simm.s32 $0x640;
	s6 =	simm.s32 $0x320;
	[tilespmem:v1+s26+$0x0] =	vst.idx.msk $0xffff, v2  }
.LBB2_24:
0x6b3: {  	p0 =	sne.s32 s25, $0x60E0;
	v1 =	vld [tilespmem:s9+$0x15300];
	_ =	sdelay $0x1  }
0x6b4: {  	s0 =	sadd.s32 $0x80, s0;
	s8 =	sadd.s32 $0x100, s8  }
0x6b5: {  	s10 =	sand.u32 $0x1800, s8;
	s28 =	sand.u32 $0x380, s0  }
0x6b6: {  	s10 =	sor.u32 s28, s10  }
0x6b7: {  	s28 =	sshra.s32 s6, $0x2;
	s6 =	smov.u32 s25;
	[tilespmem:s10+$0x16C00] =	vst v1  }
0x6b8: {  	v1 =	vld [tilespmem:s28+$0x15310];
	_ =	sdelay $0x3  }
0x6b9: {  	s29 =	sadd.s32 $0x16C00, s10  }
0x6ba: {  	[tilespmem:s29+$0x10] =	vst v1  }
0x6bb: {  	v1 =	vld [tilespmem:s28+$0x15320];
	_ =	sdelay $0x4  }
0x6bc: {  	[tilespmem:s29+$0x20] =	vst v1  }
0x6bd: {  	v1 =	vld [tilespmem:s28+$0x15330];
	_ =	sdelay $0x4  }
0x6be: {  	[tilespmem:s29+$0x30] =	vst v1  }
0x6bf: {  	v1 =	vld [tilespmem:s28+$0x15340];
	_ =	sdelay $0x4  }
0x6c0: {  	[tilespmem:s29+$0x40] =	vst v1  }
0x6c1: {  	v1 =	vld [tilespmem:s28+$0x15350];
	_ =	sdelay $0x4  }
0x6c2: {  	[tilespmem:s29+$0x50] =	vst v1  }
0x6c3: {  	v1 =	vld [tilespmem:s28+$0x15360];
	_ =	sdelay $0x4  }
0x6c4: {  	[tilespmem:s29+$0x60] =	vst v1  }
0x6c5: {  	v1 =	vld [tilespmem:s28+$0x15370];
	_ =	sdelay $0x4  }
0x6c6: {  	[tilespmem:s29+$0x70] =	vst v1  }
0x6c7: {  	v1 =	vld [tilespmem:s9+$0x15380];
	_ =	sdelay $0x4  }
0x6c8: {  	[tilespmem:s29+$0x400] =	vst v1  }
0x6c9: {  	v1 =	vld [tilespmem:s28+$0x15390];
	_ =	sdelay $0x4  }
0x6ca: {  	[tilespmem:s29+$0x410] =	vst v1  }
0x6cb: {  	v1 =	vld [tilespmem:s28+$0x153A0];
	_ =	sdelay $0x4  }
0x6cc: {  	[tilespmem:s29+$0x420] =	vst v1  }
0x6cd: {  	v1 =	vld [tilespmem:s28+$0x153B0]  }
0x6ce: {  	s5 =	sadd.s32 $0x1, s5  }
0x6cf: {  	v2 =	vmov s5  }
0x6d0: {  	v3 =	vshll.u32 v2, $0x8;
	v2 =	vshll.u32 v2, $0x7  }
0x6d1: {  	v3 =	vand.u32 $0x1800, v3;
	v2 =	vand.u32 $0x380, v2  }
0x6d2: {  	[tilespmem:s29+$0x430] =	vst v1;
	v1 =	vor.u32 v2, v3  }
0x6d3: {  	v2 =	vld [tilespmem:s28+$0x153B8];
	v1 =	vor.u32 v0, v1  }
.Ltmp11:
0x6d4: {  	(pc) =	sbr.rel @p0 .LBB2_24-.Ltmp11, $3  }
0x6d5: {  	_ =	sdelay $0x1  }
0x6d6: {  	s7 =	sadd.s32 $0xC8, s7  }
0x6d7: {  	s25 =	sadd.s32 $0x320, s25;
	s9 =	sand.u32 $0x1FF8, s7;
	[tilespmem:v1+s26+$0x0] =	vst.idx.msk $0xffff, v2  }
0x6d8: {  	v1 =	vld [tilespmem:s9+$0x15300];
	_ =	sdelay $0x1  }
0x6d9: {  	s0 =	sadd.s32 $0x80, s0;
	s7 =	sadd.s32 $0x100, s8  }
0x6da: {  	s7 =	sand.u32 $0x1800, s7;
	s0 =	sand.u32 $0x380, s0  }
0x6db: {  	s0 =	sor.u32 s0, s7  }
0x6dc: {  	s6 =	sshra.s32 s6, $0x2;
	[tilespmem:s0+$0x16C00] =	vst v1  }
0x6dd: {  	v1 =	vld [tilespmem:s6+$0x15310];
	_ =	sdelay $0x3  }
0x6de: {  	s0 =	sadd.s32 $0x16C00, s0  }
0x6df: {  	[tilespmem:s0+$0x10] =	vst v1  }
0x6e0: {  	v1 =	vld [tilespmem:s6+$0x15320];
	_ =	sdelay $0x4  }
0x6e1: {  	[tilespmem:s0+$0x20] =	vst v1  }
0x6e2: {  	v1 =	vld [tilespmem:s6+$0x15330];
	_ =	sdelay $0x4  }
0x6e3: {  	[tilespmem:s0+$0x30] =	vst v1  }
0x6e4: {  	v1 =	vld [tilespmem:s6+$0x15340];
	_ =	sdelay $0x4  }
0x6e5: {  	[tilespmem:s0+$0x40] =	vst v1  }
0x6e6: {  	v1 =	vld [tilespmem:s6+$0x15350];
	_ =	sdelay $0x4  }
0x6e7: {  	[tilespmem:s0+$0x50] =	vst v1  }
0x6e8: {  	v1 =	vld [tilespmem:s6+$0x15360];
	_ =	sdelay $0x4  }
0x6e9: {  	[tilespmem:s0+$0x60] =	vst v1  }
0x6ea: {  	v1 =	vld [tilespmem:s6+$0x15370];
	_ =	sdelay $0x4  }
0x6eb: {  	[tilespmem:s0+$0x70] =	vst v1  }
0x6ec: {  	v1 =	vld [tilespmem:s9+$0x15380];
	_ =	sdelay $0x4  }
0x6ed: {  	[tilespmem:s0+$0x400] =	vst v1  }
0x6ee: {  	v1 =	vld [tilespmem:s6+$0x15390];
	_ =	sdelay $0x4  }
0x6ef: {  	[tilespmem:s0+$0x410] =	vst v1  }
0x6f0: {  	v1 =	vld [tilespmem:s6+$0x153A0];
	_ =	sdelay $0x4  }
0x6f1: {  	[tilespmem:s0+$0x420] =	vst v1  }
0x6f2: {  	v1 =	vld [tilespmem:s6+$0x153B0]  }
0x6f3: {  	s5 =	sadd.s32 $0x1, s5  }
0x6f4: {  	v2 =	vmov s5  }
0x6f5: {  	v3 =	vshll.u32 v2, $0x8;
	v2 =	vshll.u32 v2, $0x7  }
0x6f6: {  	v3 =	vand.u32 $0x1800, v3;
	v2 =	vand.u32 $0x380, v2  }
0x6f7: {  	[tilespmem:s0+$0x430] =	vst v1;
	v1 =	vor.u32 v2, v3  }
0x6f8: {  	v2 =	vld [tilespmem:s6+$0x153B8];
	v1 =	vor.u32 v0, v1;
	_ =	sdelay $0x2  }
0x6f9: {  	s31 =	sadd.s32 $0x1, s31  }
0x6fa: {  	p0 =	sne.s32 s31, s21  }
.Ltmp12:
0x6fb: {  	[tilespmem:v1+s26+$0x0] =	vst.idx.msk $0xffff, v2;
	(pc) =	sbr.rel @p0 .LBB2_1-.Ltmp12, $4  }
0x6fc: {  	[hbm4b:s20+s3] =	stream.linear.scatter [tilespmem:s26], [sflag:$0x3], $0x2000, $0x38;
	[tilespmem:$0x18C00] =	vst v63  }
0x6fd: {  	_ =	swait.ge [sflag:s22], $0x2000  }
0x6fe: {  	[sflag:s22] =	ssyncset.done $0x0  }
0x6ff: {  	[sflag:s22] =	ssyncadd.s32 $0xFFFFE000  }
0x700: {  	_ =	sfence.sel $0x180000  }
0x701: {  	[bflag:$0x0] =	sbarrier.arrive $0xFFFF  }
0x702: {  	_ =	strace $0x90000047  }
0x703: {  	s0 =	stileid.u32;
	[bflag:$0x2] =	sbarrier.arrive $0xFFFF  }
0x704: {  	p0 =	sne.s32 s0, $0x0;
	s0 =	rddreg [dreg:$0x3]  }
0x705: {  	s0 =	sadd.s32 @!p0 $0x100000, s0  }
0x706: {  	[sflag:s0] =	ssyncadd.tile.s32 @!p0 $0x1;
	_ =	shalt  }
.Lfunc_end2:
_tile_overlayer_lowered:
.L_overlay_start_2:
0x707: {  	(tag) =	ssettag $0x2  }
0x708: {  	s0 =	rddreg [dreg:$0x0];
	s2 =	stileid.u32  }
0x709: {  	s1 =	rddreg [dreg:$0x1];
	p0 =	sne.s32 s2, $0x0  }
0x70a: {  	s3 =	rddreg [dreg:$0x2];
	[bflag:$0x3] =	sbarrier.arrive $0xFFFF;
	s2 =	simm.s32 @!p0 $0x1C03  }
0x70b: {  	[timem:s3], [sflag:s2] =	dma.local @!p0 [hbm:s0], s1  }
0x70c: {  	s0 =	simm.s32 @!p0 $0x3  }
0x70d: {  	_ =	swait.ge @!p0 [sflag:s0], s1  }
0x70e: {  	s1 =	ssub.s32 @!p0 $0x0, s1;
	[sflag:s0] =	ssyncset.done @!p0 $0x0  }
0x70f: {  	[sflag:s0] =	ssyncadd.s32 @!p0 s1  }
0x710: {  	[bflag:$0x3] =	sbarrier.arrive $0xFFFF  }
0x711: {  	_ =	shalt  }

</sc_bundles>
